<compile_context>
chip_gen: v7x
topology: tpu7x:2x2x1
jax: 0.10.2.dev20260603
libtpu: 0.0.44.dev20260713+nightly
codegen_flags: <defaults>
</compile_context>

<pallas_src>
import functools

import jax
import jax.numpy as jnp
from jax import lax
from jax.experimental import pallas as pl
from jax.experimental.pallas import tpu as pltpu
from jax.experimental.pallas import tpu_sc as plsc

N_ROWS = 320000
D = 128
S = 10000
CW = 8
CHUNK = 64
NC = 2
NS = 16
DH = D // NC
NCHUNKS = N_ROWS // CHUNK
BROWS = 2048
NG = 64
M_TC = NG * BROWS
W = 256
CHUNK0 = M_TC // CHUNK
FULL_ITERS = 184
REM = NCHUNKS - CHUNK0 - FULL_ITERS * NS
FULL_HOPS = S // CHUNK
TAIL = S - FULL_HOPS * CHUNK
HOPS_PER_TILE = 10
NBUF = 8


def _sc_segment_sum(x, segment_ids, zrow, zcnt, ones):
    mesh = plsc.VectorSubcoreMesh(core_axis_name="c", subcore_axis_name="s",
                                  num_cores=NC)

    @functools.partial(
        pl.kernel,
        out_type=(
            jax.ShapeDtypeStruct((S, D), jnp.float32),
            jax.ShapeDtypeStruct((S, CW), jnp.float32),
        ),
        mesh=mesh,
        compiler_params=pltpu.CompilerParams(use_tc_tiling_on_sc=False),
        scratch_types=[
            pltpu.VMEM((NBUF, CHUNK), jnp.int32),
            pltpu.VMEM((NBUF, CHUNK, DH), jnp.float32),
            pltpu.VMEM((CHUNK, CW), jnp.float32),
            pltpu.VMEM_SHARED((S, DH), jnp.float32),
            pltpu.VMEM_SHARED((S, CW), jnp.float32),
        ] + [pltpu.SemaphoreType.DMA] * (3 * NBUF),
    )
    def k(x_hbm, ids_hbm, zrow_hbm, zcnt_hbm, ones_hbm,
          psum_hbm, pcnt_hbm,
          idx2, rows2, ones_v, accum, caccum, *sems):
        cid = lax.axis_index("c")
        sid = lax.axis_index("s")
        col0 = cid * DH
        sem_ld = sems[0:NBUF]
        sem_s = sems[NBUF:2 * NBUF]
        sem_c = sems[2 * NBUF:3 * NBUF]

        pltpu.sync_copy(zrow_hbm, rows2.at[0])
        pltpu.sync_copy(zcnt_hbm, ones_v)

        def hops(fn):
            for j in range(HOPS_PER_TILE):
                h = sid + j * NS

                @pl.when(h < FULL_HOPS)
                def _():
                    fn(h * CHUNK, CHUNK)

            @pl.when(sid == NS - 1)
            def _():
                fn(FULL_HOPS * CHUNK, TAIL)

        def init_hop(off, n):
            pltpu.sync_copy(rows2.at[0, pl.ds(0, n)],
                            accum.at[pl.ds(off, n)])
            pltpu.sync_copy(ones_v.at[pl.ds(0, n)],
                            caccum.at[pl.ds(off, n)])

        hops(init_hop)
        pltpu.sync_copy(ones_hbm, ones_v)
        plsc.subcore_barrier()

        def load_descs(k_idx, b):
            row0 = (CHUNK0 + sid + k_idx * NS) * CHUNK
            return (
                pltpu.make_async_copy(ids_hbm.at[pl.ds(row0, CHUNK)],
                                      idx2.at[b], sem_ld[b]),
                pltpu.make_async_copy(
                    x_hbm.at[pl.ds(row0, CHUNK), pl.ds(col0, DH)],
                    rows2.at[b], sem_ld[b]),
            )

        def issue_load(k_idx, b):
            di, dr = load_descs(k_idx, b)
            di.start()
            dr.start()

        def scatter_chunk(b):
            pltpu.async_copy(rows2.at[b], accum.at[idx2.at[b]],
                             sem_s[b], add=True)

            @pl.when(cid == 0)
            def _():
                pltpu.async_copy(ones_v, caccum.at[idx2.at[b]],
                                 sem_c[b], add=True)

        def drain_scatter(b):
            pltpu.make_async_copy(rows2.at[b], accum.at[idx2.at[b]],
                                  sem_s[b]).wait()

            @pl.when(cid == 0)
            def _():
                pltpu.make_async_copy(ones_v, caccum.at[idx2.at[b]],
                                      sem_c[b]).wait()

        for b in range(NBUF - 1):
            issue_load(b, b)

        def step(i, _):
            for b in range(NBUF):
                k_idx = i * NBUF + b
                di, dr = load_descs(k_idx, b)
                di.wait()
                dr.wait()
                scatter_chunk(b)

                pb = (b - 1) % NBUF

                @pl.when(k_idx >= 1)
                def _():
                    drain_scatter(pb)

                @pl.when(k_idx + NBUF - 1 < FULL_ITERS)
                def _():
                    issue_load(k_idx + NBUF - 1, pb)
            return 0

        lax.fori_loop(0, FULL_ITERS // NBUF, step, 0)
        drain_scatter((FULL_ITERS - 1) % NBUF)

        @pl.when(sid < REM)
        def _():
            row0 = (CHUNK0 + FULL_ITERS * NS + sid) * CHUNK
            pltpu.sync_copy(ids_hbm.at[pl.ds(row0, CHUNK)], idx2.at[0])
            pltpu.sync_copy(x_hbm.at[pl.ds(row0, CHUNK), pl.ds(col0, DH)],
                            rows2.at[0])
            pltpu.sync_copy(rows2.at[0], accum.at[idx2.at[0]], add=True)

            @pl.when(cid == 0)
            def _():
                pltpu.sync_copy(ones_v, caccum.at[idx2.at[0]], add=True)

        plsc.subcore_barrier()

        def export_hop(off, n):
            pltpu.sync_copy(accum.at[pl.ds(off, n)],
                            rows2.at[0, pl.ds(0, n)])
            pltpu.sync_copy(rows2.at[0, pl.ds(0, n)],
                            psum_hbm.at[pl.ds(off, n), pl.ds(col0, DH)])

            @pl.when(cid == 0)
            def _():
                pltpu.sync_copy(caccum.at[pl.ds(off, n)],
                                ones_v.at[pl.ds(0, n)])
                pltpu.sync_copy(ones_v.at[pl.ds(0, n)],
                                pcnt_hbm.at[pl.ds(off, n)])

        hops(export_hop)

    return k(x, segment_ids, zrow, zcnt, ones)


def _tc_onehot_body(bases_sref, ids_ref, x_ref, psum_ref, cnt_ref,
                    acc, cacc):
    g = pl.program_id(0)

    @pl.when(g == 0)
    def _():
        acc[...] = jnp.zeros_like(acc)
        cacc[...] = jnp.zeros_like(cacc)

    base = pl.multiple_of(bases_sref[g], 8)
    idsb = ids_ref[...]
    seg = base + lax.broadcasted_iota(jnp.int32, (W, BROWS), 0)
    mask = jnp.where(seg == idsb, 1.0, 0.0)
    blk = jnp.dot(mask, x_ref[...], preferred_element_type=jnp.float32)
    acc[pl.ds(base, W), :] += blk
    cacc[pl.ds(base, W), :] += jnp.sum(mask, axis=1, keepdims=True)

    @pl.when(g == NG - 1)
    def _():
        psum_ref[...] = acc[...]
        cnt_ref[...] = cacc[...]


def _tc_segment_sum(x, segment_ids):
    bases = segment_ids[::BROWS][:NG]
    bases = jnp.minimum(bases - (bases % 8), S - W).astype(jnp.int32)
    ids_row = segment_ids.reshape(1, N_ROWS)

    grid_spec = pltpu.PrefetchScalarGridSpec(
        num_scalar_prefetch=1,
        grid=(NG,),
        in_specs=[
            pl.BlockSpec((1, BROWS), lambda g, bases_ref: (0, g)),
            pl.BlockSpec((BROWS, D), lambda g, bases_ref: (g, 0)),
        ],
        out_specs=[
            pl.BlockSpec((S, D), lambda g, bases_ref: (0, 0)),
            pl.BlockSpec((S, 1), lambda g, bases_ref: (0, 0)),
        ],
        scratch_shapes=[
            pltpu.VMEM((S, D), jnp.float32),
            pltpu.VMEM((S, 1), jnp.float32),
        ],
    )
    return pl.pallas_call(
        _tc_onehot_body,
        grid_spec=grid_spec,
        out_shape=(
            jax.ShapeDtypeStruct((S, D), jnp.float32),
            jax.ShapeDtypeStruct((S, 1), jnp.float32),
        ),
    )(bases, ids_row, x)


def _tc_mlp_body(psum_ref, pcnt_ref, tsum_ref, tcnt_ref,
                 w1_ref, b1_ref, w2_ref, b2_ref, w3_ref, b3_ref, out_ref):
    cnt = pcnt_ref[:, 0:1] + tcnt_ref[...]
    pooled = (psum_ref[...] + tsum_ref[...]) / jnp.maximum(cnt, 1.0)
    h = jnp.maximum(jnp.dot(pooled, w1_ref[...],
                            preferred_element_type=jnp.float32)
                    + b1_ref[...], 0.0)
    h = jnp.maximum(jnp.dot(h, w2_ref[...],
                            preferred_element_type=jnp.float32)
                    + b2_ref[...], 0.0)
    out_ref[...] = (jnp.dot(h, w3_ref[...], preferred_element_type=jnp.float32)
                    + b3_ref[...])


def kernel(x, segment_ids, W1, b1, W2, b2, W3, b3):
    zrow = jnp.zeros((CHUNK, DH), jnp.float32)
    zcnt = jnp.zeros((CHUNK, CW), jnp.float32)
    ones = jnp.ones((CHUNK, CW), jnp.float32)
    psum, pcnt = _sc_segment_sum(x, segment_ids, zrow, zcnt, ones)
    tsum, tcnt = _tc_segment_sum(x, segment_ids)

    n_out = W3.shape[1]
    out = pl.pallas_call(
        _tc_mlp_body,
        out_shape=jax.ShapeDtypeStruct((S, n_out), jnp.float32),
    )(psum, pcnt, tsum, tcnt, W1, b1.reshape(1, -1), W2, b2.reshape(1, -1),
      W3, b3.reshape(1, -1))
    return out

# --- scband reference (transcript-rebuilt; emitter-appended) ---
"""Pipeline reference for scband-faenet-feature-extractor-52750788329665 (READ-ONLY COPY).

The authoritative reference and input builder live on the scoring server;
editing this copy changes nothing except your own understanding.
"""

import jax, jax.numpy as jnp
import numpy as np

NUM_SEGMENTS = 10000
N_ROWS = 320000
D_FEAT = 128
N_HIDDEN = [32, 64]
N_OUTPUT = 2


def setup_inputs(seed: int = 0) -> dict:
    key = jax.random.key(seed)
    ks = jax.random.split(key, 8)
    x = jax.random.normal(ks[0], (N_ROWS, D_FEAT), dtype=jnp.float32)
    segment_ids = jnp.sort(
        jax.random.randint(ks[1], (N_ROWS,), 0, NUM_SEGMENTS, dtype=jnp.int32)
    )
    # MLP parameters: D_FEAT -> 32 -> 64 -> 2 (kaiming-ish init)
    W1 = jax.random.normal(ks[2], (D_FEAT, N_HIDDEN[0]), dtype=jnp.float32) * (2.0 / D_FEAT) ** 0.5
    b1 = jnp.zeros((N_HIDDEN[0],), dtype=jnp.float32)
    W2 = jax.random.normal(ks[3], (N_HIDDEN[0], N_HIDDEN[1]), dtype=jnp.float32) * (2.0 / N_HIDDEN[0]) ** 0.5
    b2 = jnp.zeros((N_HIDDEN[1],), dtype=jnp.float32)
    W3 = jax.random.normal(ks[4], (N_HIDDEN[1], N_OUTPUT), dtype=jnp.float32) * (2.0 / N_HIDDEN[1]) ** 0.5
    b3 = jnp.zeros((N_OUTPUT,), dtype=jnp.float32)
    return {
        "x": x,
        "segment_ids": segment_ids,
        "W1": W1, "b1": b1,
        "W2": W2, "b2": b2,
        "W3": W3, "b3": b3,
    }


def reference(x, segment_ids, W1, b1, W2, b2, W3, b3):
    # scatter(hidden_states, batch, dim=0, reduce='mean')
    sums = jax.ops.segment_sum(x, segment_ids, num_segments=NUM_SEGMENTS)
    counts = jax.ops.segment_sum(
        jnp.ones((x.shape[0], 1), dtype=x.dtype), segment_ids, num_segments=NUM_SEGMENTS
    )
    pooled = sums / jnp.clip(counts, 1.0, None)
    # MLP head: Linear -> ReLU -> Linear -> ReLU -> Linear
    h = jax.nn.relu(pooled @ W1 + b1)
    h = jax.nn.relu(h @ W2 + b2)
    out = h @ W3 + b3
    return out

if __name__ == "__main__":
    import jax
    _d = setup_inputs()
    print(jax.jit(kernel)(*tuple(_d.values())))

</pallas_src>

<mosaic_0001>
#map = affine_map<(d0, d1) -> (0, 0)>
#map1 = affine_map<(d0, d1) -> (0)>
module attributes {stable_mosaic.version = 14 : i64} {
  func.func @k(%arg0: i32, %arg1: i32, %arg2: memref<320000x128xf32, #tpu.memory_space<hbm>>, %arg3: memref<320000xi32, #tpu.memory_space<hbm>>, %arg4: memref<64x64xf32, #tpu.memory_space<hbm>>, %arg5: memref<64x8xf32, #tpu.memory_space<hbm>>, %arg6: memref<64x8xf32, #tpu.memory_space<hbm>>, %arg7: memref<10000x128xf32, #tpu.memory_space<hbm>>, %arg8: memref<10000x8xf32, #tpu.memory_space<hbm>>, %arg9: memref<8x64xi32, #tpu.memory_space<vmem>>, %arg10: memref<8x64x64xf32, #tpu.memory_space<vmem>>, %arg11: memref<64x8xf32, #tpu.memory_space<vmem>>, %arg12: memref<10000x64xf32, #tpu.memory_space<vmem_shared>>, %arg13: memref<10000x8xf32, #tpu.memory_space<vmem_shared>>, %arg14: memref<!tpu.dma_semaphore, #tpu.memory_space<semaphore_mem>>, %arg15: memref<!tpu.dma_semaphore, #tpu.memory_space<semaphore_mem>>, %arg16: memref<!tpu.dma_semaphore, #tpu.memory_space<semaphore_mem>>, %arg17: memref<!tpu.dma_semaphore, #tpu.memory_space<semaphore_mem>>, %arg18: memref<!tpu.dma_semaphore, #tpu.memory_space<semaphore_mem>>, %arg19: memref<!tpu.dma_semaphore, #tpu.memory_space<semaphore_mem>>, %arg20: memref<!tpu.dma_semaphore, #tpu.memory_space<semaphore_mem>>, %arg21: memref<!tpu.dma_semaphore, #tpu.memory_space<semaphore_mem>>, %arg22: memref<!tpu.dma_semaphore, #tpu.memory_space<semaphore_mem>>, %arg23: memref<!tpu.dma_semaphore, #tpu.memory_space<semaphore_mem>>, %arg24: memref<!tpu.dma_semaphore, #tpu.memory_space<semaphore_mem>>, %arg25: memref<!tpu.dma_semaphore, #tpu.memory_space<semaphore_mem>>, %arg26: memref<!tpu.dma_semaphore, #tpu.memory_space<semaphore_mem>>, %arg27: memref<!tpu.dma_semaphore, #tpu.memory_space<semaphore_mem>>, %arg28: memref<!tpu.dma_semaphore, #tpu.memory_space<semaphore_mem>>, %arg29: memref<!tpu.dma_semaphore, #tpu.memory_space<semaphore_mem>>, %arg30: memref<!tpu.dma_semaphore, #tpu.memory_space<semaphore_mem>>, %arg31: memref<!tpu.dma_semaphore, #tpu.memory_space<semaphore_mem>>, %arg32: memref<!tpu.dma_semaphore, #tpu.memory_space<semaphore_mem>>, %arg33: memref<!tpu.dma_semaphore, #tpu.memory_space<semaphore_mem>>, %arg34: memref<!tpu.dma_semaphore, #tpu.memory_space<semaphore_mem>>, %arg35: memref<!tpu.dma_semaphore, #tpu.memory_space<semaphore_mem>>, %arg36: memref<!tpu.dma_semaphore, #tpu.memory_space<semaphore_mem>>, %arg37: memref<!tpu.dma_semaphore, #tpu.memory_space<semaphore_mem>>) attributes {dimension_semantics = [#tpu.dimension_semantics<core_parallel>, #tpu.dimension_semantics<subcore_parallel>], iteration_bounds = array<i64: 2, 16>, scalar_prefetch = 0 : i64, scratch_operands = 29 : i64, tpu.core_type = #tpu.core_type<sc_vector_subcore>, window_params = [{transform_indices = #map}, {transform_indices = #map1}, {transform_indices = #map}, {transform_indices = #map}, {transform_indices = #map}, {transform_indices = #map}, {transform_indices = #map}]} {
    %mul3A = arith.constant 64 : i32
    %mul3A_0 = arith.muli %arg0, %mul3A : i32
    %run_scoped3A = arith.constant 0 : i32
    "tpu.region"() ({
      %run_scoped3A_355 = tpu.sem_alloc : memref<!tpu.dma_semaphore, #tpu.memory_space<semaphore_mem>>
      %dma_start3A_356 = arith.constant 0 : i32
      %dma_start3A_357 = arith.constant 0 : i32
      %dma_start3A_358 = tpu.memref_slice %arg10[%run_scoped3A, %dma_start3A_356, %dma_start3A_357] : memref<8x64x64xf32, #tpu.memory_space<vmem>> -> memref<1x64x64xf32, #tpu.memory_space<vmem>>
      %dma_start3A_359 = tpu.memref_squeeze %dma_start3A_358 : memref<1x64x64xf32, #tpu.memory_space<vmem>> -> memref<64x64xf32, #tpu.memory_space<vmem>>
      %dma_start3A_360 = arith.constant 0 : i32
      %dma_start3A_361 = arith.constant 0 : i32
      %dma_start3A_362 = tpu.memref_slice %arg10[%run_scoped3A, %dma_start3A_360, %dma_start3A_361] : memref<8x64x64xf32, #tpu.memory_space<vmem>> -> memref<1x64x64xf32, #tpu.memory_space<vmem>>
      %dma_start3A_363 = tpu.memref_squeeze %dma_start3A_362 : memref<1x64x64xf32, #tpu.memory_space<vmem>> -> memref<64x64xf32, #tpu.memory_space<vmem>>
      tpu.enqueue_dma source(%arg4 : memref<64x64xf32, #tpu.memory_space<hbm>>) target(%dma_start3A_363 : memref<64x64xf32, #tpu.memory_space<vmem>>) target_semaphore(%run_scoped3A_355 : memref<!tpu.dma_semaphore, #tpu.memory_space<semaphore_mem>>)
      %dma_wait3A_364 = arith.constant 0 : i32
      %dma_wait3A_365 = arith.constant 0 : i32
      %dma_wait3A_366 = tpu.memref_slice %arg10[%run_scoped3A, %dma_wait3A_364, %dma_wait3A_365] : memref<8x64x64xf32, #tpu.memory_space<vmem>> -> memref<1x64x64xf32, #tpu.memory_space<vmem>>
      %dma_wait3A_367 = tpu.memref_squeeze %dma_wait3A_366 : memref<1x64x64xf32, #tpu.memory_space<vmem>> -> memref<64x64xf32, #tpu.memory_space<vmem>>
      %dma_wait3A_368 = arith.constant 0 : i32
      %dma_wait3A_369 = arith.constant 0 : i32
      %dma_wait3A_370 = tpu.memref_slice %arg10[%run_scoped3A, %dma_wait3A_368, %dma_wait3A_369] : memref<8x64x64xf32, #tpu.memory_space<vmem>> -> memref<1x64x64xf32, #tpu.memory_space<vmem>>
      %dma_wait3A_371 = tpu.memref_squeeze %dma_wait3A_370 : memref<1x64x64xf32, #tpu.memory_space<vmem>> -> memref<64x64xf32, #tpu.memory_space<vmem>>
      tpu.wait_dma2 semaphore(%run_scoped3A_355 : memref<!tpu.dma_semaphore, #tpu.memory_space<semaphore_mem>>) src(%arg4 : memref<64x64xf32, #tpu.memory_space<hbm>>) dst(%dma_wait3A_371 : memref<64x64xf32, #tpu.memory_space<vmem>>)
      tpu.yield
    }) : () -> ()
    "tpu.region"() ({
      %run_scoped3A_355 = tpu.sem_alloc : memref<!tpu.dma_semaphore, #tpu.memory_space<semaphore_mem>>
      tpu.enqueue_dma source(%arg5 : memref<64x8xf32, #tpu.memory_space<hbm>>) target(%arg11 : memref<64x8xf32, #tpu.memory_space<vmem>>) target_semaphore(%run_scoped3A_355 : memref<!tpu.dma_semaphore, #tpu.memory_space<semaphore_mem>>)
      tpu.wait_dma2 semaphore(%run_scoped3A_355 : memref<!tpu.dma_semaphore, #tpu.memory_space<semaphore_mem>>) src(%arg5 : memref<64x8xf32, #tpu.memory_space<hbm>>) dst(%arg11 : memref<64x8xf32, #tpu.memory_space<vmem>>)
      tpu.yield
    }) : () -> ()
    %add3A = arith.constant 0 : i32
    %add3A_1 = arith.addi %arg1, %add3A : i32
    %lt3A = arith.constant 156 : i32
    %lt3A_2 = arith.cmpi slt, %add3A_1, %lt3A : i32
    %convert_element_type3A = arith.extui %lt3A_2 : i1 to i32
    %cond3A = arith.constant 0 : i32
    %cond3A_3 = arith.cmpi ne, %convert_element_type3A, %cond3A : i32
    scf.if %cond3A_3 {
      %mul3A_355 = arith.constant 64 : i32
      %mul3A_356 = arith.muli %add3A_1, %mul3A_355 : i32
      %run_scoped3A_357 = arith.constant 0 : i32
      "tpu.region"() ({
        %run_scoped3A_358 = tpu.sem_alloc : memref<!tpu.dma_semaphore, #tpu.memory_space<semaphore_mem>>
        %dma_start3A_359 = arith.constant 0 : i32
        %dma_start3A_360 = arith.constant 0 : i32
        %dma_start3A_361 = tpu.memref_slice %arg10[%run_scoped3A_357, %dma_start3A_359, %dma_start3A_360] : memref<8x64x64xf32, #tpu.memory_space<vmem>> -> memref<1x64x64xf32, #tpu.memory_space<vmem>>
        %dma_start3A_362 = tpu.memref_squeeze %dma_start3A_361 : memref<1x64x64xf32, #tpu.memory_space<vmem>> -> memref<64x64xf32, #tpu.memory_space<vmem>>
        %dma_start3A_363 = arith.constant 0 : i32
        %dma_start3A_364 = tpu.memref_slice %arg12[%mul3A_356, %dma_start3A_363] : memref<10000x64xf32, #tpu.memory_space<vmem_shared>> -> memref<64x64xf32, #tpu.memory_space<vmem_shared>>
        %dma_start3A_365 = arith.constant 0 : i32
        %dma_start3A_366 = tpu.memref_slice %arg12[%mul3A_356, %dma_start3A_365] : memref<10000x64xf32, #tpu.memory_space<vmem_shared>> -> memref<64x64xf32, #tpu.memory_space<vmem_shared>>
        %dma_start3A_367 = arith.constant 0 : i32
        %dma_start3A_368 = arith.constant 0 : i32
        %dma_start3A_369 = tpu.memref_slice %arg10[%run_scoped3A_357, %dma_start3A_367, %dma_start3A_368] : memref<8x64x64xf32, #tpu.memory_space<vmem>> -> memref<1x64x64xf32, #tpu.memory_space<vmem>>
        %dma_start3A_370 = tpu.memref_squeeze %dma_start3A_369 : memref<1x64x64xf32, #tpu.memory_space<vmem>> -> memref<64x64xf32, #tpu.memory_space<vmem>>
        tpu.enqueue_dma source(%dma_start3A_370 : memref<64x64xf32, #tpu.memory_space<vmem>>) target(%dma_start3A_366 : memref<64x64xf32, #tpu.memory_space<vmem_shared>>) target_semaphore(%run_scoped3A_358 : memref<!tpu.dma_semaphore, #tpu.memory_space<semaphore_mem>>)
        %dma_wait3A_371 = arith.constant 0 : i32
        %dma_wait3A_372 = arith.constant 0 : i32
        %dma_wait3A_373 = tpu.memref_slice %arg10[%run_scoped3A_357, %dma_wait3A_371, %dma_wait3A_372] : memref<8x64x64xf32, #tpu.memory_space<vmem>> -> memref<1x64x64xf32, #tpu.memory_space<vmem>>
        %dma_wait3A_374 = tpu.memref_squeeze %dma_wait3A_373 : memref<1x64x64xf32, #tpu.memory_space<vmem>> -> memref<64x64xf32, #tpu.memory_space<vmem>>
        %dma_wait3A_375 = arith.constant 0 : i32
        %dma_wait3A_376 = tpu.memref_slice %arg12[%mul3A_356, %dma_wait3A_375] : memref<10000x64xf32, #tpu.memory_space<vmem_shared>> -> memref<64x64xf32, #tpu.memory_space<vmem_shared>>
        %dma_wait3A_377 = arith.constant 0 : i32
        %dma_wait3A_378 = tpu.memref_slice %arg12[%mul3A_356, %dma_wait3A_377] : memref<10000x64xf32, #tpu.memory_space<vmem_shared>> -> memref<64x64xf32, #tpu.memory_space<vmem_shared>>
        %dma_wait3A_379 = arith.constant 0 : i32
        %dma_wait3A_380 = arith.constant 0 : i32
        %dma_wait3A_381 = tpu.memref_slice %arg10[%run_scoped3A_357, %dma_wait3A_379, %dma_wait3A_380] : memref<8x64x64xf32, #tpu.memory_space<vmem>> -> memref<1x64x64xf32, #tpu.memory_space<vmem>>
        %dma_wait3A_382 = tpu.memref_squeeze %dma_wait3A_381 : memref<1x64x64xf32, #tpu.memory_space<vmem>> -> memref<64x64xf32, #tpu.memory_space<vmem>>
        tpu.wait_dma2 semaphore(%run_scoped3A_358 : memref<!tpu.dma_semaphore, #tpu.memory_space<semaphore_mem>>) src(%dma_wait3A_382 : memref<64x64xf32, #tpu.memory_space<vmem>>) dst(%dma_wait3A_378 : memref<64x64xf32, #tpu.memory_space<vmem_shared>>)
        tpu.yield
      }) : () -> ()
      "tpu.region"() ({
        %run_scoped3A_358 = tpu.sem_alloc : memref<!tpu.dma_semaphore, #tpu.memory_space<semaphore_mem>>
        %dma_start3A_359 = arith.constant 0 : i32
        %dma_start3A_360 = arith.constant 0 : i32
        %dma_start3A_361 = tpu.memref_slice %arg11[%dma_start3A_359, %dma_start3A_360] : memref<64x8xf32, #tpu.memory_space<vmem>> -> memref<64x8xf32, #tpu.memory_space<vmem>>
        %dma_start3A_362 = arith.constant 0 : i32
        %dma_start3A_363 = tpu.memref_slice %arg13[%mul3A_356, %dma_start3A_362] : memref<10000x8xf32, #tpu.memory_space<vmem_shared>> -> memref<64x8xf32, #tpu.memory_space<vmem_shared>>
        %dma_start3A_364 = arith.constant 0 : i32
        %dma_start3A_365 = tpu.memref_slice %arg13[%mul3A_356, %dma_start3A_364] : memref<10000x8xf32, #tpu.memory_space<vmem_shared>> -> memref<64x8xf32, #tpu.memory_space<vmem_shared>>
        %dma_start3A_366 = arith.constant 0 : i32
        %dma_start3A_367 = arith.constant 0 : i32
        %dma_start3A_368 = tpu.memref_slice %arg11[%dma_start3A_366, %dma_start3A_367] : memref<64x8xf32, #tpu.memory_space<vmem>> -> memref<64x8xf32, #tpu.memory_space<vmem>>
        tpu.enqueue_dma source(%dma_start3A_368 : memref<64x8xf32, #tpu.memory_space<vmem>>) target(%dma_start3A_365 : memref<64x8xf32, #tpu.memory_space<vmem_shared>>) target_semaphore(%run_scoped3A_358 : memref<!tpu.dma_semaphore, #tpu.memory_space<semaphore_mem>>)
        %dma_wait3A_369 = arith.constant 0 : i32
        %dma_wait3A_370 = arith.constant 0 : i32
        %dma_wait3A_371 = tpu.memref_slice %arg11[%dma_wait3A_369, %dma_wait3A_370] : memref<64x8xf32, #tpu.memory_space<vmem>> -> memref<64x8xf32, #tpu.memory_space<vmem>>
        %dma_wait3A_372 = arith.constant 0 : i32
        %dma_wait3A_373 = tpu.memref_slice %arg13[%mul3A_356, %dma_wait3A_372] : memref<10000x8xf32, #tpu.memory_space<vmem_shared>> -> memref<64x8xf32, #tpu.memory_space<vmem_shared>>
        %dma_wait3A_374 = arith.constant 0 : i32
        %dma_wait3A_375 = tpu.memref_slice %arg13[%mul3A_356, %dma_wait3A_374] : memref<10000x8xf32, #tpu.memory_space<vmem_shared>> -> memref<64x8xf32, #tpu.memory_space<vmem_shared>>
        %dma_wait3A_376 = arith.constant 0 : i32
        %dma_wait3A_377 = arith.constant 0 : i32
        %dma_wait3A_378 = tpu.memref_slice %arg11[%dma_wait3A_376, %dma_wait3A_377] : memref<64x8xf32, #tpu.memory_space<vmem>> -> memref<64x8xf32, #tpu.memory_space<vmem>>
        tpu.wait_dma2 semaphore(%run_scoped3A_358 : memref<!tpu.dma_semaphore, #tpu.memory_space<semaphore_mem>>) src(%dma_wait3A_378 : memref<64x8xf32, #tpu.memory_space<vmem>>) dst(%dma_wait3A_375 : memref<64x8xf32, #tpu.memory_space<vmem_shared>>)
        tpu.yield
      }) : () -> ()
    } else {
    }
    %add3A_4 = arith.constant 16 : i32
    %add3A_5 = arith.addi %arg1, %add3A_4 : i32
    %lt3A_6 = arith.constant 156 : i32
    %lt3A_7 = arith.cmpi slt, %add3A_5, %lt3A_6 : i32
    %convert_element_type3A_8 = arith.extui %lt3A_7 : i1 to i32
    %cond3A_9 = arith.constant 0 : i32
    %cond3A_10 = arith.cmpi ne, %convert_element_type3A_8, %cond3A_9 : i32
    scf.if %cond3A_10 {
      %mul3A_355 = arith.constant 64 : i32
      %mul3A_356 = arith.muli %add3A_5, %mul3A_355 : i32
      %run_scoped3A_357 = arith.constant 0 : i32
      "tpu.region"() ({
        %run_scoped3A_358 = tpu.sem_alloc : memref<!tpu.dma_semaphore, #tpu.memory_space<semaphore_mem>>
        %dma_start3A_359 = arith.constant 0 : i32
        %dma_start3A_360 = arith.constant 0 : i32
        %dma_start3A_361 = tpu.memref_slice %arg10[%run_scoped3A_357, %dma_start3A_359, %dma_start3A_360] : memref<8x64x64xf32, #tpu.memory_space<vmem>> -> memref<1x64x64xf32, #tpu.memory_space<vmem>>
        %dma_start3A_362 = tpu.memref_squeeze %dma_start3A_361 : memref<1x64x64xf32, #tpu.memory_space<vmem>> -> memref<64x64xf32, #tpu.memory_space<vmem>>
        %dma_start3A_363 = arith.constant 0 : i32
        %dma_start3A_364 = tpu.memref_slice %arg12[%mul3A_356, %dma_start3A_363] : memref<10000x64xf32, #tpu.memory_space<vmem_shared>> -> memref<64x64xf32, #tpu.memory_space<vmem_shared>>
        %dma_start3A_365 = arith.constant 0 : i32
        %dma_start3A_366 = tpu.memref_slice %arg12[%mul3A_356, %dma_start3A_365] : memref<10000x64xf32, #tpu.memory_space<vmem_shared>> -> memref<64x64xf32, #tpu.memory_space<vmem_shared>>
        %dma_start3A_367 = arith.constant 0 : i32
        %dma_start3A_368 = arith.constant 0 : i32
        %dma_start3A_369 = tpu.memref_slice %arg10[%run_scoped3A_357, %dma_start3A_367, %dma_start3A_368] : memref<8x64x64xf32, #tpu.memory_space<vmem>> -> memref<1x64x64xf32, #tpu.memory_space<vmem>>
        %dma_start3A_370 = tpu.memref_squeeze %dma_start3A_369 : memref<1x64x64xf32, #tpu.memory_space<vmem>> -> memref<64x64xf32, #tpu.memory_space<vmem>>
        tpu.enqueue_dma source(%dma_start3A_370 : memref<64x64xf32, #tpu.memory_space<vmem>>) target(%dma_start3A_366 : memref<64x64xf32, #tpu.memory_space<vmem_shared>>) target_semaphore(%run_scoped3A_358 : memref<!tpu.dma_semaphore, #tpu.memory_space<semaphore_mem>>)
        %dma_wait3A_371 = arith.constant 0 : i32
        %dma_wait3A_372 = arith.constant 0 : i32
        %dma_wait3A_373 = tpu.memref_slice %arg10[%run_scoped3A_357, %dma_wait3A_371, %dma_wait3A_372] : memref<8x64x64xf32, #tpu.memory_space<vmem>> -> memref<1x64x64xf32, #tpu.memory_space<vmem>>
        %dma_wait3A_374 = tpu.memref_squeeze %dma_wait3A_373 : memref<1x64x64xf32, #tpu.memory_space<vmem>> -> memref<64x64xf32, #tpu.memory_space<vmem>>
        %dma_wait3A_375 = arith.constant 0 : i32
        %dma_wait3A_376 = tpu.memref_slice %arg12[%mul3A_356, %dma_wait3A_375] : memref<10000x64xf32, #tpu.memory_space<vmem_shared>> -> memref<64x64xf32, #tpu.memory_space<vmem_shared>>
        %dma_wait3A_377 = arith.constant 0 : i32
        %dma_wait3A_378 = tpu.memref_slice %arg12[%mul3A_356, %dma_wait3A_377] : memref<10000x64xf32, #tpu.memory_space<vmem_shared>> -> memref<64x64xf32, #tpu.memory_space<vmem_shared>>
        %dma_wait3A_379 = arith.constant 0 : i32
        %dma_wait3A_380 = arith.constant 0 : i32
        %dma_wait3A_381 = tpu.memref_slice %arg10[%run_scoped3A_357, %dma_wait3A_379, %dma_wait3A_380] : memref<8x64x64xf32, #tpu.memory_space<vmem>> -> memref<1x64x64xf32, #tpu.memory_space<vmem>>
        %dma_wait3A_382 = tpu.memref_squeeze %dma_wait3A_381 : memref<1x64x64xf32, #tpu.memory_space<vmem>> -> memref<64x64xf32, #tpu.memory_space<vmem>>
        tpu.wait_dma2 semaphore(%run_scoped3A_358 : memref<!tpu.dma_semaphore, #tpu.memory_space<semaphore_mem>>) src(%dma_wait3A_382 : memref<64x64xf32, #tpu.memory_space<vmem>>) dst(%dma_wait3A_378 : memref<64x64xf32, #tpu.memory_space<vmem_shared>>)
        tpu.yield
      }) : () -> ()
      "tpu.region"() ({
        %run_scoped3A_358 = tpu.sem_alloc : memref<!tpu.dma_semaphore, #tpu.memory_space<semaphore_mem>>
        %dma_start3A_359 = arith.constant 0 : i32
        %dma_start3A_360 = arith.constant 0 : i32
        %dma_start3A_361 = tpu.memref_slice %arg11[%dma_start3A_359, %dma_start3A_360] : memref<64x8xf32, #tpu.memory_space<vmem>> -> memref<64x8xf32, #tpu.memory_space<vmem>>
        %dma_start3A_362 = arith.constant 0 : i32
        %dma_start3A_363 = tpu.memref_slice %arg13[%mul3A_356, %dma_start3A_362] : memref<10000x8xf32, #tpu.memory_space<vmem_shared>> -> memref<64x8xf32, #tpu.memory_space<vmem_shared>>
        %dma_start3A_364 = arith.constant 0 : i32
        %dma_start3A_365 = tpu.memref_slice %arg13[%mul3A_356, %dma_start3A_364] : memref<10000x8xf32, #tpu.memory_space<vmem_shared>> -> memref<64x8xf32, #tpu.memory_space<vmem_shared>>
        %dma_start3A_366 = arith.constant 0 : i32
        %dma_start3A_367 = arith.constant 0 : i32
        %dma_start3A_368 = tpu.memref_slice %arg11[%dma_start3A_366, %dma_start3A_367] : memref<64x8xf32, #tpu.memory_space<vmem>> -> memref<64x8xf32, #tpu.memory_space<vmem>>
        tpu.enqueue_dma source(%dma_start3A_368 : memref<64x8xf32, #tpu.memory_space<vmem>>) target(%dma_start3A_365 : memref<64x8xf32, #tpu.memory_space<vmem_shared>>) target_semaphore(%run_scoped3A_358 : memref<!tpu.dma_semaphore, #tpu.memory_space<semaphore_mem>>)
        %dma_wait3A_369 = arith.constant 0 : i32
        %dma_wait3A_370 = arith.constant 0 : i32
        %dma_wait3A_371 = tpu.memref_slice %arg11[%dma_wait3A_369, %dma_wait3A_370] : memref<64x8xf32, #tpu.memory_space<vmem>> -> memref<64x8xf32, #tpu.memory_space<vmem>>
        %dma_wait3A_372 = arith.constant 0 : i32
        %dma_wait3A_373 = tpu.memref_slice %arg13[%mul3A_356, %dma_wait3A_372] : memref<10000x8xf32, #tpu.memory_space<vmem_shared>> -> memref<64x8xf32, #tpu.memory_space<vmem_shared>>
        %dma_wait3A_374 = arith.constant 0 : i32
        %dma_wait3A_375 = tpu.memref_slice %arg13[%mul3A_356, %dma_wait3A_374] : memref<10000x8xf32, #tpu.memory_space<vmem_shared>> -> memref<64x8xf32, #tpu.memory_space<vmem_shared>>
        %dma_wait3A_376 = arith.constant 0 : i32
        %dma_wait3A_377 = arith.constant 0 : i32
        %dma_wait3A_378 = tpu.memref_slice %arg11[%dma_wait3A_376, %dma_wait3A_377] : memref<64x8xf32, #tpu.memory_space<vmem>> -> memref<64x8xf32, #tpu.memory_space<vmem>>
        tpu.wait_dma2 semaphore(%run_scoped3A_358 : memref<!tpu.dma_semaphore, #tpu.memory_space<semaphore_mem>>) src(%dma_wait3A_378 : memref<64x8xf32, #tpu.memory_space<vmem>>) dst(%dma_wait3A_375 : memref<64x8xf32, #tpu.memory_space<vmem_shared>>)
        tpu.yield
      }) : () -> ()
    } else {
    }
    %add3A_11 = arith.constant 32 : i32
    %add3A_12 = arith.addi %arg1, %add3A_11 : i32
    %lt3A_13 = arith.constant 156 : i32
    %lt3A_14 = arith.cmpi slt, %add3A_12, %lt3A_13 : i32
    %convert_element_type3A_15 = arith.extui %lt3A_14 : i1 to i32
    %cond3A_16 = arith.constant 0 : i32
    %cond3A_17 = arith.cmpi ne, %convert_element_type3A_15, %cond3A_16 : i32
    scf.if %cond3A_17 {
      %mul3A_355 = arith.constant 64 : i32
      %mul3A_356 = arith.muli %add3A_12, %mul3A_355 : i32
      %run_scoped3A_357 = arith.constant 0 : i32
      "tpu.region"() ({
        %run_scoped3A_358 = tpu.sem_alloc : memref<!tpu.dma_semaphore, #tpu.memory_space<semaphore_mem>>
        %dma_start3A_359 = arith.constant 0 : i32
        %dma_start3A_360 = arith.constant 0 : i32
        %dma_start3A_361 = tpu.memref_slice %arg10[%run_scoped3A_357, %dma_start3A_359, %dma_start3A_360] : memref<8x64x64xf32, #tpu.memory_space<vmem>> -> memref<1x64x64xf32, #tpu.memory_space<vmem>>
        %dma_start3A_362 = tpu.memref_squeeze %dma_start3A_361 : memref<1x64x64xf32, #tpu.memory_space<vmem>> -> memref<64x64xf32, #tpu.memory_space<vmem>>
        %dma_start3A_363 = arith.constant 0 : i32
        %dma_start3A_364 = tpu.memref_slice %arg12[%mul3A_356, %dma_start3A_363] : memref<10000x64xf32, #tpu.memory_space<vmem_shared>> -> memref<64x64xf32, #tpu.memory_space<vmem_shared>>
        %dma_start3A_365 = arith.constant 0 : i32
        %dma_start3A_366 = tpu.memref_slice %arg12[%mul3A_356, %dma_start3A_365] : memref<10000x64xf32, #tpu.memory_space<vmem_shared>> -> memref<64x64xf32, #tpu.memory_space<vmem_shared>>
        %dma_start3A_367 = arith.constant 0 : i32
        %dma_start3A_368 = arith.constant 0 : i32
        %dma_start3A_369 = tpu.memref_slice %arg10[%run_scoped3A_357, %dma_start3A_367, %dma_start3A_368] : memref<8x64x64xf32, #tpu.memory_space<vmem>> -> memref<1x64x64xf32, #tpu.memory_space<vmem>>
        %dma_start3A_370 = tpu.memref_squeeze %dma_start3A_369 : memref<1x64x64xf32, #tpu.memory_space<vmem>> -> memref<64x64xf32, #tpu.memory_space<vmem>>
        tpu.enqueue_dma source(%dma_start3A_370 : memref<64x64xf32, #tpu.memory_space<vmem>>) target(%dma_start3A_366 : memref<64x64xf32, #tpu.memory_space<vmem_shared>>) target_semaphore(%run_scoped3A_358 : memref<!tpu.dma_semaphore, #tpu.memory_space<semaphore_mem>>)
        %dma_wait3A_371 = arith.constant 0 : i32
        %dma_wait3A_372 = arith.constant 0 : i32
        %dma_wait3A_373 = tpu.memref_slice %arg10[%run_scoped3A_357, %dma_wait3A_371, %dma_wait3A_372] : memref<8x64x64xf32, #tpu.memory_space<vmem>> -> memref<1x64x64xf32, #tpu.memory_space<vmem>>
        %dma_wait3A_374 = tpu.memref_squeeze %dma_wait3A_373 : memref<1x64x64xf32, #tpu.memory_space<vmem>> -> memref<64x64xf32, #tpu.memory_space<vmem>>
        %dma_wait3A_375 = arith.constant 0 : i32
        %dma_wait3A_376 = tpu.memref_slice %arg12[%mul3A_356, %dma_wait3A_375] : memref<10000x64xf32, #tpu.memory_space<vmem_shared>> -> memref<64x64xf32, #tpu.memory_space<vmem_shared>>
        %dma_wait3A_377 = arith.constant 0 : i32
        %dma_wait3A_378 = tpu.memref_slice %arg12[%mul3A_356, %dma_wait3A_377] : memref<10000x64xf32, #tpu.memory_space<vmem_shared>> -> memref<64x64xf32, #tpu.memory_space<vmem_shared>>
        %dma_wait3A_379 = arith.constant 0 : i32
        %dma_wait3A_380 = arith.constant 0 : i32
        %dma_wait3A_381 = tpu.memref_slice %arg10[%run_scoped3A_357, %dma_wait3A_379, %dma_wait3A_380] : memref<8x64x64xf32, #tpu.memory_space<vmem>> -> memref<1x64x64xf32, #tpu.memory_space<vmem>>
        %dma_wait3A_382 = tpu.memref_squeeze %dma_wait3A_381 : memref<1x64x64xf32, #tpu.memory_space<vmem>> -> memref<64x64xf32, #tpu.memory_space<vmem>>
        tpu.wait_dma2 semaphore(%run_scoped3A_358 : memref<!tpu.dma_semaphore, #tpu.memory_space<semaphore_mem>>) src(%dma_wait3A_382 : memref<64x64xf32, #tpu.memory_space<vmem>>) dst(%dma_wait3A_378 : memref<64x64xf32, #tpu.memory_space<vmem_shared>>)
        tpu.yield
      }) : () -> ()
      "tpu.region"() ({
        %run_scoped3A_358 = tpu.sem_alloc : memref<!tpu.dma_semaphore, #tpu.memory_space<semaphore_mem>>
        %dma_start3A_359 = arith.constant 0 : i32
        %dma_start3A_360 = arith.constant 0 : i32
        %dma_start3A_361 = tpu.memref_slice %arg11[%dma_start3A_359, %dma_start3A_360] : memref<64x8xf32, #tpu.memory_space<vmem>> -> memref<64x8xf32, #tpu.memory_space<vmem>>
        %dma_start3A_362 = arith.constant 0 : i32
        %dma_start3A_363 = tpu.memref_slice %arg13[%mul3A_356, %dma_start3A_362] : memref<10000x8xf32, #tpu.memory_space<vmem_shared>> -> memref<64x8xf32, #tpu.memory_space<vmem_shared>>
        %dma_start3A_364 = arith.constant 0 : i32
        %dma_start3A_365 = tpu.memref_slice %arg13[%mul3A_356, %dma_start3A_364] : memref<10000x8xf32, #tpu.memory_space<vmem_shared>> -> memref<64x8xf32, #tpu.memory_space<vmem_shared>>
        %dma_start3A_366 = arith.constant 0 : i32
        %dma_start3A_367 = arith.constant 0 : i32
        %dma_start3A_368 = tpu.memref_slice %arg11[%dma_start3A_366, %dma_start3A_367] : memref<64x8xf32, #tpu.memory_space<vmem>> -> memref<64x8xf32, #tpu.memory_space<vmem>>
        tpu.enqueue_dma source(%dma_start3A_368 : memref<64x8xf32, #tpu.memory_space<vmem>>) target(%dma_start3A_365 : memref<64x8xf32, #tpu.memory_space<vmem_shared>>) target_semaphore(%run_scoped3A_358 : memref<!tpu.dma_semaphore, #tpu.memory_space<semaphore_mem>>)
        %dma_wait3A_369 = arith.constant 0 : i32
        %dma_wait3A_370 = arith.constant 0 : i32
        %dma_wait3A_371 = tpu.memref_slice %arg11[%dma_wait3A_369, %dma_wait3A_370] : memref<64x8xf32, #tpu.memory_space<vmem>> -> memref<64x8xf32, #tpu.memory_space<vmem>>
        %dma_wait3A_372 = arith.constant 0 : i32
        %dma_wait3A_373 = tpu.memref_slice %arg13[%mul3A_356, %dma_wait3A_372] : memref<10000x8xf32, #tpu.memory_space<vmem_shared>> -> memref<64x8xf32, #tpu.memory_space<vmem_shared>>
        %dma_wait3A_374 = arith.constant 0 : i32
        %dma_wait3A_375 = tpu.memref_slice %arg13[%mul3A_356, %dma_wait3A_374] : memref<10000x8xf32, #tpu.memory_space<vmem_shared>> -> memref<64x8xf32, #tpu.memory_space<vmem_shared>>
        %dma_wait3A_376 = arith.constant 0 : i32
        %dma_wait3A_377 = arith.constant 0 : i32
        %dma_wait3A_378 = tpu.memref_slice %arg11[%dma_wait3A_376, %dma_wait3A_377] : memref<64x8xf32, #tpu.memory_space<vmem>> -> memref<64x8xf32, #tpu.memory_space<vmem>>
        tpu.wait_dma2 semaphore(%run_scoped3A_358 : memref<!tpu.dma_semaphore, #tpu.memory_space<semaphore_mem>>) src(%dma_wait3A_378 : memref<64x8xf32, #tpu.memory_space<vmem>>) dst(%dma_wait3A_375 : memref<64x8xf32, #tpu.memory_space<vmem_shared>>)
        tpu.yield
      }) : () -> ()
    } else {
    }
    %add3A_18 = arith.constant 48 : i32
    %add3A_19 = arith.addi %arg1, %add3A_18 : i32
    %lt3A_20 = arith.constant 156 : i32
    %lt3A_21 = arith.cmpi slt, %add3A_19, %lt3A_20 : i32
    %convert_element_type3A_22 = arith.extui %lt3A_21 : i1 to i32
    %cond3A_23 = arith.constant 0 : i32
    %cond3A_24 = arith.cmpi ne, %convert_element_type3A_22, %cond3A_23 : i32
    scf.if %cond3A_24 {
      %mul3A_355 = arith.constant 64 : i32
      %mul3A_356 = arith.muli %add3A_19, %mul3A_355 : i32
      %run_scoped3A_357 = arith.constant 0 : i32
      "tpu.region"() ({
        %run_scoped3A_358 = tpu.sem_alloc : memref<!tpu.dma_semaphore, #tpu.memory_space<semaphore_mem>>
        %dma_start3A_359 = arith.constant 0 : i32
        %dma_start3A_360 = arith.constant 0 : i32
        %dma_start3A_361 = tpu.memref_slice %arg10[%run_scoped3A_357, %dma_start3A_359, %dma_start3A_360] : memref<8x64x64xf32, #tpu.memory_space<vmem>> -> memref<1x64x64xf32, #tpu.memory_space<vmem>>
        %dma_start3A_362 = tpu.memref_squeeze %dma_start3A_361 : memref<1x64x64xf32, #tpu.memory_space<vmem>> -> memref<64x64xf32, #tpu.memory_space<vmem>>
        %dma_start3A_363 = arith.constant 0 : i32
        %dma_start3A_364 = tpu.memref_slice %arg12[%mul3A_356, %dma_start3A_363] : memref<10000x64xf32, #tpu.memory_space<vmem_shared>> -> memref<64x64xf32, #tpu.memory_space<vmem_shared>>
        %dma_start3A_365 = arith.constant 0 : i32
        %dma_start3A_366 = tpu.memref_slice %arg12[%mul3A_356, %dma_start3A_365] : memref<10000x64xf32, #tpu.memory_space<vmem_shared>> -> memref<64x64xf32, #tpu.memory_space<vmem_shared>>
        %dma_start3A_367 = arith.constant 0 : i32
        %dma_start3A_368 = arith.constant 0 : i32
        %dma_start3A_369 = tpu.memref_slice %arg10[%run_scoped3A_357, %dma_start3A_367, %dma_start3A_368] : memref<8x64x64xf32, #tpu.memory_space<vmem>> -> memref<1x64x64xf32, #tpu.memory_space<vmem>>
        %dma_start3A_370 = tpu.memref_squeeze %dma_start3A_369 : memref<1x64x64xf32, #tpu.memory_space<vmem>> -> memref<64x64xf32, #tpu.memory_space<vmem>>
        tpu.enqueue_dma source(%dma_start3A_370 : memref<64x64xf32, #tpu.memory_space<vmem>>) target(%dma_start3A_366 : memref<64x64xf32, #tpu.memory_space<vmem_shared>>) target_semaphore(%run_scoped3A_358 : memref<!tpu.dma_semaphore, #tpu.memory_space<semaphore_mem>>)
        %dma_wait3A_371 = arith.constant 0 : i32
        %dma_wait3A_372 = arith.constant 0 : i32
        %dma_wait3A_373 = tpu.memref_slice %arg10[%run_scoped3A_357, %dma_wait3A_371, %dma_wait3A_372] : memref<8x64x64xf32, #tpu.memory_space<vmem>> -> memref<1x64x64xf32, #tpu.memory_space<vmem>>
        %dma_wait3A_374 = tpu.memref_squeeze %dma_wait3A_373 : memref<1x64x64xf32, #tpu.memory_space<vmem>> -> memref<64x64xf32, #tpu.memory_space<vmem>>
        %dma_wait3A_375 = arith.constant 0 : i32
        %dma_wait3A_376 = tpu.memref_slice %arg12[%mul3A_356, %dma_wait3A_375] : memref<10000x64xf32, #tpu.memory_space<vmem_shared>> -> memref<64x64xf32, #tpu.memory_space<vmem_shared>>
        %dma_wait3A_377 = arith.constant 0 : i32
        %dma_wait3A_378 = tpu.memref_slice %arg12[%mul3A_356, %dma_wait3A_377] : memref<10000x64xf32, #tpu.memory_space<vmem_shared>> -> memref<64x64xf32, #tpu.memory_space<vmem_shared>>
        %dma_wait3A_379 = arith.constant 0 : i32
        %dma_wait3A_380 = arith.constant 0 : i32
        %dma_wait3A_381 = tpu.memref_slice %arg10[%run_scoped3A_357, %dma_wait3A_379, %dma_wait3A_380] : memref<8x64x64xf32, #tpu.memory_space<vmem>> -> memref<1x64x64xf32, #tpu.memory_space<vmem>>
        %dma_wait3A_382 = tpu.memref_squeeze %dma_wait3A_381 : memref<1x64x64xf32, #tpu.memory_space<vmem>> -> memref<64x64xf32, #tpu.memory_space<vmem>>
        tpu.wait_dma2 semaphore(%run_scoped3A_358 : memref<!tpu.dma_semaphore, #tpu.memory_space<semaphore_mem>>) src(%dma_wait3A_382 : memref<64x64xf32, #tpu.memory_space<vmem>>) dst(%dma_wait3A_378 : memref<64x64xf32, #tpu.memory_space<vmem_shared>>)
        tpu.yield
      }) : () -> ()
      "tpu.region"() ({
        %run_scoped3A_358 = tpu.sem_alloc : memref<!tpu.dma_semaphore, #tpu.memory_space<semaphore_mem>>
        %dma_start3A_359 = arith.constant 0 : i32
        %dma_start3A_360 = arith.constant 0 : i32
        %dma_start3A_361 = tpu.memref_slice %arg11[%dma_start3A_359, %dma_start3A_360] : memref<64x8xf32, #tpu.memory_space<vmem>> -> memref<64x8xf32, #tpu.memory_space<vmem>>
        %dma_start3A_362 = arith.constant 0 : i32
        %dma_start3A_363 = tpu.memref_slice %arg13[%mul3A_356, %dma_start3A_362] : memref<10000x8xf32, #tpu.memory_space<vmem_shared>> -> memref<64x8xf32, #tpu.memory_space<vmem_shared>>
        %dma_start3A_364 = arith.constant 0 : i32
        %dma_start3A_365 = tpu.memref_slice %arg13[%mul3A_356, %dma_start3A_364] : memref<10000x8xf32, #tpu.memory_space<vmem_shared>> -> memref<64x8xf32, #tpu.memory_space<vmem_shared>>
        %dma_start3A_366 = arith.constant 0 : i32
        %dma_start3A_367 = arith.constant 0 : i32
        %dma_start3A_368 = tpu.memref_slice %arg11[%dma_start3A_366, %dma_start3A_367] : memref<64x8xf32, #tpu.memory_space<vmem>> -> memref<64x8xf32, #tpu.memory_space<vmem>>
        tpu.enqueue_dma source(%dma_start3A_368 : memref<64x8xf32, #tpu.memory_space<vmem>>) target(%dma_start3A_365 : memref<64x8xf32, #tpu.memory_space<vmem_shared>>) target_semaphore(%run_scoped3A_358 : memref<!tpu.dma_semaphore, #tpu.memory_space<semaphore_mem>>)
        %dma_wait3A_369 = arith.constant 0 : i32
        %dma_wait3A_370 = arith.constant 0 : i32
        %dma_wait3A_371 = tpu.memref_slice %arg11[%dma_wait3A_369, %dma_wait3A_370] : memref<64x8xf32, #tpu.memory_space<vmem>> -> memref<64x8xf32, #tpu.memory_space<vmem>>
        %dma_wait3A_372 = arith.constant 0 : i32
        %dma_wait3A_373 = tpu.memref_slice %arg13[%mul3A_356, %dma_wait3A_372] : memref<10000x8xf32, #tpu.memory_space<vmem_shared>> -> memref<64x8xf32, #tpu.memory_space<vmem_shared>>
        %dma_wait3A_374 = arith.constant 0 : i32
        %dma_wait3A_375 = tpu.memref_slice %arg13[%mul3A_356, %dma_wait3A_374] : memref<10000x8xf32, #tpu.memory_space<vmem_shared>> -> memref<64x8xf32, #tpu.memory_space<vmem_shared>>
        %dma_wait3A_376 = arith.constant 0 : i32
        %dma_wait3A_377 = arith.constant 0 : i32
        %dma_wait3A_378 = tpu.memref_slice %arg11[%dma_wait3A_376, %dma_wait3A_377] : memref<64x8xf32, #tpu.memory_space<vmem>> -> memref<64x8xf32, #tpu.memory_space<vmem>>
        tpu.wait_dma2 semaphore(%run_scoped3A_358 : memref<!tpu.dma_semaphore, #tpu.memory_space<semaphore_mem>>) src(%dma_wait3A_378 : memref<64x8xf32, #tpu.memory_space<vmem>>) dst(%dma_wait3A_375 : memref<64x8xf32, #tpu.memory_space<vmem_shared>>)
        tpu.yield
      }) : () -> ()
    } else {
    }
    %add3A_25 = arith.constant 64 : i32
    %add3A_26 = arith.addi %arg1, %add3A_25 : i32
    %lt3A_27 = arith.constant 156 : i32
    %lt3A_28 = arith.cmpi slt, %add3A_26, %lt3A_27 : i32
    %convert_element_type3A_29 = arith.extui %lt3A_28 : i1 to i32
    %cond3A_30 = arith.constant 0 : i32
    %cond3A_31 = arith.cmpi ne, %convert_element_type3A_29, %cond3A_30 : i32
    scf.if %cond3A_31 {
      %mul3A_355 = arith.constant 64 : i32
      %mul3A_356 = arith.muli %add3A_26, %mul3A_355 : i32
      %run_scoped3A_357 = arith.constant 0 : i32
      "tpu.region"() ({
        %run_scoped3A_358 = tpu.sem_alloc : memref<!tpu.dma_semaphore, #tpu.memory_space<semaphore_mem>>
        %dma_start3A_359 = arith.constant 0 : i32
        %dma_start3A_360 = arith.constant 0 : i32
        %dma_start3A_361 = tpu.memref_slice %arg10[%run_scoped3A_357, %dma_start3A_359, %dma_start3A_360] : memref<8x64x64xf32, #tpu.memory_space<vmem>> -> memref<1x64x64xf32, #tpu.memory_space<vmem>>
        %dma_start3A_362 = tpu.memref_squeeze %dma_start3A_361 : memref<1x64x64xf32, #tpu.memory_space<vmem>> -> memref<64x64xf32, #tpu.memory_space<vmem>>
        %dma_start3A_363 = arith.constant 0 : i32
        %dma_start3A_364 = tpu.memref_slice %arg12[%mul3A_356, %dma_start3A_363] : memref<10000x64xf32, #tpu.memory_space<vmem_shared>> -> memref<64x64xf32, #tpu.memory_space<vmem_shared>>
        %dma_start3A_365 = arith.constant 0 : i32
        %dma_start3A_366 = tpu.memref_slice %arg12[%mul3A_356, %dma_start3A_365] : memref<10000x64xf32, #tpu.memory_space<vmem_shared>> -> memref<64x64xf32, #tpu.memory_space<vmem_shared>>
        %dma_start3A_367 = arith.constant 0 : i32
        %dma_start3A_368 = arith.constant 0 : i32
        %dma_start3A_369 = tpu.memref_slice %arg10[%run_scoped3A_357, %dma_start3A_367, %dma_start3A_368] : memref<8x64x64xf32, #tpu.memory_space<vmem>> -> memref<1x64x64xf32, #tpu.memory_space<vmem>>
        %dma_start3A_370 = tpu.memref_squeeze %dma_start3A_369 : memref<1x64x64xf32, #tpu.memory_space<vmem>> -> memref<64x64xf32, #tpu.memory_space<vmem>>
        tpu.enqueue_dma source(%dma_start3A_370 : memref<64x64xf32, #tpu.memory_space<vmem>>) target(%dma_start3A_366 : memref<64x64xf32, #tpu.memory_space<vmem_shared>>) target_semaphore(%run_scoped3A_358 : memref<!tpu.dma_semaphore, #tpu.memory_space<semaphore_mem>>)
        %dma_wait3A_371 = arith.constant 0 : i32
        %dma_wait3A_372 = arith.constant 0 : i32
        %dma_wait3A_373 = tpu.memref_slice %arg10[%run_scoped3A_357, %dma_wait3A_371, %dma_wait3A_372] : memref<8x64x64xf32, #tpu.memory_space<vmem>> -> memref<1x64x64xf32, #tpu.memory_space<vmem>>
        %dma_wait3A_374 = tpu.memref_squeeze %dma_wait3A_373 : memref<1x64x64xf32, #tpu.memory_space<vmem>> -> memref<64x64xf32, #tpu.memory_space<vmem>>
        %dma_wait3A_375 = arith.constant 0 : i32
        %dma_wait3A_376 = tpu.memref_slice %arg12[%mul3A_356, %dma_wait3A_375] : memref<10000x64xf32, #tpu.memory_space<vmem_shared>> -> memref<64x64xf32, #tpu.memory_space<vmem_shared>>
        %dma_wait3A_377 = arith.constant 0 : i32
        %dma_wait3A_378 = tpu.memref_slice %arg12[%mul3A_356, %dma_wait3A_377] : memref<10000x64xf32, #tpu.memory_space<vmem_shared>> -> memref<64x64xf32, #tpu.memory_space<vmem_shared>>
        %dma_wait3A_379 = arith.constant 0 : i32
        %dma_wait3A_380 = arith.constant 0 : i32
        %dma_wait3A_381 = tpu.memref_slice %arg10[%run_scoped3A_357, %dma_wait3A_379, %dma_wait3A_380] : memref<8x64x64xf32, #tpu.memory_space<vmem>> -> memref<1x64x64xf32, #tpu.memory_space<vmem>>
        %dma_wait3A_382 = tpu.memref_squeeze %dma_wait3A_381 : memref<1x64x64xf32, #tpu.memory_space<vmem>> -> memref<64x64xf32, #tpu.memory_space<vmem>>
        tpu.wait_dma2 semaphore(%run_scoped3A_358 : memref<!tpu.dma_semaphore, #tpu.memory_space<semaphore_mem>>) src(%dma_wait3A_382 : memref<64x64xf32, #tpu.memory_space<vmem>>) dst(%dma_wait3A_378 : memref<64x64xf32, #tpu.memory_space<vmem_shared>>)
        tpu.yield
      }) : () -> ()
      "tpu.region"() ({
        %run_scoped3A_358 = tpu.sem_alloc : memref<!tpu.dma_semaphore, #tpu.memory_space<semaphore_mem>>
        %dma_start3A_359 = arith.constant 0 : i32
        %dma_start3A_360 = arith.constant 0 : i32
        %dma_start3A_361 = tpu.memref_slice %arg11[%dma_start3A_359, %dma_start3A_360] : memref<64x8xf32, #tpu.memory_space<vmem>> -> memref<64x8xf32, #tpu.memory_space<vmem>>
        %dma_start3A_362 = arith.constant 0 : i32
        %dma_start3A_363 = tpu.memref_slice %arg13[%mul3A_356, %dma_start3A_362] : memref<10000x8xf32, #tpu.memory_space<vmem_shared>> -> memref<64x8xf32, #tpu.memory_space<vmem_shared>>
        %dma_start3A_364 = arith.constant 0 : i32
        %dma_start3A_365 = tpu.memref_slice %arg13[%mul3A_356, %dma_start3A_364] : memref<10000x8xf32, #tpu.memory_space<vmem_shared>> -> memref<64x8xf32, #tpu.memory_space<vmem_shared>>
        %dma_start3A_366 = arith.constant 0 : i32
        %dma_start3A_367 = arith.constant 0 : i32
        %dma_start3A_368 = tpu.memref_slice %arg11[%dma_start3A_366, %dma_start3A_367] : memref<64x8xf32, #tpu.memory_space<vmem>> -> memref<64x8xf32, #tpu.memory_space<vmem>>
        tpu.enqueue_dma source(%dma_start3A_368 : memref<64x8xf32, #tpu.memory_space<vmem>>) target(%dma_start3A_365 : memref<64x8xf32, #tpu.memory_space<vmem_shared>>) target_semaphore(%run_scoped3A_358 : memref<!tpu.dma_semaphore, #tpu.memory_space<semaphore_mem>>)
        %dma_wait3A_369 = arith.constant 0 : i32
        %dma_wait3A_370 = arith.constant 0 : i32
        %dma_wait3A_371 = tpu.memref_slice %arg11[%dma_wait3A_369, %dma_wait3A_370] : memref<64x8xf32, #tpu.memory_space<vmem>> -> memref<64x8xf32, #tpu.memory_space<vmem>>
        %dma_wait3A_372 = arith.constant 0 : i32
        %dma_wait3A_373 = tpu.memref_slice %arg13[%mul3A_356, %dma_wait3A_372] : memref<10000x8xf32, #tpu.memory_space<vmem_shared>> -> memref<64x8xf32, #tpu.memory_space<vmem_shared>>
        %dma_wait3A_374 = arith.constant 0 : i32
        %dma_wait3A_375 = tpu.memref_slice %arg13[%mul3A_356, %dma_wait3A_374] : memref<10000x8xf32, #tpu.memory_space<vmem_shared>> -> memref<64x8xf32, #tpu.memory_space<vmem_shared>>
        %dma_wait3A_376 = arith.constant 0 : i32
        %dma_wait3A_377 = arith.constant 0 : i32
        %dma_wait3A_378 = tpu.memref_slice %arg11[%dma_wait3A_376, %dma_wait3A_377] : memref<64x8xf32, #tpu.memory_space<vmem>> -> memref<64x8xf32, #tpu.memory_space<vmem>>
        tpu.wait_dma2 semaphore(%run_scoped3A_358 : memref<!tpu.dma_semaphore, #tpu.memory_space<semaphore_mem>>) src(%dma_wait3A_378 : memref<64x8xf32, #tpu.memory_space<vmem>>) dst(%dma_wait3A_375 : memref<64x8xf32, #tpu.memory_space<vmem_shared>>)
        tpu.yield
      }) : () -> ()
    } else {
    }
    %add3A_32 = arith.constant 80 : i32
    %add3A_33 = arith.addi %arg1, %add3A_32 : i32
    %lt3A_34 = arith.constant 156 : i32
    %lt3A_35 = arith.cmpi slt, %add3A_33, %lt3A_34 : i32
    %convert_element_type3A_36 = arith.extui %lt3A_35 : i1 to i32
    %cond3A_37 = arith.constant 0 : i32
    %cond3A_38 = arith.cmpi ne, %convert_element_type3A_36, %cond3A_37 : i32
    scf.if %cond3A_38 {
      %mul3A_355 = arith.constant 64 : i32
      %mul3A_356 = arith.muli %add3A_33, %mul3A_355 : i32
      %run_scoped3A_357 = arith.constant 0 : i32
      "tpu.region"() ({
        %run_scoped3A_358 = tpu.sem_alloc : memref<!tpu.dma_semaphore, #tpu.memory_space<semaphore_mem>>
        %dma_start3A_359 = arith.constant 0 : i32
        %dma_start3A_360 = arith.constant 0 : i32
        %dma_start3A_361 = tpu.memref_slice %arg10[%run_scoped3A_357, %dma_start3A_359, %dma_start3A_360] : memref<8x64x64xf32, #tpu.memory_space<vmem>> -> memref<1x64x64xf32, #tpu.memory_space<vmem>>
        %dma_start3A_362 = tpu.memref_squeeze %dma_start3A_361 : memref<1x64x64xf32, #tpu.memory_space<vmem>> -> memref<64x64xf32, #tpu.memory_space<vmem>>
        %dma_start3A_363 = arith.constant 0 : i32
        %dma_start3A_364 = tpu.memref_slice %arg12[%mul3A_356, %dma_start3A_363] : memref<10000x64xf32, #tpu.memory_space<vmem_shared>> -> memref<64x64xf32, #tpu.memory_space<vmem_shared>>
        %dma_start3A_365 = arith.constant 0 : i32
        %dma_start3A_366 = tpu.memref_slice %arg12[%mul3A_356, %dma_start3A_365] : memref<10000x64xf32, #tpu.memory_space<vmem_shared>> -> memref<64x64xf32, #tpu.memory_space<vmem_shared>>
        %dma_start3A_367 = arith.constant 0 : i32
        %dma_start3A_368 = arith.constant 0 : i32
        %dma_start3A_369 = tpu.memref_slice %arg10[%run_scoped3A_357, %dma_start3A_367, %dma_start3A_368] : memref<8x64x64xf32, #tpu.memory_space<vmem>> -> memref<1x64x64xf32, #tpu.memory_space<vmem>>
        %dma_start3A_370 = tpu.memref_squeeze %dma_start3A_369 : memref<1x64x64xf32, #tpu.memory_space<vmem>> -> memref<64x64xf32, #tpu.memory_space<vmem>>
        tpu.enqueue_dma source(%dma_start3A_370 : memref<64x64xf32, #tpu.memory_space<vmem>>) target(%dma_start3A_366 : memref<64x64xf32, #tpu.memory_space<vmem_shared>>) target_semaphore(%run_scoped3A_358 : memref<!tpu.dma_semaphore, #tpu.memory_space<semaphore_mem>>)
        %dma_wait3A_371 = arith.constant 0 : i32
        %dma_wait3A_372 = arith.constant 0 : i32
        %dma_wait3A_373 = tpu.memref_slice %arg10[%run_scoped3A_357, %dma_wait3A_371, %dma_wait3A_372] : memref<8x64x64xf32, #tpu.memory_space<vmem>> -> memref<1x64x64xf32, #tpu.memory_space<vmem>>
        %dma_wait3A_374 = tpu.memref_squeeze %dma_wait3A_373 : memref<1x64x64xf32, #tpu.memory_space<vmem>> -> memref<64x64xf32, #tpu.memory_space<vmem>>
        %dma_wait3A_375 = arith.constant 0 : i32
        %dma_wait3A_376 = tpu.memref_slice %arg12[%mul3A_356, %dma_wait3A_375] : memref<10000x64xf32, #tpu.memory_space<vmem_shared>> -> memref<64x64xf32, #tpu.memory_space<vmem_shared>>
        %dma_wait3A_377 = arith.constant 0 : i32
        %dma_wait3A_378 = tpu.memref_slice %arg12[%mul3A_356, %dma_wait3A_377] : memref<10000x64xf32, #tpu.memory_space<vmem_shared>> -> memref<64x64xf32, #tpu.memory_space<vmem_shared>>
        %dma_wait3A_379 = arith.constant 0 : i32
        %dma_wait3A_380 = arith.constant 0 : i32
        %dma_wait3A_381 = tpu.memref_slice %arg10[%run_scoped3A_357, %dma_wait3A_379, %dma_wait3A_380] : memref<8x64x64xf32, #tpu.memory_space<vmem>> -> memref<1x64x64xf32, #tpu.memory_space<vmem>>
        %dma_wait3A_382 = tpu.memref_squeeze %dma_wait3A_381 : memref<1x64x64xf32, #tpu.memory_space<vmem>> -> memref<64x64xf32, #tpu.memory_space<vmem>>
        tpu.wait_dma2 semaphore(%run_scoped3A_358 : memref<!tpu.dma_semaphore, #tpu.memory_space<semaphore_mem>>) src(%dma_wait3A_382 : memref<64x64xf32, #tpu.memory_space<vmem>>) dst(%dma_wait3A_378 : memref<64x64xf32, #tpu.memory_space<vmem_shared>>)
        tpu.yield
      }) : () -> ()
      "tpu.region"() ({
        %run_scoped3A_358 = tpu.sem_alloc : memref<!tpu.dma_semaphore, #tpu.memory_space<semaphore_mem>>
        %dma_start3A_359 = arith.constant 0 : i32
        %dma_start3A_360 = arith.constant 0 : i32
        %dma_start3A_361 = tpu.memref_slice %arg11[%dma_start3A_359, %dma_start3A_360] : memref<64x8xf32, #tpu.memory_space<vmem>> -> memref<64x8xf32, #tpu.memory_space<vmem>>
        %dma_start3A_362 = arith.constant 0 : i32
        %dma_start3A_363 = tpu.memref_slice %arg13[%mul3A_356, %dma_start3A_362] : memref<10000x8xf32, #tpu.memory_space<vmem_shared>> -> memref<64x8xf32, #tpu.memory_space<vmem_shared>>
        %dma_start3A_364 = arith.constant 0 : i32
        %dma_start3A_365 = tpu.memref_slice %arg13[%mul3A_356, %dma_start3A_364] : memref<10000x8xf32, #tpu.memory_space<vmem_shared>> -> memref<64x8xf32, #tpu.memory_space<vmem_shared>>
        %dma_start3A_366 = arith.constant 0 : i32
        %dma_start3A_367 = arith.constant 0 : i32
        %dma_start3A_368 = tpu.memref_slice %arg11[%dma_start3A_366, %dma_start3A_367] : memref<64x8xf32, #tpu.memory_space<vmem>> -> memref<64x8xf32, #tpu.memory_space<vmem>>
        tpu.enqueue_dma source(%dma_start3A_368 : memref<64x8xf32, #tpu.memory_space<vmem>>) target(%dma_start3A_365 : memref<64x8xf32, #tpu.memory_space<vmem_shared>>) target_semaphore(%run_scoped3A_358 : memref<!tpu.dma_semaphore, #tpu.memory_space<semaphore_mem>>)
        %dma_wait3A_369 = arith.constant 0 : i32
        %dma_wait3A_370 = arith.constant 0 : i32
        %dma_wait3A_371 = tpu.memref_slice %arg11[%dma_wait3A_369, %dma_wait3A_370] : memref<64x8xf32, #tpu.memory_space<vmem>> -> memref<64x8xf32, #tpu.memory_space<vmem>>
        %dma_wait3A_372 = arith.constant 0 : i32
        %dma_wait3A_373 = tpu.memref_slice %arg13[%mul3A_356, %dma_wait3A_372] : memref<10000x8xf32, #tpu.memory_space<vmem_shared>> -> memref<64x8xf32, #tpu.memory_space<vmem_shared>>
        %dma_wait3A_374 = arith.constant 0 : i32
        %dma_wait3A_375 = tpu.memref_slice %arg13[%mul3A_356, %dma_wait3A_374] : memref<10000x8xf32, #tpu.memory_space<vmem_shared>> -> memref<64x8xf32, #tpu.memory_space<vmem_shared>>
        %dma_wait3A_376 = arith.constant 0 : i32
        %dma_wait3A_377 = arith.constant 0 : i32
        %dma_wait3A_378 = tpu.memref_slice %arg11[%dma_wait3A_376, %dma_wait3A_377] : memref<64x8xf32, #tpu.memory_space<vmem>> -> memref<64x8xf32, #tpu.memory_space<vmem>>
        tpu.wait_dma2 semaphore(%run_scoped3A_358 : memref<!tpu.dma_semaphore, #tpu.memory_space<semaphore_mem>>) src(%dma_wait3A_378 : memref<64x8xf32, #tpu.memory_space<vmem>>) dst(%dma_wait3A_375 : memref<64x8xf32, #tpu.memory_space<vmem_shared>>)
        tpu.yield
      }) : () -> ()
    } else {
    }
    %add3A_39 = arith.constant 96 : i32
    %add3A_40 = arith.addi %arg1, %add3A_39 : i32
    %lt3A_41 = arith.constant 156 : i32
    %lt3A_42 = arith.cmpi slt, %add3A_40, %lt3A_41 : i32
    %convert_element_type3A_43 = arith.extui %lt3A_42 : i1 to i32
    %cond3A_44 = arith.constant 0 : i32
    %cond3A_45 = arith.cmpi ne, %convert_element_type3A_43, %cond3A_44 : i32
    scf.if %cond3A_45 {
      %mul3A_355 = arith.constant 64 : i32
      %mul3A_356 = arith.muli %add3A_40, %mul3A_355 : i32
      %run_scoped3A_357 = arith.constant 0 : i32
      "tpu.region"() ({
        %run_scoped3A_358 = tpu.sem_alloc : memref<!tpu.dma_semaphore, #tpu.memory_space<semaphore_mem>>
        %dma_start3A_359 = arith.constant 0 : i32
        %dma_start3A_360 = arith.constant 0 : i32
        %dma_start3A_361 = tpu.memref_slice %arg10[%run_scoped3A_357, %dma_start3A_359, %dma_start3A_360] : memref<8x64x64xf32, #tpu.memory_space<vmem>> -> memref<1x64x64xf32, #tpu.memory_space<vmem>>
        %dma_start3A_362 = tpu.memref_squeeze %dma_start3A_361 : memref<1x64x64xf32, #tpu.memory_space<vmem>> -> memref<64x64xf32, #tpu.memory_space<vmem>>
        %dma_start3A_363 = arith.constant 0 : i32
        %dma_start3A_364 = tpu.memref_slice %arg12[%mul3A_356, %dma_start3A_363] : memref<10000x64xf32, #tpu.memory_space<vmem_shared>> -> memref<64x64xf32, #tpu.memory_space<vmem_shared>>
        %dma_start3A_365 = arith.constant 0 : i32
        %dma_start3A_366 = tpu.memref_slice %arg12[%mul3A_356, %dma_start3A_365] : memref<10000x64xf32, #tpu.memory_space<vmem_shared>> -> memref<64x64xf32, #tpu.memory_space<vmem_shared>>
        %dma_start3A_367 = arith.constant 0 : i32
        %dma_start3A_368 = arith.constant 0 : i32
        %dma_start3A_369 = tpu.memref_slice %arg10[%run_scoped3A_357, %dma_start3A_367, %dma_start3A_368] : memref<8x64x64xf32, #tpu.memory_space<vmem>> -> memref<1x64x64xf32, #tpu.memory_space<vmem>>
        %dma_start3A_370 = tpu.memref_squeeze %dma_start3A_369 : memref<1x64x64xf32, #tpu.memory_space<vmem>> -> memref<64x64xf32, #tpu.memory_space<vmem>>
        tpu.enqueue_dma source(%dma_start3A_370 : memref<64x64xf32, #tpu.memory_space<vmem>>) target(%dma_start3A_366 : memref<64x64xf32, #tpu.memory_space<vmem_shared>>) target_semaphore(%run_scoped3A_358 : memref<!tpu.dma_semaphore, #tpu.memory_space<semaphore_mem>>)
        %dma_wait3A_371 = arith.constant 0 : i32
        %dma_wait3A_372 = arith.constant 0 : i32
        %dma_wait3A_373 = tpu.memref_slice %arg10[%run_scoped3A_357, %dma_wait3A_371, %dma_wait3A_372] : memref<8x64x64xf32, #tpu.memory_space<vmem>> -> memref<1x64x64xf32, #tpu.memory_space<vmem>>
        %dma_wait3A_374 = tpu.memref_squeeze %dma_wait3A_373 : memref<1x64x64xf32, #tpu.memory_space<vmem>> -> memref<64x64xf32, #tpu.memory_space<vmem>>
        %dma_wait3A_375 = arith.constant 0 : i32
        %dma_wait3A_376 = tpu.memref_slice %arg12[%mul3A_356, %dma_wait3A_375] : memref<10000x64xf32, #tpu.memory_space<vmem_shared>> -> memref<64x64xf32, #tpu.memory_space<vmem_shared>>
        %dma_wait3A_377 = arith.constant 0 : i32
        %dma_wait3A_378 = tpu.memref_slice %arg12[%mul3A_356, %dma_wait3A_377] : memref<10000x64xf32, #tpu.memory_space<vmem_shared>> -> memref<64x64xf32, #tpu.memory_space<vmem_shared>>
        %dma_wait3A_379 = arith.constant 0 : i32
        %dma_wait3A_380 = arith.constant 0 : i32
        %dma_wait3A_381 = tpu.memref_slice %arg10[%run_scoped3A_357, %dma_wait3A_379, %dma_wait3A_380] : memref<8x64x64xf32, #tpu.memory_space<vmem>> -> memref<1x64x64xf32, #tpu.memory_space<vmem>>
        %dma_wait3A_382 = tpu.memref_squeeze %dma_wait3A_381 : memref<1x64x64xf32, #tpu.memory_space<vmem>> -> memref<64x64xf32, #tpu.memory_space<vmem>>
        tpu.wait_dma2 semaphore(%run_scoped3A_358 : memref<!tpu.dma_semaphore, #tpu.memory_space<semaphore_mem>>) src(%dma_wait3A_382 : memref<64x64xf32, #tpu.memory_space<vmem>>) dst(%dma_wait3A_378 : memref<64x64xf32, #tpu.memory_space<vmem_shared>>)
        tpu.yield
      }) : () -> ()
      "tpu.region"() ({
        %run_scoped3A_358 = tpu.sem_alloc : memref<!tpu.dma_semaphore, #tpu.memory_space<semaphore_mem>>
        %dma_start3A_359 = arith.constant 0 : i32
        %dma_start3A_360 = arith.constant 0 : i32
        %dma_start3A_361 = tpu.memref_slice %arg11[%dma_start3A_359, %dma_start3A_360] : memref<64x8xf32, #tpu.memory_space<vmem>> -> memref<64x8xf32, #tpu.memory_space<vmem>>
        %dma_start3A_362 = arith.constant 0 : i32
        %dma_start3A_363 = tpu.memref_slice %arg13[%mul3A_356, %dma_start3A_362] : memref<10000x8xf32, #tpu.memory_space<vmem_shared>> -> memref<64x8xf32, #tpu.memory_space<vmem_shared>>
        %dma_start3A_364 = arith.constant 0 : i32
        %dma_start3A_365 = tpu.memref_slice %arg13[%mul3A_356, %dma_start3A_364] : memref<10000x8xf32, #tpu.memory_space<vmem_shared>> -> memref<64x8xf32, #tpu.memory_space<vmem_shared>>
        %dma_start3A_366 = arith.constant 0 : i32
        %dma_start3A_367 = arith.constant 0 : i32
        %dma_start3A_368 = tpu.memref_slice %arg11[%dma_start3A_366, %dma_start3A_367] : memref<64x8xf32, #tpu.memory_space<vmem>> -> memref<64x8xf32, #tpu.memory_space<vmem>>
        tpu.enqueue_dma source(%dma_start3A_368 : memref<64x8xf32, #tpu.memory_space<vmem>>) target(%dma_start3A_365 : memref<64x8xf32, #tpu.memory_space<vmem_shared>>) target_semaphore(%run_scoped3A_358 : memref<!tpu.dma_semaphore, #tpu.memory_space<semaphore_mem>>)
        %dma_wait3A_369 = arith.constant 0 : i32
        %dma_wait3A_370 = arith.constant 0 : i32
        %dma_wait3A_371 = tpu.memref_slice %arg11[%dma_wait3A_369, %dma_wait3A_370] : memref<64x8xf32, #tpu.memory_space<vmem>> -> memref<64x8xf32, #tpu.memory_space<vmem>>
        %dma_wait3A_372 = arith.constant 0 : i32
        %dma_wait3A_373 = tpu.memref_slice %arg13[%mul3A_356, %dma_wait3A_372] : memref<10000x8xf32, #tpu.memory_space<vmem_shared>> -> memref<64x8xf32, #tpu.memory_space<vmem_shared>>
        %dma_wait3A_374 = arith.constant 0 : i32
        %dma_wait3A_375 = tpu.memref_slice %arg13[%mul3A_356, %dma_wait3A_374] : memref<10000x8xf32, #tpu.memory_space<vmem_shared>> -> memref<64x8xf32, #tpu.memory_space<vmem_shared>>
        %dma_wait3A_376 = arith.constant 0 : i32
        %dma_wait3A_377 = arith.constant 0 : i32
        %dma_wait3A_378 = tpu.memref_slice %arg11[%dma_wait3A_376, %dma_wait3A_377] : memref<64x8xf32, #tpu.memory_space<vmem>> -> memref<64x8xf32, #tpu.memory_space<vmem>>
        tpu.wait_dma2 semaphore(%run_scoped3A_358 : memref<!tpu.dma_semaphore, #tpu.memory_space<semaphore_mem>>) src(%dma_wait3A_378 : memref<64x8xf32, #tpu.memory_space<vmem>>) dst(%dma_wait3A_375 : memref<64x8xf32, #tpu.memory_space<vmem_shared>>)
        tpu.yield
      }) : () -> ()
    } else {
    }
    %add3A_46 = arith.constant 112 : i32
    %add3A_47 = arith.addi %arg1, %add3A_46 : i32
    %lt3A_48 = arith.constant 156 : i32
    %lt3A_49 = arith.cmpi slt, %add3A_47, %lt3A_48 : i32
    %convert_element_type3A_50 = arith.extui %lt3A_49 : i1 to i32
    %cond3A_51 = arith.constant 0 : i32
    %cond3A_52 = arith.cmpi ne, %convert_element_type3A_50, %cond3A_51 : i32
    scf.if %cond3A_52 {
      %mul3A_355 = arith.constant 64 : i32
      %mul3A_356 = arith.muli %add3A_47, %mul3A_355 : i32
      %run_scoped3A_357 = arith.constant 0 : i32
      "tpu.region"() ({
        %run_scoped3A_358 = tpu.sem_alloc : memref<!tpu.dma_semaphore, #tpu.memory_space<semaphore_mem>>
        %dma_start3A_359 = arith.constant 0 : i32
        %dma_start3A_360 = arith.constant 0 : i32
        %dma_start3A_361 = tpu.memref_slice %arg10[%run_scoped3A_357, %dma_start3A_359, %dma_start3A_360] : memref<8x64x64xf32, #tpu.memory_space<vmem>> -> memref<1x64x64xf32, #tpu.memory_space<vmem>>
        %dma_start3A_362 = tpu.memref_squeeze %dma_start3A_361 : memref<1x64x64xf32, #tpu.memory_space<vmem>> -> memref<64x64xf32, #tpu.memory_space<vmem>>
        %dma_start3A_363 = arith.constant 0 : i32
        %dma_start3A_364 = tpu.memref_slice %arg12[%mul3A_356, %dma_start3A_363] : memref<10000x64xf32, #tpu.memory_space<vmem_shared>> -> memref<64x64xf32, #tpu.memory_space<vmem_shared>>
        %dma_start3A_365 = arith.constant 0 : i32
        %dma_start3A_366 = tpu.memref_slice %arg12[%mul3A_356, %dma_start3A_365] : memref<10000x64xf32, #tpu.memory_space<vmem_shared>> -> memref<64x64xf32, #tpu.memory_space<vmem_shared>>
        %dma_start3A_367 = arith.constant 0 : i32
        %dma_start3A_368 = arith.constant 0 : i32
        %dma_start3A_369 = tpu.memref_slice %arg10[%run_scoped3A_357, %dma_start3A_367, %dma_start3A_368] : memref<8x64x64xf32, #tpu.memory_space<vmem>> -> memref<1x64x64xf32, #tpu.memory_space<vmem>>
        %dma_start3A_370 = tpu.memref_squeeze %dma_start3A_369 : memref<1x64x64xf32, #tpu.memory_space<vmem>> -> memref<64x64xf32, #tpu.memory_space<vmem>>
        tpu.enqueue_dma source(%dma_start3A_370 : memref<64x64xf32, #tpu.memory_space<vmem>>) target(%dma_start3A_366 : memref<64x64xf32, #tpu.memory_space<vmem_shared>>) target_semaphore(%run_scoped3A_358 : memref<!tpu.dma_semaphore, #tpu.memory_space<semaphore_mem>>)
        %dma_wait3A_371 = arith.constant 0 : i32
        %dma_wait3A_372 = arith.constant 0 : i32
        %dma_wait3A_373 = tpu.memref_slice %arg10[%run_scoped3A_357, %dma_wait3A_371, %dma_wait3A_372] : memref<8x64x64xf32, #tpu.memory_space<vmem>> -> memref<1x64x64xf32, #tpu.memory_space<vmem>>
        %dma_wait3A_374 = tpu.memref_squeeze %dma_wait3A_373 : memref<1x64x64xf32, #tpu.memory_space<vmem>> -> memref<64x64xf32, #tpu.memory_space<vmem>>
        %dma_wait3A_375 = arith.constant 0 : i32
        %dma_wait3A_376 = tpu.memref_slice %arg12[%mul3A_356, %dma_wait3A_375] : memref<10000x64xf32, #tpu.memory_space<vmem_shared>> -> memref<64x64xf32, #tpu.memory_space<vmem_shared>>
        %dma_wait3A_377 = arith.constant 0 : i32
        %dma_wait3A_378 = tpu.memref_slice %arg12[%mul3A_356, %dma_wait3A_377] : memref<10000x64xf32, #tpu.memory_space<vmem_shared>> -> memref<64x64xf32, #tpu.memory_space<vmem_shared>>
        %dma_wait3A_379 = arith.constant 0 : i32
        %dma_wait3A_380 = arith.constant 0 : i32
        %dma_wait3A_381 = tpu.memref_slice %arg10[%run_scoped3A_357, %dma_wait3A_379, %dma_wait3A_380] : memref<8x64x64xf32, #tpu.memory_space<vmem>> -> memref<1x64x64xf32, #tpu.memory_space<vmem>>
        %dma_wait3A_382 = tpu.memref_squeeze %dma_wait3A_381 : memref<1x64x64xf32, #tpu.memory_space<vmem>> -> memref<64x64xf32, #tpu.memory_space<vmem>>
        tpu.wait_dma2 semaphore(%run_scoped3A_358 : memref<!tpu.dma_semaphore, #tpu.memory_space<semaphore_mem>>) src(%dma_wait3A_382 : memref<64x64xf32, #tpu.memory_space<vmem>>) dst(%dma_wait3A_378 : memref<64x64xf32, #tpu.memory_space<vmem_shared>>)
        tpu.yield
      }) : () -> ()
      "tpu.region"() ({
        %run_scoped3A_358 = tpu.sem_alloc : memref<!tpu.dma_semaphore, #tpu.memory_space<semaphore_mem>>
        %dma_start3A_359 = arith.constant 0 : i32
        %dma_start3A_360 = arith.constant 0 : i32
        %dma_start3A_361 = tpu.memref_slice %arg11[%dma_start3A_359, %dma_start3A_360] : memref<64x8xf32, #tpu.memory_space<vmem>> -> memref<64x8xf32, #tpu.memory_space<vmem>>
        %dma_start3A_362 = arith.constant 0 : i32
        %dma_start3A_363 = tpu.memref_slice %arg13[%mul3A_356, %dma_start3A_362] : memref<10000x8xf32, #tpu.memory_space<vmem_shared>> -> memref<64x8xf32, #tpu.memory_space<vmem_shared>>
        %dma_start3A_364 = arith.constant 0 : i32
        %dma_start3A_365 = tpu.memref_slice %arg13[%mul3A_356, %dma_start3A_364] : memref<10000x8xf32, #tpu.memory_space<vmem_shared>> -> memref<64x8xf32, #tpu.memory_space<vmem_shared>>
        %dma_start3A_366 = arith.constant 0 : i32
        %dma_start3A_367 = arith.constant 0 : i32
        %dma_start3A_368 = tpu.memref_slice %arg11[%dma_start3A_366, %dma_start3A_367] : memref<64x8xf32, #tpu.memory_space<vmem>> -> memref<64x8xf32, #tpu.memory_space<vmem>>
        tpu.enqueue_dma source(%dma_start3A_368 : memref<64x8xf32, #tpu.memory_space<vmem>>) target(%dma_start3A_365 : memref<64x8xf32, #tpu.memory_space<vmem_shared>>) target_semaphore(%run_scoped3A_358 : memref<!tpu.dma_semaphore, #tpu.memory_space<semaphore_mem>>)
        %dma_wait3A_369 = arith.constant 0 : i32
        %dma_wait3A_370 = arith.constant 0 : i32
        %dma_wait3A_371 = tpu.memref_slice %arg11[%dma_wait3A_369, %dma_wait3A_370] : memref<64x8xf32, #tpu.memory_space<vmem>> -> memref<64x8xf32, #tpu.memory_space<vmem>>
        %dma_wait3A_372 = arith.constant 0 : i32
        %dma_wait3A_373 = tpu.memref_slice %arg13[%mul3A_356, %dma_wait3A_372] : memref<10000x8xf32, #tpu.memory_space<vmem_shared>> -> memref<64x8xf32, #tpu.memory_space<vmem_shared>>
        %dma_wait3A_374 = arith.constant 0 : i32
        %dma_wait3A_375 = tpu.memref_slice %arg13[%mul3A_356, %dma_wait3A_374] : memref<10000x8xf32, #tpu.memory_space<vmem_shared>> -> memref<64x8xf32, #tpu.memory_space<vmem_shared>>
        %dma_wait3A_376 = arith.constant 0 : i32
        %dma_wait3A_377 = arith.constant 0 : i32
        %dma_wait3A_378 = tpu.memref_slice %arg11[%dma_wait3A_376, %dma_wait3A_377] : memref<64x8xf32, #tpu.memory_space<vmem>> -> memref<64x8xf32, #tpu.memory_space<vmem>>
        tpu.wait_dma2 semaphore(%run_scoped3A_358 : memref<!tpu.dma_semaphore, #tpu.memory_space<semaphore_mem>>) src(%dma_wait3A_378 : memref<64x8xf32, #tpu.memory_space<vmem>>) dst(%dma_wait3A_375 : memref<64x8xf32, #tpu.memory_space<vmem_shared>>)
        tpu.yield
      }) : () -> ()
    } else {
    }
    %add3A_53 = arith.constant 128 : i32
    %add3A_54 = arith.addi %arg1, %add3A_53 : i32
    %lt3A_55 = arith.constant 156 : i32
    %lt3A_56 = arith.cmpi slt, %add3A_54, %lt3A_55 : i32
    %convert_element_type3A_57 = arith.extui %lt3A_56 : i1 to i32
    %cond3A_58 = arith.constant 0 : i32
    %cond3A_59 = arith.cmpi ne, %convert_element_type3A_57, %cond3A_58 : i32
    scf.if %cond3A_59 {
      %mul3A_355 = arith.constant 64 : i32
      %mul3A_356 = arith.muli %add3A_54, %mul3A_355 : i32
      %run_scoped3A_357 = arith.constant 0 : i32
      "tpu.region"() ({
        %run_scoped3A_358 = tpu.sem_alloc : memref<!tpu.dma_semaphore, #tpu.memory_space<semaphore_mem>>
        %dma_start3A_359 = arith.constant 0 : i32
        %dma_start3A_360 = arith.constant 0 : i32
        %dma_start3A_361 = tpu.memref_slice %arg10[%run_scoped3A_357, %dma_start3A_359, %dma_start3A_360] : memref<8x64x64xf32, #tpu.memory_space<vmem>> -> memref<1x64x64xf32, #tpu.memory_space<vmem>>
        %dma_start3A_362 = tpu.memref_squeeze %dma_start3A_361 : memref<1x64x64xf32, #tpu.memory_space<vmem>> -> memref<64x64xf32, #tpu.memory_space<vmem>>
        %dma_start3A_363 = arith.constant 0 : i32
        %dma_start3A_364 = tpu.memref_slice %arg12[%mul3A_356, %dma_start3A_363] : memref<10000x64xf32, #tpu.memory_space<vmem_shared>> -> memref<64x64xf32, #tpu.memory_space<vmem_shared>>
        %dma_start3A_365 = arith.constant 0 : i32
        %dma_start3A_366 = tpu.memref_slice %arg12[%mul3A_356, %dma_start3A_365] : memref<10000x64xf32, #tpu.memory_space<vmem_shared>> -> memref<64x64xf32, #tpu.memory_space<vmem_shared>>
        %dma_start3A_367 = arith.constant 0 : i32
        %dma_start3A_368 = arith.constant 0 : i32
        %dma_start3A_369 = tpu.memref_slice %arg10[%run_scoped3A_357, %dma_start3A_367, %dma_start3A_368] : memref<8x64x64xf32, #tpu.memory_space<vmem>> -> memref<1x64x64xf32, #tpu.memory_space<vmem>>
        %dma_start3A_370 = tpu.memref_squeeze %dma_start3A_369 : memref<1x64x64xf32, #tpu.memory_space<vmem>> -> memref<64x64xf32, #tpu.memory_space<vmem>>
        tpu.enqueue_dma source(%dma_start3A_370 : memref<64x64xf32, #tpu.memory_space<vmem>>) target(%dma_start3A_366 : memref<64x64xf32, #tpu.memory_space<vmem_shared>>) target_semaphore(%run_scoped3A_358 : memref<!tpu.dma_semaphore, #tpu.memory_space<semaphore_mem>>)
        %dma_wait3A_371 = arith.constant 0 : i32
        %dma_wait3A_372 = arith.constant 0 : i32
        %dma_wait3A_373 = tpu.memref_slice %arg10[%run_scoped3A_357, %dma_wait3A_371, %dma_wait3A_372] : memref<8x64x64xf32, #tpu.memory_space<vmem>> -> memref<1x64x64xf32, #tpu.memory_space<vmem>>
        %dma_wait3A_374 = tpu.memref_squeeze %dma_wait3A_373 : memref<1x64x64xf32, #tpu.memory_space<vmem>> -> memref<64x64xf32, #tpu.memory_space<vmem>>
        %dma_wait3A_375 = arith.constant 0 : i32
        %dma_wait3A_376 = tpu.memref_slice %arg12[%mul3A_356, %dma_wait3A_375] : memref<10000x64xf32, #tpu.memory_space<vmem_shared>> -> memref<64x64xf32, #tpu.memory_space<vmem_shared>>
        %dma_wait3A_377 = arith.constant 0 : i32
        %dma_wait3A_378 = tpu.memref_slice %arg12[%mul3A_356, %dma_wait3A_377] : memref<10000x64xf32, #tpu.memory_space<vmem_shared>> -> memref<64x64xf32, #tpu.memory_space<vmem_shared>>
        %dma_wait3A_379 = arith.constant 0 : i32
        %dma_wait3A_380 = arith.constant 0 : i32
        %dma_wait3A_381 = tpu.memref_slice %arg10[%run_scoped3A_357, %dma_wait3A_379, %dma_wait3A_380] : memref<8x64x64xf32, #tpu.memory_space<vmem>> -> memref<1x64x64xf32, #tpu.memory_space<vmem>>
        %dma_wait3A_382 = tpu.memref_squeeze %dma_wait3A_381 : memref<1x64x64xf32, #tpu.memory_space<vmem>> -> memref<64x64xf32, #tpu.memory_space<vmem>>
        tpu.wait_dma2 semaphore(%run_scoped3A_358 : memref<!tpu.dma_semaphore, #tpu.memory_space<semaphore_mem>>) src(%dma_wait3A_382 : memref<64x64xf32, #tpu.memory_space<vmem>>) dst(%dma_wait3A_378 : memref<64x64xf32, #tpu.memory_space<vmem_shared>>)
        tpu.yield
      }) : () -> ()
      "tpu.region"() ({
        %run_scoped3A_358 = tpu.sem_alloc : memref<!tpu.dma_semaphore, #tpu.memory_space<semaphore_mem>>
        %dma_start3A_359 = arith.constant 0 : i32
        %dma_start3A_360 = arith.constant 0 : i32
        %dma_start3A_361 = tpu.memref_slice %arg11[%dma_start3A_359, %dma_start3A_360] : memref<64x8xf32, #tpu.memory_space<vmem>> -> memref<64x8xf32, #tpu.memory_space<vmem>>
        %dma_start3A_362 = arith.constant 0 : i32
        %dma_start3A_363 = tpu.memref_slice %arg13[%mul3A_356, %dma_start3A_362] : memref<10000x8xf32, #tpu.memory_space<vmem_shared>> -> memref<64x8xf32, #tpu.memory_space<vmem_shared>>
        %dma_start3A_364 = arith.constant 0 : i32
        %dma_start3A_365 = tpu.memref_slice %arg13[%mul3A_356, %dma_start3A_364] : memref<10000x8xf32, #tpu.memory_space<vmem_shared>> -> memref<64x8xf32, #tpu.memory_space<vmem_shared>>
        %dma_start3A_366 = arith.constant 0 : i32
        %dma_start3A_367 = arith.constant 0 : i32
        %dma_start3A_368 = tpu.memref_slice %arg11[%dma_start3A_366, %dma_start3A_367] : memref<64x8xf32, #tpu.memory_space<vmem>> -> memref<64x8xf32, #tpu.memory_space<vmem>>
        tpu.enqueue_dma source(%dma_start3A_368 : memref<64x8xf32, #tpu.memory_space<vmem>>) target(%dma_start3A_365 : memref<64x8xf32, #tpu.memory_space<vmem_shared>>) target_semaphore(%run_scoped3A_358 : memref<!tpu.dma_semaphore, #tpu.memory_space<semaphore_mem>>)
        %dma_wait3A_369 = arith.constant 0 : i32
        %dma_wait3A_370 = arith.constant 0 : i32
        %dma_wait3A_371 = tpu.memref_slice %arg11[%dma_wait3A_369, %dma_wait3A_370] : memref<64x8xf32, #tpu.memory_space<vmem>> -> memref<64x8xf32, #tpu.memory_space<vmem>>
        %dma_wait3A_372 = arith.constant 0 : i32
        %dma_wait3A_373 = tpu.memref_slice %arg13[%mul3A_356, %dma_wait3A_372] : memref<10000x8xf32, #tpu.memory_space<vmem_shared>> -> memref<64x8xf32, #tpu.memory_space<vmem_shared>>
        %dma_wait3A_374 = arith.constant 0 : i32
        %dma_wait3A_375 = tpu.memref_slice %arg13[%mul3A_356, %dma_wait3A_374] : memref<10000x8xf32, #tpu.memory_space<vmem_shared>> -> memref<64x8xf32, #tpu.memory_space<vmem_shared>>
        %dma_wait3A_376 = arith.constant 0 : i32
        %dma_wait3A_377 = arith.constant 0 : i32
        %dma_wait3A_378 = tpu.memref_slice %arg11[%dma_wait3A_376, %dma_wait3A_377] : memref<64x8xf32, #tpu.memory_space<vmem>> -> memref<64x8xf32, #tpu.memory_space<vmem>>
        tpu.wait_dma2 semaphore(%run_scoped3A_358 : memref<!tpu.dma_semaphore, #tpu.memory_space<semaphore_mem>>) src(%dma_wait3A_378 : memref<64x8xf32, #tpu.memory_space<vmem>>) dst(%dma_wait3A_375 : memref<64x8xf32, #tpu.memory_space<vmem_shared>>)
        tpu.yield
      }) : () -> ()
    } else {
    }
    %add3A_60 = arith.constant 144 : i32
    %add3A_61 = arith.addi %arg1, %add3A_60 : i32
    %lt3A_62 = arith.constant 156 : i32
    %lt3A_63 = arith.cmpi slt, %add3A_61, %lt3A_62 : i32
    %convert_element_type3A_64 = arith.extui %lt3A_63 : i1 to i32
    %cond3A_65 = arith.constant 0 : i32
    %cond3A_66 = arith.cmpi ne, %convert_element_type3A_64, %cond3A_65 : i32
    scf.if %cond3A_66 {
      %mul3A_355 = arith.constant 64 : i32
      %mul3A_356 = arith.muli %add3A_61, %mul3A_355 : i32
      %run_scoped3A_357 = arith.constant 0 : i32
      "tpu.region"() ({
        %run_scoped3A_358 = tpu.sem_alloc : memref<!tpu.dma_semaphore, #tpu.memory_space<semaphore_mem>>
        %dma_start3A_359 = arith.constant 0 : i32
        %dma_start3A_360 = arith.constant 0 : i32
        %dma_start3A_361 = tpu.memref_slice %arg10[%run_scoped3A_357, %dma_start3A_359, %dma_start3A_360] : memref<8x64x64xf32, #tpu.memory_space<vmem>> -> memref<1x64x64xf32, #tpu.memory_space<vmem>>
        %dma_start3A_362 = tpu.memref_squeeze %dma_start3A_361 : memref<1x64x64xf32, #tpu.memory_space<vmem>> -> memref<64x64xf32, #tpu.memory_space<vmem>>
        %dma_start3A_363 = arith.constant 0 : i32
        %dma_start3A_364 = tpu.memref_slice %arg12[%mul3A_356, %dma_start3A_363] : memref<10000x64xf32, #tpu.memory_space<vmem_shared>> -> memref<64x64xf32, #tpu.memory_space<vmem_shared>>
        %dma_start3A_365 = arith.constant 0 : i32
        %dma_start3A_366 = tpu.memref_slice %arg12[%mul3A_356, %dma_start3A_365] : memref<10000x64xf32, #tpu.memory_space<vmem_shared>> -> memref<64x64xf32, #tpu.memory_space<vmem_shared>>
        %dma_start3A_367 = arith.constant 0 : i32
        %dma_start3A_368 = arith.constant 0 : i32
        %dma_start3A_369 = tpu.memref_slice %arg10[%run_scoped3A_357, %dma_start3A_367, %dma_start3A_368] : memref<8x64x64xf32, #tpu.memory_space<vmem>> -> memref<1x64x64xf32, #tpu.memory_space<vmem>>
        %dma_start3A_370 = tpu.memref_squeeze %dma_start3A_369 : memref<1x64x64xf32, #tpu.memory_space<vmem>> -> memref<64x64xf32, #tpu.memory_space<vmem>>
        tpu.enqueue_dma source(%dma_start3A_370 : memref<64x64xf32, #tpu.memory_space<vmem>>) target(%dma_start3A_366 : memref<64x64xf32, #tpu.memory_space<vmem_shared>>) target_semaphore(%run_scoped3A_358 : memref<!tpu.dma_semaphore, #tpu.memory_space<semaphore_mem>>)
        %dma_wait3A_371 = arith.constant 0 : i32
        %dma_wait3A_372 = arith.constant 0 : i32
        %dma_wait3A_373 = tpu.memref_slice %arg10[%run_scoped3A_357, %dma_wait3A_371, %dma_wait3A_372] : memref<8x64x64xf32, #tpu.memory_space<vmem>> -> memref<1x64x64xf32, #tpu.memory_space<vmem>>
        %dma_wait3A_374 = tpu.memref_squeeze %dma_wait3A_373 : memref<1x64x64xf32, #tpu.memory_space<vmem>> -> memref<64x64xf32, #tpu.memory_space<vmem>>
        %dma_wait3A_375 = arith.constant 0 : i32
        %dma_wait3A_376 = tpu.memref_slice %arg12[%mul3A_356, %dma_wait3A_375] : memref<10000x64xf32, #tpu.memory_space<vmem_shared>> -> memref<64x64xf32, #tpu.memory_space<vmem_shared>>
        %dma_wait3A_377 = arith.constant 0 : i32
        %dma_wait3A_378 = tpu.memref_slice %arg12[%mul3A_356, %dma_wait3A_377] : memref<10000x64xf32, #tpu.memory_space<vmem_shared>> -> memref<64x64xf32, #tpu.memory_space<vmem_shared>>
        %dma_wait3A_379 = arith.constant 0 : i32
        %dma_wait3A_380 = arith.constant 0 : i32
        %dma_wait3A_381 = tpu.memref_slice %arg10[%run_scoped3A_357, %dma_wait3A_379, %dma_wait3A_380] : memref<8x64x64xf32, #tpu.memory_space<vmem>> -> memref<1x64x64xf32, #tpu.memory_space<vmem>>
        %dma_wait3A_382 = tpu.memref_squeeze %dma_wait3A_381 : memref<1x64x64xf32, #tpu.memory_space<vmem>> -> memref<64x64xf32, #tpu.memory_space<vmem>>
        tpu.wait_dma2 semaphore(%run_scoped3A_358 : memref<!tpu.dma_semaphore, #tpu.memory_space<semaphore_mem>>) src(%dma_wait3A_382 : memref<64x64xf32, #tpu.memory_space<vmem>>) dst(%dma_wait3A_378 : memref<64x64xf32, #tpu.memory_space<vmem_shared>>)
        tpu.yield
      }) : () -> ()
      "tpu.region"() ({
        %run_scoped3A_358 = tpu.sem_alloc : memref<!tpu.dma_semaphore, #tpu.memory_space<semaphore_mem>>
        %dma_start3A_359 = arith.constant 0 : i32
        %dma_start3A_360 = arith.constant 0 : i32
        %dma_start3A_361 = tpu.memref_slice %arg11[%dma_start3A_359, %dma_start3A_360] : memref<64x8xf32, #tpu.memory_space<vmem>> -> memref<64x8xf32, #tpu.memory_space<vmem>>
        %dma_start3A_362 = arith.constant 0 : i32
        %dma_start3A_363 = tpu.memref_slice %arg13[%mul3A_356, %dma_start3A_362] : memref<10000x8xf32, #tpu.memory_space<vmem_shared>> -> memref<64x8xf32, #tpu.memory_space<vmem_shared>>
        %dma_start3A_364 = arith.constant 0 : i32
        %dma_start3A_365 = tpu.memref_slice %arg13[%mul3A_356, %dma_start3A_364] : memref<10000x8xf32, #tpu.memory_space<vmem_shared>> -> memref<64x8xf32, #tpu.memory_space<vmem_shared>>
        %dma_start3A_366 = arith.constant 0 : i32
        %dma_start3A_367 = arith.constant 0 : i32
        %dma_start3A_368 = tpu.memref_slice %arg11[%dma_start3A_366, %dma_start3A_367] : memref<64x8xf32, #tpu.memory_space<vmem>> -> memref<64x8xf32, #tpu.memory_space<vmem>>
        tpu.enqueue_dma source(%dma_start3A_368 : memref<64x8xf32, #tpu.memory_space<vmem>>) target(%dma_start3A_365 : memref<64x8xf32, #tpu.memory_space<vmem_shared>>) target_semaphore(%run_scoped3A_358 : memref<!tpu.dma_semaphore, #tpu.memory_space<semaphore_mem>>)
        %dma_wait3A_369 = arith.constant 0 : i32
        %dma_wait3A_370 = arith.constant 0 : i32
        %dma_wait3A_371 = tpu.memref_slice %arg11[%dma_wait3A_369, %dma_wait3A_370] : memref<64x8xf32, #tpu.memory_space<vmem>> -> memref<64x8xf32, #tpu.memory_space<vmem>>
        %dma_wait3A_372 = arith.constant 0 : i32
        %dma_wait3A_373 = tpu.memref_slice %arg13[%mul3A_356, %dma_wait3A_372] : memref<10000x8xf32, #tpu.memory_space<vmem_shared>> -> memref<64x8xf32, #tpu.memory_space<vmem_shared>>
        %dma_wait3A_374 = arith.constant 0 : i32
        %dma_wait3A_375 = tpu.memref_slice %arg13[%mul3A_356, %dma_wait3A_374] : memref<10000x8xf32, #tpu.memory_space<vmem_shared>> -> memref<64x8xf32, #tpu.memory_space<vmem_shared>>
        %dma_wait3A_376 = arith.constant 0 : i32
        %dma_wait3A_377 = arith.constant 0 : i32
        %dma_wait3A_378 = tpu.memref_slice %arg11[%dma_wait3A_376, %dma_wait3A_377] : memref<64x8xf32, #tpu.memory_space<vmem>> -> memref<64x8xf32, #tpu.memory_space<vmem>>
        tpu.wait_dma2 semaphore(%run_scoped3A_358 : memref<!tpu.dma_semaphore, #tpu.memory_space<semaphore_mem>>) src(%dma_wait3A_378 : memref<64x8xf32, #tpu.memory_space<vmem>>) dst(%dma_wait3A_375 : memref<64x8xf32, #tpu.memory_space<vmem_shared>>)
        tpu.yield
      }) : () -> ()
    } else {
    }
    %eq3A = arith.constant 15 : i32
    %eq3A_67 = arith.cmpi eq, %arg1, %eq3A : i32
    %convert_element_type3A_68 = arith.extui %eq3A_67 : i1 to i32
    %cond3A_69 = arith.constant 0 : i32
    %cond3A_70 = arith.cmpi ne, %convert_element_type3A_68, %cond3A_69 : i32
    scf.if %cond3A_70 {
      %run_scoped3A_355 = arith.constant 0 : i32
      "tpu.region"() ({
        %run_scoped3A_356 = tpu.sem_alloc : memref<!tpu.dma_semaphore, #tpu.memory_space<semaphore_mem>>
        %dma_start3A_357 = arith.constant 0 : i32
        %dma_start3A_358 = arith.constant 0 : i32
        %dma_start3A_359 = tpu.memref_slice %arg10[%run_scoped3A_355, %dma_start3A_357, %dma_start3A_358] : memref<8x64x64xf32, #tpu.memory_space<vmem>> -> memref<1x16x64xf32, #tpu.memory_space<vmem>>
        %dma_start3A_360 = tpu.memref_squeeze %dma_start3A_359 : memref<1x16x64xf32, #tpu.memory_space<vmem>> -> memref<16x64xf32, #tpu.memory_space<vmem>>
        %dma_start3A_361 = arith.constant 9984 : i32
        %dma_start3A_362 = arith.constant 0 : i32
        %dma_start3A_363 = tpu.memref_slice %arg12[%dma_start3A_361, %dma_start3A_362] : memref<10000x64xf32, #tpu.memory_space<vmem_shared>> -> memref<16x64xf32, #tpu.memory_space<vmem_shared>>
        %dma_start3A_364 = arith.constant 9984 : i32
        %dma_start3A_365 = arith.constant 0 : i32
        %dma_start3A_366 = tpu.memref_slice %arg12[%dma_start3A_364, %dma_start3A_365] : memref<10000x64xf32, #tpu.memory_space<vmem_shared>> -> memref<16x64xf32, #tpu.memory_space<vmem_shared>>
        %dma_start3A_367 = arith.constant 0 : i32
        %dma_start3A_368 = arith.constant 0 : i32
        %dma_start3A_369 = tpu.memref_slice %arg10[%run_scoped3A_355, %dma_start3A_367, %dma_start3A_368] : memref<8x64x64xf32, #tpu.memory_space<vmem>> -> memref<1x16x64xf32, #tpu.memory_space<vmem>>
        %dma_start3A_370 = tpu.memref_squeeze %dma_start3A_369 : memref<1x16x64xf32, #tpu.memory_space<vmem>> -> memref<16x64xf32, #tpu.memory_space<vmem>>
        tpu.enqueue_dma source(%dma_start3A_370 : memref<16x64xf32, #tpu.memory_space<vmem>>) target(%dma_start3A_366 : memref<16x64xf32, #tpu.memory_space<vmem_shared>>) target_semaphore(%run_scoped3A_356 : memref<!tpu.dma_semaphore, #tpu.memory_space<semaphore_mem>>)
        %dma_wait3A_371 = arith.constant 0 : i32
        %dma_wait3A_372 = arith.constant 0 : i32
        %dma_wait3A_373 = tpu.memref_slice %arg10[%run_scoped3A_355, %dma_wait3A_371, %dma_wait3A_372] : memref<8x64x64xf32, #tpu.memory_space<vmem>> -> memref<1x16x64xf32, #tpu.memory_space<vmem>>
        %dma_wait3A_374 = tpu.memref_squeeze %dma_wait3A_373 : memref<1x16x64xf32, #tpu.memory_space<vmem>> -> memref<16x64xf32, #tpu.memory_space<vmem>>
        %dma_wait3A_375 = arith.constant 9984 : i32
        %dma_wait3A_376 = arith.constant 0 : i32
        %dma_wait3A_377 = tpu.memref_slice %arg12[%dma_wait3A_375, %dma_wait3A_376] : memref<10000x64xf32, #tpu.memory_space<vmem_shared>> -> memref<16x64xf32, #tpu.memory_space<vmem_shared>>
        %dma_wait3A_378 = arith.constant 9984 : i32
        %dma_wait3A_379 = arith.constant 0 : i32
        %dma_wait3A_380 = tpu.memref_slice %arg12[%dma_wait3A_378, %dma_wait3A_379] : memref<10000x64xf32, #tpu.memory_space<vmem_shared>> -> memref<16x64xf32, #tpu.memory_space<vmem_shared>>
        %dma_wait3A_381 = arith.constant 0 : i32
        %dma_wait3A_382 = arith.constant 0 : i32
        %dma_wait3A_383 = tpu.memref_slice %arg10[%run_scoped3A_355, %dma_wait3A_381, %dma_wait3A_382] : memref<8x64x64xf32, #tpu.memory_space<vmem>> -> memref<1x16x64xf32, #tpu.memory_space<vmem>>
        %dma_wait3A_384 = tpu.memref_squeeze %dma_wait3A_383 : memref<1x16x64xf32, #tpu.memory_space<vmem>> -> memref<16x64xf32, #tpu.memory_space<vmem>>
        tpu.wait_dma2 semaphore(%run_scoped3A_356 : memref<!tpu.dma_semaphore, #tpu.memory_space<semaphore_mem>>) src(%dma_wait3A_384 : memref<16x64xf32, #tpu.memory_space<vmem>>) dst(%dma_wait3A_380 : memref<16x64xf32, #tpu.memory_space<vmem_shared>>)
        tpu.yield
      }) : () -> ()
      "tpu.region"() ({
        %run_scoped3A_356 = tpu.sem_alloc : memref<!tpu.dma_semaphore, #tpu.memory_space<semaphore_mem>>
        %dma_start3A_357 = arith.constant 0 : i32
        %dma_start3A_358 = arith.constant 0 : i32
        %dma_start3A_359 = tpu.memref_slice %arg11[%dma_start3A_357, %dma_start3A_358] : memref<64x8xf32, #tpu.memory_space<vmem>> -> memref<16x8xf32, #tpu.memory_space<vmem>>
        %dma_start3A_360 = arith.constant 9984 : i32
        %dma_start3A_361 = arith.constant 0 : i32
        %dma_start3A_362 = tpu.memref_slice %arg13[%dma_start3A_360, %dma_start3A_361] : memref<10000x8xf32, #tpu.memory_space<vmem_shared>> -> memref<16x8xf32, #tpu.memory_space<vmem_shared>>
        %dma_start3A_363 = arith.constant 9984 : i32
        %dma_start3A_364 = arith.constant 0 : i32
        %dma_start3A_365 = tpu.memref_slice %arg13[%dma_start3A_363, %dma_start3A_364] : memref<10000x8xf32, #tpu.memory_space<vmem_shared>> -> memref<16x8xf32, #tpu.memory_space<vmem_shared>>
        %dma_start3A_366 = arith.constant 0 : i32
        %dma_start3A_367 = arith.constant 0 : i32
        %dma_start3A_368 = tpu.memref_slice %arg11[%dma_start3A_366, %dma_start3A_367] : memref<64x8xf32, #tpu.memory_space<vmem>> -> memref<16x8xf32, #tpu.memory_space<vmem>>
        tpu.enqueue_dma source(%dma_start3A_368 : memref<16x8xf32, #tpu.memory_space<vmem>>) target(%dma_start3A_365 : memref<16x8xf32, #tpu.memory_space<vmem_shared>>) target_semaphore(%run_scoped3A_356 : memref<!tpu.dma_semaphore, #tpu.memory_space<semaphore_mem>>)
        %dma_wait3A_369 = arith.constant 0 : i32
        %dma_wait3A_370 = arith.constant 0 : i32
        %dma_wait3A_371 = tpu.memref_slice %arg11[%dma_wait3A_369, %dma_wait3A_370] : memref<64x8xf32, #tpu.memory_space<vmem>> -> memref<16x8xf32, #tpu.memory_space<vmem>>
        %dma_wait3A_372 = arith.constant 9984 : i32
        %dma_wait3A_373 = arith.constant 0 : i32
        %dma_wait3A_374 = tpu.memref_slice %arg13[%dma_wait3A_372, %dma_wait3A_373] : memref<10000x8xf32, #tpu.memory_space<vmem_shared>> -> memref<16x8xf32, #tpu.memory_space<vmem_shared>>
        %dma_wait3A_375 = arith.constant 9984 : i32
        %dma_wait3A_376 = arith.constant 0 : i32
        %dma_wait3A_377 = tpu.memref_slice %arg13[%dma_wait3A_375, %dma_wait3A_376] : memref<10000x8xf32, #tpu.memory_space<vmem_shared>> -> memref<16x8xf32, #tpu.memory_space<vmem_shared>>
        %dma_wait3A_378 = arith.constant 0 : i32
        %dma_wait3A_379 = arith.constant 0 : i32
        %dma_wait3A_380 = tpu.memref_slice %arg11[%dma_wait3A_378, %dma_wait3A_379] : memref<64x8xf32, #tpu.memory_space<vmem>> -> memref<16x8xf32, #tpu.memory_space<vmem>>
        tpu.wait_dma2 semaphore(%run_scoped3A_356 : memref<!tpu.dma_semaphore, #tpu.memory_space<semaphore_mem>>) src(%dma_wait3A_380 : memref<16x8xf32, #tpu.memory_space<vmem>>) dst(%dma_wait3A_377 : memref<16x8xf32, #tpu.memory_space<vmem_shared>>)
        tpu.yield
      }) : () -> ()
    } else {
    }
    "tpu.region"() ({
      %run_scoped3A_355 = tpu.sem_alloc : memref<!tpu.dma_semaphore, #tpu.memory_space<semaphore_mem>>
      tpu.enqueue_dma source(%arg6 : memref<64x8xf32, #tpu.memory_space<hbm>>) target(%arg11 : memref<64x8xf32, #tpu.memory_space<vmem>>) target_semaphore(%run_scoped3A_355 : memref<!tpu.dma_semaphore, #tpu.memory_space<semaphore_mem>>)
      tpu.wait_dma2 semaphore(%run_scoped3A_355 : memref<!tpu.dma_semaphore, #tpu.memory_space<semaphore_mem>>) src(%arg6 : memref<64x8xf32, #tpu.memory_space<hbm>>) dst(%arg11 : memref<64x8xf32, #tpu.memory_space<vmem>>)
      tpu.yield
    }) : () -> ()
    %barrier3A = arith.constant 0 : index
    tpu.barrier barrier_id(%barrier3A)
    %add3A_71 = arith.constant 2048 : i32
    %add3A_72 = arith.addi %add3A_71, %arg1 : i32
    %add3A_73 = arith.constant 0 : i32
    %add3A_74 = arith.addi %add3A_72, %add3A_73 : i32
    %mul3A_75 = arith.constant 64 : i32
    %mul3A_76 = arith.muli %add3A_74, %mul3A_75 : i32
    %dma_start3A = arith.constant 0 : i32
    %dma_start3A_77 = arith.constant 0 : i32
    %dma_start3A_78 = tpu.memref_slice %arg9[%dma_start3A, %dma_start3A_77] : memref<8x64xi32, #tpu.memory_space<vmem>> -> memref<1x64xi32, #tpu.memory_space<vmem>>
    %dma_start3A_79 = tpu.memref_squeeze %dma_start3A_78 : memref<1x64xi32, #tpu.memory_space<vmem>> -> memref<64xi32, #tpu.memory_space<vmem>>
    %dma_start3A_80 = tpu.memref_slice %arg3[%mul3A_76] : memref<320000xi32, #tpu.memory_space<hbm>> -> memref<64xi32, #tpu.memory_space<hbm>>
    %dma_start3A_81 = arith.constant 0 : i32
    %dma_start3A_82 = tpu.memref_slice %arg9[%dma_start3A, %dma_start3A_81] : memref<8x64xi32, #tpu.memory_space<vmem>> -> memref<1x64xi32, #tpu.memory_space<vmem>>
    %dma_start3A_83 = tpu.memref_squeeze %dma_start3A_82 : memref<1x64xi32, #tpu.memory_space<vmem>> -> memref<64xi32, #tpu.memory_space<vmem>>
    %dma_start3A_84 = tpu.memref_slice %arg3[%mul3A_76] : memref<320000xi32, #tpu.memory_space<hbm>> -> memref<64xi32, #tpu.memory_space<hbm>>
    tpu.enqueue_dma source(%dma_start3A_84 : memref<64xi32, #tpu.memory_space<hbm>>) target(%dma_start3A_83 : memref<64xi32, #tpu.memory_space<vmem>>) target_semaphore(%arg14 : memref<!tpu.dma_semaphore, #tpu.memory_space<semaphore_mem>>)
    %dma_start3A_85 = arith.constant 0 : i32
    %dma_start3A_86 = arith.constant 0 : i32
    %dma_start3A_87 = arith.constant 0 : i32
    %dma_start3A_88 = tpu.memref_slice %arg10[%dma_start3A_85, %dma_start3A_86, %dma_start3A_87] : memref<8x64x64xf32, #tpu.memory_space<vmem>> -> memref<1x64x64xf32, #tpu.memory_space<vmem>>
    %dma_start3A_89 = tpu.memref_squeeze %dma_start3A_88 : memref<1x64x64xf32, #tpu.memory_space<vmem>> -> memref<64x64xf32, #tpu.memory_space<vmem>>
    %dma_start3A_90 = tpu.memref_slice %arg2[%mul3A_76, %mul3A_0] : memref<320000x128xf32, #tpu.memory_space<hbm>> -> memref<64x64xf32, #tpu.memory_space<hbm>>
    %dma_start3A_91 = arith.constant 0 : i32
    %dma_start3A_92 = arith.constant 0 : i32
    %dma_start3A_93 = tpu.memref_slice %arg10[%dma_start3A_85, %dma_start3A_91, %dma_start3A_92] : memref<8x64x64xf32, #tpu.memory_space<vmem>> -> memref<1x64x64xf32, #tpu.memory_space<vmem>>
    %dma_start3A_94 = tpu.memref_squeeze %dma_start3A_93 : memref<1x64x64xf32, #tpu.memory_space<vmem>> -> memref<64x64xf32, #tpu.memory_space<vmem>>
    %dma_start3A_95 = tpu.memref_slice %arg2[%mul3A_76, %mul3A_0] : memref<320000x128xf32, #tpu.memory_space<hbm>> -> memref<64x64xf32, #tpu.memory_space<hbm>>
    tpu.enqueue_dma source(%dma_start3A_95 : memref<64x64xf32, #tpu.memory_space<hbm>>) target(%dma_start3A_94 : memref<64x64xf32, #tpu.memory_space<vmem>>) target_semaphore(%arg14 : memref<!tpu.dma_semaphore, #tpu.memory_space<semaphore_mem>>)
    %add3A_96 = arith.constant 2048 : i32
    %add3A_97 = arith.addi %add3A_96, %arg1 : i32
    %add3A_98 = arith.constant 16 : i32
    %add3A_99 = arith.addi %add3A_97, %add3A_98 : i32
    %mul3A_100 = arith.constant 64 : i32
    %mul3A_101 = arith.muli %add3A_99, %mul3A_100 : i32
    %dma_start3A_102 = arith.constant 1 : i32
    %dma_start3A_103 = arith.constant 0 : i32
    %dma_start3A_104 = tpu.memref_slice %arg9[%dma_start3A_102, %dma_start3A_103] : memref<8x64xi32, #tpu.memory_space<vmem>> -> memref<1x64xi32, #tpu.memory_space<vmem>>
    %dma_start3A_105 = tpu.memref_squeeze %dma_start3A_104 : memref<1x64xi32, #tpu.memory_space<vmem>> -> memref<64xi32, #tpu.memory_space<vmem>>
    %dma_start3A_106 = tpu.memref_slice %arg3[%mul3A_101] : memref<320000xi32, #tpu.memory_space<hbm>> -> memref<64xi32, #tpu.memory_space<hbm>>
    %dma_start3A_107 = arith.constant 0 : i32
    %dma_start3A_108 = tpu.memref_slice %arg9[%dma_start3A_102, %dma_start3A_107] : memref<8x64xi32, #tpu.memory_space<vmem>> -> memref<1x64xi32, #tpu.memory_space<vmem>>
    %dma_start3A_109 = tpu.memref_squeeze %dma_start3A_108 : memref<1x64xi32, #tpu.memory_space<vmem>> -> memref<64xi32, #tpu.memory_space<vmem>>
    %dma_start3A_110 = tpu.memref_slice %arg3[%mul3A_101] : memref<320000xi32, #tpu.memory_space<hbm>> -> memref<64xi32, #tpu.memory_space<hbm>>
    tpu.enqueue_dma source(%dma_start3A_110 : memref<64xi32, #tpu.memory_space<hbm>>) target(%dma_start3A_109 : memref<64xi32, #tpu.memory_space<vmem>>) target_semaphore(%arg15 : memref<!tpu.dma_semaphore, #tpu.memory_space<semaphore_mem>>)
    %dma_start3A_111 = arith.constant 1 : i32
    %dma_start3A_112 = arith.constant 0 : i32
    %dma_start3A_113 = arith.constant 0 : i32
    %dma_start3A_114 = tpu.memref_slice %arg10[%dma_start3A_111, %dma_start3A_112, %dma_start3A_113] : memref<8x64x64xf32, #tpu.memory_space<vmem>> -> memref<1x64x64xf32, #tpu.memory_space<vmem>>
    %dma_start3A_115 = tpu.memref_squeeze %dma_start3A_114 : memref<1x64x64xf32, #tpu.memory_space<vmem>> -> memref<64x64xf32, #tpu.memory_space<vmem>>
    %dma_start3A_116 = tpu.memref_slice %arg2[%mul3A_101, %mul3A_0] : memref<320000x128xf32, #tpu.memory_space<hbm>> -> memref<64x64xf32, #tpu.memory_space<hbm>>
    %dma_start3A_117 = arith.constant 0 : i32
    %dma_start3A_118 = arith.constant 0 : i32
    %dma_start3A_119 = tpu.memref_slice %arg10[%dma_start3A_111, %dma_start3A_117, %dma_start3A_118] : memref<8x64x64xf32, #tpu.memory_space<vmem>> -> memref<1x64x64xf32, #tpu.memory_space<vmem>>
    %dma_start3A_120 = tpu.memref_squeeze %dma_start3A_119 : memref<1x64x64xf32, #tpu.memory_space<vmem>> -> memref<64x64xf32, #tpu.memory_space<vmem>>
    %dma_start3A_121 = tpu.memref_slice %arg2[%mul3A_101, %mul3A_0] : memref<320000x128xf32, #tpu.memory_space<hbm>> -> memref<64x64xf32, #tpu.memory_space<hbm>>
    tpu.enqueue_dma source(%dma_start3A_121 : memref<64x64xf32, #tpu.memory_space<hbm>>) target(%dma_start3A_120 : memref<64x64xf32, #tpu.memory_space<vmem>>) target_semaphore(%arg15 : memref<!tpu.dma_semaphore, #tpu.memory_space<semaphore_mem>>)
    %add3A_122 = arith.constant 2048 : i32
    %add3A_123 = arith.addi %add3A_122, %arg1 : i32
    %add3A_124 = arith.constant 32 : i32
    %add3A_125 = arith.addi %add3A_123, %add3A_124 : i32
    %mul3A_126 = arith.constant 64 : i32
    %mul3A_127 = arith.muli %add3A_125, %mul3A_126 : i32
    %dma_start3A_128 = arith.constant 2 : i32
    %dma_start3A_129 = arith.constant 0 : i32
    %dma_start3A_130 = tpu.memref_slice %arg9[%dma_start3A_128, %dma_start3A_129] : memref<8x64xi32, #tpu.memory_space<vmem>> -> memref<1x64xi32, #tpu.memory_space<vmem>>
    %dma_start3A_131 = tpu.memref_squeeze %dma_start3A_130 : memref<1x64xi32, #tpu.memory_space<vmem>> -> memref<64xi32, #tpu.memory_space<vmem>>
    %dma_start3A_132 = tpu.memref_slice %arg3[%mul3A_127] : memref<320000xi32, #tpu.memory_space<hbm>> -> memref<64xi32, #tpu.memory_space<hbm>>
    %dma_start3A_133 = arith.constant 0 : i32
    %dma_start3A_134 = tpu.memref_slice %arg9[%dma_start3A_128, %dma_start3A_133] : memref<8x64xi32, #tpu.memory_space<vmem>> -> memref<1x64xi32, #tpu.memory_space<vmem>>
    %dma_start3A_135 = tpu.memref_squeeze %dma_start3A_134 : memref<1x64xi32, #tpu.memory_space<vmem>> -> memref<64xi32, #tpu.memory_space<vmem>>
    %dma_start3A_136 = tpu.memref_slice %arg3[%mul3A_127] : memref<320000xi32, #tpu.memory_space<hbm>> -> memref<64xi32, #tpu.memory_space<hbm>>
    tpu.enqueue_dma source(%dma_start3A_136 : memref<64xi32, #tpu.memory_space<hbm>>) target(%dma_start3A_135 : memref<64xi32, #tpu.memory_space<vmem>>) target_semaphore(%arg16 : memref<!tpu.dma_semaphore, #tpu.memory_space<semaphore_mem>>)
    %dma_start3A_137 = arith.constant 2 : i32
    %dma_start3A_138 = arith.constant 0 : i32
    %dma_start3A_139 = arith.constant 0 : i32
    %dma_start3A_140 = tpu.memref_slice %arg10[%dma_start3A_137, %dma_start3A_138, %dma_start3A_139] : memref<8x64x64xf32, #tpu.memory_space<vmem>> -> memref<1x64x64xf32, #tpu.memory_space<vmem>>
    %dma_start3A_141 = tpu.memref_squeeze %dma_start3A_140 : memref<1x64x64xf32, #tpu.memory_space<vmem>> -> memref<64x64xf32, #tpu.memory_space<vmem>>
    %dma_start3A_142 = tpu.memref_slice %arg2[%mul3A_127, %mul3A_0] : memref<320000x128xf32, #tpu.memory_space<hbm>> -> memref<64x64xf32, #tpu.memory_space<hbm>>
    %dma_start3A_143 = arith.constant 0 : i32
    %dma_start3A_144 = arith.constant 0 : i32
    %dma_start3A_145 = tpu.memref_slice %arg10[%dma_start3A_137, %dma_start3A_143, %dma_start3A_144] : memref<8x64x64xf32, #tpu.memory_space<vmem>> -> memref<1x64x64xf32, #tpu.memory_space<vmem>>
    %dma_start3A_146 = tpu.memref_squeeze %dma_start3A_145 : memref<1x64x64xf32, #tpu.memory_space<vmem>> -> memref<64x64xf32, #tpu.memory_space<vmem>>
    %dma_start3A_147 = tpu.memref_slice %arg2[%mul3A_127, %mul3A_0] : memref<320000x128xf32, #tpu.memory_space<hbm>> -> memref<64x64xf32, #tpu.memory_space<hbm>>
    tpu.enqueue_dma source(%dma_start3A_147 : memref<64x64xf32, #tpu.memory_space<hbm>>) target(%dma_start3A_146 : memref<64x64xf32, #tpu.memory_space<vmem>>) target_semaphore(%arg16 : memref<!tpu.dma_semaphore, #tpu.memory_space<semaphore_mem>>)
    %add3A_148 = arith.constant 2048 : i32
    %add3A_149 = arith.addi %add3A_148, %arg1 : i32
    %add3A_150 = arith.constant 48 : i32
    %add3A_151 = arith.addi %add3A_149, %add3A_150 : i32
    %mul3A_152 = arith.constant 64 : i32
    %mul3A_153 = arith.muli %add3A_151, %mul3A_152 : i32
    %dma_start3A_154 = arith.constant 3 : i32
    %dma_start3A_155 = arith.constant 0 : i32
    %dma_start3A_156 = tpu.memref_slice %arg9[%dma_start3A_154, %dma_start3A_155] : memref<8x64xi32, #tpu.memory_space<vmem>> -> memref<1x64xi32, #tpu.memory_space<vmem>>
    %dma_start3A_157 = tpu.memref_squeeze %dma_start3A_156 : memref<1x64xi32, #tpu.memory_space<vmem>> -> memref<64xi32, #tpu.memory_space<vmem>>
    %dma_start3A_158 = tpu.memref_slice %arg3[%mul3A_153] : memref<320000xi32, #tpu.memory_space<hbm>> -> memref<64xi32, #tpu.memory_space<hbm>>
    %dma_start3A_159 = arith.constant 0 : i32
    %dma_start3A_160 = tpu.memref_slice %arg9[%dma_start3A_154, %dma_start3A_159] : memref<8x64xi32, #tpu.memory_space<vmem>> -> memref<1x64xi32, #tpu.memory_space<vmem>>
    %dma_start3A_161 = tpu.memref_squeeze %dma_start3A_160 : memref<1x64xi32, #tpu.memory_space<vmem>> -> memref<64xi32, #tpu.memory_space<vmem>>
    %dma_start3A_162 = tpu.memref_slice %arg3[%mul3A_153] : memref<320000xi32, #tpu.memory_space<hbm>> -> memref<64xi32, #tpu.memory_space<hbm>>
    tpu.enqueue_dma source(%dma_start3A_162 : memref<64xi32, #tpu.memory_space<hbm>>) target(%dma_start3A_161 : memref<64xi32, #tpu.memory_space<vmem>>) target_semaphore(%arg17 : memref<!tpu.dma_semaphore, #tpu.memory_space<semaphore_mem>>)
    %dma_start3A_163 = arith.constant 3 : i32
    %dma_start3A_164 = arith.constant 0 : i32
    %dma_start3A_165 = arith.constant 0 : i32
    %dma_start3A_166 = tpu.memref_slice %arg10[%dma_start3A_163, %dma_start3A_164, %dma_start3A_165] : memref<8x64x64xf32, #tpu.memory_space<vmem>> -> memref<1x64x64xf32, #tpu.memory_space<vmem>>
    %dma_start3A_167 = tpu.memref_squeeze %dma_start3A_166 : memref<1x64x64xf32, #tpu.memory_space<vmem>> -> memref<64x64xf32, #tpu.memory_space<vmem>>
    %dma_start3A_168 = tpu.memref_slice %arg2[%mul3A_153, %mul3A_0] : memref<320000x128xf32, #tpu.memory_space<hbm>> -> memref<64x64xf32, #tpu.memory_space<hbm>>
    %dma_start3A_169 = arith.constant 0 : i32
    %dma_start3A_170 = arith.constant 0 : i32
    %dma_start3A_171 = tpu.memref_slice %arg10[%dma_start3A_163, %dma_start3A_169, %dma_start3A_170] : memref<8x64x64xf32, #tpu.memory_space<vmem>> -> memref<1x64x64xf32, #tpu.memory_space<vmem>>
    %dma_start3A_172 = tpu.memref_squeeze %dma_start3A_171 : memref<1x64x64xf32, #tpu.memory_space<vmem>> -> memref<64x64xf32, #tpu.memory_space<vmem>>
    %dma_start3A_173 = tpu.memref_slice %arg2[%mul3A_153, %mul3A_0] : memref<320000x128xf32, #tpu.memory_space<hbm>> -> memref<64x64xf32, #tpu.memory_space<hbm>>
    tpu.enqueue_dma source(%dma_start3A_173 : memref<64x64xf32, #tpu.memory_space<hbm>>) target(%dma_start3A_172 : memref<64x64xf32, #tpu.memory_space<vmem>>) target_semaphore(%arg17 : memref<!tpu.dma_semaphore, #tpu.memory_space<semaphore_mem>>)
    %add3A_174 = arith.constant 2048 : i32
    %add3A_175 = arith.addi %add3A_174, %arg1 : i32
    %add3A_176 = arith.constant 64 : i32
    %add3A_177 = arith.addi %add3A_175, %add3A_176 : i32
    %mul3A_178 = arith.constant 64 : i32
    %mul3A_179 = arith.muli %add3A_177, %mul3A_178 : i32
    %dma_start3A_180 = arith.constant 4 : i32
    %dma_start3A_181 = arith.constant 0 : i32
    %dma_start3A_182 = tpu.memref_slice %arg9[%dma_start3A_180, %dma_start3A_181] : memref<8x64xi32, #tpu.memory_space<vmem>> -> memref<1x64xi32, #tpu.memory_space<vmem>>
    %dma_start3A_183 = tpu.memref_squeeze %dma_start3A_182 : memref<1x64xi32, #tpu.memory_space<vmem>> -> memref<64xi32, #tpu.memory_space<vmem>>
    %dma_start3A_184 = tpu.memref_slice %arg3[%mul3A_179] : memref<320000xi32, #tpu.memory_space<hbm>> -> memref<64xi32, #tpu.memory_space<hbm>>
    %dma_start3A_185 = arith.constant 0 : i32
    %dma_start3A_186 = tpu.memref_slice %arg9[%dma_start3A_180, %dma_start3A_185] : memref<8x64xi32, #tpu.memory_space<vmem>> -> memref<1x64xi32, #tpu.memory_space<vmem>>
    %dma_start3A_187 = tpu.memref_squeeze %dma_start3A_186 : memref<1x64xi32, #tpu.memory_space<vmem>> -> memref<64xi32, #tpu.memory_space<vmem>>
    %dma_start3A_188 = tpu.memref_slice %arg3[%mul3A_179] : memref<320000xi32, #tpu.memory_space<hbm>> -> memref<64xi32, #tpu.memory_space<hbm>>
    tpu.enqueue_dma source(%dma_start3A_188 : memref<64xi32, #tpu.memory_space<hbm>>) target(%dma_start3A_187 : memref<64xi32, #tpu.memory_space<vmem>>) target_semaphore(%arg18 : memref<!tpu.dma_semaphore, #tpu.memory_space<semaphore_mem>>)
    %dma_start3A_189 = arith.constant 4 : i32
    %dma_start3A_190 = arith.constant 0 : i32
    %dma_start3A_191 = arith.constant 0 : i32
    %dma_start3A_192 = tpu.memref_slice %arg10[%dma_start3A_189, %dma_start3A_190, %dma_start3A_191] : memref<8x64x64xf32, #tpu.memory_space<vmem>> -> memref<1x64x64xf32, #tpu.memory_space<vmem>>
    %dma_start3A_193 = tpu.memref_squeeze %dma_start3A_192 : memref<1x64x64xf32, #tpu.memory_space<vmem>> -> memref<64x64xf32, #tpu.memory_space<vmem>>
    %dma_start3A_194 = tpu.memref_slice %arg2[%mul3A_179, %mul3A_0] : memref<320000x128xf32, #tpu.memory_space<hbm>> -> memref<64x64xf32, #tpu.memory_space<hbm>>
    %dma_start3A_195 = arith.constant 0 : i32
    %dma_start3A_196 = arith.constant 0 : i32
    %dma_start3A_197 = tpu.memref_slice %arg10[%dma_start3A_189, %dma_start3A_195, %dma_start3A_196] : memref<8x64x64xf32, #tpu.memory_space<vmem>> -> memref<1x64x64xf32, #tpu.memory_space<vmem>>
    %dma_start3A_198 = tpu.memref_squeeze %dma_start3A_197 : memref<1x64x64xf32, #tpu.memory_space<vmem>> -> memref<64x64xf32, #tpu.memory_space<vmem>>
    %dma_start3A_199 = tpu.memref_slice %arg2[%mul3A_179, %mul3A_0] : memref<320000x128xf32, #tpu.memory_space<hbm>> -> memref<64x64xf32, #tpu.memory_space<hbm>>
    tpu.enqueue_dma source(%dma_start3A_199 : memref<64x64xf32, #tpu.memory_space<hbm>>) target(%dma_start3A_198 : memref<64x64xf32, #tpu.memory_space<vmem>>) target_semaphore(%arg18 : memref<!tpu.dma_semaphore, #tpu.memory_space<semaphore_mem>>)
    %add3A_200 = arith.constant 2048 : i32
    %add3A_201 = arith.addi %add3A_200, %arg1 : i32
    %add3A_202 = arith.constant 80 : i32
    %add3A_203 = arith.addi %add3A_201, %add3A_202 : i32
    %mul3A_204 = arith.constant 64 : i32
    %mul3A_205 = arith.muli %add3A_203, %mul3A_204 : i32
    %dma_start3A_206 = arith.constant 5 : i32
    %dma_start3A_207 = arith.constant 0 : i32
    %dma_start3A_208 = tpu.memref_slice %arg9[%dma_start3A_206, %dma_start3A_207] : memref<8x64xi32, #tpu.memory_space<vmem>> -> memref<1x64xi32, #tpu.memory_space<vmem>>
    %dma_start3A_209 = tpu.memref_squeeze %dma_start3A_208 : memref<1x64xi32, #tpu.memory_space<vmem>> -> memref<64xi32, #tpu.memory_space<vmem>>
    %dma_start3A_210 = tpu.memref_slice %arg3[%mul3A_205] : memref<320000xi32, #tpu.memory_space<hbm>> -> memref<64xi32, #tpu.memory_space<hbm>>
    %dma_start3A_211 = arith.constant 0 : i32
    %dma_start3A_212 = tpu.memref_slice %arg9[%dma_start3A_206, %dma_start3A_211] : memref<8x64xi32, #tpu.memory_space<vmem>> -> memref<1x64xi32, #tpu.memory_space<vmem>>
    %dma_start3A_213 = tpu.memref_squeeze %dma_start3A_212 : memref<1x64xi32, #tpu.memory_space<vmem>> -> memref<64xi32, #tpu.memory_space<vmem>>
    %dma_start3A_214 = tpu.memref_slice %arg3[%mul3A_205] : memref<320000xi32, #tpu.memory_space<hbm>> -> memref<64xi32, #tpu.memory_space<hbm>>
    tpu.enqueue_dma source(%dma_start3A_214 : memref<64xi32, #tpu.memory_space<hbm>>) target(%dma_start3A_213 : memref<64xi32, #tpu.memory_space<vmem>>) target_semaphore(%arg19 : memref<!tpu.dma_semaphore, #tpu.memory_space<semaphore_mem>>)
    %dma_start3A_215 = arith.constant 5 : i32
    %dma_start3A_216 = arith.constant 0 : i32
    %dma_start3A_217 = arith.constant 0 : i32
    %dma_start3A_218 = tpu.memref_slice %arg10[%dma_start3A_215, %dma_start3A_216, %dma_start3A_217] : memref<8x64x64xf32, #tpu.memory_space<vmem>> -> memref<1x64x64xf32, #tpu.memory_space<vmem>>
    %dma_start3A_219 = tpu.memref_squeeze %dma_start3A_218 : memref<1x64x64xf32, #tpu.memory_space<vmem>> -> memref<64x64xf32, #tpu.memory_space<vmem>>
    %dma_start3A_220 = tpu.memref_slice %arg2[%mul3A_205, %mul3A_0] : memref<320000x128xf32, #tpu.memory_space<hbm>> -> memref<64x64xf32, #tpu.memory_space<hbm>>
    %dma_start3A_221 = arith.constant 0 : i32
    %dma_start3A_222 = arith.constant 0 : i32
    %dma_start3A_223 = tpu.memref_slice %arg10[%dma_start3A_215, %dma_start3A_221, %dma_start3A_222] : memref<8x64x64xf32, #tpu.memory_space<vmem>> -> memref<1x64x64xf32, #tpu.memory_space<vmem>>
    %dma_start3A_224 = tpu.memref_squeeze %dma_start3A_223 : memref<1x64x64xf32, #tpu.memory_space<vmem>> -> memref<64x64xf32, #tpu.memory_space<vmem>>
    %dma_start3A_225 = tpu.memref_slice %arg2[%mul3A_205, %mul3A_0] : memref<320000x128xf32, #tpu.memory_space<hbm>> -> memref<64x64xf32, #tpu.memory_space<hbm>>
    tpu.enqueue_dma source(%dma_start3A_225 : memref<64x64xf32, #tpu.memory_space<hbm>>) target(%dma_start3A_224 : memref<64x64xf32, #tpu.memory_space<vmem>>) target_semaphore(%arg19 : memref<!tpu.dma_semaphore, #tpu.memory_space<semaphore_mem>>)
    %add3A_226 = arith.constant 2048 : i32
    %add3A_227 = arith.addi %add3A_226, %arg1 : i32
    %add3A_228 = arith.constant 96 : i32
    %add3A_229 = arith.addi %add3A_227, %add3A_228 : i32
    %mul3A_230 = arith.constant 64 : i32
    %mul3A_231 = arith.muli %add3A_229, %mul3A_230 : i32
    %dma_start3A_232 = arith.constant 6 : i32
    %dma_start3A_233 = arith.constant 0 : i32
    %dma_start3A_234 = tpu.memref_slice %arg9[%dma_start3A_232, %dma_start3A_233] : memref<8x64xi32, #tpu.memory_space<vmem>> -> memref<1x64xi32, #tpu.memory_space<vmem>>
    %dma_start3A_235 = tpu.memref_squeeze %dma_start3A_234 : memref<1x64xi32, #tpu.memory_space<vmem>> -> memref<64xi32, #tpu.memory_space<vmem>>
    %dma_start3A_236 = tpu.memref_slice %arg3[%mul3A_231] : memref<320000xi32, #tpu.memory_space<hbm>> -> memref<64xi32, #tpu.memory_space<hbm>>
    %dma_start3A_237 = arith.constant 0 : i32
    %dma_start3A_238 = tpu.memref_slice %arg9[%dma_start3A_232, %dma_start3A_237] : memref<8x64xi32, #tpu.memory_space<vmem>> -> memref<1x64xi32, #tpu.memory_space<vmem>>
    %dma_start3A_239 = tpu.memref_squeeze %dma_start3A_238 : memref<1x64xi32, #tpu.memory_space<vmem>> -> memref<64xi32, #tpu.memory_space<vmem>>
    %dma_start3A_240 = tpu.memref_slice %arg3[%mul3A_231] : memref<320000xi32, #tpu.memory_space<hbm>> -> memref<64xi32, #tpu.memory_space<hbm>>
    tpu.enqueue_dma source(%dma_start3A_240 : memref<64xi32, #tpu.memory_space<hbm>>) target(%dma_start3A_239 : memref<64xi32, #tpu.memory_space<vmem>>) target_semaphore(%arg20 : memref<!tpu.dma_semaphore, #tpu.memory_space<semaphore_mem>>)
    %dma_start3A_241 = arith.constant 6 : i32
    %dma_start3A_242 = arith.constant 0 : i32
    %dma_start3A_243 = arith.constant 0 : i32
    %dma_start3A_244 = tpu.memref_slice %arg10[%dma_start3A_241, %dma_start3A_242, %dma_start3A_243] : memref<8x64x64xf32, #tpu.memory_space<vmem>> -> memref<1x64x64xf32, #tpu.memory_space<vmem>>
    %dma_start3A_245 = tpu.memref_squeeze %dma_start3A_244 : memref<1x64x64xf32, #tpu.memory_space<vmem>> -> memref<64x64xf32, #tpu.memory_space<vmem>>
    %dma_start3A_246 = tpu.memref_slice %arg2[%mul3A_231, %mul3A_0] : memref<320000x128xf32, #tpu.memory_space<hbm>> -> memref<64x64xf32, #tpu.memory_space<hbm>>
    %dma_start3A_247 = arith.constant 0 : i32
    %dma_start3A_248 = arith.constant 0 : i32
    %dma_start3A_249 = tpu.memref_slice %arg10[%dma_start3A_241, %dma_start3A_247, %dma_start3A_248] : memref<8x64x64xf32, #tpu.memory_space<vmem>> -> memref<1x64x64xf32, #tpu.memory_space<vmem>>
    %dma_start3A_250 = tpu.memref_squeeze %dma_start3A_249 : memref<1x64x64xf32, #tpu.memory_space<vmem>> -> memref<64x64xf32, #tpu.memory_space<vmem>>
    %dma_start3A_251 = tpu.memref_slice %arg2[%mul3A_231, %mul3A_0] : memref<320000x128xf32, #tpu.memory_space<hbm>> -> memref<64x64xf32, #tpu.memory_space<hbm>>
    tpu.enqueue_dma source(%dma_start3A_251 : memref<64x64xf32, #tpu.memory_space<hbm>>) target(%dma_start3A_250 : memref<64x64xf32, #tpu.memory_space<vmem>>) target_semaphore(%arg20 : memref<!tpu.dma_semaphore, #tpu.memory_space<semaphore_mem>>)
    %scan3A = arith.constant 0 : i32
    %scan3A_252 = arith.constant 0 : i32
    %scan3A_253 = arith.constant 23 : i32
    %scan3A_254 = arith.addi %scan3A_252, %scan3A_253 : i32
    %scan3A_255 = arith.constant 1 : i32
    %scan3A_256 = scf.for %scan3A_355 = %scan3A_252 to %scan3A_254 step %scan3A_255 iter_args(%scan3A_356 = %scan3A) -> (i32)  : i32 {
      %mul3A_357 = arith.constant 8 : i32
      %mul3A_358 = arith.muli %scan3A_355, %mul3A_357 : i32
      %add3A_359 = arith.constant 0 : i32
      %add3A_360 = arith.addi %mul3A_358, %add3A_359 : i32
      %add3A_361 = arith.constant 2048 : i32
      %add3A_362 = arith.addi %add3A_361, %arg1 : i32
      %mul3A_363 = arith.constant 16 : i32
      %mul3A_364 = arith.muli %add3A_360, %mul3A_363 : i32
      %add3A_365 = arith.addi %add3A_362, %mul3A_364 : i32
      %mul3A_366 = arith.constant 64 : i32
      %mul3A_367 = arith.muli %add3A_365, %mul3A_366 : i32
      %dma_wait3A_368 = arith.constant 0 : i32
      %dma_wait3A_369 = arith.constant 0 : i32
      %dma_wait3A_370 = tpu.memref_slice %arg9[%dma_wait3A_368, %dma_wait3A_369] : memref<8x64xi32, #tpu.memory_space<vmem>> -> memref<1x64xi32, #tpu.memory_space<vmem>>
      %dma_wait3A_371 = tpu.memref_squeeze %dma_wait3A_370 : memref<1x64xi32, #tpu.memory_space<vmem>> -> memref<64xi32, #tpu.memory_space<vmem>>
      %dma_wait3A_372 = tpu.memref_slice %arg3[%mul3A_367] : memref<320000xi32, #tpu.memory_space<hbm>> -> memref<64xi32, #tpu.memory_space<hbm>>
      %dma_wait3A_373 = arith.constant 0 : i32
      %dma_wait3A_374 = tpu.memref_slice %arg9[%dma_wait3A_368, %dma_wait3A_373] : memref<8x64xi32, #tpu.memory_space<vmem>> -> memref<1x64xi32, #tpu.memory_space<vmem>>
      %dma_wait3A_375 = tpu.memref_squeeze %dma_wait3A_374 : memref<1x64xi32, #tpu.memory_space<vmem>> -> memref<64xi32, #tpu.memory_space<vmem>>
      %dma_wait3A_376 = tpu.memref_slice %arg3[%mul3A_367] : memref<320000xi32, #tpu.memory_space<hbm>> -> memref<64xi32, #tpu.memory_space<hbm>>
      tpu.wait_dma2 semaphore(%arg14 : memref<!tpu.dma_semaphore, #tpu.memory_space<semaphore_mem>>) src(%dma_wait3A_376 : memref<64xi32, #tpu.memory_space<hbm>>) dst(%dma_wait3A_375 : memref<64xi32, #tpu.memory_space<vmem>>)
      %dma_wait3A_377 = arith.constant 0 : i32
      %dma_wait3A_378 = arith.constant 0 : i32
      %dma_wait3A_379 = arith.constant 0 : i32
      %dma_wait3A_380 = tpu.memref_slice %arg10[%dma_wait3A_377, %dma_wait3A_378, %dma_wait3A_379] : memref<8x64x64xf32, #tpu.memory_space<vmem>> -> memref<1x64x64xf32, #tpu.memory_space<vmem>>
      %dma_wait3A_381 = tpu.memref_squeeze %dma_wait3A_380 : memref<1x64x64xf32, #tpu.memory_space<vmem>> -> memref<64x64xf32, #tpu.memory_space<vmem>>
      %dma_wait3A_382 = tpu.memref_slice %arg2[%mul3A_367, %mul3A_0] : memref<320000x128xf32, #tpu.memory_space<hbm>> -> memref<64x64xf32, #tpu.memory_space<hbm>>
      %dma_wait3A_383 = arith.constant 0 : i32
      %dma_wait3A_384 = arith.constant 0 : i32
      %dma_wait3A_385 = tpu.memref_slice %arg10[%dma_wait3A_377, %dma_wait3A_383, %dma_wait3A_384] : memref<8x64x64xf32, #tpu.memory_space<vmem>> -> memref<1x64x64xf32, #tpu.memory_space<vmem>>
      %dma_wait3A_386 = tpu.memref_squeeze %dma_wait3A_385 : memref<1x64x64xf32, #tpu.memory_space<vmem>> -> memref<64x64xf32, #tpu.memory_space<vmem>>
      %dma_wait3A_387 = tpu.memref_slice %arg2[%mul3A_367, %mul3A_0] : memref<320000x128xf32, #tpu.memory_space<hbm>> -> memref<64x64xf32, #tpu.memory_space<hbm>>
      tpu.wait_dma2 semaphore(%arg14 : memref<!tpu.dma_semaphore, #tpu.memory_space<semaphore_mem>>) src(%dma_wait3A_387 : memref<64x64xf32, #tpu.memory_space<hbm>>) dst(%dma_wait3A_386 : memref<64x64xf32, #tpu.memory_space<vmem>>)
      %dma_start3A_388 = arith.constant 0 : i32
      %dma_start3A_389 = arith.constant 0 : i32
      %dma_start3A_390 = arith.constant 0 : i32
      %dma_start3A_391 = arith.constant 0 : i32
      %dma_start3A_392 = tpu.memref_slice %arg10[%dma_start3A_388, %dma_start3A_390, %dma_start3A_391] : memref<8x64x64xf32, #tpu.memory_space<vmem>> -> memref<1x64x64xf32, #tpu.memory_space<vmem>>
      %dma_start3A_393 = tpu.memref_squeeze %dma_start3A_392 : memref<1x64x64xf32, #tpu.memory_space<vmem>> -> memref<64x64xf32, #tpu.memory_space<vmem>>
      %dma_start3A_394 = arith.constant 0 : i32
      %dma_start3A_395 = tpu.memref_slice %arg9[%dma_start3A_389, %dma_start3A_394] : memref<8x64xi32, #tpu.memory_space<vmem>> -> memref<1x64xi32, #tpu.memory_space<vmem>>
      %dma_start3A_396 = tpu.memref_squeeze %dma_start3A_395 : memref<1x64xi32, #tpu.memory_space<vmem>> -> memref<64xi32, #tpu.memory_space<vmem>>
      %dma_start3A_397 = arith.constant 0 : i32
      %dma_start3A_398 = arith.constant 0 : i32
      %dma_start3A_399 = tpu.memref_slice %arg12[%dma_start3A_397, %dma_start3A_398] : memref<10000x64xf32, #tpu.memory_space<vmem_shared>> -> memref<10000x64xf32, #tpu.memory_space<vmem_shared>>
      tpu.enqueue_indirect_dma source(%dma_start3A_393 : memref<64x64xf32, #tpu.memory_space<vmem>>) target(%dma_start3A_399 : memref<10000x64xf32, #tpu.memory_space<vmem_shared>>) offsets(%dma_start3A_396 : memref<64xi32, #tpu.memory_space<vmem>>) semaphore(%arg22 : memref<!tpu.dma_semaphore, #tpu.memory_space<semaphore_mem>>) {add = true}
      %eq3A_400 = arith.constant 0 : i32
      %eq3A_401 = arith.cmpi eq, %arg0, %eq3A_400 : i32
      %convert_element_type3A_402 = arith.extui %eq3A_401 : i1 to i32
      %cond3A_403 = arith.constant 0 : i32
      %cond3A_404 = arith.cmpi ne, %convert_element_type3A_402, %cond3A_403 : i32
      scf.if %cond3A_404 {
        %dma_start3A_852 = arith.constant 0 : i32
        %dma_start3A_853 = arith.constant 0 : i32
        %dma_start3A_854 = tpu.memref_slice %arg9[%dma_start3A_852, %dma_start3A_853] : memref<8x64xi32, #tpu.memory_space<vmem>> -> memref<1x64xi32, #tpu.memory_space<vmem>>
        %dma_start3A_855 = tpu.memref_squeeze %dma_start3A_854 : memref<1x64xi32, #tpu.memory_space<vmem>> -> memref<64xi32, #tpu.memory_space<vmem>>
        %dma_start3A_856 = arith.constant 0 : i32
        %dma_start3A_857 = arith.constant 0 : i32
        %dma_start3A_858 = tpu.memref_slice %arg13[%dma_start3A_856, %dma_start3A_857] : memref<10000x8xf32, #tpu.memory_space<vmem_shared>> -> memref<10000x8xf32, #tpu.memory_space<vmem_shared>>
        tpu.enqueue_indirect_dma source(%arg11 : memref<64x8xf32, #tpu.memory_space<vmem>>) target(%dma_start3A_858 : memref<10000x8xf32, #tpu.memory_space<vmem_shared>>) offsets(%dma_start3A_855 : memref<64xi32, #tpu.memory_space<vmem>>) semaphore(%arg30 : memref<!tpu.dma_semaphore, #tpu.memory_space<semaphore_mem>>) {add = true}
      } else {
      }
      %ge3A = arith.constant 1 : i32
      %ge3A_405 = arith.cmpi sge, %add3A_360, %ge3A : i32
      %convert_element_type3A_406 = arith.extui %ge3A_405 : i1 to i32
      %cond3A_407 = arith.constant 0 : i32
      %cond3A_408 = arith.cmpi ne, %convert_element_type3A_406, %cond3A_407 : i32
      scf.if %cond3A_408 {
        %dma_wait3A_852 = arith.constant 7 : i32
        %dma_wait3A_853 = arith.constant 7 : i32
        %dma_wait3A_854 = arith.constant 0 : i32
        %dma_wait3A_855 = arith.constant 0 : i32
        %dma_wait3A_856 = tpu.memref_slice %arg10[%dma_wait3A_852, %dma_wait3A_854, %dma_wait3A_855] : memref<8x64x64xf32, #tpu.memory_space<vmem>> -> memref<1x64x64xf32, #tpu.memory_space<vmem>>
        %dma_wait3A_857 = tpu.memref_squeeze %dma_wait3A_856 : memref<1x64x64xf32, #tpu.memory_space<vmem>> -> memref<64x64xf32, #tpu.memory_space<vmem>>
        %dma_wait3A_858 = arith.constant 0 : i32
        %dma_wait3A_859 = tpu.memref_slice %arg9[%dma_wait3A_853, %dma_wait3A_858] : memref<8x64xi32, #tpu.memory_space<vmem>> -> memref<1x64xi32, #tpu.memory_space<vmem>>
        %dma_wait3A_860 = tpu.memref_squeeze %dma_wait3A_859 : memref<1x64xi32, #tpu.memory_space<vmem>> -> memref<64xi32, #tpu.memory_space<vmem>>
        %dma_wait3A_861 = arith.constant 0 : i32
        %dma_wait3A_862 = arith.constant 0 : i32
        %dma_wait3A_863 = tpu.memref_slice %arg12[%dma_wait3A_861, %dma_wait3A_862] : memref<10000x64xf32, #tpu.memory_space<vmem_shared>> -> memref<10000x64xf32, #tpu.memory_space<vmem_shared>>
        tpu.wait_indirect_dma semaphore(%arg29 : memref<!tpu.dma_semaphore, #tpu.memory_space<semaphore_mem>>) src(%dma_wait3A_857 : memref<64x64xf32, #tpu.memory_space<vmem>>) dst(%dma_wait3A_863 : memref<10000x64xf32, #tpu.memory_space<vmem_shared>>)
        %eq3A_864 = arith.constant 0 : i32
        %eq3A_865 = arith.cmpi eq, %arg0, %eq3A_864 : i32
        %convert_element_type3A_866 = arith.extui %eq3A_865 : i1 to i32
        %cond3A_867 = arith.constant 0 : i32
        %cond3A_868 = arith.cmpi ne, %convert_element_type3A_866, %cond3A_867 : i32
        scf.if %cond3A_868 {
          %dma_wait3A_869 = arith.constant 7 : i32
          %dma_wait3A_870 = arith.constant 0 : i32
          %dma_wait3A_871 = tpu.memref_slice %arg9[%dma_wait3A_869, %dma_wait3A_870] : memref<8x64xi32, #tpu.memory_space<vmem>> -> memref<1x64xi32, #tpu.memory_space<vmem>>
          %dma_wait3A_872 = tpu.memref_squeeze %dma_wait3A_871 : memref<1x64xi32, #tpu.memory_space<vmem>> -> memref<64xi32, #tpu.memory_space<vmem>>
          %dma_wait3A_873 = arith.constant 0 : i32
          %dma_wait3A_874 = arith.constant 0 : i32
          %dma_wait3A_875 = tpu.memref_slice %arg13[%dma_wait3A_873, %dma_wait3A_874] : memref<10000x8xf32, #tpu.memory_space<vmem_shared>> -> memref<10000x8xf32, #tpu.memory_space<vmem_shared>>
          tpu.wait_indirect_dma semaphore(%arg37 : memref<!tpu.dma_semaphore, #tpu.memory_space<semaphore_mem>>) src(%arg11 : memref<64x8xf32, #tpu.memory_space<vmem>>) dst(%dma_wait3A_875 : memref<10000x8xf32, #tpu.memory_space<vmem_shared>>)
        } else {
        }
      } else {
      }
      %add3A_409 = arith.constant 8 : i32
      %add3A_410 = arith.addi %add3A_360, %add3A_409 : i32
      %sub3A = arith.constant 1 : i32
      %sub3A_411 = arith.subi %add3A_410, %sub3A : i32
      %lt3A_412 = arith.constant 184 : i32
      %lt3A_413 = arith.cmpi slt, %sub3A_411, %lt3A_412 : i32
      %convert_element_type3A_414 = arith.extui %lt3A_413 : i1 to i32
      %cond3A_415 = arith.constant 0 : i32
      %cond3A_416 = arith.cmpi ne, %convert_element_type3A_414, %cond3A_415 : i32
      scf.if %cond3A_416 {
        %add3A_852 = arith.constant 8 : i32
        %add3A_853 = arith.addi %add3A_360, %add3A_852 : i32
        %sub3A_854 = arith.constant 1 : i32
        %sub3A_855 = arith.subi %add3A_853, %sub3A_854 : i32
        %add3A_856 = arith.constant 2048 : i32
        %add3A_857 = arith.addi %add3A_856, %arg1 : i32
        %mul3A_858 = arith.constant 16 : i32
        %mul3A_859 = arith.muli %sub3A_855, %mul3A_858 : i32
        %add3A_860 = arith.addi %add3A_857, %mul3A_859 : i32
        %mul3A_861 = arith.constant 64 : i32
        %mul3A_862 = arith.muli %add3A_860, %mul3A_861 : i32
        %dma_start3A_863 = arith.constant 7 : i32
        %dma_start3A_864 = arith.constant 0 : i32
        %dma_start3A_865 = tpu.memref_slice %arg9[%dma_start3A_863, %dma_start3A_864] : memref<8x64xi32, #tpu.memory_space<vmem>> -> memref<1x64xi32, #tpu.memory_space<vmem>>
        %dma_start3A_866 = tpu.memref_squeeze %dma_start3A_865 : memref<1x64xi32, #tpu.memory_space<vmem>> -> memref<64xi32, #tpu.memory_space<vmem>>
        %dma_start3A_867 = tpu.memref_slice %arg3[%mul3A_862] : memref<320000xi32, #tpu.memory_space<hbm>> -> memref<64xi32, #tpu.memory_space<hbm>>
        %dma_start3A_868 = arith.constant 0 : i32
        %dma_start3A_869 = tpu.memref_slice %arg9[%dma_start3A_863, %dma_start3A_868] : memref<8x64xi32, #tpu.memory_space<vmem>> -> memref<1x64xi32, #tpu.memory_space<vmem>>
        %dma_start3A_870 = tpu.memref_squeeze %dma_start3A_869 : memref<1x64xi32, #tpu.memory_space<vmem>> -> memref<64xi32, #tpu.memory_space<vmem>>
        %dma_start3A_871 = tpu.memref_slice %arg3[%mul3A_862] : memref<320000xi32, #tpu.memory_space<hbm>> -> memref<64xi32, #tpu.memory_space<hbm>>
        tpu.enqueue_dma source(%dma_start3A_871 : memref<64xi32, #tpu.memory_space<hbm>>) target(%dma_start3A_870 : memref<64xi32, #tpu.memory_space<vmem>>) target_semaphore(%arg21 : memref<!tpu.dma_semaphore, #tpu.memory_space<semaphore_mem>>)
        %dma_start3A_872 = arith.constant 7 : i32
        %dma_start3A_873 = arith.constant 0 : i32
        %dma_start3A_874 = arith.constant 0 : i32
        %dma_start3A_875 = tpu.memref_slice %arg10[%dma_start3A_872, %dma_start3A_873, %dma_start3A_874] : memref<8x64x64xf32, #tpu.memory_space<vmem>> -> memref<1x64x64xf32, #tpu.memory_space<vmem>>
        %dma_start3A_876 = tpu.memref_squeeze %dma_start3A_875 : memref<1x64x64xf32, #tpu.memory_space<vmem>> -> memref<64x64xf32, #tpu.memory_space<vmem>>
        %dma_start3A_877 = tpu.memref_slice %arg2[%mul3A_862, %mul3A_0] : memref<320000x128xf32, #tpu.memory_space<hbm>> -> memref<64x64xf32, #tpu.memory_space<hbm>>
        %dma_start3A_878 = arith.constant 0 : i32
        %dma_start3A_879 = arith.constant 0 : i32
        %dma_start3A_880 = tpu.memref_slice %arg10[%dma_start3A_872, %dma_start3A_878, %dma_start3A_879] : memref<8x64x64xf32, #tpu.memory_space<vmem>> -> memref<1x64x64xf32, #tpu.memory_space<vmem>>
        %dma_start3A_881 = tpu.memref_squeeze %dma_start3A_880 : memref<1x64x64xf32, #tpu.memory_space<vmem>> -> memref<64x64xf32, #tpu.memory_space<vmem>>
        %dma_start3A_882 = tpu.memref_slice %arg2[%mul3A_862, %mul3A_0] : memref<320000x128xf32, #tpu.memory_space<hbm>> -> memref<64x64xf32, #tpu.memory_space<hbm>>
        tpu.enqueue_dma source(%dma_start3A_882 : memref<64x64xf32, #tpu.memory_space<hbm>>) target(%dma_start3A_881 : memref<64x64xf32, #tpu.memory_space<vmem>>) target_semaphore(%arg21 : memref<!tpu.dma_semaphore, #tpu.memory_space<semaphore_mem>>)
      } else {
      }
      %mul3A_417 = arith.constant 8 : i32
      %mul3A_418 = arith.muli %scan3A_355, %mul3A_417 : i32
      %add3A_419 = arith.constant 1 : i32
      %add3A_420 = arith.addi %mul3A_418, %add3A_419 : i32
      %add3A_421 = arith.constant 2048 : i32
      %add3A_422 = arith.addi %add3A_421, %arg1 : i32
      %mul3A_423 = arith.constant 16 : i32
      %mul3A_424 = arith.muli %add3A_420, %mul3A_423 : i32
      %add3A_425 = arith.addi %add3A_422, %mul3A_424 : i32
      %mul3A_426 = arith.constant 64 : i32
      %mul3A_427 = arith.muli %add3A_425, %mul3A_426 : i32
      %dma_wait3A_428 = arith.constant 1 : i32
      %dma_wait3A_429 = arith.constant 0 : i32
      %dma_wait3A_430 = tpu.memref_slice %arg9[%dma_wait3A_428, %dma_wait3A_429] : memref<8x64xi32, #tpu.memory_space<vmem>> -> memref<1x64xi32, #tpu.memory_space<vmem>>
      %dma_wait3A_431 = tpu.memref_squeeze %dma_wait3A_430 : memref<1x64xi32, #tpu.memory_space<vmem>> -> memref<64xi32, #tpu.memory_space<vmem>>
      %dma_wait3A_432 = tpu.memref_slice %arg3[%mul3A_427] : memref<320000xi32, #tpu.memory_space<hbm>> -> memref<64xi32, #tpu.memory_space<hbm>>
      %dma_wait3A_433 = arith.constant 0 : i32
      %dma_wait3A_434 = tpu.memref_slice %arg9[%dma_wait3A_428, %dma_wait3A_433] : memref<8x64xi32, #tpu.memory_space<vmem>> -> memref<1x64xi32, #tpu.memory_space<vmem>>
      %dma_wait3A_435 = tpu.memref_squeeze %dma_wait3A_434 : memref<1x64xi32, #tpu.memory_space<vmem>> -> memref<64xi32, #tpu.memory_space<vmem>>
      %dma_wait3A_436 = tpu.memref_slice %arg3[%mul3A_427] : memref<320000xi32, #tpu.memory_space<hbm>> -> memref<64xi32, #tpu.memory_space<hbm>>
      tpu.wait_dma2 semaphore(%arg15 : memref<!tpu.dma_semaphore, #tpu.memory_space<semaphore_mem>>) src(%dma_wait3A_436 : memref<64xi32, #tpu.memory_space<hbm>>) dst(%dma_wait3A_435 : memref<64xi32, #tpu.memory_space<vmem>>)
      %dma_wait3A_437 = arith.constant 1 : i32
      %dma_wait3A_438 = arith.constant 0 : i32
      %dma_wait3A_439 = arith.constant 0 : i32
      %dma_wait3A_440 = tpu.memref_slice %arg10[%dma_wait3A_437, %dma_wait3A_438, %dma_wait3A_439] : memref<8x64x64xf32, #tpu.memory_space<vmem>> -> memref<1x64x64xf32, #tpu.memory_space<vmem>>
      %dma_wait3A_441 = tpu.memref_squeeze %dma_wait3A_440 : memref<1x64x64xf32, #tpu.memory_space<vmem>> -> memref<64x64xf32, #tpu.memory_space<vmem>>
      %dma_wait3A_442 = tpu.memref_slice %arg2[%mul3A_427, %mul3A_0] : memref<320000x128xf32, #tpu.memory_space<hbm>> -> memref<64x64xf32, #tpu.memory_space<hbm>>
      %dma_wait3A_443 = arith.constant 0 : i32
      %dma_wait3A_444 = arith.constant 0 : i32
      %dma_wait3A_445 = tpu.memref_slice %arg10[%dma_wait3A_437, %dma_wait3A_443, %dma_wait3A_444] : memref<8x64x64xf32, #tpu.memory_space<vmem>> -> memref<1x64x64xf32, #tpu.memory_space<vmem>>
      %dma_wait3A_446 = tpu.memref_squeeze %dma_wait3A_445 : memref<1x64x64xf32, #tpu.memory_space<vmem>> -> memref<64x64xf32, #tpu.memory_space<vmem>>
      %dma_wait3A_447 = tpu.memref_slice %arg2[%mul3A_427, %mul3A_0] : memref<320000x128xf32, #tpu.memory_space<hbm>> -> memref<64x64xf32, #tpu.memory_space<hbm>>
      tpu.wait_dma2 semaphore(%arg15 : memref<!tpu.dma_semaphore, #tpu.memory_space<semaphore_mem>>) src(%dma_wait3A_447 : memref<64x64xf32, #tpu.memory_space<hbm>>) dst(%dma_wait3A_446 : memref<64x64xf32, #tpu.memory_space<vmem>>)
      %dma_start3A_448 = arith.constant 1 : i32
      %dma_start3A_449 = arith.constant 1 : i32
      %dma_start3A_450 = arith.constant 0 : i32
      %dma_start3A_451 = arith.constant 0 : i32
      %dma_start3A_452 = tpu.memref_slice %arg10[%dma_start3A_448, %dma_start3A_450, %dma_start3A_451] : memref<8x64x64xf32, #tpu.memory_space<vmem>> -> memref<1x64x64xf32, #tpu.memory_space<vmem>>
      %dma_start3A_453 = tpu.memref_squeeze %dma_start3A_452 : memref<1x64x64xf32, #tpu.memory_space<vmem>> -> memref<64x64xf32, #tpu.memory_space<vmem>>
      %dma_start3A_454 = arith.constant 0 : i32
      %dma_start3A_455 = tpu.memref_slice %arg9[%dma_start3A_449, %dma_start3A_454] : memref<8x64xi32, #tpu.memory_space<vmem>> -> memref<1x64xi32, #tpu.memory_space<vmem>>
      %dma_start3A_456 = tpu.memref_squeeze %dma_start3A_455 : memref<1x64xi32, #tpu.memory_space<vmem>> -> memref<64xi32, #tpu.memory_space<vmem>>
      %dma_start3A_457 = arith.constant 0 : i32
      %dma_start3A_458 = arith.constant 0 : i32
      %dma_start3A_459 = tpu.memref_slice %arg12[%dma_start3A_457, %dma_start3A_458] : memref<10000x64xf32, #tpu.memory_space<vmem_shared>> -> memref<10000x64xf32, #tpu.memory_space<vmem_shared>>
      tpu.enqueue_indirect_dma source(%dma_start3A_453 : memref<64x64xf32, #tpu.memory_space<vmem>>) target(%dma_start3A_459 : memref<10000x64xf32, #tpu.memory_space<vmem_shared>>) offsets(%dma_start3A_456 : memref<64xi32, #tpu.memory_space<vmem>>) semaphore(%arg23 : memref<!tpu.dma_semaphore, #tpu.memory_space<semaphore_mem>>) {add = true}
      %eq3A_460 = arith.constant 0 : i32
      %eq3A_461 = arith.cmpi eq, %arg0, %eq3A_460 : i32
      %convert_element_type3A_462 = arith.extui %eq3A_461 : i1 to i32
      %cond3A_463 = arith.constant 0 : i32
      %cond3A_464 = arith.cmpi ne, %convert_element_type3A_462, %cond3A_463 : i32
      scf.if %cond3A_464 {
        %dma_start3A_852 = arith.constant 1 : i32
        %dma_start3A_853 = arith.constant 0 : i32
        %dma_start3A_854 = tpu.memref_slice %arg9[%dma_start3A_852, %dma_start3A_853] : memref<8x64xi32, #tpu.memory_space<vmem>> -> memref<1x64xi32, #tpu.memory_space<vmem>>
        %dma_start3A_855 = tpu.memref_squeeze %dma_start3A_854 : memref<1x64xi32, #tpu.memory_space<vmem>> -> memref<64xi32, #tpu.memory_space<vmem>>
        %dma_start3A_856 = arith.constant 0 : i32
        %dma_start3A_857 = arith.constant 0 : i32
        %dma_start3A_858 = tpu.memref_slice %arg13[%dma_start3A_856, %dma_start3A_857] : memref<10000x8xf32, #tpu.memory_space<vmem_shared>> -> memref<10000x8xf32, #tpu.memory_space<vmem_shared>>
        tpu.enqueue_indirect_dma source(%arg11 : memref<64x8xf32, #tpu.memory_space<vmem>>) target(%dma_start3A_858 : memref<10000x8xf32, #tpu.memory_space<vmem_shared>>) offsets(%dma_start3A_855 : memref<64xi32, #tpu.memory_space<vmem>>) semaphore(%arg31 : memref<!tpu.dma_semaphore, #tpu.memory_space<semaphore_mem>>) {add = true}
      } else {
      }
      %ge3A_465 = arith.constant 1 : i32
      %ge3A_466 = arith.cmpi sge, %add3A_420, %ge3A_465 : i32
      %convert_element_type3A_467 = arith.extui %ge3A_466 : i1 to i32
      %cond3A_468 = arith.constant 0 : i32
      %cond3A_469 = arith.cmpi ne, %convert_element_type3A_467, %cond3A_468 : i32
      scf.if %cond3A_469 {
        %dma_wait3A_852 = arith.constant 0 : i32
        %dma_wait3A_853 = arith.constant 0 : i32
        %dma_wait3A_854 = arith.constant 0 : i32
        %dma_wait3A_855 = arith.constant 0 : i32
        %dma_wait3A_856 = tpu.memref_slice %arg10[%dma_wait3A_852, %dma_wait3A_854, %dma_wait3A_855] : memref<8x64x64xf32, #tpu.memory_space<vmem>> -> memref<1x64x64xf32, #tpu.memory_space<vmem>>
        %dma_wait3A_857 = tpu.memref_squeeze %dma_wait3A_856 : memref<1x64x64xf32, #tpu.memory_space<vmem>> -> memref<64x64xf32, #tpu.memory_space<vmem>>
        %dma_wait3A_858 = arith.constant 0 : i32
        %dma_wait3A_859 = tpu.memref_slice %arg9[%dma_wait3A_853, %dma_wait3A_858] : memref<8x64xi32, #tpu.memory_space<vmem>> -> memref<1x64xi32, #tpu.memory_space<vmem>>
        %dma_wait3A_860 = tpu.memref_squeeze %dma_wait3A_859 : memref<1x64xi32, #tpu.memory_space<vmem>> -> memref<64xi32, #tpu.memory_space<vmem>>
        %dma_wait3A_861 = arith.constant 0 : i32
        %dma_wait3A_862 = arith.constant 0 : i32
        %dma_wait3A_863 = tpu.memref_slice %arg12[%dma_wait3A_861, %dma_wait3A_862] : memref<10000x64xf32, #tpu.memory_space<vmem_shared>> -> memref<10000x64xf32, #tpu.memory_space<vmem_shared>>
        tpu.wait_indirect_dma semaphore(%arg22 : memref<!tpu.dma_semaphore, #tpu.memory_space<semaphore_mem>>) src(%dma_wait3A_857 : memref<64x64xf32, #tpu.memory_space<vmem>>) dst(%dma_wait3A_863 : memref<10000x64xf32, #tpu.memory_space<vmem_shared>>)
        %eq3A_864 = arith.constant 0 : i32
        %eq3A_865 = arith.cmpi eq, %arg0, %eq3A_864 : i32
        %convert_element_type3A_866 = arith.extui %eq3A_865 : i1 to i32
        %cond3A_867 = arith.constant 0 : i32
        %cond3A_868 = arith.cmpi ne, %convert_element_type3A_866, %cond3A_867 : i32
        scf.if %cond3A_868 {
          %dma_wait3A_869 = arith.constant 0 : i32
          %dma_wait3A_870 = arith.constant 0 : i32
          %dma_wait3A_871 = tpu.memref_slice %arg9[%dma_wait3A_869, %dma_wait3A_870] : memref<8x64xi32, #tpu.memory_space<vmem>> -> memref<1x64xi32, #tpu.memory_space<vmem>>
          %dma_wait3A_872 = tpu.memref_squeeze %dma_wait3A_871 : memref<1x64xi32, #tpu.memory_space<vmem>> -> memref<64xi32, #tpu.memory_space<vmem>>
          %dma_wait3A_873 = arith.constant 0 : i32
          %dma_wait3A_874 = arith.constant 0 : i32
          %dma_wait3A_875 = tpu.memref_slice %arg13[%dma_wait3A_873, %dma_wait3A_874] : memref<10000x8xf32, #tpu.memory_space<vmem_shared>> -> memref<10000x8xf32, #tpu.memory_space<vmem_shared>>
          tpu.wait_indirect_dma semaphore(%arg30 : memref<!tpu.dma_semaphore, #tpu.memory_space<semaphore_mem>>) src(%arg11 : memref<64x8xf32, #tpu.memory_space<vmem>>) dst(%dma_wait3A_875 : memref<10000x8xf32, #tpu.memory_space<vmem_shared>>)
        } else {
        }
      } else {
      }
      %add3A_470 = arith.constant 8 : i32
      %add3A_471 = arith.addi %add3A_420, %add3A_470 : i32
      %sub3A_472 = arith.constant 1 : i32
      %sub3A_473 = arith.subi %add3A_471, %sub3A_472 : i32
      %lt3A_474 = arith.constant 184 : i32
      %lt3A_475 = arith.cmpi slt, %sub3A_473, %lt3A_474 : i32
      %convert_element_type3A_476 = arith.extui %lt3A_475 : i1 to i32
      %cond3A_477 = arith.constant 0 : i32
      %cond3A_478 = arith.cmpi ne, %convert_element_type3A_476, %cond3A_477 : i32
      scf.if %cond3A_478 {
        %add3A_852 = arith.constant 8 : i32
        %add3A_853 = arith.addi %add3A_420, %add3A_852 : i32
        %sub3A_854 = arith.constant 1 : i32
        %sub3A_855 = arith.subi %add3A_853, %sub3A_854 : i32
        %add3A_856 = arith.constant 2048 : i32
        %add3A_857 = arith.addi %add3A_856, %arg1 : i32
        %mul3A_858 = arith.constant 16 : i32
        %mul3A_859 = arith.muli %sub3A_855, %mul3A_858 : i32
        %add3A_860 = arith.addi %add3A_857, %mul3A_859 : i32
        %mul3A_861 = arith.constant 64 : i32
        %mul3A_862 = arith.muli %add3A_860, %mul3A_861 : i32
        %dma_start3A_863 = arith.constant 0 : i32
        %dma_start3A_864 = arith.constant 0 : i32
        %dma_start3A_865 = tpu.memref_slice %arg9[%dma_start3A_863, %dma_start3A_864] : memref<8x64xi32, #tpu.memory_space<vmem>> -> memref<1x64xi32, #tpu.memory_space<vmem>>
        %dma_start3A_866 = tpu.memref_squeeze %dma_start3A_865 : memref<1x64xi32, #tpu.memory_space<vmem>> -> memref<64xi32, #tpu.memory_space<vmem>>
        %dma_start3A_867 = tpu.memref_slice %arg3[%mul3A_862] : memref<320000xi32, #tpu.memory_space<hbm>> -> memref<64xi32, #tpu.memory_space<hbm>>
        %dma_start3A_868 = arith.constant 0 : i32
        %dma_start3A_869 = tpu.memref_slice %arg9[%dma_start3A_863, %dma_start3A_868] : memref<8x64xi32, #tpu.memory_space<vmem>> -> memref<1x64xi32, #tpu.memory_space<vmem>>
        %dma_start3A_870 = tpu.memref_squeeze %dma_start3A_869 : memref<1x64xi32, #tpu.memory_space<vmem>> -> memref<64xi32, #tpu.memory_space<vmem>>
        %dma_start3A_871 = tpu.memref_slice %arg3[%mul3A_862] : memref<320000xi32, #tpu.memory_space<hbm>> -> memref<64xi32, #tpu.memory_space<hbm>>
        tpu.enqueue_dma source(%dma_start3A_871 : memref<64xi32, #tpu.memory_space<hbm>>) target(%dma_start3A_870 : memref<64xi32, #tpu.memory_space<vmem>>) target_semaphore(%arg14 : memref<!tpu.dma_semaphore, #tpu.memory_space<semaphore_mem>>)
        %dma_start3A_872 = arith.constant 0 : i32
        %dma_start3A_873 = arith.constant 0 : i32
        %dma_start3A_874 = arith.constant 0 : i32
        %dma_start3A_875 = tpu.memref_slice %arg10[%dma_start3A_872, %dma_start3A_873, %dma_start3A_874] : memref<8x64x64xf32, #tpu.memory_space<vmem>> -> memref<1x64x64xf32, #tpu.memory_space<vmem>>
        %dma_start3A_876 = tpu.memref_squeeze %dma_start3A_875 : memref<1x64x64xf32, #tpu.memory_space<vmem>> -> memref<64x64xf32, #tpu.memory_space<vmem>>
        %dma_start3A_877 = tpu.memref_slice %arg2[%mul3A_862, %mul3A_0] : memref<320000x128xf32, #tpu.memory_space<hbm>> -> memref<64x64xf32, #tpu.memory_space<hbm>>
        %dma_start3A_878 = arith.constant 0 : i32
        %dma_start3A_879 = arith.constant 0 : i32
        %dma_start3A_880 = tpu.memref_slice %arg10[%dma_start3A_872, %dma_start3A_878, %dma_start3A_879] : memref<8x64x64xf32, #tpu.memory_space<vmem>> -> memref<1x64x64xf32, #tpu.memory_space<vmem>>
        %dma_start3A_881 = tpu.memref_squeeze %dma_start3A_880 : memref<1x64x64xf32, #tpu.memory_space<vmem>> -> memref<64x64xf32, #tpu.memory_space<vmem>>
        %dma_start3A_882 = tpu.memref_slice %arg2[%mul3A_862, %mul3A_0] : memref<320000x128xf32, #tpu.memory_space<hbm>> -> memref<64x64xf32, #tpu.memory_space<hbm>>
        tpu.enqueue_dma source(%dma_start3A_882 : memref<64x64xf32, #tpu.memory_space<hbm>>) target(%dma_start3A_881 : memref<64x64xf32, #tpu.memory_space<vmem>>) target_semaphore(%arg14 : memref<!tpu.dma_semaphore, #tpu.memory_space<semaphore_mem>>)
      } else {
      }
      %mul3A_479 = arith.constant 8 : i32
      %mul3A_480 = arith.muli %scan3A_355, %mul3A_479 : i32
      %add3A_481 = arith.constant 2 : i32
      %add3A_482 = arith.addi %mul3A_480, %add3A_481 : i32
      %add3A_483 = arith.constant 2048 : i32
      %add3A_484 = arith.addi %add3A_483, %arg1 : i32
      %mul3A_485 = arith.constant 16 : i32
      %mul3A_486 = arith.muli %add3A_482, %mul3A_485 : i32
      %add3A_487 = arith.addi %add3A_484, %mul3A_486 : i32
      %mul3A_488 = arith.constant 64 : i32
      %mul3A_489 = arith.muli %add3A_487, %mul3A_488 : i32
      %dma_wait3A_490 = arith.constant 2 : i32
      %dma_wait3A_491 = arith.constant 0 : i32
      %dma_wait3A_492 = tpu.memref_slice %arg9[%dma_wait3A_490, %dma_wait3A_491] : memref<8x64xi32, #tpu.memory_space<vmem>> -> memref<1x64xi32, #tpu.memory_space<vmem>>
      %dma_wait3A_493 = tpu.memref_squeeze %dma_wait3A_492 : memref<1x64xi32, #tpu.memory_space<vmem>> -> memref<64xi32, #tpu.memory_space<vmem>>
      %dma_wait3A_494 = tpu.memref_slice %arg3[%mul3A_489] : memref<320000xi32, #tpu.memory_space<hbm>> -> memref<64xi32, #tpu.memory_space<hbm>>
      %dma_wait3A_495 = arith.constant 0 : i32
      %dma_wait3A_496 = tpu.memref_slice %arg9[%dma_wait3A_490, %dma_wait3A_495] : memref<8x64xi32, #tpu.memory_space<vmem>> -> memref<1x64xi32, #tpu.memory_space<vmem>>
      %dma_wait3A_497 = tpu.memref_squeeze %dma_wait3A_496 : memref<1x64xi32, #tpu.memory_space<vmem>> -> memref<64xi32, #tpu.memory_space<vmem>>
      %dma_wait3A_498 = tpu.memref_slice %arg3[%mul3A_489] : memref<320000xi32, #tpu.memory_space<hbm>> -> memref<64xi32, #tpu.memory_space<hbm>>
      tpu.wait_dma2 semaphore(%arg16 : memref<!tpu.dma_semaphore, #tpu.memory_space<semaphore_mem>>) src(%dma_wait3A_498 : memref<64xi32, #tpu.memory_space<hbm>>) dst(%dma_wait3A_497 : memref<64xi32, #tpu.memory_space<vmem>>)
      %dma_wait3A_499 = arith.constant 2 : i32
      %dma_wait3A_500 = arith.constant 0 : i32
      %dma_wait3A_501 = arith.constant 0 : i32
      %dma_wait3A_502 = tpu.memref_slice %arg10[%dma_wait3A_499, %dma_wait3A_500, %dma_wait3A_501] : memref<8x64x64xf32, #tpu.memory_space<vmem>> -> memref<1x64x64xf32, #tpu.memory_space<vmem>>
      %dma_wait3A_503 = tpu.memref_squeeze %dma_wait3A_502 : memref<1x64x64xf32, #tpu.memory_space<vmem>> -> memref<64x64xf32, #tpu.memory_space<vmem>>
      %dma_wait3A_504 = tpu.memref_slice %arg2[%mul3A_489, %mul3A_0] : memref<320000x128xf32, #tpu.memory_space<hbm>> -> memref<64x64xf32, #tpu.memory_space<hbm>>
      %dma_wait3A_505 = arith.constant 0 : i32
      %dma_wait3A_506 = arith.constant 0 : i32
      %dma_wait3A_507 = tpu.memref_slice %arg10[%dma_wait3A_499, %dma_wait3A_505, %dma_wait3A_506] : memref<8x64x64xf32, #tpu.memory_space<vmem>> -> memref<1x64x64xf32, #tpu.memory_space<vmem>>
      %dma_wait3A_508 = tpu.memref_squeeze %dma_wait3A_507 : memref<1x64x64xf32, #tpu.memory_space<vmem>> -> memref<64x64xf32, #tpu.memory_space<vmem>>
      %dma_wait3A_509 = tpu.memref_slice %arg2[%mul3A_489, %mul3A_0] : memref<320000x128xf32, #tpu.memory_space<hbm>> -> memref<64x64xf32, #tpu.memory_space<hbm>>
      tpu.wait_dma2 semaphore(%arg16 : memref<!tpu.dma_semaphore, #tpu.memory_space<semaphore_mem>>) src(%dma_wait3A_509 : memref<64x64xf32, #tpu.memory_space<hbm>>) dst(%dma_wait3A_508 : memref<64x64xf32, #tpu.memory_space<vmem>>)
      %dma_start3A_510 = arith.constant 2 : i32
      %dma_start3A_511 = arith.constant 2 : i32
      %dma_start3A_512 = arith.constant 0 : i32
      %dma_start3A_513 = arith.constant 0 : i32
      %dma_start3A_514 = tpu.memref_slice %arg10[%dma_start3A_510, %dma_start3A_512, %dma_start3A_513] : memref<8x64x64xf32, #tpu.memory_space<vmem>> -> memref<1x64x64xf32, #tpu.memory_space<vmem>>
      %dma_start3A_515 = tpu.memref_squeeze %dma_start3A_514 : memref<1x64x64xf32, #tpu.memory_space<vmem>> -> memref<64x64xf32, #tpu.memory_space<vmem>>
      %dma_start3A_516 = arith.constant 0 : i32
      %dma_start3A_517 = tpu.memref_slice %arg9[%dma_start3A_511, %dma_start3A_516] : memref<8x64xi32, #tpu.memory_space<vmem>> -> memref<1x64xi32, #tpu.memory_space<vmem>>
      %dma_start3A_518 = tpu.memref_squeeze %dma_start3A_517 : memref<1x64xi32, #tpu.memory_space<vmem>> -> memref<64xi32, #tpu.memory_space<vmem>>
      %dma_start3A_519 = arith.constant 0 : i32
      %dma_start3A_520 = arith.constant 0 : i32
      %dma_start3A_521 = tpu.memref_slice %arg12[%dma_start3A_519, %dma_start3A_520] : memref<10000x64xf32, #tpu.memory_space<vmem_shared>> -> memref<10000x64xf32, #tpu.memory_space<vmem_shared>>
      tpu.enqueue_indirect_dma source(%dma_start3A_515 : memref<64x64xf32, #tpu.memory_space<vmem>>) target(%dma_start3A_521 : memref<10000x64xf32, #tpu.memory_space<vmem_shared>>) offsets(%dma_start3A_518 : memref<64xi32, #tpu.memory_space<vmem>>) semaphore(%arg24 : memref<!tpu.dma_semaphore, #tpu.memory_space<semaphore_mem>>) {add = true}
      %eq3A_522 = arith.constant 0 : i32
      %eq3A_523 = arith.cmpi eq, %arg0, %eq3A_522 : i32
      %convert_element_type3A_524 = arith.extui %eq3A_523 : i1 to i32
      %cond3A_525 = arith.constant 0 : i32
      %cond3A_526 = arith.cmpi ne, %convert_element_type3A_524, %cond3A_525 : i32
      scf.if %cond3A_526 {
        %dma_start3A_852 = arith.constant 2 : i32
        %dma_start3A_853 = arith.constant 0 : i32
        %dma_start3A_854 = tpu.memref_slice %arg9[%dma_start3A_852, %dma_start3A_853] : memref<8x64xi32, #tpu.memory_space<vmem>> -> memref<1x64xi32, #tpu.memory_space<vmem>>
        %dma_start3A_855 = tpu.memref_squeeze %dma_start3A_854 : memref<1x64xi32, #tpu.memory_space<vmem>> -> memref<64xi32, #tpu.memory_space<vmem>>
        %dma_start3A_856 = arith.constant 0 : i32
        %dma_start3A_857 = arith.constant 0 : i32
        %dma_start3A_858 = tpu.memref_slice %arg13[%dma_start3A_856, %dma_start3A_857] : memref<10000x8xf32, #tpu.memory_space<vmem_shared>> -> memref<10000x8xf32, #tpu.memory_space<vmem_shared>>
        tpu.enqueue_indirect_dma source(%arg11 : memref<64x8xf32, #tpu.memory_space<vmem>>) target(%dma_start3A_858 : memref<10000x8xf32, #tpu.memory_space<vmem_shared>>) offsets(%dma_start3A_855 : memref<64xi32, #tpu.memory_space<vmem>>) semaphore(%arg32 : memref<!tpu.dma_semaphore, #tpu.memory_space<semaphore_mem>>) {add = true}
      } else {
      }
      %ge3A_527 = arith.constant 1 : i32
      %ge3A_528 = arith.cmpi sge, %add3A_482, %ge3A_527 : i32
      %convert_element_type3A_529 = arith.extui %ge3A_528 : i1 to i32
      %cond3A_530 = arith.constant 0 : i32
      %cond3A_531 = arith.cmpi ne, %convert_element_type3A_529, %cond3A_530 : i32
      scf.if %cond3A_531 {
        %dma_wait3A_852 = arith.constant 1 : i32
        %dma_wait3A_853 = arith.constant 1 : i32
        %dma_wait3A_854 = arith.constant 0 : i32
        %dma_wait3A_855 = arith.constant 0 : i32
        %dma_wait3A_856 = tpu.memref_slice %arg10[%dma_wait3A_852, %dma_wait3A_854, %dma_wait3A_855] : memref<8x64x64xf32, #tpu.memory_space<vmem>> -> memref<1x64x64xf32, #tpu.memory_space<vmem>>
        %dma_wait3A_857 = tpu.memref_squeeze %dma_wait3A_856 : memref<1x64x64xf32, #tpu.memory_space<vmem>> -> memref<64x64xf32, #tpu.memory_space<vmem>>
        %dma_wait3A_858 = arith.constant 0 : i32
        %dma_wait3A_859 = tpu.memref_slice %arg9[%dma_wait3A_853, %dma_wait3A_858] : memref<8x64xi32, #tpu.memory_space<vmem>> -> memref<1x64xi32, #tpu.memory_space<vmem>>
        %dma_wait3A_860 = tpu.memref_squeeze %dma_wait3A_859 : memref<1x64xi32, #tpu.memory_space<vmem>> -> memref<64xi32, #tpu.memory_space<vmem>>
        %dma_wait3A_861 = arith.constant 0 : i32
        %dma_wait3A_862 = arith.constant 0 : i32
        %dma_wait3A_863 = tpu.memref_slice %arg12[%dma_wait3A_861, %dma_wait3A_862] : memref<10000x64xf32, #tpu.memory_space<vmem_shared>> -> memref<10000x64xf32, #tpu.memory_space<vmem_shared>>
        tpu.wait_indirect_dma semaphore(%arg23 : memref<!tpu.dma_semaphore, #tpu.memory_space<semaphore_mem>>) src(%dma_wait3A_857 : memref<64x64xf32, #tpu.memory_space<vmem>>) dst(%dma_wait3A_863 : memref<10000x64xf32, #tpu.memory_space<vmem_shared>>)
        %eq3A_864 = arith.constant 0 : i32
        %eq3A_865 = arith.cmpi eq, %arg0, %eq3A_864 : i32
        %convert_element_type3A_866 = arith.extui %eq3A_865 : i1 to i32
        %cond3A_867 = arith.constant 0 : i32
        %cond3A_868 = arith.cmpi ne, %convert_element_type3A_866, %cond3A_867 : i32
        scf.if %cond3A_868 {
          %dma_wait3A_869 = arith.constant 1 : i32
          %dma_wait3A_870 = arith.constant 0 : i32
          %dma_wait3A_871 = tpu.memref_slice %arg9[%dma_wait3A_869, %dma_wait3A_870] : memref<8x64xi32, #tpu.memory_space<vmem>> -> memref<1x64xi32, #tpu.memory_space<vmem>>
          %dma_wait3A_872 = tpu.memref_squeeze %dma_wait3A_871 : memref<1x64xi32, #tpu.memory_space<vmem>> -> memref<64xi32, #tpu.memory_space<vmem>>
          %dma_wait3A_873 = arith.constant 0 : i32
          %dma_wait3A_874 = arith.constant 0 : i32
          %dma_wait3A_875 = tpu.memref_slice %arg13[%dma_wait3A_873, %dma_wait3A_874] : memref<10000x8xf32, #tpu.memory_space<vmem_shared>> -> memref<10000x8xf32, #tpu.memory_space<vmem_shared>>
          tpu.wait_indirect_dma semaphore(%arg31 : memref<!tpu.dma_semaphore, #tpu.memory_space<semaphore_mem>>) src(%arg11 : memref<64x8xf32, #tpu.memory_space<vmem>>) dst(%dma_wait3A_875 : memref<10000x8xf32, #tpu.memory_space<vmem_shared>>)
        } else {
        }
      } else {
      }
      %add3A_532 = arith.constant 8 : i32
      %add3A_533 = arith.addi %add3A_482, %add3A_532 : i32
      %sub3A_534 = arith.constant 1 : i32
      %sub3A_535 = arith.subi %add3A_533, %sub3A_534 : i32
      %lt3A_536 = arith.constant 184 : i32
      %lt3A_537 = arith.cmpi slt, %sub3A_535, %lt3A_536 : i32
      %convert_element_type3A_538 = arith.extui %lt3A_537 : i1 to i32
      %cond3A_539 = arith.constant 0 : i32
      %cond3A_540 = arith.cmpi ne, %convert_element_type3A_538, %cond3A_539 : i32
      scf.if %cond3A_540 {
        %add3A_852 = arith.constant 8 : i32
        %add3A_853 = arith.addi %add3A_482, %add3A_852 : i32
        %sub3A_854 = arith.constant 1 : i32
        %sub3A_855 = arith.subi %add3A_853, %sub3A_854 : i32
        %add3A_856 = arith.constant 2048 : i32
        %add3A_857 = arith.addi %add3A_856, %arg1 : i32
        %mul3A_858 = arith.constant 16 : i32
        %mul3A_859 = arith.muli %sub3A_855, %mul3A_858 : i32
        %add3A_860 = arith.addi %add3A_857, %mul3A_859 : i32
        %mul3A_861 = arith.constant 64 : i32
        %mul3A_862 = arith.muli %add3A_860, %mul3A_861 : i32
        %dma_start3A_863 = arith.constant 1 : i32
        %dma_start3A_864 = arith.constant 0 : i32
        %dma_start3A_865 = tpu.memref_slice %arg9[%dma_start3A_863, %dma_start3A_864] : memref<8x64xi32, #tpu.memory_space<vmem>> -> memref<1x64xi32, #tpu.memory_space<vmem>>
        %dma_start3A_866 = tpu.memref_squeeze %dma_start3A_865 : memref<1x64xi32, #tpu.memory_space<vmem>> -> memref<64xi32, #tpu.memory_space<vmem>>
        %dma_start3A_867 = tpu.memref_slice %arg3[%mul3A_862] : memref<320000xi32, #tpu.memory_space<hbm>> -> memref<64xi32, #tpu.memory_space<hbm>>
        %dma_start3A_868 = arith.constant 0 : i32
        %dma_start3A_869 = tpu.memref_slice %arg9[%dma_start3A_863, %dma_start3A_868] : memref<8x64xi32, #tpu.memory_space<vmem>> -> memref<1x64xi32, #tpu.memory_space<vmem>>
        %dma_start3A_870 = tpu.memref_squeeze %dma_start3A_869 : memref<1x64xi32, #tpu.memory_space<vmem>> -> memref<64xi32, #tpu.memory_space<vmem>>
        %dma_start3A_871 = tpu.memref_slice %arg3[%mul3A_862] : memref<320000xi32, #tpu.memory_space<hbm>> -> memref<64xi32, #tpu.memory_space<hbm>>
        tpu.enqueue_dma source(%dma_start3A_871 : memref<64xi32, #tpu.memory_space<hbm>>) target(%dma_start3A_870 : memref<64xi32, #tpu.memory_space<vmem>>) target_semaphore(%arg15 : memref<!tpu.dma_semaphore, #tpu.memory_space<semaphore_mem>>)
        %dma_start3A_872 = arith.constant 1 : i32
        %dma_start3A_873 = arith.constant 0 : i32
        %dma_start3A_874 = arith.constant 0 : i32
        %dma_start3A_875 = tpu.memref_slice %arg10[%dma_start3A_872, %dma_start3A_873, %dma_start3A_874] : memref<8x64x64xf32, #tpu.memory_space<vmem>> -> memref<1x64x64xf32, #tpu.memory_space<vmem>>
        %dma_start3A_876 = tpu.memref_squeeze %dma_start3A_875 : memref<1x64x64xf32, #tpu.memory_space<vmem>> -> memref<64x64xf32, #tpu.memory_space<vmem>>
        %dma_start3A_877 = tpu.memref_slice %arg2[%mul3A_862, %mul3A_0] : memref<320000x128xf32, #tpu.memory_space<hbm>> -> memref<64x64xf32, #tpu.memory_space<hbm>>
        %dma_start3A_878 = arith.constant 0 : i32
        %dma_start3A_879 = arith.constant 0 : i32
        %dma_start3A_880 = tpu.memref_slice %arg10[%dma_start3A_872, %dma_start3A_878, %dma_start3A_879] : memref<8x64x64xf32, #tpu.memory_space<vmem>> -> memref<1x64x64xf32, #tpu.memory_space<vmem>>
        %dma_start3A_881 = tpu.memref_squeeze %dma_start3A_880 : memref<1x64x64xf32, #tpu.memory_space<vmem>> -> memref<64x64xf32, #tpu.memory_space<vmem>>
        %dma_start3A_882 = tpu.memref_slice %arg2[%mul3A_862, %mul3A_0] : memref<320000x128xf32, #tpu.memory_space<hbm>> -> memref<64x64xf32, #tpu.memory_space<hbm>>
        tpu.enqueue_dma source(%dma_start3A_882 : memref<64x64xf32, #tpu.memory_space<hbm>>) target(%dma_start3A_881 : memref<64x64xf32, #tpu.memory_space<vmem>>) target_semaphore(%arg15 : memref<!tpu.dma_semaphore, #tpu.memory_space<semaphore_mem>>)
      } else {
      }
      %mul3A_541 = arith.constant 8 : i32
      %mul3A_542 = arith.muli %scan3A_355, %mul3A_541 : i32
      %add3A_543 = arith.constant 3 : i32
      %add3A_544 = arith.addi %mul3A_542, %add3A_543 : i32
      %add3A_545 = arith.constant 2048 : i32
      %add3A_546 = arith.addi %add3A_545, %arg1 : i32
      %mul3A_547 = arith.constant 16 : i32
      %mul3A_548 = arith.muli %add3A_544, %mul3A_547 : i32
      %add3A_549 = arith.addi %add3A_546, %mul3A_548 : i32
      %mul3A_550 = arith.constant 64 : i32
      %mul3A_551 = arith.muli %add3A_549, %mul3A_550 : i32
      %dma_wait3A_552 = arith.constant 3 : i32
      %dma_wait3A_553 = arith.constant 0 : i32
      %dma_wait3A_554 = tpu.memref_slice %arg9[%dma_wait3A_552, %dma_wait3A_553] : memref<8x64xi32, #tpu.memory_space<vmem>> -> memref<1x64xi32, #tpu.memory_space<vmem>>
      %dma_wait3A_555 = tpu.memref_squeeze %dma_wait3A_554 : memref<1x64xi32, #tpu.memory_space<vmem>> -> memref<64xi32, #tpu.memory_space<vmem>>
      %dma_wait3A_556 = tpu.memref_slice %arg3[%mul3A_551] : memref<320000xi32, #tpu.memory_space<hbm>> -> memref<64xi32, #tpu.memory_space<hbm>>
      %dma_wait3A_557 = arith.constant 0 : i32
      %dma_wait3A_558 = tpu.memref_slice %arg9[%dma_wait3A_552, %dma_wait3A_557] : memref<8x64xi32, #tpu.memory_space<vmem>> -> memref<1x64xi32, #tpu.memory_space<vmem>>
      %dma_wait3A_559 = tpu.memref_squeeze %dma_wait3A_558 : memref<1x64xi32, #tpu.memory_space<vmem>> -> memref<64xi32, #tpu.memory_space<vmem>>
      %dma_wait3A_560 = tpu.memref_slice %arg3[%mul3A_551] : memref<320000xi32, #tpu.memory_space<hbm>> -> memref<64xi32, #tpu.memory_space<hbm>>
      tpu.wait_dma2 semaphore(%arg17 : memref<!tpu.dma_semaphore, #tpu.memory_space<semaphore_mem>>) src(%dma_wait3A_560 : memref<64xi32, #tpu.memory_space<hbm>>) dst(%dma_wait3A_559 : memref<64xi32, #tpu.memory_space<vmem>>)
      %dma_wait3A_561 = arith.constant 3 : i32
      %dma_wait3A_562 = arith.constant 0 : i32
      %dma_wait3A_563 = arith.constant 0 : i32
      %dma_wait3A_564 = tpu.memref_slice %arg10[%dma_wait3A_561, %dma_wait3A_562, %dma_wait3A_563] : memref<8x64x64xf32, #tpu.memory_space<vmem>> -> memref<1x64x64xf32, #tpu.memory_space<vmem>>
      %dma_wait3A_565 = tpu.memref_squeeze %dma_wait3A_564 : memref<1x64x64xf32, #tpu.memory_space<vmem>> -> memref<64x64xf32, #tpu.memory_space<vmem>>
      %dma_wait3A_566 = tpu.memref_slice %arg2[%mul3A_551, %mul3A_0] : memref<320000x128xf32, #tpu.memory_space<hbm>> -> memref<64x64xf32, #tpu.memory_space<hbm>>
      %dma_wait3A_567 = arith.constant 0 : i32
      %dma_wait3A_568 = arith.constant 0 : i32
      %dma_wait3A_569 = tpu.memref_slice %arg10[%dma_wait3A_561, %dma_wait3A_567, %dma_wait3A_568] : memref<8x64x64xf32, #tpu.memory_space<vmem>> -> memref<1x64x64xf32, #tpu.memory_space<vmem>>
      %dma_wait3A_570 = tpu.memref_squeeze %dma_wait3A_569 : memref<1x64x64xf32, #tpu.memory_space<vmem>> -> memref<64x64xf32, #tpu.memory_space<vmem>>
      %dma_wait3A_571 = tpu.memref_slice %arg2[%mul3A_551, %mul3A_0] : memref<320000x128xf32, #tpu.memory_space<hbm>> -> memref<64x64xf32, #tpu.memory_space<hbm>>
      tpu.wait_dma2 semaphore(%arg17 : memref<!tpu.dma_semaphore, #tpu.memory_space<semaphore_mem>>) src(%dma_wait3A_571 : memref<64x64xf32, #tpu.memory_space<hbm>>) dst(%dma_wait3A_570 : memref<64x64xf32, #tpu.memory_space<vmem>>)
      %dma_start3A_572 = arith.constant 3 : i32
      %dma_start3A_573 = arith.constant 3 : i32
      %dma_start3A_574 = arith.constant 0 : i32
      %dma_start3A_575 = arith.constant 0 : i32
      %dma_start3A_576 = tpu.memref_slice %arg10[%dma_start3A_572, %dma_start3A_574, %dma_start3A_575] : memref<8x64x64xf32, #tpu.memory_space<vmem>> -> memref<1x64x64xf32, #tpu.memory_space<vmem>>
      %dma_start3A_577 = tpu.memref_squeeze %dma_start3A_576 : memref<1x64x64xf32, #tpu.memory_space<vmem>> -> memref<64x64xf32, #tpu.memory_space<vmem>>
      %dma_start3A_578 = arith.constant 0 : i32
      %dma_start3A_579 = tpu.memref_slice %arg9[%dma_start3A_573, %dma_start3A_578] : memref<8x64xi32, #tpu.memory_space<vmem>> -> memref<1x64xi32, #tpu.memory_space<vmem>>
      %dma_start3A_580 = tpu.memref_squeeze %dma_start3A_579 : memref<1x64xi32, #tpu.memory_space<vmem>> -> memref<64xi32, #tpu.memory_space<vmem>>
      %dma_start3A_581 = arith.constant 0 : i32
      %dma_start3A_582 = arith.constant 0 : i32
      %dma_start3A_583 = tpu.memref_slice %arg12[%dma_start3A_581, %dma_start3A_582] : memref<10000x64xf32, #tpu.memory_space<vmem_shared>> -> memref<10000x64xf32, #tpu.memory_space<vmem_shared>>
      tpu.enqueue_indirect_dma source(%dma_start3A_577 : memref<64x64xf32, #tpu.memory_space<vmem>>) target(%dma_start3A_583 : memref<10000x64xf32, #tpu.memory_space<vmem_shared>>) offsets(%dma_start3A_580 : memref<64xi32, #tpu.memory_space<vmem>>) semaphore(%arg25 : memref<!tpu.dma_semaphore, #tpu.memory_space<semaphore_mem>>) {add = true}
      %eq3A_584 = arith.constant 0 : i32
      %eq3A_585 = arith.cmpi eq, %arg0, %eq3A_584 : i32
      %convert_element_type3A_586 = arith.extui %eq3A_585 : i1 to i32
      %cond3A_587 = arith.constant 0 : i32
      %cond3A_588 = arith.cmpi ne, %convert_element_type3A_586, %cond3A_587 : i32
      scf.if %cond3A_588 {
        %dma_start3A_852 = arith.constant 3 : i32
        %dma_start3A_853 = arith.constant 0 : i32
        %dma_start3A_854 = tpu.memref_slice %arg9[%dma_start3A_852, %dma_start3A_853] : memref<8x64xi32, #tpu.memory_space<vmem>> -> memref<1x64xi32, #tpu.memory_space<vmem>>
        %dma_start3A_855 = tpu.memref_squeeze %dma_start3A_854 : memref<1x64xi32, #tpu.memory_space<vmem>> -> memref<64xi32, #tpu.memory_space<vmem>>
        %dma_start3A_856 = arith.constant 0 : i32
        %dma_start3A_857 = arith.constant 0 : i32
        %dma_start3A_858 = tpu.memref_slice %arg13[%dma_start3A_856, %dma_start3A_857] : memref<10000x8xf32, #tpu.memory_space<vmem_shared>> -> memref<10000x8xf32, #tpu.memory_space<vmem_shared>>
        tpu.enqueue_indirect_dma source(%arg11 : memref<64x8xf32, #tpu.memory_space<vmem>>) target(%dma_start3A_858 : memref<10000x8xf32, #tpu.memory_space<vmem_shared>>) offsets(%dma_start3A_855 : memref<64xi32, #tpu.memory_space<vmem>>) semaphore(%arg33 : memref<!tpu.dma_semaphore, #tpu.memory_space<semaphore_mem>>) {add = true}
      } else {
      }
      %ge3A_589 = arith.constant 1 : i32
      %ge3A_590 = arith.cmpi sge, %add3A_544, %ge3A_589 : i32
      %convert_element_type3A_591 = arith.extui %ge3A_590 : i1 to i32
      %cond3A_592 = arith.constant 0 : i32
      %cond3A_593 = arith.cmpi ne, %convert_element_type3A_591, %cond3A_592 : i32
      scf.if %cond3A_593 {
        %dma_wait3A_852 = arith.constant 2 : i32
        %dma_wait3A_853 = arith.constant 2 : i32
        %dma_wait3A_854 = arith.constant 0 : i32
        %dma_wait3A_855 = arith.constant 0 : i32
        %dma_wait3A_856 = tpu.memref_slice %arg10[%dma_wait3A_852, %dma_wait3A_854, %dma_wait3A_855] : memref<8x64x64xf32, #tpu.memory_space<vmem>> -> memref<1x64x64xf32, #tpu.memory_space<vmem>>
        %dma_wait3A_857 = tpu.memref_squeeze %dma_wait3A_856 : memref<1x64x64xf32, #tpu.memory_space<vmem>> -> memref<64x64xf32, #tpu.memory_space<vmem>>
        %dma_wait3A_858 = arith.constant 0 : i32
        %dma_wait3A_859 = tpu.memref_slice %arg9[%dma_wait3A_853, %dma_wait3A_858] : memref<8x64xi32, #tpu.memory_space<vmem>> -> memref<1x64xi32, #tpu.memory_space<vmem>>
        %dma_wait3A_860 = tpu.memref_squeeze %dma_wait3A_859 : memref<1x64xi32, #tpu.memory_space<vmem>> -> memref<64xi32, #tpu.memory_space<vmem>>
        %dma_wait3A_861 = arith.constant 0 : i32
        %dma_wait3A_862 = arith.constant 0 : i32
        %dma_wait3A_863 = tpu.memref_slice %arg12[%dma_wait3A_861, %dma_wait3A_862] : memref<10000x64xf32, #tpu.memory_space<vmem_shared>> -> memref<10000x64xf32, #tpu.memory_space<vmem_shared>>
        tpu.wait_indirect_dma semaphore(%arg24 : memref<!tpu.dma_semaphore, #tpu.memory_space<semaphore_mem>>) src(%dma_wait3A_857 : memref<64x64xf32, #tpu.memory_space<vmem>>) dst(%dma_wait3A_863 : memref<10000x64xf32, #tpu.memory_space<vmem_shared>>)
        %eq3A_864 = arith.constant 0 : i32
        %eq3A_865 = arith.cmpi eq, %arg0, %eq3A_864 : i32
        %convert_element_type3A_866 = arith.extui %eq3A_865 : i1 to i32
        %cond3A_867 = arith.constant 0 : i32
        %cond3A_868 = arith.cmpi ne, %convert_element_type3A_866, %cond3A_867 : i32
        scf.if %cond3A_868 {
          %dma_wait3A_869 = arith.constant 2 : i32
          %dma_wait3A_870 = arith.constant 0 : i32
          %dma_wait3A_871 = tpu.memref_slice %arg9[%dma_wait3A_869, %dma_wait3A_870] : memref<8x64xi32, #tpu.memory_space<vmem>> -> memref<1x64xi32, #tpu.memory_space<vmem>>
          %dma_wait3A_872 = tpu.memref_squeeze %dma_wait3A_871 : memref<1x64xi32, #tpu.memory_space<vmem>> -> memref<64xi32, #tpu.memory_space<vmem>>
          %dma_wait3A_873 = arith.constant 0 : i32
          %dma_wait3A_874 = arith.constant 0 : i32
          %dma_wait3A_875 = tpu.memref_slice %arg13[%dma_wait3A_873, %dma_wait3A_874] : memref<10000x8xf32, #tpu.memory_space<vmem_shared>> -> memref<10000x8xf32, #tpu.memory_space<vmem_shared>>
          tpu.wait_indirect_dma semaphore(%arg32 : memref<!tpu.dma_semaphore, #tpu.memory_space<semaphore_mem>>) src(%arg11 : memref<64x8xf32, #tpu.memory_space<vmem>>) dst(%dma_wait3A_875 : memref<10000x8xf32, #tpu.memory_space<vmem_shared>>)
        } else {
        }
      } else {
      }
      %add3A_594 = arith.constant 8 : i32
      %add3A_595 = arith.addi %add3A_544, %add3A_594 : i32
      %sub3A_596 = arith.constant 1 : i32
      %sub3A_597 = arith.subi %add3A_595, %sub3A_596 : i32
      %lt3A_598 = arith.constant 184 : i32
      %lt3A_599 = arith.cmpi slt, %sub3A_597, %lt3A_598 : i32
      %convert_element_type3A_600 = arith.extui %lt3A_599 : i1 to i32
      %cond3A_601 = arith.constant 0 : i32
      %cond3A_602 = arith.cmpi ne, %convert_element_type3A_600, %cond3A_601 : i32
      scf.if %cond3A_602 {
        %add3A_852 = arith.constant 8 : i32
        %add3A_853 = arith.addi %add3A_544, %add3A_852 : i32
        %sub3A_854 = arith.constant 1 : i32
        %sub3A_855 = arith.subi %add3A_853, %sub3A_854 : i32
        %add3A_856 = arith.constant 2048 : i32
        %add3A_857 = arith.addi %add3A_856, %arg1 : i32
        %mul3A_858 = arith.constant 16 : i32
        %mul3A_859 = arith.muli %sub3A_855, %mul3A_858 : i32
        %add3A_860 = arith.addi %add3A_857, %mul3A_859 : i32
        %mul3A_861 = arith.constant 64 : i32
        %mul3A_862 = arith.muli %add3A_860, %mul3A_861 : i32
        %dma_start3A_863 = arith.constant 2 : i32
        %dma_start3A_864 = arith.constant 0 : i32
        %dma_start3A_865 = tpu.memref_slice %arg9[%dma_start3A_863, %dma_start3A_864] : memref<8x64xi32, #tpu.memory_space<vmem>> -> memref<1x64xi32, #tpu.memory_space<vmem>>
        %dma_start3A_866 = tpu.memref_squeeze %dma_start3A_865 : memref<1x64xi32, #tpu.memory_space<vmem>> -> memref<64xi32, #tpu.memory_space<vmem>>
        %dma_start3A_867 = tpu.memref_slice %arg3[%mul3A_862] : memref<320000xi32, #tpu.memory_space<hbm>> -> memref<64xi32, #tpu.memory_space<hbm>>
        %dma_start3A_868 = arith.constant 0 : i32
        %dma_start3A_869 = tpu.memref_slice %arg9[%dma_start3A_863, %dma_start3A_868] : memref<8x64xi32, #tpu.memory_space<vmem>> -> memref<1x64xi32, #tpu.memory_space<vmem>>
        %dma_start3A_870 = tpu.memref_squeeze %dma_start3A_869 : memref<1x64xi32, #tpu.memory_space<vmem>> -> memref<64xi32, #tpu.memory_space<vmem>>
        %dma_start3A_871 = tpu.memref_slice %arg3[%mul3A_862] : memref<320000xi32, #tpu.memory_space<hbm>> -> memref<64xi32, #tpu.memory_space<hbm>>
        tpu.enqueue_dma source(%dma_start3A_871 : memref<64xi32, #tpu.memory_space<hbm>>) target(%dma_start3A_870 : memref<64xi32, #tpu.memory_space<vmem>>) target_semaphore(%arg16 : memref<!tpu.dma_semaphore, #tpu.memory_space<semaphore_mem>>)
        %dma_start3A_872 = arith.constant 2 : i32
        %dma_start3A_873 = arith.constant 0 : i32
        %dma_start3A_874 = arith.constant 0 : i32
        %dma_start3A_875 = tpu.memref_slice %arg10[%dma_start3A_872, %dma_start3A_873, %dma_start3A_874] : memref<8x64x64xf32, #tpu.memory_space<vmem>> -> memref<1x64x64xf32, #tpu.memory_space<vmem>>
        %dma_start3A_876 = tpu.memref_squeeze %dma_start3A_875 : memref<1x64x64xf32, #tpu.memory_space<vmem>> -> memref<64x64xf32, #tpu.memory_space<vmem>>
        %dma_start3A_877 = tpu.memref_slice %arg2[%mul3A_862, %mul3A_0] : memref<320000x128xf32, #tpu.memory_space<hbm>> -> memref<64x64xf32, #tpu.memory_space<hbm>>
        %dma_start3A_878 = arith.constant 0 : i32
        %dma_start3A_879 = arith.constant 0 : i32
        %dma_start3A_880 = tpu.memref_slice %arg10[%dma_start3A_872, %dma_start3A_878, %dma_start3A_879] : memref<8x64x64xf32, #tpu.memory_space<vmem>> -> memref<1x64x64xf32, #tpu.memory_space<vmem>>
        %dma_start3A_881 = tpu.memref_squeeze %dma_start3A_880 : memref<1x64x64xf32, #tpu.memory_space<vmem>> -> memref<64x64xf32, #tpu.memory_space<vmem>>
        %dma_start3A_882 = tpu.memref_slice %arg2[%mul3A_862, %mul3A_0] : memref<320000x128xf32, #tpu.memory_space<hbm>> -> memref<64x64xf32, #tpu.memory_space<hbm>>
        tpu.enqueue_dma source(%dma_start3A_882 : memref<64x64xf32, #tpu.memory_space<hbm>>) target(%dma_start3A_881 : memref<64x64xf32, #tpu.memory_space<vmem>>) target_semaphore(%arg16 : memref<!tpu.dma_semaphore, #tpu.memory_space<semaphore_mem>>)
      } else {
      }
      %mul3A_603 = arith.constant 8 : i32
      %mul3A_604 = arith.muli %scan3A_355, %mul3A_603 : i32
      %add3A_605 = arith.constant 4 : i32
      %add3A_606 = arith.addi %mul3A_604, %add3A_605 : i32
      %add3A_607 = arith.constant 2048 : i32
      %add3A_608 = arith.addi %add3A_607, %arg1 : i32
      %mul3A_609 = arith.constant 16 : i32
      %mul3A_610 = arith.muli %add3A_606, %mul3A_609 : i32
      %add3A_611 = arith.addi %add3A_608, %mul3A_610 : i32
      %mul3A_612 = arith.constant 64 : i32
      %mul3A_613 = arith.muli %add3A_611, %mul3A_612 : i32
      %dma_wait3A_614 = arith.constant 4 : i32
      %dma_wait3A_615 = arith.constant 0 : i32
      %dma_wait3A_616 = tpu.memref_slice %arg9[%dma_wait3A_614, %dma_wait3A_615] : memref<8x64xi32, #tpu.memory_space<vmem>> -> memref<1x64xi32, #tpu.memory_space<vmem>>
      %dma_wait3A_617 = tpu.memref_squeeze %dma_wait3A_616 : memref<1x64xi32, #tpu.memory_space<vmem>> -> memref<64xi32, #tpu.memory_space<vmem>>
      %dma_wait3A_618 = tpu.memref_slice %arg3[%mul3A_613] : memref<320000xi32, #tpu.memory_space<hbm>> -> memref<64xi32, #tpu.memory_space<hbm>>
      %dma_wait3A_619 = arith.constant 0 : i32
      %dma_wait3A_620 = tpu.memref_slice %arg9[%dma_wait3A_614, %dma_wait3A_619] : memref<8x64xi32, #tpu.memory_space<vmem>> -> memref<1x64xi32, #tpu.memory_space<vmem>>
      %dma_wait3A_621 = tpu.memref_squeeze %dma_wait3A_620 : memref<1x64xi32, #tpu.memory_space<vmem>> -> memref<64xi32, #tpu.memory_space<vmem>>
      %dma_wait3A_622 = tpu.memref_slice %arg3[%mul3A_613] : memref<320000xi32, #tpu.memory_space<hbm>> -> memref<64xi32, #tpu.memory_space<hbm>>
      tpu.wait_dma2 semaphore(%arg18 : memref<!tpu.dma_semaphore, #tpu.memory_space<semaphore_mem>>) src(%dma_wait3A_622 : memref<64xi32, #tpu.memory_space<hbm>>) dst(%dma_wait3A_621 : memref<64xi32, #tpu.memory_space<vmem>>)
      %dma_wait3A_623 = arith.constant 4 : i32
      %dma_wait3A_624 = arith.constant 0 : i32
      %dma_wait3A_625 = arith.constant 0 : i32
      %dma_wait3A_626 = tpu.memref_slice %arg10[%dma_wait3A_623, %dma_wait3A_624, %dma_wait3A_625] : memref<8x64x64xf32, #tpu.memory_space<vmem>> -> memref<1x64x64xf32, #tpu.memory_space<vmem>>
      %dma_wait3A_627 = tpu.memref_squeeze %dma_wait3A_626 : memref<1x64x64xf32, #tpu.memory_space<vmem>> -> memref<64x64xf32, #tpu.memory_space<vmem>>
      %dma_wait3A_628 = tpu.memref_slice %arg2[%mul3A_613, %mul3A_0] : memref<320000x128xf32, #tpu.memory_space<hbm>> -> memref<64x64xf32, #tpu.memory_space<hbm>>
      %dma_wait3A_629 = arith.constant 0 : i32
      %dma_wait3A_630 = arith.constant 0 : i32
      %dma_wait3A_631 = tpu.memref_slice %arg10[%dma_wait3A_623, %dma_wait3A_629, %dma_wait3A_630] : memref<8x64x64xf32, #tpu.memory_space<vmem>> -> memref<1x64x64xf32, #tpu.memory_space<vmem>>
      %dma_wait3A_632 = tpu.memref_squeeze %dma_wait3A_631 : memref<1x64x64xf32, #tpu.memory_space<vmem>> -> memref<64x64xf32, #tpu.memory_space<vmem>>
      %dma_wait3A_633 = tpu.memref_slice %arg2[%mul3A_613, %mul3A_0] : memref<320000x128xf32, #tpu.memory_space<hbm>> -> memref<64x64xf32, #tpu.memory_space<hbm>>
      tpu.wait_dma2 semaphore(%arg18 : memref<!tpu.dma_semaphore, #tpu.memory_space<semaphore_mem>>) src(%dma_wait3A_633 : memref<64x64xf32, #tpu.memory_space<hbm>>) dst(%dma_wait3A_632 : memref<64x64xf32, #tpu.memory_space<vmem>>)
      %dma_start3A_634 = arith.constant 4 : i32
      %dma_start3A_635 = arith.constant 4 : i32
      %dma_start3A_636 = arith.constant 0 : i32
      %dma_start3A_637 = arith.constant 0 : i32
      %dma_start3A_638 = tpu.memref_slice %arg10[%dma_start3A_634, %dma_start3A_636, %dma_start3A_637] : memref<8x64x64xf32, #tpu.memory_space<vmem>> -> memref<1x64x64xf32, #tpu.memory_space<vmem>>
      %dma_start3A_639 = tpu.memref_squeeze %dma_start3A_638 : memref<1x64x64xf32, #tpu.memory_space<vmem>> -> memref<64x64xf32, #tpu.memory_space<vmem>>
      %dma_start3A_640 = arith.constant 0 : i32
      %dma_start3A_641 = tpu.memref_slice %arg9[%dma_start3A_635, %dma_start3A_640] : memref<8x64xi32, #tpu.memory_space<vmem>> -> memref<1x64xi32, #tpu.memory_space<vmem>>
      %dma_start3A_642 = tpu.memref_squeeze %dma_start3A_641 : memref<1x64xi32, #tpu.memory_space<vmem>> -> memref<64xi32, #tpu.memory_space<vmem>>
      %dma_start3A_643 = arith.constant 0 : i32
      %dma_start3A_644 = arith.constant 0 : i32
      %dma_start3A_645 = tpu.memref_slice %arg12[%dma_start3A_643, %dma_start3A_644] : memref<10000x64xf32, #tpu.memory_space<vmem_shared>> -> memref<10000x64xf32, #tpu.memory_space<vmem_shared>>
      tpu.enqueue_indirect_dma source(%dma_start3A_639 : memref<64x64xf32, #tpu.memory_space<vmem>>) target(%dma_start3A_645 : memref<10000x64xf32, #tpu.memory_space<vmem_shared>>) offsets(%dma_start3A_642 : memref<64xi32, #tpu.memory_space<vmem>>) semaphore(%arg26 : memref<!tpu.dma_semaphore, #tpu.memory_space<semaphore_mem>>) {add = true}
      %eq3A_646 = arith.constant 0 : i32
      %eq3A_647 = arith.cmpi eq, %arg0, %eq3A_646 : i32
      %convert_element_type3A_648 = arith.extui %eq3A_647 : i1 to i32
      %cond3A_649 = arith.constant 0 : i32
      %cond3A_650 = arith.cmpi ne, %convert_element_type3A_648, %cond3A_649 : i32
      scf.if %cond3A_650 {
        %dma_start3A_852 = arith.constant 4 : i32
        %dma_start3A_853 = arith.constant 0 : i32
        %dma_start3A_854 = tpu.memref_slice %arg9[%dma_start3A_852, %dma_start3A_853] : memref<8x64xi32, #tpu.memory_space<vmem>> -> memref<1x64xi32, #tpu.memory_space<vmem>>
        %dma_start3A_855 = tpu.memref_squeeze %dma_start3A_854 : memref<1x64xi32, #tpu.memory_space<vmem>> -> memref<64xi32, #tpu.memory_space<vmem>>
        %dma_start3A_856 = arith.constant 0 : i32
        %dma_start3A_857 = arith.constant 0 : i32
        %dma_start3A_858 = tpu.memref_slice %arg13[%dma_start3A_856, %dma_start3A_857] : memref<10000x8xf32, #tpu.memory_space<vmem_shared>> -> memref<10000x8xf32, #tpu.memory_space<vmem_shared>>
        tpu.enqueue_indirect_dma source(%arg11 : memref<64x8xf32, #tpu.memory_space<vmem>>) target(%dma_start3A_858 : memref<10000x8xf32, #tpu.memory_space<vmem_shared>>) offsets(%dma_start3A_855 : memref<64xi32, #tpu.memory_space<vmem>>) semaphore(%arg34 : memref<!tpu.dma_semaphore, #tpu.memory_space<semaphore_mem>>) {add = true}
      } else {
      }
      %ge3A_651 = arith.constant 1 : i32
      %ge3A_652 = arith.cmpi sge, %add3A_606, %ge3A_651 : i32
      %convert_element_type3A_653 = arith.extui %ge3A_652 : i1 to i32
      %cond3A_654 = arith.constant 0 : i32
      %cond3A_655 = arith.cmpi ne, %convert_element_type3A_653, %cond3A_654 : i32
      scf.if %cond3A_655 {
        %dma_wait3A_852 = arith.constant 3 : i32
        %dma_wait3A_853 = arith.constant 3 : i32
        %dma_wait3A_854 = arith.constant 0 : i32
        %dma_wait3A_855 = arith.constant 0 : i32
        %dma_wait3A_856 = tpu.memref_slice %arg10[%dma_wait3A_852, %dma_wait3A_854, %dma_wait3A_855] : memref<8x64x64xf32, #tpu.memory_space<vmem>> -> memref<1x64x64xf32, #tpu.memory_space<vmem>>
        %dma_wait3A_857 = tpu.memref_squeeze %dma_wait3A_856 : memref<1x64x64xf32, #tpu.memory_space<vmem>> -> memref<64x64xf32, #tpu.memory_space<vmem>>
        %dma_wait3A_858 = arith.constant 0 : i32
        %dma_wait3A_859 = tpu.memref_slice %arg9[%dma_wait3A_853, %dma_wait3A_858] : memref<8x64xi32, #tpu.memory_space<vmem>> -> memref<1x64xi32, #tpu.memory_space<vmem>>
        %dma_wait3A_860 = tpu.memref_squeeze %dma_wait3A_859 : memref<1x64xi32, #tpu.memory_space<vmem>> -> memref<64xi32, #tpu.memory_space<vmem>>
        %dma_wait3A_861 = arith.constant 0 : i32
        %dma_wait3A_862 = arith.constant 0 : i32
        %dma_wait3A_863 = tpu.memref_slice %arg12[%dma_wait3A_861, %dma_wait3A_862] : memref<10000x64xf32, #tpu.memory_space<vmem_shared>> -> memref<10000x64xf32, #tpu.memory_space<vmem_shared>>
        tpu.wait_indirect_dma semaphore(%arg25 : memref<!tpu.dma_semaphore, #tpu.memory_space<semaphore_mem>>) src(%dma_wait3A_857 : memref<64x64xf32, #tpu.memory_space<vmem>>) dst(%dma_wait3A_863 : memref<10000x64xf32, #tpu.memory_space<vmem_shared>>)
        %eq3A_864 = arith.constant 0 : i32
        %eq3A_865 = arith.cmpi eq, %arg0, %eq3A_864 : i32
        %convert_element_type3A_866 = arith.extui %eq3A_865 : i1 to i32
        %cond3A_867 = arith.constant 0 : i32
        %cond3A_868 = arith.cmpi ne, %convert_element_type3A_866, %cond3A_867 : i32
        scf.if %cond3A_868 {
          %dma_wait3A_869 = arith.constant 3 : i32
          %dma_wait3A_870 = arith.constant 0 : i32
          %dma_wait3A_871 = tpu.memref_slice %arg9[%dma_wait3A_869, %dma_wait3A_870] : memref<8x64xi32, #tpu.memory_space<vmem>> -> memref<1x64xi32, #tpu.memory_space<vmem>>
          %dma_wait3A_872 = tpu.memref_squeeze %dma_wait3A_871 : memref<1x64xi32, #tpu.memory_space<vmem>> -> memref<64xi32, #tpu.memory_space<vmem>>
          %dma_wait3A_873 = arith.constant 0 : i32
          %dma_wait3A_874 = arith.constant 0 : i32
          %dma_wait3A_875 = tpu.memref_slice %arg13[%dma_wait3A_873, %dma_wait3A_874] : memref<10000x8xf32, #tpu.memory_space<vmem_shared>> -> memref<10000x8xf32, #tpu.memory_space<vmem_shared>>
          tpu.wait_indirect_dma semaphore(%arg33 : memref<!tpu.dma_semaphore, #tpu.memory_space<semaphore_mem>>) src(%arg11 : memref<64x8xf32, #tpu.memory_space<vmem>>) dst(%dma_wait3A_875 : memref<10000x8xf32, #tpu.memory_space<vmem_shared>>)
        } else {
        }
      } else {
      }
      %add3A_656 = arith.constant 8 : i32
      %add3A_657 = arith.addi %add3A_606, %add3A_656 : i32
      %sub3A_658 = arith.constant 1 : i32
      %sub3A_659 = arith.subi %add3A_657, %sub3A_658 : i32
      %lt3A_660 = arith.constant 184 : i32
      %lt3A_661 = arith.cmpi slt, %sub3A_659, %lt3A_660 : i32
      %convert_element_type3A_662 = arith.extui %lt3A_661 : i1 to i32
      %cond3A_663 = arith.constant 0 : i32
      %cond3A_664 = arith.cmpi ne, %convert_element_type3A_662, %cond3A_663 : i32
      scf.if %cond3A_664 {
        %add3A_852 = arith.constant 8 : i32
        %add3A_853 = arith.addi %add3A_606, %add3A_852 : i32
        %sub3A_854 = arith.constant 1 : i32
        %sub3A_855 = arith.subi %add3A_853, %sub3A_854 : i32
        %add3A_856 = arith.constant 2048 : i32
        %add3A_857 = arith.addi %add3A_856, %arg1 : i32
        %mul3A_858 = arith.constant 16 : i32
        %mul3A_859 = arith.muli %sub3A_855, %mul3A_858 : i32
        %add3A_860 = arith.addi %add3A_857, %mul3A_859 : i32
        %mul3A_861 = arith.constant 64 : i32
        %mul3A_862 = arith.muli %add3A_860, %mul3A_861 : i32
        %dma_start3A_863 = arith.constant 3 : i32
        %dma_start3A_864 = arith.constant 0 : i32
        %dma_start3A_865 = tpu.memref_slice %arg9[%dma_start3A_863, %dma_start3A_864] : memref<8x64xi32, #tpu.memory_space<vmem>> -> memref<1x64xi32, #tpu.memory_space<vmem>>
        %dma_start3A_866 = tpu.memref_squeeze %dma_start3A_865 : memref<1x64xi32, #tpu.memory_space<vmem>> -> memref<64xi32, #tpu.memory_space<vmem>>
        %dma_start3A_867 = tpu.memref_slice %arg3[%mul3A_862] : memref<320000xi32, #tpu.memory_space<hbm>> -> memref<64xi32, #tpu.memory_space<hbm>>
        %dma_start3A_868 = arith.constant 0 : i32
        %dma_start3A_869 = tpu.memref_slice %arg9[%dma_start3A_863, %dma_start3A_868] : memref<8x64xi32, #tpu.memory_space<vmem>> -> memref<1x64xi32, #tpu.memory_space<vmem>>
        %dma_start3A_870 = tpu.memref_squeeze %dma_start3A_869 : memref<1x64xi32, #tpu.memory_space<vmem>> -> memref<64xi32, #tpu.memory_space<vmem>>
        %dma_start3A_871 = tpu.memref_slice %arg3[%mul3A_862] : memref<320000xi32, #tpu.memory_space<hbm>> -> memref<64xi32, #tpu.memory_space<hbm>>
        tpu.enqueue_dma source(%dma_start3A_871 : memref<64xi32, #tpu.memory_space<hbm>>) target(%dma_start3A_870 : memref<64xi32, #tpu.memory_space<vmem>>) target_semaphore(%arg17 : memref<!tpu.dma_semaphore, #tpu.memory_space<semaphore_mem>>)
        %dma_start3A_872 = arith.constant 3 : i32
        %dma_start3A_873 = arith.constant 0 : i32
        %dma_start3A_874 = arith.constant 0 : i32
        %dma_start3A_875 = tpu.memref_slice %arg10[%dma_start3A_872, %dma_start3A_873, %dma_start3A_874] : memref<8x64x64xf32, #tpu.memory_space<vmem>> -> memref<1x64x64xf32, #tpu.memory_space<vmem>>
        %dma_start3A_876 = tpu.memref_squeeze %dma_start3A_875 : memref<1x64x64xf32, #tpu.memory_space<vmem>> -> memref<64x64xf32, #tpu.memory_space<vmem>>
        %dma_start3A_877 = tpu.memref_slice %arg2[%mul3A_862, %mul3A_0] : memref<320000x128xf32, #tpu.memory_space<hbm>> -> memref<64x64xf32, #tpu.memory_space<hbm>>
        %dma_start3A_878 = arith.constant 0 : i32
        %dma_start3A_879 = arith.constant 0 : i32
        %dma_start3A_880 = tpu.memref_slice %arg10[%dma_start3A_872, %dma_start3A_878, %dma_start3A_879] : memref<8x64x64xf32, #tpu.memory_space<vmem>> -> memref<1x64x64xf32, #tpu.memory_space<vmem>>
        %dma_start3A_881 = tpu.memref_squeeze %dma_start3A_880 : memref<1x64x64xf32, #tpu.memory_space<vmem>> -> memref<64x64xf32, #tpu.memory_space<vmem>>
        %dma_start3A_882 = tpu.memref_slice %arg2[%mul3A_862, %mul3A_0] : memref<320000x128xf32, #tpu.memory_space<hbm>> -> memref<64x64xf32, #tpu.memory_space<hbm>>
        tpu.enqueue_dma source(%dma_start3A_882 : memref<64x64xf32, #tpu.memory_space<hbm>>) target(%dma_start3A_881 : memref<64x64xf32, #tpu.memory_space<vmem>>) target_semaphore(%arg17 : memref<!tpu.dma_semaphore, #tpu.memory_space<semaphore_mem>>)
      } else {
      }
      %mul3A_665 = arith.constant 8 : i32
      %mul3A_666 = arith.muli %scan3A_355, %mul3A_665 : i32
      %add3A_667 = arith.constant 5 : i32
      %add3A_668 = arith.addi %mul3A_666, %add3A_667 : i32
      %add3A_669 = arith.constant 2048 : i32
      %add3A_670 = arith.addi %add3A_669, %arg1 : i32
      %mul3A_671 = arith.constant 16 : i32
      %mul3A_672 = arith.muli %add3A_668, %mul3A_671 : i32
      %add3A_673 = arith.addi %add3A_670, %mul3A_672 : i32
      %mul3A_674 = arith.constant 64 : i32
      %mul3A_675 = arith.muli %add3A_673, %mul3A_674 : i32
      %dma_wait3A_676 = arith.constant 5 : i32
      %dma_wait3A_677 = arith.constant 0 : i32
      %dma_wait3A_678 = tpu.memref_slice %arg9[%dma_wait3A_676, %dma_wait3A_677] : memref<8x64xi32, #tpu.memory_space<vmem>> -> memref<1x64xi32, #tpu.memory_space<vmem>>
      %dma_wait3A_679 = tpu.memref_squeeze %dma_wait3A_678 : memref<1x64xi32, #tpu.memory_space<vmem>> -> memref<64xi32, #tpu.memory_space<vmem>>
      %dma_wait3A_680 = tpu.memref_slice %arg3[%mul3A_675] : memref<320000xi32, #tpu.memory_space<hbm>> -> memref<64xi32, #tpu.memory_space<hbm>>
      %dma_wait3A_681 = arith.constant 0 : i32
      %dma_wait3A_682 = tpu.memref_slice %arg9[%dma_wait3A_676, %dma_wait3A_681] : memref<8x64xi32, #tpu.memory_space<vmem>> -> memref<1x64xi32, #tpu.memory_space<vmem>>
      %dma_wait3A_683 = tpu.memref_squeeze %dma_wait3A_682 : memref<1x64xi32, #tpu.memory_space<vmem>> -> memref<64xi32, #tpu.memory_space<vmem>>
      %dma_wait3A_684 = tpu.memref_slice %arg3[%mul3A_675] : memref<320000xi32, #tpu.memory_space<hbm>> -> memref<64xi32, #tpu.memory_space<hbm>>
      tpu.wait_dma2 semaphore(%arg19 : memref<!tpu.dma_semaphore, #tpu.memory_space<semaphore_mem>>) src(%dma_wait3A_684 : memref<64xi32, #tpu.memory_space<hbm>>) dst(%dma_wait3A_683 : memref<64xi32, #tpu.memory_space<vmem>>)
      %dma_wait3A_685 = arith.constant 5 : i32
      %dma_wait3A_686 = arith.constant 0 : i32
      %dma_wait3A_687 = arith.constant 0 : i32
      %dma_wait3A_688 = tpu.memref_slice %arg10[%dma_wait3A_685, %dma_wait3A_686, %dma_wait3A_687] : memref<8x64x64xf32, #tpu.memory_space<vmem>> -> memref<1x64x64xf32, #tpu.memory_space<vmem>>
      %dma_wait3A_689 = tpu.memref_squeeze %dma_wait3A_688 : memref<1x64x64xf32, #tpu.memory_space<vmem>> -> memref<64x64xf32, #tpu.memory_space<vmem>>
      %dma_wait3A_690 = tpu.memref_slice %arg2[%mul3A_675, %mul3A_0] : memref<320000x128xf32, #tpu.memory_space<hbm>> -> memref<64x64xf32, #tpu.memory_space<hbm>>
      %dma_wait3A_691 = arith.constant 0 : i32
      %dma_wait3A_692 = arith.constant 0 : i32
      %dma_wait3A_693 = tpu.memref_slice %arg10[%dma_wait3A_685, %dma_wait3A_691, %dma_wait3A_692] : memref<8x64x64xf32, #tpu.memory_space<vmem>> -> memref<1x64x64xf32, #tpu.memory_space<vmem>>
      %dma_wait3A_694 = tpu.memref_squeeze %dma_wait3A_693 : memref<1x64x64xf32, #tpu.memory_space<vmem>> -> memref<64x64xf32, #tpu.memory_space<vmem>>
      %dma_wait3A_695 = tpu.memref_slice %arg2[%mul3A_675, %mul3A_0] : memref<320000x128xf32, #tpu.memory_space<hbm>> -> memref<64x64xf32, #tpu.memory_space<hbm>>
      tpu.wait_dma2 semaphore(%arg19 : memref<!tpu.dma_semaphore, #tpu.memory_space<semaphore_mem>>) src(%dma_wait3A_695 : memref<64x64xf32, #tpu.memory_space<hbm>>) dst(%dma_wait3A_694 : memref<64x64xf32, #tpu.memory_space<vmem>>)
      %dma_start3A_696 = arith.constant 5 : i32
      %dma_start3A_697 = arith.constant 5 : i32
      %dma_start3A_698 = arith.constant 0 : i32
      %dma_start3A_699 = arith.constant 0 : i32
      %dma_start3A_700 = tpu.memref_slice %arg10[%dma_start3A_696, %dma_start3A_698, %dma_start3A_699] : memref<8x64x64xf32, #tpu.memory_space<vmem>> -> memref<1x64x64xf32, #tpu.memory_space<vmem>>
      %dma_start3A_701 = tpu.memref_squeeze %dma_start3A_700 : memref<1x64x64xf32, #tpu.memory_space<vmem>> -> memref<64x64xf32, #tpu.memory_space<vmem>>
      %dma_start3A_702 = arith.constant 0 : i32
      %dma_start3A_703 = tpu.memref_slice %arg9[%dma_start3A_697, %dma_start3A_702] : memref<8x64xi32, #tpu.memory_space<vmem>> -> memref<1x64xi32, #tpu.memory_space<vmem>>
      %dma_start3A_704 = tpu.memref_squeeze %dma_start3A_703 : memref<1x64xi32, #tpu.memory_space<vmem>> -> memref<64xi32, #tpu.memory_space<vmem>>
      %dma_start3A_705 = arith.constant 0 : i32
      %dma_start3A_706 = arith.constant 0 : i32
      %dma_start3A_707 = tpu.memref_slice %arg12[%dma_start3A_705, %dma_start3A_706] : memref<10000x64xf32, #tpu.memory_space<vmem_shared>> -> memref<10000x64xf32, #tpu.memory_space<vmem_shared>>
      tpu.enqueue_indirect_dma source(%dma_start3A_701 : memref<64x64xf32, #tpu.memory_space<vmem>>) target(%dma_start3A_707 : memref<10000x64xf32, #tpu.memory_space<vmem_shared>>) offsets(%dma_start3A_704 : memref<64xi32, #tpu.memory_space<vmem>>) semaphore(%arg27 : memref<!tpu.dma_semaphore, #tpu.memory_space<semaphore_mem>>) {add = true}
      %eq3A_708 = arith.constant 0 : i32
      %eq3A_709 = arith.cmpi eq, %arg0, %eq3A_708 : i32
      %convert_element_type3A_710 = arith.extui %eq3A_709 : i1 to i32
      %cond3A_711 = arith.constant 0 : i32
      %cond3A_712 = arith.cmpi ne, %convert_element_type3A_710, %cond3A_711 : i32
      scf.if %cond3A_712 {
        %dma_start3A_852 = arith.constant 5 : i32
        %dma_start3A_853 = arith.constant 0 : i32
        %dma_start3A_854 = tpu.memref_slice %arg9[%dma_start3A_852, %dma_start3A_853] : memref<8x64xi32, #tpu.memory_space<vmem>> -> memref<1x64xi32, #tpu.memory_space<vmem>>
        %dma_start3A_855 = tpu.memref_squeeze %dma_start3A_854 : memref<1x64xi32, #tpu.memory_space<vmem>> -> memref<64xi32, #tpu.memory_space<vmem>>
        %dma_start3A_856 = arith.constant 0 : i32
        %dma_start3A_857 = arith.constant 0 : i32
        %dma_start3A_858 = tpu.memref_slice %arg13[%dma_start3A_856, %dma_start3A_857] : memref<10000x8xf32, #tpu.memory_space<vmem_shared>> -> memref<10000x8xf32, #tpu.memory_space<vmem_shared>>
        tpu.enqueue_indirect_dma source(%arg11 : memref<64x8xf32, #tpu.memory_space<vmem>>) target(%dma_start3A_858 : memref<10000x8xf32, #tpu.memory_space<vmem_shared>>) offsets(%dma_start3A_855 : memref<64xi32, #tpu.memory_space<vmem>>) semaphore(%arg35 : memref<!tpu.dma_semaphore, #tpu.memory_space<semaphore_mem>>) {add = true}
      } else {
      }
      %ge3A_713 = arith.constant 1 : i32
      %ge3A_714 = arith.cmpi sge, %add3A_668, %ge3A_713 : i32
      %convert_element_type3A_715 = arith.extui %ge3A_714 : i1 to i32
      %cond3A_716 = arith.constant 0 : i32
      %cond3A_717 = arith.cmpi ne, %convert_element_type3A_715, %cond3A_716 : i32
      scf.if %cond3A_717 {
        %dma_wait3A_852 = arith.constant 4 : i32
        %dma_wait3A_853 = arith.constant 4 : i32
        %dma_wait3A_854 = arith.constant 0 : i32
        %dma_wait3A_855 = arith.constant 0 : i32
        %dma_wait3A_856 = tpu.memref_slice %arg10[%dma_wait3A_852, %dma_wait3A_854, %dma_wait3A_855] : memref<8x64x64xf32, #tpu.memory_space<vmem>> -> memref<1x64x64xf32, #tpu.memory_space<vmem>>
        %dma_wait3A_857 = tpu.memref_squeeze %dma_wait3A_856 : memref<1x64x64xf32, #tpu.memory_space<vmem>> -> memref<64x64xf32, #tpu.memory_space<vmem>>
        %dma_wait3A_858 = arith.constant 0 : i32
        %dma_wait3A_859 = tpu.memref_slice %arg9[%dma_wait3A_853, %dma_wait3A_858] : memref<8x64xi32, #tpu.memory_space<vmem>> -> memref<1x64xi32, #tpu.memory_space<vmem>>
        %dma_wait3A_860 = tpu.memref_squeeze %dma_wait3A_859 : memref<1x64xi32, #tpu.memory_space<vmem>> -> memref<64xi32, #tpu.memory_space<vmem>>
        %dma_wait3A_861 = arith.constant 0 : i32
        %dma_wait3A_862 = arith.constant 0 : i32
        %dma_wait3A_863 = tpu.memref_slice %arg12[%dma_wait3A_861, %dma_wait3A_862] : memref<10000x64xf32, #tpu.memory_space<vmem_shared>> -> memref<10000x64xf32, #tpu.memory_space<vmem_shared>>
        tpu.wait_indirect_dma semaphore(%arg26 : memref<!tpu.dma_semaphore, #tpu.memory_space<semaphore_mem>>) src(%dma_wait3A_857 : memref<64x64xf32, #tpu.memory_space<vmem>>) dst(%dma_wait3A_863 : memref<10000x64xf32, #tpu.memory_space<vmem_shared>>)
        %eq3A_864 = arith.constant 0 : i32
        %eq3A_865 = arith.cmpi eq, %arg0, %eq3A_864 : i32
        %convert_element_type3A_866 = arith.extui %eq3A_865 : i1 to i32
        %cond3A_867 = arith.constant 0 : i32
        %cond3A_868 = arith.cmpi ne, %convert_element_type3A_866, %cond3A_867 : i32
        scf.if %cond3A_868 {
          %dma_wait3A_869 = arith.constant 4 : i32
          %dma_wait3A_870 = arith.constant 0 : i32
          %dma_wait3A_871 = tpu.memref_slice %arg9[%dma_wait3A_869, %dma_wait3A_870] : memref<8x64xi32, #tpu.memory_space<vmem>> -> memref<1x64xi32, #tpu.memory_space<vmem>>
          %dma_wait3A_872 = tpu.memref_squeeze %dma_wait3A_871 : memref<1x64xi32, #tpu.memory_space<vmem>> -> memref<64xi32, #tpu.memory_space<vmem>>
          %dma_wait3A_873 = arith.constant 0 : i32
          %dma_wait3A_874 = arith.constant 0 : i32
          %dma_wait3A_875 = tpu.memref_slice %arg13[%dma_wait3A_873, %dma_wait3A_874] : memref<10000x8xf32, #tpu.memory_space<vmem_shared>> -> memref<10000x8xf32, #tpu.memory_space<vmem_shared>>
          tpu.wait_indirect_dma semaphore(%arg34 : memref<!tpu.dma_semaphore, #tpu.memory_space<semaphore_mem>>) src(%arg11 : memref<64x8xf32, #tpu.memory_space<vmem>>) dst(%dma_wait3A_875 : memref<10000x8xf32, #tpu.memory_space<vmem_shared>>)
        } else {
        }
      } else {
      }
      %add3A_718 = arith.constant 8 : i32
      %add3A_719 = arith.addi %add3A_668, %add3A_718 : i32
      %sub3A_720 = arith.constant 1 : i32
      %sub3A_721 = arith.subi %add3A_719, %sub3A_720 : i32
      %lt3A_722 = arith.constant 184 : i32
      %lt3A_723 = arith.cmpi slt, %sub3A_721, %lt3A_722 : i32
      %convert_element_type3A_724 = arith.extui %lt3A_723 : i1 to i32
      %cond3A_725 = arith.constant 0 : i32
      %cond3A_726 = arith.cmpi ne, %convert_element_type3A_724, %cond3A_725 : i32
      scf.if %cond3A_726 {
        %add3A_852 = arith.constant 8 : i32
        %add3A_853 = arith.addi %add3A_668, %add3A_852 : i32
        %sub3A_854 = arith.constant 1 : i32
        %sub3A_855 = arith.subi %add3A_853, %sub3A_854 : i32
        %add3A_856 = arith.constant 2048 : i32
        %add3A_857 = arith.addi %add3A_856, %arg1 : i32
        %mul3A_858 = arith.constant 16 : i32
        %mul3A_859 = arith.muli %sub3A_855, %mul3A_858 : i32
        %add3A_860 = arith.addi %add3A_857, %mul3A_859 : i32
        %mul3A_861 = arith.constant 64 : i32
        %mul3A_862 = arith.muli %add3A_860, %mul3A_861 : i32
        %dma_start3A_863 = arith.constant 4 : i32
        %dma_start3A_864 = arith.constant 0 : i32
        %dma_start3A_865 = tpu.memref_slice %arg9[%dma_start3A_863, %dma_start3A_864] : memref<8x64xi32, #tpu.memory_space<vmem>> -> memref<1x64xi32, #tpu.memory_space<vmem>>
        %dma_start3A_866 = tpu.memref_squeeze %dma_start3A_865 : memref<1x64xi32, #tpu.memory_space<vmem>> -> memref<64xi32, #tpu.memory_space<vmem>>
        %dma_start3A_867 = tpu.memref_slice %arg3[%mul3A_862] : memref<320000xi32, #tpu.memory_space<hbm>> -> memref<64xi32, #tpu.memory_space<hbm>>
        %dma_start3A_868 = arith.constant 0 : i32
        %dma_start3A_869 = tpu.memref_slice %arg9[%dma_start3A_863, %dma_start3A_868] : memref<8x64xi32, #tpu.memory_space<vmem>> -> memref<1x64xi32, #tpu.memory_space<vmem>>
        %dma_start3A_870 = tpu.memref_squeeze %dma_start3A_869 : memref<1x64xi32, #tpu.memory_space<vmem>> -> memref<64xi32, #tpu.memory_space<vmem>>
        %dma_start3A_871 = tpu.memref_slice %arg3[%mul3A_862] : memref<320000xi32, #tpu.memory_space<hbm>> -> memref<64xi32, #tpu.memory_space<hbm>>
        tpu.enqueue_dma source(%dma_start3A_871 : memref<64xi32, #tpu.memory_space<hbm>>) target(%dma_start3A_870 : memref<64xi32, #tpu.memory_space<vmem>>) target_semaphore(%arg18 : memref<!tpu.dma_semaphore, #tpu.memory_space<semaphore_mem>>)
        %dma_start3A_872 = arith.constant 4 : i32
        %dma_start3A_873 = arith.constant 0 : i32
        %dma_start3A_874 = arith.constant 0 : i32
        %dma_start3A_875 = tpu.memref_slice %arg10[%dma_start3A_872, %dma_start3A_873, %dma_start3A_874] : memref<8x64x64xf32, #tpu.memory_space<vmem>> -> memref<1x64x64xf32, #tpu.memory_space<vmem>>
        %dma_start3A_876 = tpu.memref_squeeze %dma_start3A_875 : memref<1x64x64xf32, #tpu.memory_space<vmem>> -> memref<64x64xf32, #tpu.memory_space<vmem>>
        %dma_start3A_877 = tpu.memref_slice %arg2[%mul3A_862, %mul3A_0] : memref<320000x128xf32, #tpu.memory_space<hbm>> -> memref<64x64xf32, #tpu.memory_space<hbm>>
        %dma_start3A_878 = arith.constant 0 : i32
        %dma_start3A_879 = arith.constant 0 : i32
        %dma_start3A_880 = tpu.memref_slice %arg10[%dma_start3A_872, %dma_start3A_878, %dma_start3A_879] : memref<8x64x64xf32, #tpu.memory_space<vmem>> -> memref<1x64x64xf32, #tpu.memory_space<vmem>>
        %dma_start3A_881 = tpu.memref_squeeze %dma_start3A_880 : memref<1x64x64xf32, #tpu.memory_space<vmem>> -> memref<64x64xf32, #tpu.memory_space<vmem>>
        %dma_start3A_882 = tpu.memref_slice %arg2[%mul3A_862, %mul3A_0] : memref<320000x128xf32, #tpu.memory_space<hbm>> -> memref<64x64xf32, #tpu.memory_space<hbm>>
        tpu.enqueue_dma source(%dma_start3A_882 : memref<64x64xf32, #tpu.memory_space<hbm>>) target(%dma_start3A_881 : memref<64x64xf32, #tpu.memory_space<vmem>>) target_semaphore(%arg18 : memref<!tpu.dma_semaphore, #tpu.memory_space<semaphore_mem>>)
      } else {
      }
      %mul3A_727 = arith.constant 8 : i32
      %mul3A_728 = arith.muli %scan3A_355, %mul3A_727 : i32
      %add3A_729 = arith.constant 6 : i32
      %add3A_730 = arith.addi %mul3A_728, %add3A_729 : i32
      %add3A_731 = arith.constant 2048 : i32
      %add3A_732 = arith.addi %add3A_731, %arg1 : i32
      %mul3A_733 = arith.constant 16 : i32
      %mul3A_734 = arith.muli %add3A_730, %mul3A_733 : i32
      %add3A_735 = arith.addi %add3A_732, %mul3A_734 : i32
      %mul3A_736 = arith.constant 64 : i32
      %mul3A_737 = arith.muli %add3A_735, %mul3A_736 : i32
      %dma_wait3A_738 = arith.constant 6 : i32
      %dma_wait3A_739 = arith.constant 0 : i32
      %dma_wait3A_740 = tpu.memref_slice %arg9[%dma_wait3A_738, %dma_wait3A_739] : memref<8x64xi32, #tpu.memory_space<vmem>> -> memref<1x64xi32, #tpu.memory_space<vmem>>
      %dma_wait3A_741 = tpu.memref_squeeze %dma_wait3A_740 : memref<1x64xi32, #tpu.memory_space<vmem>> -> memref<64xi32, #tpu.memory_space<vmem>>
      %dma_wait3A_742 = tpu.memref_slice %arg3[%mul3A_737] : memref<320000xi32, #tpu.memory_space<hbm>> -> memref<64xi32, #tpu.memory_space<hbm>>
      %dma_wait3A_743 = arith.constant 0 : i32
      %dma_wait3A_744 = tpu.memref_slice %arg9[%dma_wait3A_738, %dma_wait3A_743] : memref<8x64xi32, #tpu.memory_space<vmem>> -> memref<1x64xi32, #tpu.memory_space<vmem>>
      %dma_wait3A_745 = tpu.memref_squeeze %dma_wait3A_744 : memref<1x64xi32, #tpu.memory_space<vmem>> -> memref<64xi32, #tpu.memory_space<vmem>>
      %dma_wait3A_746 = tpu.memref_slice %arg3[%mul3A_737] : memref<320000xi32, #tpu.memory_space<hbm>> -> memref<64xi32, #tpu.memory_space<hbm>>
      tpu.wait_dma2 semaphore(%arg20 : memref<!tpu.dma_semaphore, #tpu.memory_space<semaphore_mem>>) src(%dma_wait3A_746 : memref<64xi32, #tpu.memory_space<hbm>>) dst(%dma_wait3A_745 : memref<64xi32, #tpu.memory_space<vmem>>)
      %dma_wait3A_747 = arith.constant 6 : i32
      %dma_wait3A_748 = arith.constant 0 : i32
      %dma_wait3A_749 = arith.constant 0 : i32
      %dma_wait3A_750 = tpu.memref_slice %arg10[%dma_wait3A_747, %dma_wait3A_748, %dma_wait3A_749] : memref<8x64x64xf32, #tpu.memory_space<vmem>> -> memref<1x64x64xf32, #tpu.memory_space<vmem>>
      %dma_wait3A_751 = tpu.memref_squeeze %dma_wait3A_750 : memref<1x64x64xf32, #tpu.memory_space<vmem>> -> memref<64x64xf32, #tpu.memory_space<vmem>>
      %dma_wait3A_752 = tpu.memref_slice %arg2[%mul3A_737, %mul3A_0] : memref<320000x128xf32, #tpu.memory_space<hbm>> -> memref<64x64xf32, #tpu.memory_space<hbm>>
      %dma_wait3A_753 = arith.constant 0 : i32
      %dma_wait3A_754 = arith.constant 0 : i32
      %dma_wait3A_755 = tpu.memref_slice %arg10[%dma_wait3A_747, %dma_wait3A_753, %dma_wait3A_754] : memref<8x64x64xf32, #tpu.memory_space<vmem>> -> memref<1x64x64xf32, #tpu.memory_space<vmem>>
      %dma_wait3A_756 = tpu.memref_squeeze %dma_wait3A_755 : memref<1x64x64xf32, #tpu.memory_space<vmem>> -> memref<64x64xf32, #tpu.memory_space<vmem>>
      %dma_wait3A_757 = tpu.memref_slice %arg2[%mul3A_737, %mul3A_0] : memref<320000x128xf32, #tpu.memory_space<hbm>> -> memref<64x64xf32, #tpu.memory_space<hbm>>
      tpu.wait_dma2 semaphore(%arg20 : memref<!tpu.dma_semaphore, #tpu.memory_space<semaphore_mem>>) src(%dma_wait3A_757 : memref<64x64xf32, #tpu.memory_space<hbm>>) dst(%dma_wait3A_756 : memref<64x64xf32, #tpu.memory_space<vmem>>)
      %dma_start3A_758 = arith.constant 6 : i32
      %dma_start3A_759 = arith.constant 6 : i32
      %dma_start3A_760 = arith.constant 0 : i32
      %dma_start3A_761 = arith.constant 0 : i32
      %dma_start3A_762 = tpu.memref_slice %arg10[%dma_start3A_758, %dma_start3A_760, %dma_start3A_761] : memref<8x64x64xf32, #tpu.memory_space<vmem>> -> memref<1x64x64xf32, #tpu.memory_space<vmem>>
      %dma_start3A_763 = tpu.memref_squeeze %dma_start3A_762 : memref<1x64x64xf32, #tpu.memory_space<vmem>> -> memref<64x64xf32, #tpu.memory_space<vmem>>
      %dma_start3A_764 = arith.constant 0 : i32
      %dma_start3A_765 = tpu.memref_slice %arg9[%dma_start3A_759, %dma_start3A_764] : memref<8x64xi32, #tpu.memory_space<vmem>> -> memref<1x64xi32, #tpu.memory_space<vmem>>
      %dma_start3A_766 = tpu.memref_squeeze %dma_start3A_765 : memref<1x64xi32, #tpu.memory_space<vmem>> -> memref<64xi32, #tpu.memory_space<vmem>>
      %dma_start3A_767 = arith.constant 0 : i32
      %dma_start3A_768 = arith.constant 0 : i32
      %dma_start3A_769 = tpu.memref_slice %arg12[%dma_start3A_767, %dma_start3A_768] : memref<10000x64xf32, #tpu.memory_space<vmem_shared>> -> memref<10000x64xf32, #tpu.memory_space<vmem_shared>>
      tpu.enqueue_indirect_dma source(%dma_start3A_763 : memref<64x64xf32, #tpu.memory_space<vmem>>) target(%dma_start3A_769 : memref<10000x64xf32, #tpu.memory_space<vmem_shared>>) offsets(%dma_start3A_766 : memref<64xi32, #tpu.memory_space<vmem>>) semaphore(%arg28 : memref<!tpu.dma_semaphore, #tpu.memory_space<semaphore_mem>>) {add = true}
      %eq3A_770 = arith.constant 0 : i32
      %eq3A_771 = arith.cmpi eq, %arg0, %eq3A_770 : i32
      %convert_element_type3A_772 = arith.extui %eq3A_771 : i1 to i32
      %cond3A_773 = arith.constant 0 : i32
      %cond3A_774 = arith.cmpi ne, %convert_element_type3A_772, %cond3A_773 : i32
      scf.if %cond3A_774 {
        %dma_start3A_852 = arith.constant 6 : i32
        %dma_start3A_853 = arith.constant 0 : i32
        %dma_start3A_854 = tpu.memref_slice %arg9[%dma_start3A_852, %dma_start3A_853] : memref<8x64xi32, #tpu.memory_space<vmem>> -> memref<1x64xi32, #tpu.memory_space<vmem>>
        %dma_start3A_855 = tpu.memref_squeeze %dma_start3A_854 : memref<1x64xi32, #tpu.memory_space<vmem>> -> memref<64xi32, #tpu.memory_space<vmem>>
        %dma_start3A_856 = arith.constant 0 : i32
        %dma_start3A_857 = arith.constant 0 : i32
        %dma_start3A_858 = tpu.memref_slice %arg13[%dma_start3A_856, %dma_start3A_857] : memref<10000x8xf32, #tpu.memory_space<vmem_shared>> -> memref<10000x8xf32, #tpu.memory_space<vmem_shared>>
        tpu.enqueue_indirect_dma source(%arg11 : memref<64x8xf32, #tpu.memory_space<vmem>>) target(%dma_start3A_858 : memref<10000x8xf32, #tpu.memory_space<vmem_shared>>) offsets(%dma_start3A_855 : memref<64xi32, #tpu.memory_space<vmem>>) semaphore(%arg36 : memref<!tpu.dma_semaphore, #tpu.memory_space<semaphore_mem>>) {add = true}
      } else {
      }
      %ge3A_775 = arith.constant 1 : i32
      %ge3A_776 = arith.cmpi sge, %add3A_730, %ge3A_775 : i32
      %convert_element_type3A_777 = arith.extui %ge3A_776 : i1 to i32
      %cond3A_778 = arith.constant 0 : i32
      %cond3A_779 = arith.cmpi ne, %convert_element_type3A_777, %cond3A_778 : i32
      scf.if %cond3A_779 {
        %dma_wait3A_852 = arith.constant 5 : i32
        %dma_wait3A_853 = arith.constant 5 : i32
        %dma_wait3A_854 = arith.constant 0 : i32
        %dma_wait3A_855 = arith.constant 0 : i32
        %dma_wait3A_856 = tpu.memref_slice %arg10[%dma_wait3A_852, %dma_wait3A_854, %dma_wait3A_855] : memref<8x64x64xf32, #tpu.memory_space<vmem>> -> memref<1x64x64xf32, #tpu.memory_space<vmem>>
        %dma_wait3A_857 = tpu.memref_squeeze %dma_wait3A_856 : memref<1x64x64xf32, #tpu.memory_space<vmem>> -> memref<64x64xf32, #tpu.memory_space<vmem>>
        %dma_wait3A_858 = arith.constant 0 : i32
        %dma_wait3A_859 = tpu.memref_slice %arg9[%dma_wait3A_853, %dma_wait3A_858] : memref<8x64xi32, #tpu.memory_space<vmem>> -> memref<1x64xi32, #tpu.memory_space<vmem>>
        %dma_wait3A_860 = tpu.memref_squeeze %dma_wait3A_859 : memref<1x64xi32, #tpu.memory_space<vmem>> -> memref<64xi32, #tpu.memory_space<vmem>>
        %dma_wait3A_861 = arith.constant 0 : i32
        %dma_wait3A_862 = arith.constant 0 : i32
        %dma_wait3A_863 = tpu.memref_slice %arg12[%dma_wait3A_861, %dma_wait3A_862] : memref<10000x64xf32, #tpu.memory_space<vmem_shared>> -> memref<10000x64xf32, #tpu.memory_space<vmem_shared>>
        tpu.wait_indirect_dma semaphore(%arg27 : memref<!tpu.dma_semaphore, #tpu.memory_space<semaphore_mem>>) src(%dma_wait3A_857 : memref<64x64xf32, #tpu.memory_space<vmem>>) dst(%dma_wait3A_863 : memref<10000x64xf32, #tpu.memory_space<vmem_shared>>)
        %eq3A_864 = arith.constant 0 : i32
        %eq3A_865 = arith.cmpi eq, %arg0, %eq3A_864 : i32
        %convert_element_type3A_866 = arith.extui %eq3A_865 : i1 to i32
        %cond3A_867 = arith.constant 0 : i32
        %cond3A_868 = arith.cmpi ne, %convert_element_type3A_866, %cond3A_867 : i32
        scf.if %cond3A_868 {
          %dma_wait3A_869 = arith.constant 5 : i32
          %dma_wait3A_870 = arith.constant 0 : i32
          %dma_wait3A_871 = tpu.memref_slice %arg9[%dma_wait3A_869, %dma_wait3A_870] : memref<8x64xi32, #tpu.memory_space<vmem>> -> memref<1x64xi32, #tpu.memory_space<vmem>>
          %dma_wait3A_872 = tpu.memref_squeeze %dma_wait3A_871 : memref<1x64xi32, #tpu.memory_space<vmem>> -> memref<64xi32, #tpu.memory_space<vmem>>
          %dma_wait3A_873 = arith.constant 0 : i32
          %dma_wait3A_874 = arith.constant 0 : i32
          %dma_wait3A_875 = tpu.memref_slice %arg13[%dma_wait3A_873, %dma_wait3A_874] : memref<10000x8xf32, #tpu.memory_space<vmem_shared>> -> memref<10000x8xf32, #tpu.memory_space<vmem_shared>>
          tpu.wait_indirect_dma semaphore(%arg35 : memref<!tpu.dma_semaphore, #tpu.memory_space<semaphore_mem>>) src(%arg11 : memref<64x8xf32, #tpu.memory_space<vmem>>) dst(%dma_wait3A_875 : memref<10000x8xf32, #tpu.memory_space<vmem_shared>>)
        } else {
        }
      } else {
      }
      %add3A_780 = arith.constant 8 : i32
      %add3A_781 = arith.addi %add3A_730, %add3A_780 : i32
      %sub3A_782 = arith.constant 1 : i32
      %sub3A_783 = arith.subi %add3A_781, %sub3A_782 : i32
      %lt3A_784 = arith.constant 184 : i32
      %lt3A_785 = arith.cmpi slt, %sub3A_783, %lt3A_784 : i32
      %convert_element_type3A_786 = arith.extui %lt3A_785 : i1 to i32
      %cond3A_787 = arith.constant 0 : i32
      %cond3A_788 = arith.cmpi ne, %convert_element_type3A_786, %cond3A_787 : i32
      scf.if %cond3A_788 {
        %add3A_852 = arith.constant 8 : i32
        %add3A_853 = arith.addi %add3A_730, %add3A_852 : i32
        %sub3A_854 = arith.constant 1 : i32
        %sub3A_855 = arith.subi %add3A_853, %sub3A_854 : i32
        %add3A_856 = arith.constant 2048 : i32
        %add3A_857 = arith.addi %add3A_856, %arg1 : i32
        %mul3A_858 = arith.constant 16 : i32
        %mul3A_859 = arith.muli %sub3A_855, %mul3A_858 : i32
        %add3A_860 = arith.addi %add3A_857, %mul3A_859 : i32
        %mul3A_861 = arith.constant 64 : i32
        %mul3A_862 = arith.muli %add3A_860, %mul3A_861 : i32
        %dma_start3A_863 = arith.constant 5 : i32
        %dma_start3A_864 = arith.constant 0 : i32
        %dma_start3A_865 = tpu.memref_slice %arg9[%dma_start3A_863, %dma_start3A_864] : memref<8x64xi32, #tpu.memory_space<vmem>> -> memref<1x64xi32, #tpu.memory_space<vmem>>
        %dma_start3A_866 = tpu.memref_squeeze %dma_start3A_865 : memref<1x64xi32, #tpu.memory_space<vmem>> -> memref<64xi32, #tpu.memory_space<vmem>>
        %dma_start3A_867 = tpu.memref_slice %arg3[%mul3A_862] : memref<320000xi32, #tpu.memory_space<hbm>> -> memref<64xi32, #tpu.memory_space<hbm>>
        %dma_start3A_868 = arith.constant 0 : i32
        %dma_start3A_869 = tpu.memref_slice %arg9[%dma_start3A_863, %dma_start3A_868] : memref<8x64xi32, #tpu.memory_space<vmem>> -> memref<1x64xi32, #tpu.memory_space<vmem>>
        %dma_start3A_870 = tpu.memref_squeeze %dma_start3A_869 : memref<1x64xi32, #tpu.memory_space<vmem>> -> memref<64xi32, #tpu.memory_space<vmem>>
        %dma_start3A_871 = tpu.memref_slice %arg3[%mul3A_862] : memref<320000xi32, #tpu.memory_space<hbm>> -> memref<64xi32, #tpu.memory_space<hbm>>
        tpu.enqueue_dma source(%dma_start3A_871 : memref<64xi32, #tpu.memory_space<hbm>>) target(%dma_start3A_870 : memref<64xi32, #tpu.memory_space<vmem>>) target_semaphore(%arg19 : memref<!tpu.dma_semaphore, #tpu.memory_space<semaphore_mem>>)
        %dma_start3A_872 = arith.constant 5 : i32
        %dma_start3A_873 = arith.constant 0 : i32
        %dma_start3A_874 = arith.constant 0 : i32
        %dma_start3A_875 = tpu.memref_slice %arg10[%dma_start3A_872, %dma_start3A_873, %dma_start3A_874] : memref<8x64x64xf32, #tpu.memory_space<vmem>> -> memref<1x64x64xf32, #tpu.memory_space<vmem>>
        %dma_start3A_876 = tpu.memref_squeeze %dma_start3A_875 : memref<1x64x64xf32, #tpu.memory_space<vmem>> -> memref<64x64xf32, #tpu.memory_space<vmem>>
        %dma_start3A_877 = tpu.memref_slice %arg2[%mul3A_862, %mul3A_0] : memref<320000x128xf32, #tpu.memory_space<hbm>> -> memref<64x64xf32, #tpu.memory_space<hbm>>
        %dma_start3A_878 = arith.constant 0 : i32
        %dma_start3A_879 = arith.constant 0 : i32
        %dma_start3A_880 = tpu.memref_slice %arg10[%dma_start3A_872, %dma_start3A_878, %dma_start3A_879] : memref<8x64x64xf32, #tpu.memory_space<vmem>> -> memref<1x64x64xf32, #tpu.memory_space<vmem>>
        %dma_start3A_881 = tpu.memref_squeeze %dma_start3A_880 : memref<1x64x64xf32, #tpu.memory_space<vmem>> -> memref<64x64xf32, #tpu.memory_space<vmem>>
        %dma_start3A_882 = tpu.memref_slice %arg2[%mul3A_862, %mul3A_0] : memref<320000x128xf32, #tpu.memory_space<hbm>> -> memref<64x64xf32, #tpu.memory_space<hbm>>
        tpu.enqueue_dma source(%dma_start3A_882 : memref<64x64xf32, #tpu.memory_space<hbm>>) target(%dma_start3A_881 : memref<64x64xf32, #tpu.memory_space<vmem>>) target_semaphore(%arg19 : memref<!tpu.dma_semaphore, #tpu.memory_space<semaphore_mem>>)
      } else {
      }
      %mul3A_789 = arith.constant 8 : i32
      %mul3A_790 = arith.muli %scan3A_355, %mul3A_789 : i32
      %add3A_791 = arith.constant 7 : i32
      %add3A_792 = arith.addi %mul3A_790, %add3A_791 : i32
      %add3A_793 = arith.constant 2048 : i32
      %add3A_794 = arith.addi %add3A_793, %arg1 : i32
      %mul3A_795 = arith.constant 16 : i32
      %mul3A_796 = arith.muli %add3A_792, %mul3A_795 : i32
      %add3A_797 = arith.addi %add3A_794, %mul3A_796 : i32
      %mul3A_798 = arith.constant 64 : i32
      %mul3A_799 = arith.muli %add3A_797, %mul3A_798 : i32
      %dma_wait3A_800 = arith.constant 7 : i32
      %dma_wait3A_801 = arith.constant 0 : i32
      %dma_wait3A_802 = tpu.memref_slice %arg9[%dma_wait3A_800, %dma_wait3A_801] : memref<8x64xi32, #tpu.memory_space<vmem>> -> memref<1x64xi32, #tpu.memory_space<vmem>>
      %dma_wait3A_803 = tpu.memref_squeeze %dma_wait3A_802 : memref<1x64xi32, #tpu.memory_space<vmem>> -> memref<64xi32, #tpu.memory_space<vmem>>
      %dma_wait3A_804 = tpu.memref_slice %arg3[%mul3A_799] : memref<320000xi32, #tpu.memory_space<hbm>> -> memref<64xi32, #tpu.memory_space<hbm>>
      %dma_wait3A_805 = arith.constant 0 : i32
      %dma_wait3A_806 = tpu.memref_slice %arg9[%dma_wait3A_800, %dma_wait3A_805] : memref<8x64xi32, #tpu.memory_space<vmem>> -> memref<1x64xi32, #tpu.memory_space<vmem>>
      %dma_wait3A_807 = tpu.memref_squeeze %dma_wait3A_806 : memref<1x64xi32, #tpu.memory_space<vmem>> -> memref<64xi32, #tpu.memory_space<vmem>>
      %dma_wait3A_808 = tpu.memref_slice %arg3[%mul3A_799] : memref<320000xi32, #tpu.memory_space<hbm>> -> memref<64xi32, #tpu.memory_space<hbm>>
      tpu.wait_dma2 semaphore(%arg21 : memref<!tpu.dma_semaphore, #tpu.memory_space<semaphore_mem>>) src(%dma_wait3A_808 : memref<64xi32, #tpu.memory_space<hbm>>) dst(%dma_wait3A_807 : memref<64xi32, #tpu.memory_space<vmem>>)
      %dma_wait3A_809 = arith.constant 7 : i32
      %dma_wait3A_810 = arith.constant 0 : i32
      %dma_wait3A_811 = arith.constant 0 : i32
      %dma_wait3A_812 = tpu.memref_slice %arg10[%dma_wait3A_809, %dma_wait3A_810, %dma_wait3A_811] : memref<8x64x64xf32, #tpu.memory_space<vmem>> -> memref<1x64x64xf32, #tpu.memory_space<vmem>>
      %dma_wait3A_813 = tpu.memref_squeeze %dma_wait3A_812 : memref<1x64x64xf32, #tpu.memory_space<vmem>> -> memref<64x64xf32, #tpu.memory_space<vmem>>
      %dma_wait3A_814 = tpu.memref_slice %arg2[%mul3A_799, %mul3A_0] : memref<320000x128xf32, #tpu.memory_space<hbm>> -> memref<64x64xf32, #tpu.memory_space<hbm>>
      %dma_wait3A_815 = arith.constant 0 : i32
      %dma_wait3A_816 = arith.constant 0 : i32
      %dma_wait3A_817 = tpu.memref_slice %arg10[%dma_wait3A_809, %dma_wait3A_815, %dma_wait3A_816] : memref<8x64x64xf32, #tpu.memory_space<vmem>> -> memref<1x64x64xf32, #tpu.memory_space<vmem>>
      %dma_wait3A_818 = tpu.memref_squeeze %dma_wait3A_817 : memref<1x64x64xf32, #tpu.memory_space<vmem>> -> memref<64x64xf32, #tpu.memory_space<vmem>>
      %dma_wait3A_819 = tpu.memref_slice %arg2[%mul3A_799, %mul3A_0] : memref<320000x128xf32, #tpu.memory_space<hbm>> -> memref<64x64xf32, #tpu.memory_space<hbm>>
      tpu.wait_dma2 semaphore(%arg21 : memref<!tpu.dma_semaphore, #tpu.memory_space<semaphore_mem>>) src(%dma_wait3A_819 : memref<64x64xf32, #tpu.memory_space<hbm>>) dst(%dma_wait3A_818 : memref<64x64xf32, #tpu.memory_space<vmem>>)
      %dma_start3A_820 = arith.constant 7 : i32
      %dma_start3A_821 = arith.constant 7 : i32
      %dma_start3A_822 = arith.constant 0 : i32
      %dma_start3A_823 = arith.constant 0 : i32
      %dma_start3A_824 = tpu.memref_slice %arg10[%dma_start3A_820, %dma_start3A_822, %dma_start3A_823] : memref<8x64x64xf32, #tpu.memory_space<vmem>> -> memref<1x64x64xf32, #tpu.memory_space<vmem>>
      %dma_start3A_825 = tpu.memref_squeeze %dma_start3A_824 : memref<1x64x64xf32, #tpu.memory_space<vmem>> -> memref<64x64xf32, #tpu.memory_space<vmem>>
      %dma_start3A_826 = arith.constant 0 : i32
      %dma_start3A_827 = tpu.memref_slice %arg9[%dma_start3A_821, %dma_start3A_826] : memref<8x64xi32, #tpu.memory_space<vmem>> -> memref<1x64xi32, #tpu.memory_space<vmem>>
      %dma_start3A_828 = tpu.memref_squeeze %dma_start3A_827 : memref<1x64xi32, #tpu.memory_space<vmem>> -> memref<64xi32, #tpu.memory_space<vmem>>
      %dma_start3A_829 = arith.constant 0 : i32
      %dma_start3A_830 = arith.constant 0 : i32
      %dma_start3A_831 = tpu.memref_slice %arg12[%dma_start3A_829, %dma_start3A_830] : memref<10000x64xf32, #tpu.memory_space<vmem_shared>> -> memref<10000x64xf32, #tpu.memory_space<vmem_shared>>
      tpu.enqueue_indirect_dma source(%dma_start3A_825 : memref<64x64xf32, #tpu.memory_space<vmem>>) target(%dma_start3A_831 : memref<10000x64xf32, #tpu.memory_space<vmem_shared>>) offsets(%dma_start3A_828 : memref<64xi32, #tpu.memory_space<vmem>>) semaphore(%arg29 : memref<!tpu.dma_semaphore, #tpu.memory_space<semaphore_mem>>) {add = true}
      %eq3A_832 = arith.constant 0 : i32
      %eq3A_833 = arith.cmpi eq, %arg0, %eq3A_832 : i32
      %convert_element_type3A_834 = arith.extui %eq3A_833 : i1 to i32
      %cond3A_835 = arith.constant 0 : i32
      %cond3A_836 = arith.cmpi ne, %convert_element_type3A_834, %cond3A_835 : i32
      scf.if %cond3A_836 {
        %dma_start3A_852 = arith.constant 7 : i32
        %dma_start3A_853 = arith.constant 0 : i32
        %dma_start3A_854 = tpu.memref_slice %arg9[%dma_start3A_852, %dma_start3A_853] : memref<8x64xi32, #tpu.memory_space<vmem>> -> memref<1x64xi32, #tpu.memory_space<vmem>>
        %dma_start3A_855 = tpu.memref_squeeze %dma_start3A_854 : memref<1x64xi32, #tpu.memory_space<vmem>> -> memref<64xi32, #tpu.memory_space<vmem>>
        %dma_start3A_856 = arith.constant 0 : i32
        %dma_start3A_857 = arith.constant 0 : i32
        %dma_start3A_858 = tpu.memref_slice %arg13[%dma_start3A_856, %dma_start3A_857] : memref<10000x8xf32, #tpu.memory_space<vmem_shared>> -> memref<10000x8xf32, #tpu.memory_space<vmem_shared>>
        tpu.enqueue_indirect_dma source(%arg11 : memref<64x8xf32, #tpu.memory_space<vmem>>) target(%dma_start3A_858 : memref<10000x8xf32, #tpu.memory_space<vmem_shared>>) offsets(%dma_start3A_855 : memref<64xi32, #tpu.memory_space<vmem>>) semaphore(%arg37 : memref<!tpu.dma_semaphore, #tpu.memory_space<semaphore_mem>>) {add = true}
      } else {
      }
      %ge3A_837 = arith.constant 1 : i32
      %ge3A_838 = arith.cmpi sge, %add3A_792, %ge3A_837 : i32
      %convert_element_type3A_839 = arith.extui %ge3A_838 : i1 to i32
      %cond3A_840 = arith.constant 0 : i32
      %cond3A_841 = arith.cmpi ne, %convert_element_type3A_839, %cond3A_840 : i32
      scf.if %cond3A_841 {
        %dma_wait3A_852 = arith.constant 6 : i32
        %dma_wait3A_853 = arith.constant 6 : i32
        %dma_wait3A_854 = arith.constant 0 : i32
        %dma_wait3A_855 = arith.constant 0 : i32
        %dma_wait3A_856 = tpu.memref_slice %arg10[%dma_wait3A_852, %dma_wait3A_854, %dma_wait3A_855] : memref<8x64x64xf32, #tpu.memory_space<vmem>> -> memref<1x64x64xf32, #tpu.memory_space<vmem>>
        %dma_wait3A_857 = tpu.memref_squeeze %dma_wait3A_856 : memref<1x64x64xf32, #tpu.memory_space<vmem>> -> memref<64x64xf32, #tpu.memory_space<vmem>>
        %dma_wait3A_858 = arith.constant 0 : i32
        %dma_wait3A_859 = tpu.memref_slice %arg9[%dma_wait3A_853, %dma_wait3A_858] : memref<8x64xi32, #tpu.memory_space<vmem>> -> memref<1x64xi32, #tpu.memory_space<vmem>>
        %dma_wait3A_860 = tpu.memref_squeeze %dma_wait3A_859 : memref<1x64xi32, #tpu.memory_space<vmem>> -> memref<64xi32, #tpu.memory_space<vmem>>
        %dma_wait3A_861 = arith.constant 0 : i32
        %dma_wait3A_862 = arith.constant 0 : i32
        %dma_wait3A_863 = tpu.memref_slice %arg12[%dma_wait3A_861, %dma_wait3A_862] : memref<10000x64xf32, #tpu.memory_space<vmem_shared>> -> memref<10000x64xf32, #tpu.memory_space<vmem_shared>>
        tpu.wait_indirect_dma semaphore(%arg28 : memref<!tpu.dma_semaphore, #tpu.memory_space<semaphore_mem>>) src(%dma_wait3A_857 : memref<64x64xf32, #tpu.memory_space<vmem>>) dst(%dma_wait3A_863 : memref<10000x64xf32, #tpu.memory_space<vmem_shared>>)
        %eq3A_864 = arith.constant 0 : i32
        %eq3A_865 = arith.cmpi eq, %arg0, %eq3A_864 : i32
        %convert_element_type3A_866 = arith.extui %eq3A_865 : i1 to i32
        %cond3A_867 = arith.constant 0 : i32
        %cond3A_868 = arith.cmpi ne, %convert_element_type3A_866, %cond3A_867 : i32
        scf.if %cond3A_868 {
          %dma_wait3A_869 = arith.constant 6 : i32
          %dma_wait3A_870 = arith.constant 0 : i32
          %dma_wait3A_871 = tpu.memref_slice %arg9[%dma_wait3A_869, %dma_wait3A_870] : memref<8x64xi32, #tpu.memory_space<vmem>> -> memref<1x64xi32, #tpu.memory_space<vmem>>
          %dma_wait3A_872 = tpu.memref_squeeze %dma_wait3A_871 : memref<1x64xi32, #tpu.memory_space<vmem>> -> memref<64xi32, #tpu.memory_space<vmem>>
          %dma_wait3A_873 = arith.constant 0 : i32
          %dma_wait3A_874 = arith.constant 0 : i32
          %dma_wait3A_875 = tpu.memref_slice %arg13[%dma_wait3A_873, %dma_wait3A_874] : memref<10000x8xf32, #tpu.memory_space<vmem_shared>> -> memref<10000x8xf32, #tpu.memory_space<vmem_shared>>
          tpu.wait_indirect_dma semaphore(%arg36 : memref<!tpu.dma_semaphore, #tpu.memory_space<semaphore_mem>>) src(%arg11 : memref<64x8xf32, #tpu.memory_space<vmem>>) dst(%dma_wait3A_875 : memref<10000x8xf32, #tpu.memory_space<vmem_shared>>)
        } else {
        }
      } else {
      }
      %add3A_842 = arith.constant 8 : i32
      %add3A_843 = arith.addi %add3A_792, %add3A_842 : i32
      %sub3A_844 = arith.constant 1 : i32
      %sub3A_845 = arith.subi %add3A_843, %sub3A_844 : i32
      %lt3A_846 = arith.constant 184 : i32
      %lt3A_847 = arith.cmpi slt, %sub3A_845, %lt3A_846 : i32
      %convert_element_type3A_848 = arith.extui %lt3A_847 : i1 to i32
      %cond3A_849 = arith.constant 0 : i32
      %cond3A_850 = arith.cmpi ne, %convert_element_type3A_848, %cond3A_849 : i32
      scf.if %cond3A_850 {
        %add3A_852 = arith.constant 8 : i32
        %add3A_853 = arith.addi %add3A_792, %add3A_852 : i32
        %sub3A_854 = arith.constant 1 : i32
        %sub3A_855 = arith.subi %add3A_853, %sub3A_854 : i32
        %add3A_856 = arith.constant 2048 : i32
        %add3A_857 = arith.addi %add3A_856, %arg1 : i32
        %mul3A_858 = arith.constant 16 : i32
        %mul3A_859 = arith.muli %sub3A_855, %mul3A_858 : i32
        %add3A_860 = arith.addi %add3A_857, %mul3A_859 : i32
        %mul3A_861 = arith.constant 64 : i32
        %mul3A_862 = arith.muli %add3A_860, %mul3A_861 : i32
        %dma_start3A_863 = arith.constant 6 : i32
        %dma_start3A_864 = arith.constant 0 : i32
        %dma_start3A_865 = tpu.memref_slice %arg9[%dma_start3A_863, %dma_start3A_864] : memref<8x64xi32, #tpu.memory_space<vmem>> -> memref<1x64xi32, #tpu.memory_space<vmem>>
        %dma_start3A_866 = tpu.memref_squeeze %dma_start3A_865 : memref<1x64xi32, #tpu.memory_space<vmem>> -> memref<64xi32, #tpu.memory_space<vmem>>
        %dma_start3A_867 = tpu.memref_slice %arg3[%mul3A_862] : memref<320000xi32, #tpu.memory_space<hbm>> -> memref<64xi32, #tpu.memory_space<hbm>>
        %dma_start3A_868 = arith.constant 0 : i32
        %dma_start3A_869 = tpu.memref_slice %arg9[%dma_start3A_863, %dma_start3A_868] : memref<8x64xi32, #tpu.memory_space<vmem>> -> memref<1x64xi32, #tpu.memory_space<vmem>>
        %dma_start3A_870 = tpu.memref_squeeze %dma_start3A_869 : memref<1x64xi32, #tpu.memory_space<vmem>> -> memref<64xi32, #tpu.memory_space<vmem>>
        %dma_start3A_871 = tpu.memref_slice %arg3[%mul3A_862] : memref<320000xi32, #tpu.memory_space<hbm>> -> memref<64xi32, #tpu.memory_space<hbm>>
        tpu.enqueue_dma source(%dma_start3A_871 : memref<64xi32, #tpu.memory_space<hbm>>) target(%dma_start3A_870 : memref<64xi32, #tpu.memory_space<vmem>>) target_semaphore(%arg20 : memref<!tpu.dma_semaphore, #tpu.memory_space<semaphore_mem>>)
        %dma_start3A_872 = arith.constant 6 : i32
        %dma_start3A_873 = arith.constant 0 : i32
        %dma_start3A_874 = arith.constant 0 : i32
        %dma_start3A_875 = tpu.memref_slice %arg10[%dma_start3A_872, %dma_start3A_873, %dma_start3A_874] : memref<8x64x64xf32, #tpu.memory_space<vmem>> -> memref<1x64x64xf32, #tpu.memory_space<vmem>>
        %dma_start3A_876 = tpu.memref_squeeze %dma_start3A_875 : memref<1x64x64xf32, #tpu.memory_space<vmem>> -> memref<64x64xf32, #tpu.memory_space<vmem>>
        %dma_start3A_877 = tpu.memref_slice %arg2[%mul3A_862, %mul3A_0] : memref<320000x128xf32, #tpu.memory_space<hbm>> -> memref<64x64xf32, #tpu.memory_space<hbm>>
        %dma_start3A_878 = arith.constant 0 : i32
        %dma_start3A_879 = arith.constant 0 : i32
        %dma_start3A_880 = tpu.memref_slice %arg10[%dma_start3A_872, %dma_start3A_878, %dma_start3A_879] : memref<8x64x64xf32, #tpu.memory_space<vmem>> -> memref<1x64x64xf32, #tpu.memory_space<vmem>>
        %dma_start3A_881 = tpu.memref_squeeze %dma_start3A_880 : memref<1x64x64xf32, #tpu.memory_space<vmem>> -> memref<64x64xf32, #tpu.memory_space<vmem>>
        %dma_start3A_882 = tpu.memref_slice %arg2[%mul3A_862, %mul3A_0] : memref<320000x128xf32, #tpu.memory_space<hbm>> -> memref<64x64xf32, #tpu.memory_space<hbm>>
        tpu.enqueue_dma source(%dma_start3A_882 : memref<64x64xf32, #tpu.memory_space<hbm>>) target(%dma_start3A_881 : memref<64x64xf32, #tpu.memory_space<vmem>>) target_semaphore(%arg20 : memref<!tpu.dma_semaphore, #tpu.memory_space<semaphore_mem>>)
      } else {
      }
      %scan3A_851 = arith.constant 0 : i32
      scf.yield %scan3A_851 : i32
    }
    %scan3A_257 = arith.constant 23 : i32
    %dma_wait3A = arith.constant 7 : i32
    %dma_wait3A_258 = arith.constant 7 : i32
    %dma_wait3A_259 = arith.constant 0 : i32
    %dma_wait3A_260 = arith.constant 0 : i32
    %dma_wait3A_261 = tpu.memref_slice %arg10[%dma_wait3A, %dma_wait3A_259, %dma_wait3A_260] : memref<8x64x64xf32, #tpu.memory_space<vmem>> -> memref<1x64x64xf32, #tpu.memory_space<vmem>>
    %dma_wait3A_262 = tpu.memref_squeeze %dma_wait3A_261 : memref<1x64x64xf32, #tpu.memory_space<vmem>> -> memref<64x64xf32, #tpu.memory_space<vmem>>
    %dma_wait3A_263 = arith.constant 0 : i32
    %dma_wait3A_264 = tpu.memref_slice %arg9[%dma_wait3A_258, %dma_wait3A_263] : memref<8x64xi32, #tpu.memory_space<vmem>> -> memref<1x64xi32, #tpu.memory_space<vmem>>
    %dma_wait3A_265 = tpu.memref_squeeze %dma_wait3A_264 : memref<1x64xi32, #tpu.memory_space<vmem>> -> memref<64xi32, #tpu.memory_space<vmem>>
    %dma_wait3A_266 = arith.constant 0 : i32
    %dma_wait3A_267 = arith.constant 0 : i32
    %dma_wait3A_268 = tpu.memref_slice %arg12[%dma_wait3A_266, %dma_wait3A_267] : memref<10000x64xf32, #tpu.memory_space<vmem_shared>> -> memref<10000x64xf32, #tpu.memory_space<vmem_shared>>
    tpu.wait_indirect_dma semaphore(%arg29 : memref<!tpu.dma_semaphore, #tpu.memory_space<semaphore_mem>>) src(%dma_wait3A_262 : memref<64x64xf32, #tpu.memory_space<vmem>>) dst(%dma_wait3A_268 : memref<10000x64xf32, #tpu.memory_space<vmem_shared>>)
    %eq3A_269 = arith.constant 0 : i32
    %eq3A_270 = arith.cmpi eq, %arg0, %eq3A_269 : i32
    %convert_element_type3A_271 = arith.extui %eq3A_270 : i1 to i32
    %cond3A_272 = arith.constant 0 : i32
    %cond3A_273 = arith.cmpi ne, %convert_element_type3A_271, %cond3A_272 : i32
    scf.if %cond3A_273 {
      %dma_wait3A_355 = arith.constant 7 : i32
      %dma_wait3A_356 = arith.constant 0 : i32
      %dma_wait3A_357 = tpu.memref_slice %arg9[%dma_wait3A_355, %dma_wait3A_356] : memref<8x64xi32, #tpu.memory_space<vmem>> -> memref<1x64xi32, #tpu.memory_space<vmem>>
      %dma_wait3A_358 = tpu.memref_squeeze %dma_wait3A_357 : memref<1x64xi32, #tpu.memory_space<vmem>> -> memref<64xi32, #tpu.memory_space<vmem>>
      %dma_wait3A_359 = arith.constant 0 : i32
      %dma_wait3A_360 = arith.constant 0 : i32
      %dma_wait3A_361 = tpu.memref_slice %arg13[%dma_wait3A_359, %dma_wait3A_360] : memref<10000x8xf32, #tpu.memory_space<vmem_shared>> -> memref<10000x8xf32, #tpu.memory_space<vmem_shared>>
      tpu.wait_indirect_dma semaphore(%arg37 : memref<!tpu.dma_semaphore, #tpu.memory_space<semaphore_mem>>) src(%arg11 : memref<64x8xf32, #tpu.memory_space<vmem>>) dst(%dma_wait3A_361 : memref<10000x8xf32, #tpu.memory_space<vmem_shared>>)
    } else {
    }
    %lt3A_274 = arith.constant 8 : i32
    %lt3A_275 = arith.cmpi slt, %arg1, %lt3A_274 : i32
    %convert_element_type3A_276 = arith.extui %lt3A_275 : i1 to i32
    %cond3A_277 = arith.constant 0 : i32
    %cond3A_278 = arith.cmpi ne, %convert_element_type3A_276, %cond3A_277 : i32
    scf.if %cond3A_278 {
      %add3A_355 = arith.constant 4992 : i32
      %add3A_356 = arith.addi %add3A_355, %arg1 : i32
      %mul3A_357 = arith.constant 64 : i32
      %mul3A_358 = arith.muli %add3A_356, %mul3A_357 : i32
      %run_scoped3A_359 = arith.constant 0 : i32
      "tpu.region"() ({
        %run_scoped3A_368 = tpu.sem_alloc : memref<!tpu.dma_semaphore, #tpu.memory_space<semaphore_mem>>
        %dma_start3A_369 = arith.constant 0 : i32
        %dma_start3A_370 = tpu.memref_slice %arg9[%run_scoped3A_359, %dma_start3A_369] : memref<8x64xi32, #tpu.memory_space<vmem>> -> memref<1x64xi32, #tpu.memory_space<vmem>>
        %dma_start3A_371 = tpu.memref_squeeze %dma_start3A_370 : memref<1x64xi32, #tpu.memory_space<vmem>> -> memref<64xi32, #tpu.memory_space<vmem>>
        %dma_start3A_372 = tpu.memref_slice %arg3[%mul3A_358] : memref<320000xi32, #tpu.memory_space<hbm>> -> memref<64xi32, #tpu.memory_space<hbm>>
        %dma_start3A_373 = arith.constant 0 : i32
        %dma_start3A_374 = tpu.memref_slice %arg9[%run_scoped3A_359, %dma_start3A_373] : memref<8x64xi32, #tpu.memory_space<vmem>> -> memref<1x64xi32, #tpu.memory_space<vmem>>
        %dma_start3A_375 = tpu.memref_squeeze %dma_start3A_374 : memref<1x64xi32, #tpu.memory_space<vmem>> -> memref<64xi32, #tpu.memory_space<vmem>>
        %dma_start3A_376 = tpu.memref_slice %arg3[%mul3A_358] : memref<320000xi32, #tpu.memory_space<hbm>> -> memref<64xi32, #tpu.memory_space<hbm>>
        tpu.enqueue_dma source(%dma_start3A_376 : memref<64xi32, #tpu.memory_space<hbm>>) target(%dma_start3A_375 : memref<64xi32, #tpu.memory_space<vmem>>) target_semaphore(%run_scoped3A_368 : memref<!tpu.dma_semaphore, #tpu.memory_space<semaphore_mem>>)
        %dma_wait3A_377 = arith.constant 0 : i32
        %dma_wait3A_378 = tpu.memref_slice %arg9[%run_scoped3A_359, %dma_wait3A_377] : memref<8x64xi32, #tpu.memory_space<vmem>> -> memref<1x64xi32, #tpu.memory_space<vmem>>
        %dma_wait3A_379 = tpu.memref_squeeze %dma_wait3A_378 : memref<1x64xi32, #tpu.memory_space<vmem>> -> memref<64xi32, #tpu.memory_space<vmem>>
        %dma_wait3A_380 = tpu.memref_slice %arg3[%mul3A_358] : memref<320000xi32, #tpu.memory_space<hbm>> -> memref<64xi32, #tpu.memory_space<hbm>>
        %dma_wait3A_381 = arith.constant 0 : i32
        %dma_wait3A_382 = tpu.memref_slice %arg9[%run_scoped3A_359, %dma_wait3A_381] : memref<8x64xi32, #tpu.memory_space<vmem>> -> memref<1x64xi32, #tpu.memory_space<vmem>>
        %dma_wait3A_383 = tpu.memref_squeeze %dma_wait3A_382 : memref<1x64xi32, #tpu.memory_space<vmem>> -> memref<64xi32, #tpu.memory_space<vmem>>
        %dma_wait3A_384 = tpu.memref_slice %arg3[%mul3A_358] : memref<320000xi32, #tpu.memory_space<hbm>> -> memref<64xi32, #tpu.memory_space<hbm>>
        tpu.wait_dma2 semaphore(%run_scoped3A_368 : memref<!tpu.dma_semaphore, #tpu.memory_space<semaphore_mem>>) src(%dma_wait3A_384 : memref<64xi32, #tpu.memory_space<hbm>>) dst(%dma_wait3A_383 : memref<64xi32, #tpu.memory_space<vmem>>)
        tpu.yield
      }) : () -> ()
      %run_scoped3A_360 = arith.constant 0 : i32
      "tpu.region"() ({
        %run_scoped3A_368 = tpu.sem_alloc : memref<!tpu.dma_semaphore, #tpu.memory_space<semaphore_mem>>
        %dma_start3A_369 = arith.constant 0 : i32
        %dma_start3A_370 = arith.constant 0 : i32
        %dma_start3A_371 = tpu.memref_slice %arg10[%run_scoped3A_360, %dma_start3A_369, %dma_start3A_370] : memref<8x64x64xf32, #tpu.memory_space<vmem>> -> memref<1x64x64xf32, #tpu.memory_space<vmem>>
        %dma_start3A_372 = tpu.memref_squeeze %dma_start3A_371 : memref<1x64x64xf32, #tpu.memory_space<vmem>> -> memref<64x64xf32, #tpu.memory_space<vmem>>
        %dma_start3A_373 = tpu.memref_slice %arg2[%mul3A_358, %mul3A_0] : memref<320000x128xf32, #tpu.memory_space<hbm>> -> memref<64x64xf32, #tpu.memory_space<hbm>>
        %dma_start3A_374 = arith.constant 0 : i32
        %dma_start3A_375 = arith.constant 0 : i32
        %dma_start3A_376 = tpu.memref_slice %arg10[%run_scoped3A_360, %dma_start3A_374, %dma_start3A_375] : memref<8x64x64xf32, #tpu.memory_space<vmem>> -> memref<1x64x64xf32, #tpu.memory_space<vmem>>
        %dma_start3A_377 = tpu.memref_squeeze %dma_start3A_376 : memref<1x64x64xf32, #tpu.memory_space<vmem>> -> memref<64x64xf32, #tpu.memory_space<vmem>>
        %dma_start3A_378 = tpu.memref_slice %arg2[%mul3A_358, %mul3A_0] : memref<320000x128xf32, #tpu.memory_space<hbm>> -> memref<64x64xf32, #tpu.memory_space<hbm>>
        tpu.enqueue_dma source(%dma_start3A_378 : memref<64x64xf32, #tpu.memory_space<hbm>>) target(%dma_start3A_377 : memref<64x64xf32, #tpu.memory_space<vmem>>) target_semaphore(%run_scoped3A_368 : memref<!tpu.dma_semaphore, #tpu.memory_space<semaphore_mem>>)
        %dma_wait3A_379 = arith.constant 0 : i32
        %dma_wait3A_380 = arith.constant 0 : i32
        %dma_wait3A_381 = tpu.memref_slice %arg10[%run_scoped3A_360, %dma_wait3A_379, %dma_wait3A_380] : memref<8x64x64xf32, #tpu.memory_space<vmem>> -> memref<1x64x64xf32, #tpu.memory_space<vmem>>
        %dma_wait3A_382 = tpu.memref_squeeze %dma_wait3A_381 : memref<1x64x64xf32, #tpu.memory_space<vmem>> -> memref<64x64xf32, #tpu.memory_space<vmem>>
        %dma_wait3A_383 = tpu.memref_slice %arg2[%mul3A_358, %mul3A_0] : memref<320000x128xf32, #tpu.memory_space<hbm>> -> memref<64x64xf32, #tpu.memory_space<hbm>>
        %dma_wait3A_384 = arith.constant 0 : i32
        %dma_wait3A_385 = arith.constant 0 : i32
        %dma_wait3A_386 = tpu.memref_slice %arg10[%run_scoped3A_360, %dma_wait3A_384, %dma_wait3A_385] : memref<8x64x64xf32, #tpu.memory_space<vmem>> -> memref<1x64x64xf32, #tpu.memory_space<vmem>>
        %dma_wait3A_387 = tpu.memref_squeeze %dma_wait3A_386 : memref<1x64x64xf32, #tpu.memory_space<vmem>> -> memref<64x64xf32, #tpu.memory_space<vmem>>
        %dma_wait3A_388 = tpu.memref_slice %arg2[%mul3A_358, %mul3A_0] : memref<320000x128xf32, #tpu.memory_space<hbm>> -> memref<64x64xf32, #tpu.memory_space<hbm>>
        tpu.wait_dma2 semaphore(%run_scoped3A_368 : memref<!tpu.dma_semaphore, #tpu.memory_space<semaphore_mem>>) src(%dma_wait3A_388 : memref<64x64xf32, #tpu.memory_space<hbm>>) dst(%dma_wait3A_387 : memref<64x64xf32, #tpu.memory_space<vmem>>)
        tpu.yield
      }) : () -> ()
      %run_scoped3A_361 = arith.constant 0 : i32
      %run_scoped3A_362 = arith.constant 0 : i32
      "tpu.region"() ({
        %run_scoped3A_368 = tpu.sem_alloc : memref<!tpu.dma_semaphore, #tpu.memory_space<semaphore_mem>>
        %dma_start3A_369 = arith.constant 0 : i32
        %dma_start3A_370 = arith.constant 0 : i32
        %dma_start3A_371 = tpu.memref_slice %arg10[%run_scoped3A_361, %dma_start3A_369, %dma_start3A_370] : memref<8x64x64xf32, #tpu.memory_space<vmem>> -> memref<1x64x64xf32, #tpu.memory_space<vmem>>
        %dma_start3A_372 = tpu.memref_squeeze %dma_start3A_371 : memref<1x64x64xf32, #tpu.memory_space<vmem>> -> memref<64x64xf32, #tpu.memory_space<vmem>>
        %dma_start3A_373 = arith.constant 0 : i32
        %dma_start3A_374 = tpu.memref_slice %arg9[%run_scoped3A_362, %dma_start3A_373] : memref<8x64xi32, #tpu.memory_space<vmem>> -> memref<1x64xi32, #tpu.memory_space<vmem>>
        %dma_start3A_375 = tpu.memref_squeeze %dma_start3A_374 : memref<1x64xi32, #tpu.memory_space<vmem>> -> memref<64xi32, #tpu.memory_space<vmem>>
        %dma_start3A_376 = arith.constant 0 : i32
        %dma_start3A_377 = arith.constant 0 : i32
        %dma_start3A_378 = tpu.memref_slice %arg12[%dma_start3A_376, %dma_start3A_377] : memref<10000x64xf32, #tpu.memory_space<vmem_shared>> -> memref<10000x64xf32, #tpu.memory_space<vmem_shared>>
        tpu.enqueue_indirect_dma source(%dma_start3A_372 : memref<64x64xf32, #tpu.memory_space<vmem>>) target(%dma_start3A_378 : memref<10000x64xf32, #tpu.memory_space<vmem_shared>>) offsets(%dma_start3A_375 : memref<64xi32, #tpu.memory_space<vmem>>) semaphore(%run_scoped3A_368 : memref<!tpu.dma_semaphore, #tpu.memory_space<semaphore_mem>>) {add = true}
        %dma_wait3A_379 = arith.constant 0 : i32
        %dma_wait3A_380 = arith.constant 0 : i32
        %dma_wait3A_381 = tpu.memref_slice %arg10[%run_scoped3A_361, %dma_wait3A_379, %dma_wait3A_380] : memref<8x64x64xf32, #tpu.memory_space<vmem>> -> memref<1x64x64xf32, #tpu.memory_space<vmem>>
        %dma_wait3A_382 = tpu.memref_squeeze %dma_wait3A_381 : memref<1x64x64xf32, #tpu.memory_space<vmem>> -> memref<64x64xf32, #tpu.memory_space<vmem>>
        %dma_wait3A_383 = arith.constant 0 : i32
        %dma_wait3A_384 = tpu.memref_slice %arg9[%run_scoped3A_362, %dma_wait3A_383] : memref<8x64xi32, #tpu.memory_space<vmem>> -> memref<1x64xi32, #tpu.memory_space<vmem>>
        %dma_wait3A_385 = tpu.memref_squeeze %dma_wait3A_384 : memref<1x64xi32, #tpu.memory_space<vmem>> -> memref<64xi32, #tpu.memory_space<vmem>>
        %dma_wait3A_386 = arith.constant 0 : i32
        %dma_wait3A_387 = arith.constant 0 : i32
        %dma_wait3A_388 = tpu.memref_slice %arg12[%dma_wait3A_386, %dma_wait3A_387] : memref<10000x64xf32, #tpu.memory_space<vmem_shared>> -> memref<10000x64xf32, #tpu.memory_space<vmem_shared>>
        tpu.wait_indirect_dma semaphore(%run_scoped3A_368 : memref<!tpu.dma_semaphore, #tpu.memory_space<semaphore_mem>>) src(%dma_wait3A_382 : memref<64x64xf32, #tpu.memory_space<vmem>>) dst(%dma_wait3A_388 : memref<10000x64xf32, #tpu.memory_space<vmem_shared>>)
        tpu.yield
      }) : () -> ()
      %eq3A_363 = arith.constant 0 : i32
      %eq3A_364 = arith.cmpi eq, %arg0, %eq3A_363 : i32
      %convert_element_type3A_365 = arith.extui %eq3A_364 : i1 to i32
      %cond3A_366 = arith.constant 0 : i32
      %cond3A_367 = arith.cmpi ne, %convert_element_type3A_365, %cond3A_366 : i32
      scf.if %cond3A_367 {
        %run_scoped3A_368 = arith.constant 0 : i32
        "tpu.region"() ({
          %run_scoped3A_369 = tpu.sem_alloc : memref<!tpu.dma_semaphore, #tpu.memory_space<semaphore_mem>>
          %dma_start3A_370 = arith.constant 0 : i32
          %dma_start3A_371 = tpu.memref_slice %arg9[%run_scoped3A_368, %dma_start3A_370] : memref<8x64xi32, #tpu.memory_space<vmem>> -> memref<1x64xi32, #tpu.memory_space<vmem>>
          %dma_start3A_372 = tpu.memref_squeeze %dma_start3A_371 : memref<1x64xi32, #tpu.memory_space<vmem>> -> memref<64xi32, #tpu.memory_space<vmem>>
          %dma_start3A_373 = arith.constant 0 : i32
          %dma_start3A_374 = arith.constant 0 : i32
          %dma_start3A_375 = tpu.memref_slice %arg13[%dma_start3A_373, %dma_start3A_374] : memref<10000x8xf32, #tpu.memory_space<vmem_shared>> -> memref<10000x8xf32, #tpu.memory_space<vmem_shared>>
          tpu.enqueue_indirect_dma source(%arg11 : memref<64x8xf32, #tpu.memory_space<vmem>>) target(%dma_start3A_375 : memref<10000x8xf32, #tpu.memory_space<vmem_shared>>) offsets(%dma_start3A_372 : memref<64xi32, #tpu.memory_space<vmem>>) semaphore(%run_scoped3A_369 : memref<!tpu.dma_semaphore, #tpu.memory_space<semaphore_mem>>) {add = true}
          %dma_wait3A_376 = arith.constant 0 : i32
          %dma_wait3A_377 = tpu.memref_slice %arg9[%run_scoped3A_368, %dma_wait3A_376] : memref<8x64xi32, #tpu.memory_space<vmem>> -> memref<1x64xi32, #tpu.memory_space<vmem>>
          %dma_wait3A_378 = tpu.memref_squeeze %dma_wait3A_377 : memref<1x64xi32, #tpu.memory_space<vmem>> -> memref<64xi32, #tpu.memory_space<vmem>>
          %dma_wait3A_379 = arith.constant 0 : i32
          %dma_wait3A_380 = arith.constant 0 : i32
          %dma_wait3A_381 = tpu.memref_slice %arg13[%dma_wait3A_379, %dma_wait3A_380] : memref<10000x8xf32, #tpu.memory_space<vmem_shared>> -> memref<10000x8xf32, #tpu.memory_space<vmem_shared>>
          tpu.wait_indirect_dma semaphore(%run_scoped3A_369 : memref<!tpu.dma_semaphore, #tpu.memory_space<semaphore_mem>>) src(%arg11 : memref<64x8xf32, #tpu.memory_space<vmem>>) dst(%dma_wait3A_381 : memref<10000x8xf32, #tpu.memory_space<vmem_shared>>)
          tpu.yield
        }) : () -> ()
      } else {
      }
    } else {
    }
    %barrier3A_279 = arith.constant 0 : index
    tpu.barrier barrier_id(%barrier3A_279)
    %add3A_280 = arith.constant 0 : i32
    %add3A_281 = arith.addi %arg1, %add3A_280 : i32
    %lt3A_282 = arith.constant 156 : i32
    %lt3A_283 = arith.cmpi slt, %add3A_281, %lt3A_282 : i32
    %convert_element_type3A_284 = arith.extui %lt3A_283 : i1 to i32
    %cond3A_285 = arith.constant 0 : i32
    %cond3A_286 = arith.cmpi ne, %convert_element_type3A_284, %cond3A_285 : i32
    scf.if %cond3A_286 {
      %mul3A_355 = arith.constant 64 : i32
      %mul3A_356 = arith.muli %add3A_281, %mul3A_355 : i32
      %run_scoped3A_357 = arith.constant 0 : i32
      "tpu.region"() ({
        %run_scoped3A_364 = tpu.sem_alloc : memref<!tpu.dma_semaphore, #tpu.memory_space<semaphore_mem>>
        %dma_start3A_365 = arith.constant 0 : i32
        %dma_start3A_366 = arith.constant 0 : i32
        %dma_start3A_367 = tpu.memref_slice %arg10[%run_scoped3A_357, %dma_start3A_365, %dma_start3A_366] : memref<8x64x64xf32, #tpu.memory_space<vmem>> -> memref<1x64x64xf32, #tpu.memory_space<vmem>>
        %dma_start3A_368 = tpu.memref_squeeze %dma_start3A_367 : memref<1x64x64xf32, #tpu.memory_space<vmem>> -> memref<64x64xf32, #tpu.memory_space<vmem>>
        %dma_start3A_369 = arith.constant 0 : i32
        %dma_start3A_370 = tpu.memref_slice %arg12[%mul3A_356, %dma_start3A_369] : memref<10000x64xf32, #tpu.memory_space<vmem_shared>> -> memref<64x64xf32, #tpu.memory_space<vmem_shared>>
        %dma_start3A_371 = arith.constant 0 : i32
        %dma_start3A_372 = arith.constant 0 : i32
        %dma_start3A_373 = tpu.memref_slice %arg10[%run_scoped3A_357, %dma_start3A_371, %dma_start3A_372] : memref<8x64x64xf32, #tpu.memory_space<vmem>> -> memref<1x64x64xf32, #tpu.memory_space<vmem>>
        %dma_start3A_374 = tpu.memref_squeeze %dma_start3A_373 : memref<1x64x64xf32, #tpu.memory_space<vmem>> -> memref<64x64xf32, #tpu.memory_space<vmem>>
        %dma_start3A_375 = arith.constant 0 : i32
        %dma_start3A_376 = tpu.memref_slice %arg12[%mul3A_356, %dma_start3A_375] : memref<10000x64xf32, #tpu.memory_space<vmem_shared>> -> memref<64x64xf32, #tpu.memory_space<vmem_shared>>
        tpu.enqueue_dma source(%dma_start3A_376 : memref<64x64xf32, #tpu.memory_space<vmem_shared>>) target(%dma_start3A_374 : memref<64x64xf32, #tpu.memory_space<vmem>>) target_semaphore(%run_scoped3A_364 : memref<!tpu.dma_semaphore, #tpu.memory_space<semaphore_mem>>)
        %dma_wait3A_377 = arith.constant 0 : i32
        %dma_wait3A_378 = arith.constant 0 : i32
        %dma_wait3A_379 = tpu.memref_slice %arg10[%run_scoped3A_357, %dma_wait3A_377, %dma_wait3A_378] : memref<8x64x64xf32, #tpu.memory_space<vmem>> -> memref<1x64x64xf32, #tpu.memory_space<vmem>>
        %dma_wait3A_380 = tpu.memref_squeeze %dma_wait3A_379 : memref<1x64x64xf32, #tpu.memory_space<vmem>> -> memref<64x64xf32, #tpu.memory_space<vmem>>
        %dma_wait3A_381 = arith.constant 0 : i32
        %dma_wait3A_382 = tpu.memref_slice %arg12[%mul3A_356, %dma_wait3A_381] : memref<10000x64xf32, #tpu.memory_space<vmem_shared>> -> memref<64x64xf32, #tpu.memory_space<vmem_shared>>
        %dma_wait3A_383 = arith.constant 0 : i32
        %dma_wait3A_384 = arith.constant 0 : i32
        %dma_wait3A_385 = tpu.memref_slice %arg10[%run_scoped3A_357, %dma_wait3A_383, %dma_wait3A_384] : memref<8x64x64xf32, #tpu.memory_space<vmem>> -> memref<1x64x64xf32, #tpu.memory_space<vmem>>
        %dma_wait3A_386 = tpu.memref_squeeze %dma_wait3A_385 : memref<1x64x64xf32, #tpu.memory_space<vmem>> -> memref<64x64xf32, #tpu.memory_space<vmem>>
        %dma_wait3A_387 = arith.constant 0 : i32
        %dma_wait3A_388 = tpu.memref_slice %arg12[%mul3A_356, %dma_wait3A_387] : memref<10000x64xf32, #tpu.memory_space<vmem_shared>> -> memref<64x64xf32, #tpu.memory_space<vmem_shared>>
        tpu.wait_dma2 semaphore(%run_scoped3A_364 : memref<!tpu.dma_semaphore, #tpu.memory_space<semaphore_mem>>) src(%dma_wait3A_388 : memref<64x64xf32, #tpu.memory_space<vmem_shared>>) dst(%dma_wait3A_386 : memref<64x64xf32, #tpu.memory_space<vmem>>)
        tpu.yield
      }) : () -> ()
      %run_scoped3A_358 = arith.constant 0 : i32
      "tpu.region"() ({
        %run_scoped3A_364 = tpu.sem_alloc : memref<!tpu.dma_semaphore, #tpu.memory_space<semaphore_mem>>
        %dma_start3A_365 = arith.constant 0 : i32
        %dma_start3A_366 = arith.constant 0 : i32
        %dma_start3A_367 = tpu.memref_slice %arg10[%run_scoped3A_358, %dma_start3A_365, %dma_start3A_366] : memref<8x64x64xf32, #tpu.memory_space<vmem>> -> memref<1x64x64xf32, #tpu.memory_space<vmem>>
        %dma_start3A_368 = tpu.memref_squeeze %dma_start3A_367 : memref<1x64x64xf32, #tpu.memory_space<vmem>> -> memref<64x64xf32, #tpu.memory_space<vmem>>
        %dma_start3A_369 = tpu.memref_slice %arg7[%mul3A_356, %mul3A_0] : memref<10000x128xf32, #tpu.memory_space<hbm>> -> memref<64x64xf32, #tpu.memory_space<hbm>>
        %dma_start3A_370 = tpu.memref_slice %arg7[%mul3A_356, %mul3A_0] : memref<10000x128xf32, #tpu.memory_space<hbm>> -> memref<64x64xf32, #tpu.memory_space<hbm>>
        %dma_start3A_371 = arith.constant 0 : i32
        %dma_start3A_372 = arith.constant 0 : i32
        %dma_start3A_373 = tpu.memref_slice %arg10[%run_scoped3A_358, %dma_start3A_371, %dma_start3A_372] : memref<8x64x64xf32, #tpu.memory_space<vmem>> -> memref<1x64x64xf32, #tpu.memory_space<vmem>>
        %dma_start3A_374 = tpu.memref_squeeze %dma_start3A_373 : memref<1x64x64xf32, #tpu.memory_space<vmem>> -> memref<64x64xf32, #tpu.memory_space<vmem>>
        tpu.enqueue_dma source(%dma_start3A_374 : memref<64x64xf32, #tpu.memory_space<vmem>>) target(%dma_start3A_370 : memref<64x64xf32, #tpu.memory_space<hbm>>) target_semaphore(%run_scoped3A_364 : memref<!tpu.dma_semaphore, #tpu.memory_space<semaphore_mem>>)
        %dma_wait3A_375 = arith.constant 0 : i32
        %dma_wait3A_376 = arith.constant 0 : i32
        %dma_wait3A_377 = tpu.memref_slice %arg10[%run_scoped3A_358, %dma_wait3A_375, %dma_wait3A_376] : memref<8x64x64xf32, #tpu.memory_space<vmem>> -> memref<1x64x64xf32, #tpu.memory_space<vmem>>
        %dma_wait3A_378 = tpu.memref_squeeze %dma_wait3A_377 : memref<1x64x64xf32, #tpu.memory_space<vmem>> -> memref<64x64xf32, #tpu.memory_space<vmem>>
        %dma_wait3A_379 = tpu.memref_slice %arg7[%mul3A_356, %mul3A_0] : memref<10000x128xf32, #tpu.memory_space<hbm>> -> memref<64x64xf32, #tpu.memory_space<hbm>>
        %dma_wait3A_380 = tpu.memref_slice %arg7[%mul3A_356, %mul3A_0] : memref<10000x128xf32, #tpu.memory_space<hbm>> -> memref<64x64xf32, #tpu.memory_space<hbm>>
        %dma_wait3A_381 = arith.constant 0 : i32
        %dma_wait3A_382 = arith.constant 0 : i32
        %dma_wait3A_383 = tpu.memref_slice %arg10[%run_scoped3A_358, %dma_wait3A_381, %dma_wait3A_382] : memref<8x64x64xf32, #tpu.memory_space<vmem>> -> memref<1x64x64xf32, #tpu.memory_space<vmem>>
        %dma_wait3A_384 = tpu.memref_squeeze %dma_wait3A_383 : memref<1x64x64xf32, #tpu.memory_space<vmem>> -> memref<64x64xf32, #tpu.memory_space<vmem>>
        tpu.wait_dma2 semaphore(%run_scoped3A_364 : memref<!tpu.dma_semaphore, #tpu.memory_space<semaphore_mem>>) src(%dma_wait3A_384 : memref<64x64xf32, #tpu.memory_space<vmem>>) dst(%dma_wait3A_380 : memref<64x64xf32, #tpu.memory_space<hbm>>)
        tpu.yield
      }) : () -> ()
      %eq3A_359 = arith.constant 0 : i32
      %eq3A_360 = arith.cmpi eq, %arg0, %eq3A_359 : i32
      %convert_element_type3A_361 = arith.extui %eq3A_360 : i1 to i32
      %cond3A_362 = arith.constant 0 : i32
      %cond3A_363 = arith.cmpi ne, %convert_element_type3A_361, %cond3A_362 : i32
      scf.if %cond3A_363 {
        "tpu.region"() ({
          %run_scoped3A_364 = tpu.sem_alloc : memref<!tpu.dma_semaphore, #tpu.memory_space<semaphore_mem>>
          %dma_start3A_365 = arith.constant 0 : i32
          %dma_start3A_366 = arith.constant 0 : i32
          %dma_start3A_367 = tpu.memref_slice %arg11[%dma_start3A_365, %dma_start3A_366] : memref<64x8xf32, #tpu.memory_space<vmem>> -> memref<64x8xf32, #tpu.memory_space<vmem>>
          %dma_start3A_368 = arith.constant 0 : i32
          %dma_start3A_369 = tpu.memref_slice %arg13[%mul3A_356, %dma_start3A_368] : memref<10000x8xf32, #tpu.memory_space<vmem_shared>> -> memref<64x8xf32, #tpu.memory_space<vmem_shared>>
          %dma_start3A_370 = arith.constant 0 : i32
          %dma_start3A_371 = arith.constant 0 : i32
          %dma_start3A_372 = tpu.memref_slice %arg11[%dma_start3A_370, %dma_start3A_371] : memref<64x8xf32, #tpu.memory_space<vmem>> -> memref<64x8xf32, #tpu.memory_space<vmem>>
          %dma_start3A_373 = arith.constant 0 : i32
          %dma_start3A_374 = tpu.memref_slice %arg13[%mul3A_356, %dma_start3A_373] : memref<10000x8xf32, #tpu.memory_space<vmem_shared>> -> memref<64x8xf32, #tpu.memory_space<vmem_shared>>
          tpu.enqueue_dma source(%dma_start3A_374 : memref<64x8xf32, #tpu.memory_space<vmem_shared>>) target(%dma_start3A_372 : memref<64x8xf32, #tpu.memory_space<vmem>>) target_semaphore(%run_scoped3A_364 : memref<!tpu.dma_semaphore, #tpu.memory_space<semaphore_mem>>)
          %dma_wait3A_375 = arith.constant 0 : i32
          %dma_wait3A_376 = arith.constant 0 : i32
          %dma_wait3A_377 = tpu.memref_slice %arg11[%dma_wait3A_375, %dma_wait3A_376] : memref<64x8xf32, #tpu.memory_space<vmem>> -> memref<64x8xf32, #tpu.memory_space<vmem>>
          %dma_wait3A_378 = arith.constant 0 : i32
          %dma_wait3A_379 = tpu.memref_slice %arg13[%mul3A_356, %dma_wait3A_378] : memref<10000x8xf32, #tpu.memory_space<vmem_shared>> -> memref<64x8xf32, #tpu.memory_space<vmem_shared>>
          %dma_wait3A_380 = arith.constant 0 : i32
          %dma_wait3A_381 = arith.constant 0 : i32
          %dma_wait3A_382 = tpu.memref_slice %arg11[%dma_wait3A_380, %dma_wait3A_381] : memref<64x8xf32, #tpu.memory_space<vmem>> -> memref<64x8xf32, #tpu.memory_space<vmem>>
          %dma_wait3A_383 = arith.constant 0 : i32
          %dma_wait3A_384 = tpu.memref_slice %arg13[%mul3A_356, %dma_wait3A_383] : memref<10000x8xf32, #tpu.memory_space<vmem_shared>> -> memref<64x8xf32, #tpu.memory_space<vmem_shared>>
          tpu.wait_dma2 semaphore(%run_scoped3A_364 : memref<!tpu.dma_semaphore, #tpu.memory_space<semaphore_mem>>) src(%dma_wait3A_384 : memref<64x8xf32, #tpu.memory_space<vmem_shared>>) dst(%dma_wait3A_382 : memref<64x8xf32, #tpu.memory_space<vmem>>)
          tpu.yield
        }) : () -> ()
        "tpu.region"() ({
          %run_scoped3A_364 = tpu.sem_alloc : memref<!tpu.dma_semaphore, #tpu.memory_space<semaphore_mem>>
          %dma_start3A_365 = arith.constant 0 : i32
          %dma_start3A_366 = arith.constant 0 : i32
          %dma_start3A_367 = tpu.memref_slice %arg11[%dma_start3A_365, %dma_start3A_366] : memref<64x8xf32, #tpu.memory_space<vmem>> -> memref<64x8xf32, #tpu.memory_space<vmem>>
          %dma_start3A_368 = arith.constant 0 : i32
          %dma_start3A_369 = tpu.memref_slice %arg8[%mul3A_356, %dma_start3A_368] : memref<10000x8xf32, #tpu.memory_space<hbm>> -> memref<64x8xf32, #tpu.memory_space<hbm>>
          %dma_start3A_370 = arith.constant 0 : i32
          %dma_start3A_371 = tpu.memref_slice %arg8[%mul3A_356, %dma_start3A_370] : memref<10000x8xf32, #tpu.memory_space<hbm>> -> memref<64x8xf32, #tpu.memory_space<hbm>>
          %dma_start3A_372 = arith.constant 0 : i32
          %dma_start3A_373 = arith.constant 0 : i32
          %dma_start3A_374 = tpu.memref_slice %arg11[%dma_start3A_372, %dma_start3A_373] : memref<64x8xf32, #tpu.memory_space<vmem>> -> memref<64x8xf32, #tpu.memory_space<vmem>>
          tpu.enqueue_dma source(%dma_start3A_374 : memref<64x8xf32, #tpu.memory_space<vmem>>) target(%dma_start3A_371 : memref<64x8xf32, #tpu.memory_space<hbm>>) target_semaphore(%run_scoped3A_364 : memref<!tpu.dma_semaphore, #tpu.memory_space<semaphore_mem>>)
          %dma_wait3A_375 = arith.constant 0 : i32
          %dma_wait3A_376 = arith.constant 0 : i32
          %dma_wait3A_377 = tpu.memref_slice %arg11[%dma_wait3A_375, %dma_wait3A_376] : memref<64x8xf32, #tpu.memory_space<vmem>> -> memref<64x8xf32, #tpu.memory_space<vmem>>
          %dma_wait3A_378 = arith.constant 0 : i32
          %dma_wait3A_379 = tpu.memref_slice %arg8[%mul3A_356, %dma_wait3A_378] : memref<10000x8xf32, #tpu.memory_space<hbm>> -> memref<64x8xf32, #tpu.memory_space<hbm>>
          %dma_wait3A_380 = arith.constant 0 : i32
          %dma_wait3A_381 = tpu.memref_slice %arg8[%mul3A_356, %dma_wait3A_380] : memref<10000x8xf32, #tpu.memory_space<hbm>> -> memref<64x8xf32, #tpu.memory_space<hbm>>
          %dma_wait3A_382 = arith.constant 0 : i32
          %dma_wait3A_383 = arith.constant 0 : i32
          %dma_wait3A_384 = tpu.memref_slice %arg11[%dma_wait3A_382, %dma_wait3A_383] : memref<64x8xf32, #tpu.memory_space<vmem>> -> memref<64x8xf32, #tpu.memory_space<vmem>>
          tpu.wait_dma2 semaphore(%run_scoped3A_364 : memref<!tpu.dma_semaphore, #tpu.memory_space<semaphore_mem>>) src(%dma_wait3A_384 : memref<64x8xf32, #tpu.memory_space<vmem>>) dst(%dma_wait3A_381 : memref<64x8xf32, #tpu.memory_space<hbm>>)
          tpu.yield
        }) : () -> ()
      } else {
      }
    } else {
    }
    %add3A_287 = arith.constant 16 : i32
    %add3A_288 = arith.addi %arg1, %add3A_287 : i32
    %lt3A_289 = arith.constant 156 : i32
    %lt3A_290 = arith.cmpi slt, %add3A_288, %lt3A_289 : i32
    %convert_element_type3A_291 = arith.extui %lt3A_290 : i1 to i32
    %cond3A_292 = arith.constant 0 : i32
    %cond3A_293 = arith.cmpi ne, %convert_element_type3A_291, %cond3A_292 : i32
    scf.if %cond3A_293 {
      %mul3A_355 = arith.constant 64 : i32
      %mul3A_356 = arith.muli %add3A_288, %mul3A_355 : i32
      %run_scoped3A_357 = arith.constant 0 : i32
      "tpu.region"() ({
        %run_scoped3A_364 = tpu.sem_alloc : memref<!tpu.dma_semaphore, #tpu.memory_space<semaphore_mem>>
        %dma_start3A_365 = arith.constant 0 : i32
        %dma_start3A_366 = arith.constant 0 : i32
        %dma_start3A_367 = tpu.memref_slice %arg10[%run_scoped3A_357, %dma_start3A_365, %dma_start3A_366] : memref<8x64x64xf32, #tpu.memory_space<vmem>> -> memref<1x64x64xf32, #tpu.memory_space<vmem>>
        %dma_start3A_368 = tpu.memref_squeeze %dma_start3A_367 : memref<1x64x64xf32, #tpu.memory_space<vmem>> -> memref<64x64xf32, #tpu.memory_space<vmem>>
        %dma_start3A_369 = arith.constant 0 : i32
        %dma_start3A_370 = tpu.memref_slice %arg12[%mul3A_356, %dma_start3A_369] : memref<10000x64xf32, #tpu.memory_space<vmem_shared>> -> memref<64x64xf32, #tpu.memory_space<vmem_shared>>
        %dma_start3A_371 = arith.constant 0 : i32
        %dma_start3A_372 = arith.constant 0 : i32
        %dma_start3A_373 = tpu.memref_slice %arg10[%run_scoped3A_357, %dma_start3A_371, %dma_start3A_372] : memref<8x64x64xf32, #tpu.memory_space<vmem>> -> memref<1x64x64xf32, #tpu.memory_space<vmem>>
        %dma_start3A_374 = tpu.memref_squeeze %dma_start3A_373 : memref<1x64x64xf32, #tpu.memory_space<vmem>> -> memref<64x64xf32, #tpu.memory_space<vmem>>
        %dma_start3A_375 = arith.constant 0 : i32
        %dma_start3A_376 = tpu.memref_slice %arg12[%mul3A_356, %dma_start3A_375] : memref<10000x64xf32, #tpu.memory_space<vmem_shared>> -> memref<64x64xf32, #tpu.memory_space<vmem_shared>>
        tpu.enqueue_dma source(%dma_start3A_376 : memref<64x64xf32, #tpu.memory_space<vmem_shared>>) target(%dma_start3A_374 : memref<64x64xf32, #tpu.memory_space<vmem>>) target_semaphore(%run_scoped3A_364 : memref<!tpu.dma_semaphore, #tpu.memory_space<semaphore_mem>>)
        %dma_wait3A_377 = arith.constant 0 : i32
        %dma_wait3A_378 = arith.constant 0 : i32
        %dma_wait3A_379 = tpu.memref_slice %arg10[%run_scoped3A_357, %dma_wait3A_377, %dma_wait3A_378] : memref<8x64x64xf32, #tpu.memory_space<vmem>> -> memref<1x64x64xf32, #tpu.memory_space<vmem>>
        %dma_wait3A_380 = tpu.memref_squeeze %dma_wait3A_379 : memref<1x64x64xf32, #tpu.memory_space<vmem>> -> memref<64x64xf32, #tpu.memory_space<vmem>>
        %dma_wait3A_381 = arith.constant 0 : i32
        %dma_wait3A_382 = tpu.memref_slice %arg12[%mul3A_356, %dma_wait3A_381] : memref<10000x64xf32, #tpu.memory_space<vmem_shared>> -> memref<64x64xf32, #tpu.memory_space<vmem_shared>>
        %dma_wait3A_383 = arith.constant 0 : i32
        %dma_wait3A_384 = arith.constant 0 : i32
        %dma_wait3A_385 = tpu.memref_slice %arg10[%run_scoped3A_357, %dma_wait3A_383, %dma_wait3A_384] : memref<8x64x64xf32, #tpu.memory_space<vmem>> -> memref<1x64x64xf32, #tpu.memory_space<vmem>>
        %dma_wait3A_386 = tpu.memref_squeeze %dma_wait3A_385 : memref<1x64x64xf32, #tpu.memory_space<vmem>> -> memref<64x64xf32, #tpu.memory_space<vmem>>
        %dma_wait3A_387 = arith.constant 0 : i32
        %dma_wait3A_388 = tpu.memref_slice %arg12[%mul3A_356, %dma_wait3A_387] : memref<10000x64xf32, #tpu.memory_space<vmem_shared>> -> memref<64x64xf32, #tpu.memory_space<vmem_shared>>
        tpu.wait_dma2 semaphore(%run_scoped3A_364 : memref<!tpu.dma_semaphore, #tpu.memory_space<semaphore_mem>>) src(%dma_wait3A_388 : memref<64x64xf32, #tpu.memory_space<vmem_shared>>) dst(%dma_wait3A_386 : memref<64x64xf32, #tpu.memory_space<vmem>>)
        tpu.yield
      }) : () -> ()
      %run_scoped3A_358 = arith.constant 0 : i32
      "tpu.region"() ({
        %run_scoped3A_364 = tpu.sem_alloc : memref<!tpu.dma_semaphore, #tpu.memory_space<semaphore_mem>>
        %dma_start3A_365 = arith.constant 0 : i32
        %dma_start3A_366 = arith.constant 0 : i32
        %dma_start3A_367 = tpu.memref_slice %arg10[%run_scoped3A_358, %dma_start3A_365, %dma_start3A_366] : memref<8x64x64xf32, #tpu.memory_space<vmem>> -> memref<1x64x64xf32, #tpu.memory_space<vmem>>
        %dma_start3A_368 = tpu.memref_squeeze %dma_start3A_367 : memref<1x64x64xf32, #tpu.memory_space<vmem>> -> memref<64x64xf32, #tpu.memory_space<vmem>>
        %dma_start3A_369 = tpu.memref_slice %arg7[%mul3A_356, %mul3A_0] : memref<10000x128xf32, #tpu.memory_space<hbm>> -> memref<64x64xf32, #tpu.memory_space<hbm>>
        %dma_start3A_370 = tpu.memref_slice %arg7[%mul3A_356, %mul3A_0] : memref<10000x128xf32, #tpu.memory_space<hbm>> -> memref<64x64xf32, #tpu.memory_space<hbm>>
        %dma_start3A_371 = arith.constant 0 : i32
        %dma_start3A_372 = arith.constant 0 : i32
        %dma_start3A_373 = tpu.memref_slice %arg10[%run_scoped3A_358, %dma_start3A_371, %dma_start3A_372] : memref<8x64x64xf32, #tpu.memory_space<vmem>> -> memref<1x64x64xf32, #tpu.memory_space<vmem>>
        %dma_start3A_374 = tpu.memref_squeeze %dma_start3A_373 : memref<1x64x64xf32, #tpu.memory_space<vmem>> -> memref<64x64xf32, #tpu.memory_space<vmem>>
        tpu.enqueue_dma source(%dma_start3A_374 : memref<64x64xf32, #tpu.memory_space<vmem>>) target(%dma_start3A_370 : memref<64x64xf32, #tpu.memory_space<hbm>>) target_semaphore(%run_scoped3A_364 : memref<!tpu.dma_semaphore, #tpu.memory_space<semaphore_mem>>)
        %dma_wait3A_375 = arith.constant 0 : i32
        %dma_wait3A_376 = arith.constant 0 : i32
        %dma_wait3A_377 = tpu.memref_slice %arg10[%run_scoped3A_358, %dma_wait3A_375, %dma_wait3A_376] : memref<8x64x64xf32, #tpu.memory_space<vmem>> -> memref<1x64x64xf32, #tpu.memory_space<vmem>>
        %dma_wait3A_378 = tpu.memref_squeeze %dma_wait3A_377 : memref<1x64x64xf32, #tpu.memory_space<vmem>> -> memref<64x64xf32, #tpu.memory_space<vmem>>
        %dma_wait3A_379 = tpu.memref_slice %arg7[%mul3A_356, %mul3A_0] : memref<10000x128xf32, #tpu.memory_space<hbm>> -> memref<64x64xf32, #tpu.memory_space<hbm>>
        %dma_wait3A_380 = tpu.memref_slice %arg7[%mul3A_356, %mul3A_0] : memref<10000x128xf32, #tpu.memory_space<hbm>> -> memref<64x64xf32, #tpu.memory_space<hbm>>
        %dma_wait3A_381 = arith.constant 0 : i32
        %dma_wait3A_382 = arith.constant 0 : i32
        %dma_wait3A_383 = tpu.memref_slice %arg10[%run_scoped3A_358, %dma_wait3A_381, %dma_wait3A_382] : memref<8x64x64xf32, #tpu.memory_space<vmem>> -> memref<1x64x64xf32, #tpu.memory_space<vmem>>
        %dma_wait3A_384 = tpu.memref_squeeze %dma_wait3A_383 : memref<1x64x64xf32, #tpu.memory_space<vmem>> -> memref<64x64xf32, #tpu.memory_space<vmem>>
        tpu.wait_dma2 semaphore(%run_scoped3A_364 : memref<!tpu.dma_semaphore, #tpu.memory_space<semaphore_mem>>) src(%dma_wait3A_384 : memref<64x64xf32, #tpu.memory_space<vmem>>) dst(%dma_wait3A_380 : memref<64x64xf32, #tpu.memory_space<hbm>>)
        tpu.yield
      }) : () -> ()
      %eq3A_359 = arith.constant 0 : i32
      %eq3A_360 = arith.cmpi eq, %arg0, %eq3A_359 : i32
      %convert_element_type3A_361 = arith.extui %eq3A_360 : i1 to i32
      %cond3A_362 = arith.constant 0 : i32
      %cond3A_363 = arith.cmpi ne, %convert_element_type3A_361, %cond3A_362 : i32
      scf.if %cond3A_363 {
        "tpu.region"() ({
          %run_scoped3A_364 = tpu.sem_alloc : memref<!tpu.dma_semaphore, #tpu.memory_space<semaphore_mem>>
          %dma_start3A_365 = arith.constant 0 : i32
          %dma_start3A_366 = arith.constant 0 : i32
          %dma_start3A_367 = tpu.memref_slice %arg11[%dma_start3A_365, %dma_start3A_366] : memref<64x8xf32, #tpu.memory_space<vmem>> -> memref<64x8xf32, #tpu.memory_space<vmem>>
          %dma_start3A_368 = arith.constant 0 : i32
          %dma_start3A_369 = tpu.memref_slice %arg13[%mul3A_356, %dma_start3A_368] : memref<10000x8xf32, #tpu.memory_space<vmem_shared>> -> memref<64x8xf32, #tpu.memory_space<vmem_shared>>
          %dma_start3A_370 = arith.constant 0 : i32
          %dma_start3A_371 = arith.constant 0 : i32
          %dma_start3A_372 = tpu.memref_slice %arg11[%dma_start3A_370, %dma_start3A_371] : memref<64x8xf32, #tpu.memory_space<vmem>> -> memref<64x8xf32, #tpu.memory_space<vmem>>
          %dma_start3A_373 = arith.constant 0 : i32
          %dma_start3A_374 = tpu.memref_slice %arg13[%mul3A_356, %dma_start3A_373] : memref<10000x8xf32, #tpu.memory_space<vmem_shared>> -> memref<64x8xf32, #tpu.memory_space<vmem_shared>>
          tpu.enqueue_dma source(%dma_start3A_374 : memref<64x8xf32, #tpu.memory_space<vmem_shared>>) target(%dma_start3A_372 : memref<64x8xf32, #tpu.memory_space<vmem>>) target_semaphore(%run_scoped3A_364 : memref<!tpu.dma_semaphore, #tpu.memory_space<semaphore_mem>>)
          %dma_wait3A_375 = arith.constant 0 : i32
          %dma_wait3A_376 = arith.constant 0 : i32
          %dma_wait3A_377 = tpu.memref_slice %arg11[%dma_wait3A_375, %dma_wait3A_376] : memref<64x8xf32, #tpu.memory_space<vmem>> -> memref<64x8xf32, #tpu.memory_space<vmem>>
          %dma_wait3A_378 = arith.constant 0 : i32
          %dma_wait3A_379 = tpu.memref_slice %arg13[%mul3A_356, %dma_wait3A_378] : memref<10000x8xf32, #tpu.memory_space<vmem_shared>> -> memref<64x8xf32, #tpu.memory_space<vmem_shared>>
          %dma_wait3A_380 = arith.constant 0 : i32
          %dma_wait3A_381 = arith.constant 0 : i32
          %dma_wait3A_382 = tpu.memref_slice %arg11[%dma_wait3A_380, %dma_wait3A_381] : memref<64x8xf32, #tpu.memory_space<vmem>> -> memref<64x8xf32, #tpu.memory_space<vmem>>
          %dma_wait3A_383 = arith.constant 0 : i32
          %dma_wait3A_384 = tpu.memref_slice %arg13[%mul3A_356, %dma_wait3A_383] : memref<10000x8xf32, #tpu.memory_space<vmem_shared>> -> memref<64x8xf32, #tpu.memory_space<vmem_shared>>
          tpu.wait_dma2 semaphore(%run_scoped3A_364 : memref<!tpu.dma_semaphore, #tpu.memory_space<semaphore_mem>>) src(%dma_wait3A_384 : memref<64x8xf32, #tpu.memory_space<vmem_shared>>) dst(%dma_wait3A_382 : memref<64x8xf32, #tpu.memory_space<vmem>>)
          tpu.yield
        }) : () -> ()
        "tpu.region"() ({
          %run_scoped3A_364 = tpu.sem_alloc : memref<!tpu.dma_semaphore, #tpu.memory_space<semaphore_mem>>
          %dma_start3A_365 = arith.constant 0 : i32
          %dma_start3A_366 = arith.constant 0 : i32
          %dma_start3A_367 = tpu.memref_slice %arg11[%dma_start3A_365, %dma_start3A_366] : memref<64x8xf32, #tpu.memory_space<vmem>> -> memref<64x8xf32, #tpu.memory_space<vmem>>
          %dma_start3A_368 = arith.constant 0 : i32
          %dma_start3A_369 = tpu.memref_slice %arg8[%mul3A_356, %dma_start3A_368] : memref<10000x8xf32, #tpu.memory_space<hbm>> -> memref<64x8xf32, #tpu.memory_space<hbm>>
          %dma_start3A_370 = arith.constant 0 : i32
          %dma_start3A_371 = tpu.memref_slice %arg8[%mul3A_356, %dma_start3A_370] : memref<10000x8xf32, #tpu.memory_space<hbm>> -> memref<64x8xf32, #tpu.memory_space<hbm>>
          %dma_start3A_372 = arith.constant 0 : i32
          %dma_start3A_373 = arith.constant 0 : i32
          %dma_start3A_374 = tpu.memref_slice %arg11[%dma_start3A_372, %dma_start3A_373] : memref<64x8xf32, #tpu.memory_space<vmem>> -> memref<64x8xf32, #tpu.memory_space<vmem>>
          tpu.enqueue_dma source(%dma_start3A_374 : memref<64x8xf32, #tpu.memory_space<vmem>>) target(%dma_start3A_371 : memref<64x8xf32, #tpu.memory_space<hbm>>) target_semaphore(%run_scoped3A_364 : memref<!tpu.dma_semaphore, #tpu.memory_space<semaphore_mem>>)
          %dma_wait3A_375 = arith.constant 0 : i32
          %dma_wait3A_376 = arith.constant 0 : i32
          %dma_wait3A_377 = tpu.memref_slice %arg11[%dma_wait3A_375, %dma_wait3A_376] : memref<64x8xf32, #tpu.memory_space<vmem>> -> memref<64x8xf32, #tpu.memory_space<vmem>>
          %dma_wait3A_378 = arith.constant 0 : i32
          %dma_wait3A_379 = tpu.memref_slice %arg8[%mul3A_356, %dma_wait3A_378] : memref<10000x8xf32, #tpu.memory_space<hbm>> -> memref<64x8xf32, #tpu.memory_space<hbm>>
          %dma_wait3A_380 = arith.constant 0 : i32
          %dma_wait3A_381 = tpu.memref_slice %arg8[%mul3A_356, %dma_wait3A_380] : memref<10000x8xf32, #tpu.memory_space<hbm>> -> memref<64x8xf32, #tpu.memory_space<hbm>>
          %dma_wait3A_382 = arith.constant 0 : i32
          %dma_wait3A_383 = arith.constant 0 : i32
          %dma_wait3A_384 = tpu.memref_slice %arg11[%dma_wait3A_382, %dma_wait3A_383] : memref<64x8xf32, #tpu.memory_space<vmem>> -> memref<64x8xf32, #tpu.memory_space<vmem>>
          tpu.wait_dma2 semaphore(%run_scoped3A_364 : memref<!tpu.dma_semaphore, #tpu.memory_space<semaphore_mem>>) src(%dma_wait3A_384 : memref<64x8xf32, #tpu.memory_space<vmem>>) dst(%dma_wait3A_381 : memref<64x8xf32, #tpu.memory_space<hbm>>)
          tpu.yield
        }) : () -> ()
      } else {
      }
    } else {
    }
    %add3A_294 = arith.constant 32 : i32
    %add3A_295 = arith.addi %arg1, %add3A_294 : i32
    %lt3A_296 = arith.constant 156 : i32
    %lt3A_297 = arith.cmpi slt, %add3A_295, %lt3A_296 : i32
    %convert_element_type3A_298 = arith.extui %lt3A_297 : i1 to i32
    %cond3A_299 = arith.constant 0 : i32
    %cond3A_300 = arith.cmpi ne, %convert_element_type3A_298, %cond3A_299 : i32
    scf.if %cond3A_300 {
      %mul3A_355 = arith.constant 64 : i32
      %mul3A_356 = arith.muli %add3A_295, %mul3A_355 : i32
      %run_scoped3A_357 = arith.constant 0 : i32
      "tpu.region"() ({
        %run_scoped3A_364 = tpu.sem_alloc : memref<!tpu.dma_semaphore, #tpu.memory_space<semaphore_mem>>
        %dma_start3A_365 = arith.constant 0 : i32
        %dma_start3A_366 = arith.constant 0 : i32
        %dma_start3A_367 = tpu.memref_slice %arg10[%run_scoped3A_357, %dma_start3A_365, %dma_start3A_366] : memref<8x64x64xf32, #tpu.memory_space<vmem>> -> memref<1x64x64xf32, #tpu.memory_space<vmem>>
        %dma_start3A_368 = tpu.memref_squeeze %dma_start3A_367 : memref<1x64x64xf32, #tpu.memory_space<vmem>> -> memref<64x64xf32, #tpu.memory_space<vmem>>
        %dma_start3A_369 = arith.constant 0 : i32
        %dma_start3A_370 = tpu.memref_slice %arg12[%mul3A_356, %dma_start3A_369] : memref<10000x64xf32, #tpu.memory_space<vmem_shared>> -> memref<64x64xf32, #tpu.memory_space<vmem_shared>>
        %dma_start3A_371 = arith.constant 0 : i32
        %dma_start3A_372 = arith.constant 0 : i32
        %dma_start3A_373 = tpu.memref_slice %arg10[%run_scoped3A_357, %dma_start3A_371, %dma_start3A_372] : memref<8x64x64xf32, #tpu.memory_space<vmem>> -> memref<1x64x64xf32, #tpu.memory_space<vmem>>
        %dma_start3A_374 = tpu.memref_squeeze %dma_start3A_373 : memref<1x64x64xf32, #tpu.memory_space<vmem>> -> memref<64x64xf32, #tpu.memory_space<vmem>>
        %dma_start3A_375 = arith.constant 0 : i32
        %dma_start3A_376 = tpu.memref_slice %arg12[%mul3A_356, %dma_start3A_375] : memref<10000x64xf32, #tpu.memory_space<vmem_shared>> -> memref<64x64xf32, #tpu.memory_space<vmem_shared>>
        tpu.enqueue_dma source(%dma_start3A_376 : memref<64x64xf32, #tpu.memory_space<vmem_shared>>) target(%dma_start3A_374 : memref<64x64xf32, #tpu.memory_space<vmem>>) target_semaphore(%run_scoped3A_364 : memref<!tpu.dma_semaphore, #tpu.memory_space<semaphore_mem>>)
        %dma_wait3A_377 = arith.constant 0 : i32
        %dma_wait3A_378 = arith.constant 0 : i32
        %dma_wait3A_379 = tpu.memref_slice %arg10[%run_scoped3A_357, %dma_wait3A_377, %dma_wait3A_378] : memref<8x64x64xf32, #tpu.memory_space<vmem>> -> memref<1x64x64xf32, #tpu.memory_space<vmem>>
        %dma_wait3A_380 = tpu.memref_squeeze %dma_wait3A_379 : memref<1x64x64xf32, #tpu.memory_space<vmem>> -> memref<64x64xf32, #tpu.memory_space<vmem>>
        %dma_wait3A_381 = arith.constant 0 : i32
        %dma_wait3A_382 = tpu.memref_slice %arg12[%mul3A_356, %dma_wait3A_381] : memref<10000x64xf32, #tpu.memory_space<vmem_shared>> -> memref<64x64xf32, #tpu.memory_space<vmem_shared>>
        %dma_wait3A_383 = arith.constant 0 : i32
        %dma_wait3A_384 = arith.constant 0 : i32
        %dma_wait3A_385 = tpu.memref_slice %arg10[%run_scoped3A_357, %dma_wait3A_383, %dma_wait3A_384] : memref<8x64x64xf32, #tpu.memory_space<vmem>> -> memref<1x64x64xf32, #tpu.memory_space<vmem>>
        %dma_wait3A_386 = tpu.memref_squeeze %dma_wait3A_385 : memref<1x64x64xf32, #tpu.memory_space<vmem>> -> memref<64x64xf32, #tpu.memory_space<vmem>>
        %dma_wait3A_387 = arith.constant 0 : i32
        %dma_wait3A_388 = tpu.memref_slice %arg12[%mul3A_356, %dma_wait3A_387] : memref<10000x64xf32, #tpu.memory_space<vmem_shared>> -> memref<64x64xf32, #tpu.memory_space<vmem_shared>>
        tpu.wait_dma2 semaphore(%run_scoped3A_364 : memref<!tpu.dma_semaphore, #tpu.memory_space<semaphore_mem>>) src(%dma_wait3A_388 : memref<64x64xf32, #tpu.memory_space<vmem_shared>>) dst(%dma_wait3A_386 : memref<64x64xf32, #tpu.memory_space<vmem>>)
        tpu.yield
      }) : () -> ()
      %run_scoped3A_358 = arith.constant 0 : i32
      "tpu.region"() ({
        %run_scoped3A_364 = tpu.sem_alloc : memref<!tpu.dma_semaphore, #tpu.memory_space<semaphore_mem>>
        %dma_start3A_365 = arith.constant 0 : i32
        %dma_start3A_366 = arith.constant 0 : i32
        %dma_start3A_367 = tpu.memref_slice %arg10[%run_scoped3A_358, %dma_start3A_365, %dma_start3A_366] : memref<8x64x64xf32, #tpu.memory_space<vmem>> -> memref<1x64x64xf32, #tpu.memory_space<vmem>>
        %dma_start3A_368 = tpu.memref_squeeze %dma_start3A_367 : memref<1x64x64xf32, #tpu.memory_space<vmem>> -> memref<64x64xf32, #tpu.memory_space<vmem>>
        %dma_start3A_369 = tpu.memref_slice %arg7[%mul3A_356, %mul3A_0] : memref<10000x128xf32, #tpu.memory_space<hbm>> -> memref<64x64xf32, #tpu.memory_space<hbm>>
        %dma_start3A_370 = tpu.memref_slice %arg7[%mul3A_356, %mul3A_0] : memref<10000x128xf32, #tpu.memory_space<hbm>> -> memref<64x64xf32, #tpu.memory_space<hbm>>
        %dma_start3A_371 = arith.constant 0 : i32
        %dma_start3A_372 = arith.constant 0 : i32
        %dma_start3A_373 = tpu.memref_slice %arg10[%run_scoped3A_358, %dma_start3A_371, %dma_start3A_372] : memref<8x64x64xf32, #tpu.memory_space<vmem>> -> memref<1x64x64xf32, #tpu.memory_space<vmem>>
        %dma_start3A_374 = tpu.memref_squeeze %dma_start3A_373 : memref<1x64x64xf32, #tpu.memory_space<vmem>> -> memref<64x64xf32, #tpu.memory_space<vmem>>
        tpu.enqueue_dma source(%dma_start3A_374 : memref<64x64xf32, #tpu.memory_space<vmem>>) target(%dma_start3A_370 : memref<64x64xf32, #tpu.memory_space<hbm>>) target_semaphore(%run_scoped3A_364 : memref<!tpu.dma_semaphore, #tpu.memory_space<semaphore_mem>>)
        %dma_wait3A_375 = arith.constant 0 : i32
        %dma_wait3A_376 = arith.constant 0 : i32
        %dma_wait3A_377 = tpu.memref_slice %arg10[%run_scoped3A_358, %dma_wait3A_375, %dma_wait3A_376] : memref<8x64x64xf32, #tpu.memory_space<vmem>> -> memref<1x64x64xf32, #tpu.memory_space<vmem>>
        %dma_wait3A_378 = tpu.memref_squeeze %dma_wait3A_377 : memref<1x64x64xf32, #tpu.memory_space<vmem>> -> memref<64x64xf32, #tpu.memory_space<vmem>>
        %dma_wait3A_379 = tpu.memref_slice %arg7[%mul3A_356, %mul3A_0] : memref<10000x128xf32, #tpu.memory_space<hbm>> -> memref<64x64xf32, #tpu.memory_space<hbm>>
        %dma_wait3A_380 = tpu.memref_slice %arg7[%mul3A_356, %mul3A_0] : memref<10000x128xf32, #tpu.memory_space<hbm>> -> memref<64x64xf32, #tpu.memory_space<hbm>>
        %dma_wait3A_381 = arith.constant 0 : i32
        %dma_wait3A_382 = arith.constant 0 : i32
        %dma_wait3A_383 = tpu.memref_slice %arg10[%run_scoped3A_358, %dma_wait3A_381, %dma_wait3A_382] : memref<8x64x64xf32, #tpu.memory_space<vmem>> -> memref<1x64x64xf32, #tpu.memory_space<vmem>>
        %dma_wait3A_384 = tpu.memref_squeeze %dma_wait3A_383 : memref<1x64x64xf32, #tpu.memory_space<vmem>> -> memref<64x64xf32, #tpu.memory_space<vmem>>
        tpu.wait_dma2 semaphore(%run_scoped3A_364 : memref<!tpu.dma_semaphore, #tpu.memory_space<semaphore_mem>>) src(%dma_wait3A_384 : memref<64x64xf32, #tpu.memory_space<vmem>>) dst(%dma_wait3A_380 : memref<64x64xf32, #tpu.memory_space<hbm>>)
        tpu.yield
      }) : () -> ()
      %eq3A_359 = arith.constant 0 : i32
      %eq3A_360 = arith.cmpi eq, %arg0, %eq3A_359 : i32
      %convert_element_type3A_361 = arith.extui %eq3A_360 : i1 to i32
      %cond3A_362 = arith.constant 0 : i32
      %cond3A_363 = arith.cmpi ne, %convert_element_type3A_361, %cond3A_362 : i32
      scf.if %cond3A_363 {
        "tpu.region"() ({
          %run_scoped3A_364 = tpu.sem_alloc : memref<!tpu.dma_semaphore, #tpu.memory_space<semaphore_mem>>
          %dma_start3A_365 = arith.constant 0 : i32
          %dma_start3A_366 = arith.constant 0 : i32
          %dma_start3A_367 = tpu.memref_slice %arg11[%dma_start3A_365, %dma_start3A_366] : memref<64x8xf32, #tpu.memory_space<vmem>> -> memref<64x8xf32, #tpu.memory_space<vmem>>
          %dma_start3A_368 = arith.constant 0 : i32
          %dma_start3A_369 = tpu.memref_slice %arg13[%mul3A_356, %dma_start3A_368] : memref<10000x8xf32, #tpu.memory_space<vmem_shared>> -> memref<64x8xf32, #tpu.memory_space<vmem_shared>>
          %dma_start3A_370 = arith.constant 0 : i32
          %dma_start3A_371 = arith.constant 0 : i32
          %dma_start3A_372 = tpu.memref_slice %arg11[%dma_start3A_370, %dma_start3A_371] : memref<64x8xf32, #tpu.memory_space<vmem>> -> memref<64x8xf32, #tpu.memory_space<vmem>>
          %dma_start3A_373 = arith.constant 0 : i32
          %dma_start3A_374 = tpu.memref_slice %arg13[%mul3A_356, %dma_start3A_373] : memref<10000x8xf32, #tpu.memory_space<vmem_shared>> -> memref<64x8xf32, #tpu.memory_space<vmem_shared>>
          tpu.enqueue_dma source(%dma_start3A_374 : memref<64x8xf32, #tpu.memory_space<vmem_shared>>) target(%dma_start3A_372 : memref<64x8xf32, #tpu.memory_space<vmem>>) target_semaphore(%run_scoped3A_364 : memref<!tpu.dma_semaphore, #tpu.memory_space<semaphore_mem>>)
          %dma_wait3A_375 = arith.constant 0 : i32
          %dma_wait3A_376 = arith.constant 0 : i32
          %dma_wait3A_377 = tpu.memref_slice %arg11[%dma_wait3A_375, %dma_wait3A_376] : memref<64x8xf32, #tpu.memory_space<vmem>> -> memref<64x8xf32, #tpu.memory_space<vmem>>
          %dma_wait3A_378 = arith.constant 0 : i32
          %dma_wait3A_379 = tpu.memref_slice %arg13[%mul3A_356, %dma_wait3A_378] : memref<10000x8xf32, #tpu.memory_space<vmem_shared>> -> memref<64x8xf32, #tpu.memory_space<vmem_shared>>
          %dma_wait3A_380 = arith.constant 0 : i32
          %dma_wait3A_381 = arith.constant 0 : i32
          %dma_wait3A_382 = tpu.memref_slice %arg11[%dma_wait3A_380, %dma_wait3A_381] : memref<64x8xf32, #tpu.memory_space<vmem>> -> memref<64x8xf32, #tpu.memory_space<vmem>>
          %dma_wait3A_383 = arith.constant 0 : i32
          %dma_wait3A_384 = tpu.memref_slice %arg13[%mul3A_356, %dma_wait3A_383] : memref<10000x8xf32, #tpu.memory_space<vmem_shared>> -> memref<64x8xf32, #tpu.memory_space<vmem_shared>>
          tpu.wait_dma2 semaphore(%run_scoped3A_364 : memref<!tpu.dma_semaphore, #tpu.memory_space<semaphore_mem>>) src(%dma_wait3A_384 : memref<64x8xf32, #tpu.memory_space<vmem_shared>>) dst(%dma_wait3A_382 : memref<64x8xf32, #tpu.memory_space<vmem>>)
          tpu.yield
        }) : () -> ()
        "tpu.region"() ({
          %run_scoped3A_364 = tpu.sem_alloc : memref<!tpu.dma_semaphore, #tpu.memory_space<semaphore_mem>>
          %dma_start3A_365 = arith.constant 0 : i32
          %dma_start3A_366 = arith.constant 0 : i32
          %dma_start3A_367 = tpu.memref_slice %arg11[%dma_start3A_365, %dma_start3A_366] : memref<64x8xf32, #tpu.memory_space<vmem>> -> memref<64x8xf32, #tpu.memory_space<vmem>>
          %dma_start3A_368 = arith.constant 0 : i32
          %dma_start3A_369 = tpu.memref_slice %arg8[%mul3A_356, %dma_start3A_368] : memref<10000x8xf32, #tpu.memory_space<hbm>> -> memref<64x8xf32, #tpu.memory_space<hbm>>
          %dma_start3A_370 = arith.constant 0 : i32
          %dma_start3A_371 = tpu.memref_slice %arg8[%mul3A_356, %dma_start3A_370] : memref<10000x8xf32, #tpu.memory_space<hbm>> -> memref<64x8xf32, #tpu.memory_space<hbm>>
          %dma_start3A_372 = arith.constant 0 : i32
          %dma_start3A_373 = arith.constant 0 : i32
          %dma_start3A_374 = tpu.memref_slice %arg11[%dma_start3A_372, %dma_start3A_373] : memref<64x8xf32, #tpu.memory_space<vmem>> -> memref<64x8xf32, #tpu.memory_space<vmem>>
          tpu.enqueue_dma source(%dma_start3A_374 : memref<64x8xf32, #tpu.memory_space<vmem>>) target(%dma_start3A_371 : memref<64x8xf32, #tpu.memory_space<hbm>>) target_semaphore(%run_scoped3A_364 : memref<!tpu.dma_semaphore, #tpu.memory_space<semaphore_mem>>)
          %dma_wait3A_375 = arith.constant 0 : i32
          %dma_wait3A_376 = arith.constant 0 : i32
          %dma_wait3A_377 = tpu.memref_slice %arg11[%dma_wait3A_375, %dma_wait3A_376] : memref<64x8xf32, #tpu.memory_space<vmem>> -> memref<64x8xf32, #tpu.memory_space<vmem>>
          %dma_wait3A_378 = arith.constant 0 : i32
          %dma_wait3A_379 = tpu.memref_slice %arg8[%mul3A_356, %dma_wait3A_378] : memref<10000x8xf32, #tpu.memory_space<hbm>> -> memref<64x8xf32, #tpu.memory_space<hbm>>
          %dma_wait3A_380 = arith.constant 0 : i32
          %dma_wait3A_381 = tpu.memref_slice %arg8[%mul3A_356, %dma_wait3A_380] : memref<10000x8xf32, #tpu.memory_space<hbm>> -> memref<64x8xf32, #tpu.memory_space<hbm>>
          %dma_wait3A_382 = arith.constant 0 : i32
          %dma_wait3A_383 = arith.constant 0 : i32
          %dma_wait3A_384 = tpu.memref_slice %arg11[%dma_wait3A_382, %dma_wait3A_383] : memref<64x8xf32, #tpu.memory_space<vmem>> -> memref<64x8xf32, #tpu.memory_space<vmem>>
          tpu.wait_dma2 semaphore(%run_scoped3A_364 : memref<!tpu.dma_semaphore, #tpu.memory_space<semaphore_mem>>) src(%dma_wait3A_384 : memref<64x8xf32, #tpu.memory_space<vmem>>) dst(%dma_wait3A_381 : memref<64x8xf32, #tpu.memory_space<hbm>>)
          tpu.yield
        }) : () -> ()
      } else {
      }
    } else {
    }
    %add3A_301 = arith.constant 48 : i32
    %add3A_302 = arith.addi %arg1, %add3A_301 : i32
    %lt3A_303 = arith.constant 156 : i32
    %lt3A_304 = arith.cmpi slt, %add3A_302, %lt3A_303 : i32
    %convert_element_type3A_305 = arith.extui %lt3A_304 : i1 to i32
    %cond3A_306 = arith.constant 0 : i32
    %cond3A_307 = arith.cmpi ne, %convert_element_type3A_305, %cond3A_306 : i32
    scf.if %cond3A_307 {
      %mul3A_355 = arith.constant 64 : i32
      %mul3A_356 = arith.muli %add3A_302, %mul3A_355 : i32
      %run_scoped3A_357 = arith.constant 0 : i32
      "tpu.region"() ({
        %run_scoped3A_364 = tpu.sem_alloc : memref<!tpu.dma_semaphore, #tpu.memory_space<semaphore_mem>>
        %dma_start3A_365 = arith.constant 0 : i32
        %dma_start3A_366 = arith.constant 0 : i32
        %dma_start3A_367 = tpu.memref_slice %arg10[%run_scoped3A_357, %dma_start3A_365, %dma_start3A_366] : memref<8x64x64xf32, #tpu.memory_space<vmem>> -> memref<1x64x64xf32, #tpu.memory_space<vmem>>
        %dma_start3A_368 = tpu.memref_squeeze %dma_start3A_367 : memref<1x64x64xf32, #tpu.memory_space<vmem>> -> memref<64x64xf32, #tpu.memory_space<vmem>>
        %dma_start3A_369 = arith.constant 0 : i32
        %dma_start3A_370 = tpu.memref_slice %arg12[%mul3A_356, %dma_start3A_369] : memref<10000x64xf32, #tpu.memory_space<vmem_shared>> -> memref<64x64xf32, #tpu.memory_space<vmem_shared>>
        %dma_start3A_371 = arith.constant 0 : i32
        %dma_start3A_372 = arith.constant 0 : i32
        %dma_start3A_373 = tpu.memref_slice %arg10[%run_scoped3A_357, %dma_start3A_371, %dma_start3A_372] : memref<8x64x64xf32, #tpu.memory_space<vmem>> -> memref<1x64x64xf32, #tpu.memory_space<vmem>>
        %dma_start3A_374 = tpu.memref_squeeze %dma_start3A_373 : memref<1x64x64xf32, #tpu.memory_space<vmem>> -> memref<64x64xf32, #tpu.memory_space<vmem>>
        %dma_start3A_375 = arith.constant 0 : i32
        %dma_start3A_376 = tpu.memref_slice %arg12[%mul3A_356, %dma_start3A_375] : memref<10000x64xf32, #tpu.memory_space<vmem_shared>> -> memref<64x64xf32, #tpu.memory_space<vmem_shared>>
        tpu.enqueue_dma source(%dma_start3A_376 : memref<64x64xf32, #tpu.memory_space<vmem_shared>>) target(%dma_start3A_374 : memref<64x64xf32, #tpu.memory_space<vmem>>) target_semaphore(%run_scoped3A_364 : memref<!tpu.dma_semaphore, #tpu.memory_space<semaphore_mem>>)
        %dma_wait3A_377 = arith.constant 0 : i32
        %dma_wait3A_378 = arith.constant 0 : i32
        %dma_wait3A_379 = tpu.memref_slice %arg10[%run_scoped3A_357, %dma_wait3A_377, %dma_wait3A_378] : memref<8x64x64xf32, #tpu.memory_space<vmem>> -> memref<1x64x64xf32, #tpu.memory_space<vmem>>
        %dma_wait3A_380 = tpu.memref_squeeze %dma_wait3A_379 : memref<1x64x64xf32, #tpu.memory_space<vmem>> -> memref<64x64xf32, #tpu.memory_space<vmem>>
        %dma_wait3A_381 = arith.constant 0 : i32
        %dma_wait3A_382 = tpu.memref_slice %arg12[%mul3A_356, %dma_wait3A_381] : memref<10000x64xf32, #tpu.memory_space<vmem_shared>> -> memref<64x64xf32, #tpu.memory_space<vmem_shared>>
        %dma_wait3A_383 = arith.constant 0 : i32
        %dma_wait3A_384 = arith.constant 0 : i32
        %dma_wait3A_385 = tpu.memref_slice %arg10[%run_scoped3A_357, %dma_wait3A_383, %dma_wait3A_384] : memref<8x64x64xf32, #tpu.memory_space<vmem>> -> memref<1x64x64xf32, #tpu.memory_space<vmem>>
        %dma_wait3A_386 = tpu.memref_squeeze %dma_wait3A_385 : memref<1x64x64xf32, #tpu.memory_space<vmem>> -> memref<64x64xf32, #tpu.memory_space<vmem>>
        %dma_wait3A_387 = arith.constant 0 : i32
        %dma_wait3A_388 = tpu.memref_slice %arg12[%mul3A_356, %dma_wait3A_387] : memref<10000x64xf32, #tpu.memory_space<vmem_shared>> -> memref<64x64xf32, #tpu.memory_space<vmem_shared>>
        tpu.wait_dma2 semaphore(%run_scoped3A_364 : memref<!tpu.dma_semaphore, #tpu.memory_space<semaphore_mem>>) src(%dma_wait3A_388 : memref<64x64xf32, #tpu.memory_space<vmem_shared>>) dst(%dma_wait3A_386 : memref<64x64xf32, #tpu.memory_space<vmem>>)
        tpu.yield
      }) : () -> ()
      %run_scoped3A_358 = arith.constant 0 : i32
      "tpu.region"() ({
        %run_scoped3A_364 = tpu.sem_alloc : memref<!tpu.dma_semaphore, #tpu.memory_space<semaphore_mem>>
        %dma_start3A_365 = arith.constant 0 : i32
        %dma_start3A_366 = arith.constant 0 : i32
        %dma_start3A_367 = tpu.memref_slice %arg10[%run_scoped3A_358, %dma_start3A_365, %dma_start3A_366] : memref<8x64x64xf32, #tpu.memory_space<vmem>> -> memref<1x64x64xf32, #tpu.memory_space<vmem>>
        %dma_start3A_368 = tpu.memref_squeeze %dma_start3A_367 : memref<1x64x64xf32, #tpu.memory_space<vmem>> -> memref<64x64xf32, #tpu.memory_space<vmem>>
        %dma_start3A_369 = tpu.memref_slice %arg7[%mul3A_356, %mul3A_0] : memref<10000x128xf32, #tpu.memory_space<hbm>> -> memref<64x64xf32, #tpu.memory_space<hbm>>
        %dma_start3A_370 = tpu.memref_slice %arg7[%mul3A_356, %mul3A_0] : memref<10000x128xf32, #tpu.memory_space<hbm>> -> memref<64x64xf32, #tpu.memory_space<hbm>>
        %dma_start3A_371 = arith.constant 0 : i32
        %dma_start3A_372 = arith.constant 0 : i32
        %dma_start3A_373 = tpu.memref_slice %arg10[%run_scoped3A_358, %dma_start3A_371, %dma_start3A_372] : memref<8x64x64xf32, #tpu.memory_space<vmem>> -> memref<1x64x64xf32, #tpu.memory_space<vmem>>
        %dma_start3A_374 = tpu.memref_squeeze %dma_start3A_373 : memref<1x64x64xf32, #tpu.memory_space<vmem>> -> memref<64x64xf32, #tpu.memory_space<vmem>>
        tpu.enqueue_dma source(%dma_start3A_374 : memref<64x64xf32, #tpu.memory_space<vmem>>) target(%dma_start3A_370 : memref<64x64xf32, #tpu.memory_space<hbm>>) target_semaphore(%run_scoped3A_364 : memref<!tpu.dma_semaphore, #tpu.memory_space<semaphore_mem>>)
        %dma_wait3A_375 = arith.constant 0 : i32
        %dma_wait3A_376 = arith.constant 0 : i32
        %dma_wait3A_377 = tpu.memref_slice %arg10[%run_scoped3A_358, %dma_wait3A_375, %dma_wait3A_376] : memref<8x64x64xf32, #tpu.memory_space<vmem>> -> memref<1x64x64xf32, #tpu.memory_space<vmem>>
        %dma_wait3A_378 = tpu.memref_squeeze %dma_wait3A_377 : memref<1x64x64xf32, #tpu.memory_space<vmem>> -> memref<64x64xf32, #tpu.memory_space<vmem>>
        %dma_wait3A_379 = tpu.memref_slice %arg7[%mul3A_356, %mul3A_0] : memref<10000x128xf32, #tpu.memory_space<hbm>> -> memref<64x64xf32, #tpu.memory_space<hbm>>
        %dma_wait3A_380 = tpu.memref_slice %arg7[%mul3A_356, %mul3A_0] : memref<10000x128xf32, #tpu.memory_space<hbm>> -> memref<64x64xf32, #tpu.memory_space<hbm>>
        %dma_wait3A_381 = arith.constant 0 : i32
        %dma_wait3A_382 = arith.constant 0 : i32
        %dma_wait3A_383 = tpu.memref_slice %arg10[%run_scoped3A_358, %dma_wait3A_381, %dma_wait3A_382] : memref<8x64x64xf32, #tpu.memory_space<vmem>> -> memref<1x64x64xf32, #tpu.memory_space<vmem>>
        %dma_wait3A_384 = tpu.memref_squeeze %dma_wait3A_383 : memref<1x64x64xf32, #tpu.memory_space<vmem>> -> memref<64x64xf32, #tpu.memory_space<vmem>>
        tpu.wait_dma2 semaphore(%run_scoped3A_364 : memref<!tpu.dma_semaphore, #tpu.memory_space<semaphore_mem>>) src(%dma_wait3A_384 : memref<64x64xf32, #tpu.memory_space<vmem>>) dst(%dma_wait3A_380 : memref<64x64xf32, #tpu.memory_space<hbm>>)
        tpu.yield
      }) : () -> ()
      %eq3A_359 = arith.constant 0 : i32
      %eq3A_360 = arith.cmpi eq, %arg0, %eq3A_359 : i32
      %convert_element_type3A_361 = arith.extui %eq3A_360 : i1 to i32
      %cond3A_362 = arith.constant 0 : i32
      %cond3A_363 = arith.cmpi ne, %convert_element_type3A_361, %cond3A_362 : i32
      scf.if %cond3A_363 {
        "tpu.region"() ({
          %run_scoped3A_364 = tpu.sem_alloc : memref<!tpu.dma_semaphore, #tpu.memory_space<semaphore_mem>>
          %dma_start3A_365 = arith.constant 0 : i32
          %dma_start3A_366 = arith.constant 0 : i32
          %dma_start3A_367 = tpu.memref_slice %arg11[%dma_start3A_365, %dma_start3A_366] : memref<64x8xf32, #tpu.memory_space<vmem>> -> memref<64x8xf32, #tpu.memory_space<vmem>>
          %dma_start3A_368 = arith.constant 0 : i32
          %dma_start3A_369 = tpu.memref_slice %arg13[%mul3A_356, %dma_start3A_368] : memref<10000x8xf32, #tpu.memory_space<vmem_shared>> -> memref<64x8xf32, #tpu.memory_space<vmem_shared>>
          %dma_start3A_370 = arith.constant 0 : i32
          %dma_start3A_371 = arith.constant 0 : i32
          %dma_start3A_372 = tpu.memref_slice %arg11[%dma_start3A_370, %dma_start3A_371] : memref<64x8xf32, #tpu.memory_space<vmem>> -> memref<64x8xf32, #tpu.memory_space<vmem>>
          %dma_start3A_373 = arith.constant 0 : i32
          %dma_start3A_374 = tpu.memref_slice %arg13[%mul3A_356, %dma_start3A_373] : memref<10000x8xf32, #tpu.memory_space<vmem_shared>> -> memref<64x8xf32, #tpu.memory_space<vmem_shared>>
          tpu.enqueue_dma source(%dma_start3A_374 : memref<64x8xf32, #tpu.memory_space<vmem_shared>>) target(%dma_start3A_372 : memref<64x8xf32, #tpu.memory_space<vmem>>) target_semaphore(%run_scoped3A_364 : memref<!tpu.dma_semaphore, #tpu.memory_space<semaphore_mem>>)
          %dma_wait3A_375 = arith.constant 0 : i32
          %dma_wait3A_376 = arith.constant 0 : i32
          %dma_wait3A_377 = tpu.memref_slice %arg11[%dma_wait3A_375, %dma_wait3A_376] : memref<64x8xf32, #tpu.memory_space<vmem>> -> memref<64x8xf32, #tpu.memory_space<vmem>>
          %dma_wait3A_378 = arith.constant 0 : i32
          %dma_wait3A_379 = tpu.memref_slice %arg13[%mul3A_356, %dma_wait3A_378] : memref<10000x8xf32, #tpu.memory_space<vmem_shared>> -> memref<64x8xf32, #tpu.memory_space<vmem_shared>>
          %dma_wait3A_380 = arith.constant 0 : i32
          %dma_wait3A_381 = arith.constant 0 : i32
          %dma_wait3A_382 = tpu.memref_slice %arg11[%dma_wait3A_380, %dma_wait3A_381] : memref<64x8xf32, #tpu.memory_space<vmem>> -> memref<64x8xf32, #tpu.memory_space<vmem>>
          %dma_wait3A_383 = arith.constant 0 : i32
          %dma_wait3A_384 = tpu.memref_slice %arg13[%mul3A_356, %dma_wait3A_383] : memref<10000x8xf32, #tpu.memory_space<vmem_shared>> -> memref<64x8xf32, #tpu.memory_space<vmem_shared>>
          tpu.wait_dma2 semaphore(%run_scoped3A_364 : memref<!tpu.dma_semaphore, #tpu.memory_space<semaphore_mem>>) src(%dma_wait3A_384 : memref<64x8xf32, #tpu.memory_space<vmem_shared>>) dst(%dma_wait3A_382 : memref<64x8xf32, #tpu.memory_space<vmem>>)
          tpu.yield
        }) : () -> ()
        "tpu.region"() ({
          %run_scoped3A_364 = tpu.sem_alloc : memref<!tpu.dma_semaphore, #tpu.memory_space<semaphore_mem>>
          %dma_start3A_365 = arith.constant 0 : i32
          %dma_start3A_366 = arith.constant 0 : i32
          %dma_start3A_367 = tpu.memref_slice %arg11[%dma_start3A_365, %dma_start3A_366] : memref<64x8xf32, #tpu.memory_space<vmem>> -> memref<64x8xf32, #tpu.memory_space<vmem>>
          %dma_start3A_368 = arith.constant 0 : i32
          %dma_start3A_369 = tpu.memref_slice %arg8[%mul3A_356, %dma_start3A_368] : memref<10000x8xf32, #tpu.memory_space<hbm>> -> memref<64x8xf32, #tpu.memory_space<hbm>>
          %dma_start3A_370 = arith.constant 0 : i32
          %dma_start3A_371 = tpu.memref_slice %arg8[%mul3A_356, %dma_start3A_370] : memref<10000x8xf32, #tpu.memory_space<hbm>> -> memref<64x8xf32, #tpu.memory_space<hbm>>
          %dma_start3A_372 = arith.constant 0 : i32
          %dma_start3A_373 = arith.constant 0 : i32
          %dma_start3A_374 = tpu.memref_slice %arg11[%dma_start3A_372, %dma_start3A_373] : memref<64x8xf32, #tpu.memory_space<vmem>> -> memref<64x8xf32, #tpu.memory_space<vmem>>
          tpu.enqueue_dma source(%dma_start3A_374 : memref<64x8xf32, #tpu.memory_space<vmem>>) target(%dma_start3A_371 : memref<64x8xf32, #tpu.memory_space<hbm>>) target_semaphore(%run_scoped3A_364 : memref<!tpu.dma_semaphore, #tpu.memory_space<semaphore_mem>>)
          %dma_wait3A_375 = arith.constant 0 : i32
          %dma_wait3A_376 = arith.constant 0 : i32
          %dma_wait3A_377 = tpu.memref_slice %arg11[%dma_wait3A_375, %dma_wait3A_376] : memref<64x8xf32, #tpu.memory_space<vmem>> -> memref<64x8xf32, #tpu.memory_space<vmem>>
          %dma_wait3A_378 = arith.constant 0 : i32
          %dma_wait3A_379 = tpu.memref_slice %arg8[%mul3A_356, %dma_wait3A_378] : memref<10000x8xf32, #tpu.memory_space<hbm>> -> memref<64x8xf32, #tpu.memory_space<hbm>>
          %dma_wait3A_380 = arith.constant 0 : i32
          %dma_wait3A_381 = tpu.memref_slice %arg8[%mul3A_356, %dma_wait3A_380] : memref<10000x8xf32, #tpu.memory_space<hbm>> -> memref<64x8xf32, #tpu.memory_space<hbm>>
          %dma_wait3A_382 = arith.constant 0 : i32
          %dma_wait3A_383 = arith.constant 0 : i32
          %dma_wait3A_384 = tpu.memref_slice %arg11[%dma_wait3A_382, %dma_wait3A_383] : memref<64x8xf32, #tpu.memory_space<vmem>> -> memref<64x8xf32, #tpu.memory_space<vmem>>
          tpu.wait_dma2 semaphore(%run_scoped3A_364 : memref<!tpu.dma_semaphore, #tpu.memory_space<semaphore_mem>>) src(%dma_wait3A_384 : memref<64x8xf32, #tpu.memory_space<vmem>>) dst(%dma_wait3A_381 : memref<64x8xf32, #tpu.memory_space<hbm>>)
          tpu.yield
        }) : () -> ()
      } else {
      }
    } else {
    }
    %add3A_308 = arith.constant 64 : i32
    %add3A_309 = arith.addi %arg1, %add3A_308 : i32
    %lt3A_310 = arith.constant 156 : i32
    %lt3A_311 = arith.cmpi slt, %add3A_309, %lt3A_310 : i32
    %convert_element_type3A_312 = arith.extui %lt3A_311 : i1 to i32
    %cond3A_313 = arith.constant 0 : i32
    %cond3A_314 = arith.cmpi ne, %convert_element_type3A_312, %cond3A_313 : i32
    scf.if %cond3A_314 {
      %mul3A_355 = arith.constant 64 : i32
      %mul3A_356 = arith.muli %add3A_309, %mul3A_355 : i32
      %run_scoped3A_357 = arith.constant 0 : i32
      "tpu.region"() ({
        %run_scoped3A_364 = tpu.sem_alloc : memref<!tpu.dma_semaphore, #tpu.memory_space<semaphore_mem>>
        %dma_start3A_365 = arith.constant 0 : i32
        %dma_start3A_366 = arith.constant 0 : i32
        %dma_start3A_367 = tpu.memref_slice %arg10[%run_scoped3A_357, %dma_start3A_365, %dma_start3A_366] : memref<8x64x64xf32, #tpu.memory_space<vmem>> -> memref<1x64x64xf32, #tpu.memory_space<vmem>>
        %dma_start3A_368 = tpu.memref_squeeze %dma_start3A_367 : memref<1x64x64xf32, #tpu.memory_space<vmem>> -> memref<64x64xf32, #tpu.memory_space<vmem>>
        %dma_start3A_369 = arith.constant 0 : i32
        %dma_start3A_370 = tpu.memref_slice %arg12[%mul3A_356, %dma_start3A_369] : memref<10000x64xf32, #tpu.memory_space<vmem_shared>> -> memref<64x64xf32, #tpu.memory_space<vmem_shared>>
        %dma_start3A_371 = arith.constant 0 : i32
        %dma_start3A_372 = arith.constant 0 : i32
        %dma_start3A_373 = tpu.memref_slice %arg10[%run_scoped3A_357, %dma_start3A_371, %dma_start3A_372] : memref<8x64x64xf32, #tpu.memory_space<vmem>> -> memref<1x64x64xf32, #tpu.memory_space<vmem>>
        %dma_start3A_374 = tpu.memref_squeeze %dma_start3A_373 : memref<1x64x64xf32, #tpu.memory_space<vmem>> -> memref<64x64xf32, #tpu.memory_space<vmem>>
        %dma_start3A_375 = arith.constant 0 : i32
        %dma_start3A_376 = tpu.memref_slice %arg12[%mul3A_356, %dma_start3A_375] : memref<10000x64xf32, #tpu.memory_space<vmem_shared>> -> memref<64x64xf32, #tpu.memory_space<vmem_shared>>
        tpu.enqueue_dma source(%dma_start3A_376 : memref<64x64xf32, #tpu.memory_space<vmem_shared>>) target(%dma_start3A_374 : memref<64x64xf32, #tpu.memory_space<vmem>>) target_semaphore(%run_scoped3A_364 : memref<!tpu.dma_semaphore, #tpu.memory_space<semaphore_mem>>)
        %dma_wait3A_377 = arith.constant 0 : i32
        %dma_wait3A_378 = arith.constant 0 : i32
        %dma_wait3A_379 = tpu.memref_slice %arg10[%run_scoped3A_357, %dma_wait3A_377, %dma_wait3A_378] : memref<8x64x64xf32, #tpu.memory_space<vmem>> -> memref<1x64x64xf32, #tpu.memory_space<vmem>>
        %dma_wait3A_380 = tpu.memref_squeeze %dma_wait3A_379 : memref<1x64x64xf32, #tpu.memory_space<vmem>> -> memref<64x64xf32, #tpu.memory_space<vmem>>
        %dma_wait3A_381 = arith.constant 0 : i32
        %dma_wait3A_382 = tpu.memref_slice %arg12[%mul3A_356, %dma_wait3A_381] : memref<10000x64xf32, #tpu.memory_space<vmem_shared>> -> memref<64x64xf32, #tpu.memory_space<vmem_shared>>
        %dma_wait3A_383 = arith.constant 0 : i32
        %dma_wait3A_384 = arith.constant 0 : i32
        %dma_wait3A_385 = tpu.memref_slice %arg10[%run_scoped3A_357, %dma_wait3A_383, %dma_wait3A_384] : memref<8x64x64xf32, #tpu.memory_space<vmem>> -> memref<1x64x64xf32, #tpu.memory_space<vmem>>
        %dma_wait3A_386 = tpu.memref_squeeze %dma_wait3A_385 : memref<1x64x64xf32, #tpu.memory_space<vmem>> -> memref<64x64xf32, #tpu.memory_space<vmem>>
        %dma_wait3A_387 = arith.constant 0 : i32
        %dma_wait3A_388 = tpu.memref_slice %arg12[%mul3A_356, %dma_wait3A_387] : memref<10000x64xf32, #tpu.memory_space<vmem_shared>> -> memref<64x64xf32, #tpu.memory_space<vmem_shared>>
        tpu.wait_dma2 semaphore(%run_scoped3A_364 : memref<!tpu.dma_semaphore, #tpu.memory_space<semaphore_mem>>) src(%dma_wait3A_388 : memref<64x64xf32, #tpu.memory_space<vmem_shared>>) dst(%dma_wait3A_386 : memref<64x64xf32, #tpu.memory_space<vmem>>)
        tpu.yield
      }) : () -> ()
      %run_scoped3A_358 = arith.constant 0 : i32
      "tpu.region"() ({
        %run_scoped3A_364 = tpu.sem_alloc : memref<!tpu.dma_semaphore, #tpu.memory_space<semaphore_mem>>
        %dma_start3A_365 = arith.constant 0 : i32
        %dma_start3A_366 = arith.constant 0 : i32
        %dma_start3A_367 = tpu.memref_slice %arg10[%run_scoped3A_358, %dma_start3A_365, %dma_start3A_366] : memref<8x64x64xf32, #tpu.memory_space<vmem>> -> memref<1x64x64xf32, #tpu.memory_space<vmem>>
        %dma_start3A_368 = tpu.memref_squeeze %dma_start3A_367 : memref<1x64x64xf32, #tpu.memory_space<vmem>> -> memref<64x64xf32, #tpu.memory_space<vmem>>
        %dma_start3A_369 = tpu.memref_slice %arg7[%mul3A_356, %mul3A_0] : memref<10000x128xf32, #tpu.memory_space<hbm>> -> memref<64x64xf32, #tpu.memory_space<hbm>>
        %dma_start3A_370 = tpu.memref_slice %arg7[%mul3A_356, %mul3A_0] : memref<10000x128xf32, #tpu.memory_space<hbm>> -> memref<64x64xf32, #tpu.memory_space<hbm>>
        %dma_start3A_371 = arith.constant 0 : i32
        %dma_start3A_372 = arith.constant 0 : i32
        %dma_start3A_373 = tpu.memref_slice %arg10[%run_scoped3A_358, %dma_start3A_371, %dma_start3A_372] : memref<8x64x64xf32, #tpu.memory_space<vmem>> -> memref<1x64x64xf32, #tpu.memory_space<vmem>>
        %dma_start3A_374 = tpu.memref_squeeze %dma_start3A_373 : memref<1x64x64xf32, #tpu.memory_space<vmem>> -> memref<64x64xf32, #tpu.memory_space<vmem>>
        tpu.enqueue_dma source(%dma_start3A_374 : memref<64x64xf32, #tpu.memory_space<vmem>>) target(%dma_start3A_370 : memref<64x64xf32, #tpu.memory_space<hbm>>) target_semaphore(%run_scoped3A_364 : memref<!tpu.dma_semaphore, #tpu.memory_space<semaphore_mem>>)
        %dma_wait3A_375 = arith.constant 0 : i32
        %dma_wait3A_376 = arith.constant 0 : i32
        %dma_wait3A_377 = tpu.memref_slice %arg10[%run_scoped3A_358, %dma_wait3A_375, %dma_wait3A_376] : memref<8x64x64xf32, #tpu.memory_space<vmem>> -> memref<1x64x64xf32, #tpu.memory_space<vmem>>
        %dma_wait3A_378 = tpu.memref_squeeze %dma_wait3A_377 : memref<1x64x64xf32, #tpu.memory_space<vmem>> -> memref<64x64xf32, #tpu.memory_space<vmem>>
        %dma_wait3A_379 = tpu.memref_slice %arg7[%mul3A_356, %mul3A_0] : memref<10000x128xf32, #tpu.memory_space<hbm>> -> memref<64x64xf32, #tpu.memory_space<hbm>>
        %dma_wait3A_380 = tpu.memref_slice %arg7[%mul3A_356, %mul3A_0] : memref<10000x128xf32, #tpu.memory_space<hbm>> -> memref<64x64xf32, #tpu.memory_space<hbm>>
        %dma_wait3A_381 = arith.constant 0 : i32
        %dma_wait3A_382 = arith.constant 0 : i32
        %dma_wait3A_383 = tpu.memref_slice %arg10[%run_scoped3A_358, %dma_wait3A_381, %dma_wait3A_382] : memref<8x64x64xf32, #tpu.memory_space<vmem>> -> memref<1x64x64xf32, #tpu.memory_space<vmem>>
        %dma_wait3A_384 = tpu.memref_squeeze %dma_wait3A_383 : memref<1x64x64xf32, #tpu.memory_space<vmem>> -> memref<64x64xf32, #tpu.memory_space<vmem>>
        tpu.wait_dma2 semaphore(%run_scoped3A_364 : memref<!tpu.dma_semaphore, #tpu.memory_space<semaphore_mem>>) src(%dma_wait3A_384 : memref<64x64xf32, #tpu.memory_space<vmem>>) dst(%dma_wait3A_380 : memref<64x64xf32, #tpu.memory_space<hbm>>)
        tpu.yield
      }) : () -> ()
      %eq3A_359 = arith.constant 0 : i32
      %eq3A_360 = arith.cmpi eq, %arg0, %eq3A_359 : i32
      %convert_element_type3A_361 = arith.extui %eq3A_360 : i1 to i32
      %cond3A_362 = arith.constant 0 : i32
      %cond3A_363 = arith.cmpi ne, %convert_element_type3A_361, %cond3A_362 : i32
      scf.if %cond3A_363 {
        "tpu.region"() ({
          %run_scoped3A_364 = tpu.sem_alloc : memref<!tpu.dma_semaphore, #tpu.memory_space<semaphore_mem>>
          %dma_start3A_365 = arith.constant 0 : i32
          %dma_start3A_366 = arith.constant 0 : i32
          %dma_start3A_367 = tpu.memref_slice %arg11[%dma_start3A_365, %dma_start3A_366] : memref<64x8xf32, #tpu.memory_space<vmem>> -> memref<64x8xf32, #tpu.memory_space<vmem>>
          %dma_start3A_368 = arith.constant 0 : i32
          %dma_start3A_369 = tpu.memref_slice %arg13[%mul3A_356, %dma_start3A_368] : memref<10000x8xf32, #tpu.memory_space<vmem_shared>> -> memref<64x8xf32, #tpu.memory_space<vmem_shared>>
          %dma_start3A_370 = arith.constant 0 : i32
          %dma_start3A_371 = arith.constant 0 : i32
          %dma_start3A_372 = tpu.memref_slice %arg11[%dma_start3A_370, %dma_start3A_371] : memref<64x8xf32, #tpu.memory_space<vmem>> -> memref<64x8xf32, #tpu.memory_space<vmem>>
          %dma_start3A_373 = arith.constant 0 : i32
          %dma_start3A_374 = tpu.memref_slice %arg13[%mul3A_356, %dma_start3A_373] : memref<10000x8xf32, #tpu.memory_space<vmem_shared>> -> memref<64x8xf32, #tpu.memory_space<vmem_shared>>
          tpu.enqueue_dma source(%dma_start3A_374 : memref<64x8xf32, #tpu.memory_space<vmem_shared>>) target(%dma_start3A_372 : memref<64x8xf32, #tpu.memory_space<vmem>>) target_semaphore(%run_scoped3A_364 : memref<!tpu.dma_semaphore, #tpu.memory_space<semaphore_mem>>)
          %dma_wait3A_375 = arith.constant 0 : i32
          %dma_wait3A_376 = arith.constant 0 : i32
          %dma_wait3A_377 = tpu.memref_slice %arg11[%dma_wait3A_375, %dma_wait3A_376] : memref<64x8xf32, #tpu.memory_space<vmem>> -> memref<64x8xf32, #tpu.memory_space<vmem>>
          %dma_wait3A_378 = arith.constant 0 : i32
          %dma_wait3A_379 = tpu.memref_slice %arg13[%mul3A_356, %dma_wait3A_378] : memref<10000x8xf32, #tpu.memory_space<vmem_shared>> -> memref<64x8xf32, #tpu.memory_space<vmem_shared>>
          %dma_wait3A_380 = arith.constant 0 : i32
          %dma_wait3A_381 = arith.constant 0 : i32
          %dma_wait3A_382 = tpu.memref_slice %arg11[%dma_wait3A_380, %dma_wait3A_381] : memref<64x8xf32, #tpu.memory_space<vmem>> -> memref<64x8xf32, #tpu.memory_space<vmem>>
          %dma_wait3A_383 = arith.constant 0 : i32
          %dma_wait3A_384 = tpu.memref_slice %arg13[%mul3A_356, %dma_wait3A_383] : memref<10000x8xf32, #tpu.memory_space<vmem_shared>> -> memref<64x8xf32, #tpu.memory_space<vmem_shared>>
          tpu.wait_dma2 semaphore(%run_scoped3A_364 : memref<!tpu.dma_semaphore, #tpu.memory_space<semaphore_mem>>) src(%dma_wait3A_384 : memref<64x8xf32, #tpu.memory_space<vmem_shared>>) dst(%dma_wait3A_382 : memref<64x8xf32, #tpu.memory_space<vmem>>)
          tpu.yield
        }) : () -> ()
        "tpu.region"() ({
          %run_scoped3A_364 = tpu.sem_alloc : memref<!tpu.dma_semaphore, #tpu.memory_space<semaphore_mem>>
          %dma_start3A_365 = arith.constant 0 : i32
          %dma_start3A_366 = arith.constant 0 : i32
          %dma_start3A_367 = tpu.memref_slice %arg11[%dma_start3A_365, %dma_start3A_366] : memref<64x8xf32, #tpu.memory_space<vmem>> -> memref<64x8xf32, #tpu.memory_space<vmem>>
          %dma_start3A_368 = arith.constant 0 : i32
          %dma_start3A_369 = tpu.memref_slice %arg8[%mul3A_356, %dma_start3A_368] : memref<10000x8xf32, #tpu.memory_space<hbm>> -> memref<64x8xf32, #tpu.memory_space<hbm>>
          %dma_start3A_370 = arith.constant 0 : i32
          %dma_start3A_371 = tpu.memref_slice %arg8[%mul3A_356, %dma_start3A_370] : memref<10000x8xf32, #tpu.memory_space<hbm>> -> memref<64x8xf32, #tpu.memory_space<hbm>>
          %dma_start3A_372 = arith.constant 0 : i32
          %dma_start3A_373 = arith.constant 0 : i32
          %dma_start3A_374 = tpu.memref_slice %arg11[%dma_start3A_372, %dma_start3A_373] : memref<64x8xf32, #tpu.memory_space<vmem>> -> memref<64x8xf32, #tpu.memory_space<vmem>>
          tpu.enqueue_dma source(%dma_start3A_374 : memref<64x8xf32, #tpu.memory_space<vmem>>) target(%dma_start3A_371 : memref<64x8xf32, #tpu.memory_space<hbm>>) target_semaphore(%run_scoped3A_364 : memref<!tpu.dma_semaphore, #tpu.memory_space<semaphore_mem>>)
          %dma_wait3A_375 = arith.constant 0 : i32
          %dma_wait3A_376 = arith.constant 0 : i32
          %dma_wait3A_377 = tpu.memref_slice %arg11[%dma_wait3A_375, %dma_wait3A_376] : memref<64x8xf32, #tpu.memory_space<vmem>> -> memref<64x8xf32, #tpu.memory_space<vmem>>
          %dma_wait3A_378 = arith.constant 0 : i32
          %dma_wait3A_379 = tpu.memref_slice %arg8[%mul3A_356, %dma_wait3A_378] : memref<10000x8xf32, #tpu.memory_space<hbm>> -> memref<64x8xf32, #tpu.memory_space<hbm>>
          %dma_wait3A_380 = arith.constant 0 : i32
          %dma_wait3A_381 = tpu.memref_slice %arg8[%mul3A_356, %dma_wait3A_380] : memref<10000x8xf32, #tpu.memory_space<hbm>> -> memref<64x8xf32, #tpu.memory_space<hbm>>
          %dma_wait3A_382 = arith.constant 0 : i32
          %dma_wait3A_383 = arith.constant 0 : i32
          %dma_wait3A_384 = tpu.memref_slice %arg11[%dma_wait3A_382, %dma_wait3A_383] : memref<64x8xf32, #tpu.memory_space<vmem>> -> memref<64x8xf32, #tpu.memory_space<vmem>>
          tpu.wait_dma2 semaphore(%run_scoped3A_364 : memref<!tpu.dma_semaphore, #tpu.memory_space<semaphore_mem>>) src(%dma_wait3A_384 : memref<64x8xf32, #tpu.memory_space<vmem>>) dst(%dma_wait3A_381 : memref<64x8xf32, #tpu.memory_space<hbm>>)
          tpu.yield
        }) : () -> ()
      } else {
      }
    } else {
    }
    %add3A_315 = arith.constant 80 : i32
    %add3A_316 = arith.addi %arg1, %add3A_315 : i32
    %lt3A_317 = arith.constant 156 : i32
    %lt3A_318 = arith.cmpi slt, %add3A_316, %lt3A_317 : i32
    %convert_element_type3A_319 = arith.extui %lt3A_318 : i1 to i32
    %cond3A_320 = arith.constant 0 : i32
    %cond3A_321 = arith.cmpi ne, %convert_element_type3A_319, %cond3A_320 : i32
    scf.if %cond3A_321 {
      %mul3A_355 = arith.constant 64 : i32
      %mul3A_356 = arith.muli %add3A_316, %mul3A_355 : i32
      %run_scoped3A_357 = arith.constant 0 : i32
      "tpu.region"() ({
        %run_scoped3A_364 = tpu.sem_alloc : memref<!tpu.dma_semaphore, #tpu.memory_space<semaphore_mem>>
        %dma_start3A_365 = arith.constant 0 : i32
        %dma_start3A_366 = arith.constant 0 : i32
        %dma_start3A_367 = tpu.memref_slice %arg10[%run_scoped3A_357, %dma_start3A_365, %dma_start3A_366] : memref<8x64x64xf32, #tpu.memory_space<vmem>> -> memref<1x64x64xf32, #tpu.memory_space<vmem>>
        %dma_start3A_368 = tpu.memref_squeeze %dma_start3A_367 : memref<1x64x64xf32, #tpu.memory_space<vmem>> -> memref<64x64xf32, #tpu.memory_space<vmem>>
        %dma_start3A_369 = arith.constant 0 : i32
        %dma_start3A_370 = tpu.memref_slice %arg12[%mul3A_356, %dma_start3A_369] : memref<10000x64xf32, #tpu.memory_space<vmem_shared>> -> memref<64x64xf32, #tpu.memory_space<vmem_shared>>
        %dma_start3A_371 = arith.constant 0 : i32
        %dma_start3A_372 = arith.constant 0 : i32
        %dma_start3A_373 = tpu.memref_slice %arg10[%run_scoped3A_357, %dma_start3A_371, %dma_start3A_372] : memref<8x64x64xf32, #tpu.memory_space<vmem>> -> memref<1x64x64xf32, #tpu.memory_space<vmem>>
        %dma_start3A_374 = tpu.memref_squeeze %dma_start3A_373 : memref<1x64x64xf32, #tpu.memory_space<vmem>> -> memref<64x64xf32, #tpu.memory_space<vmem>>
        %dma_start3A_375 = arith.constant 0 : i32
        %dma_start3A_376 = tpu.memref_slice %arg12[%mul3A_356, %dma_start3A_375] : memref<10000x64xf32, #tpu.memory_space<vmem_shared>> -> memref<64x64xf32, #tpu.memory_space<vmem_shared>>
        tpu.enqueue_dma source(%dma_start3A_376 : memref<64x64xf32, #tpu.memory_space<vmem_shared>>) target(%dma_start3A_374 : memref<64x64xf32, #tpu.memory_space<vmem>>) target_semaphore(%run_scoped3A_364 : memref<!tpu.dma_semaphore, #tpu.memory_space<semaphore_mem>>)
        %dma_wait3A_377 = arith.constant 0 : i32
        %dma_wait3A_378 = arith.constant 0 : i32
        %dma_wait3A_379 = tpu.memref_slice %arg10[%run_scoped3A_357, %dma_wait3A_377, %dma_wait3A_378] : memref<8x64x64xf32, #tpu.memory_space<vmem>> -> memref<1x64x64xf32, #tpu.memory_space<vmem>>
        %dma_wait3A_380 = tpu.memref_squeeze %dma_wait3A_379 : memref<1x64x64xf32, #tpu.memory_space<vmem>> -> memref<64x64xf32, #tpu.memory_space<vmem>>
        %dma_wait3A_381 = arith.constant 0 : i32
        %dma_wait3A_382 = tpu.memref_slice %arg12[%mul3A_356, %dma_wait3A_381] : memref<10000x64xf32, #tpu.memory_space<vmem_shared>> -> memref<64x64xf32, #tpu.memory_space<vmem_shared>>
        %dma_wait3A_383 = arith.constant 0 : i32
        %dma_wait3A_384 = arith.constant 0 : i32
        %dma_wait3A_385 = tpu.memref_slice %arg10[%run_scoped3A_357, %dma_wait3A_383, %dma_wait3A_384] : memref<8x64x64xf32, #tpu.memory_space<vmem>> -> memref<1x64x64xf32, #tpu.memory_space<vmem>>
        %dma_wait3A_386 = tpu.memref_squeeze %dma_wait3A_385 : memref<1x64x64xf32, #tpu.memory_space<vmem>> -> memref<64x64xf32, #tpu.memory_space<vmem>>
        %dma_wait3A_387 = arith.constant 0 : i32
        %dma_wait3A_388 = tpu.memref_slice %arg12[%mul3A_356, %dma_wait3A_387] : memref<10000x64xf32, #tpu.memory_space<vmem_shared>> -> memref<64x64xf32, #tpu.memory_space<vmem_shared>>
        tpu.wait_dma2 semaphore(%run_scoped3A_364 : memref<!tpu.dma_semaphore, #tpu.memory_space<semaphore_mem>>) src(%dma_wait3A_388 : memref<64x64xf32, #tpu.memory_space<vmem_shared>>) dst(%dma_wait3A_386 : memref<64x64xf32, #tpu.memory_space<vmem>>)
        tpu.yield
      }) : () -> ()
      %run_scoped3A_358 = arith.constant 0 : i32
      "tpu.region"() ({
        %run_scoped3A_364 = tpu.sem_alloc : memref<!tpu.dma_semaphore, #tpu.memory_space<semaphore_mem>>
        %dma_start3A_365 = arith.constant 0 : i32
        %dma_start3A_366 = arith.constant 0 : i32
        %dma_start3A_367 = tpu.memref_slice %arg10[%run_scoped3A_358, %dma_start3A_365, %dma_start3A_366] : memref<8x64x64xf32, #tpu.memory_space<vmem>> -> memref<1x64x64xf32, #tpu.memory_space<vmem>>
        %dma_start3A_368 = tpu.memref_squeeze %dma_start3A_367 : memref<1x64x64xf32, #tpu.memory_space<vmem>> -> memref<64x64xf32, #tpu.memory_space<vmem>>
        %dma_start3A_369 = tpu.memref_slice %arg7[%mul3A_356, %mul3A_0] : memref<10000x128xf32, #tpu.memory_space<hbm>> -> memref<64x64xf32, #tpu.memory_space<hbm>>
        %dma_start3A_370 = tpu.memref_slice %arg7[%mul3A_356, %mul3A_0] : memref<10000x128xf32, #tpu.memory_space<hbm>> -> memref<64x64xf32, #tpu.memory_space<hbm>>
        %dma_start3A_371 = arith.constant 0 : i32
        %dma_start3A_372 = arith.constant 0 : i32
        %dma_start3A_373 = tpu.memref_slice %arg10[%run_scoped3A_358, %dma_start3A_371, %dma_start3A_372] : memref<8x64x64xf32, #tpu.memory_space<vmem>> -> memref<1x64x64xf32, #tpu.memory_space<vmem>>
        %dma_start3A_374 = tpu.memref_squeeze %dma_start3A_373 : memref<1x64x64xf32, #tpu.memory_space<vmem>> -> memref<64x64xf32, #tpu.memory_space<vmem>>
        tpu.enqueue_dma source(%dma_start3A_374 : memref<64x64xf32, #tpu.memory_space<vmem>>) target(%dma_start3A_370 : memref<64x64xf32, #tpu.memory_space<hbm>>) target_semaphore(%run_scoped3A_364 : memref<!tpu.dma_semaphore, #tpu.memory_space<semaphore_mem>>)
        %dma_wait3A_375 = arith.constant 0 : i32
        %dma_wait3A_376 = arith.constant 0 : i32
        %dma_wait3A_377 = tpu.memref_slice %arg10[%run_scoped3A_358, %dma_wait3A_375, %dma_wait3A_376] : memref<8x64x64xf32, #tpu.memory_space<vmem>> -> memref<1x64x64xf32, #tpu.memory_space<vmem>>
        %dma_wait3A_378 = tpu.memref_squeeze %dma_wait3A_377 : memref<1x64x64xf32, #tpu.memory_space<vmem>> -> memref<64x64xf32, #tpu.memory_space<vmem>>
        %dma_wait3A_379 = tpu.memref_slice %arg7[%mul3A_356, %mul3A_0] : memref<10000x128xf32, #tpu.memory_space<hbm>> -> memref<64x64xf32, #tpu.memory_space<hbm>>
        %dma_wait3A_380 = tpu.memref_slice %arg7[%mul3A_356, %mul3A_0] : memref<10000x128xf32, #tpu.memory_space<hbm>> -> memref<64x64xf32, #tpu.memory_space<hbm>>
        %dma_wait3A_381 = arith.constant 0 : i32
        %dma_wait3A_382 = arith.constant 0 : i32
        %dma_wait3A_383 = tpu.memref_slice %arg10[%run_scoped3A_358, %dma_wait3A_381, %dma_wait3A_382] : memref<8x64x64xf32, #tpu.memory_space<vmem>> -> memref<1x64x64xf32, #tpu.memory_space<vmem>>
        %dma_wait3A_384 = tpu.memref_squeeze %dma_wait3A_383 : memref<1x64x64xf32, #tpu.memory_space<vmem>> -> memref<64x64xf32, #tpu.memory_space<vmem>>
        tpu.wait_dma2 semaphore(%run_scoped3A_364 : memref<!tpu.dma_semaphore, #tpu.memory_space<semaphore_mem>>) src(%dma_wait3A_384 : memref<64x64xf32, #tpu.memory_space<vmem>>) dst(%dma_wait3A_380 : memref<64x64xf32, #tpu.memory_space<hbm>>)
        tpu.yield
      }) : () -> ()
      %eq3A_359 = arith.constant 0 : i32
      %eq3A_360 = arith.cmpi eq, %arg0, %eq3A_359 : i32
      %convert_element_type3A_361 = arith.extui %eq3A_360 : i1 to i32
      %cond3A_362 = arith.constant 0 : i32
      %cond3A_363 = arith.cmpi ne, %convert_element_type3A_361, %cond3A_362 : i32
      scf.if %cond3A_363 {
        "tpu.region"() ({
          %run_scoped3A_364 = tpu.sem_alloc : memref<!tpu.dma_semaphore, #tpu.memory_space<semaphore_mem>>
          %dma_start3A_365 = arith.constant 0 : i32
          %dma_start3A_366 = arith.constant 0 : i32
          %dma_start3A_367 = tpu.memref_slice %arg11[%dma_start3A_365, %dma_start3A_366] : memref<64x8xf32, #tpu.memory_space<vmem>> -> memref<64x8xf32, #tpu.memory_space<vmem>>
          %dma_start3A_368 = arith.constant 0 : i32
          %dma_start3A_369 = tpu.memref_slice %arg13[%mul3A_356, %dma_start3A_368] : memref<10000x8xf32, #tpu.memory_space<vmem_shared>> -> memref<64x8xf32, #tpu.memory_space<vmem_shared>>
          %dma_start3A_370 = arith.constant 0 : i32
          %dma_start3A_371 = arith.constant 0 : i32
          %dma_start3A_372 = tpu.memref_slice %arg11[%dma_start3A_370, %dma_start3A_371] : memref<64x8xf32, #tpu.memory_space<vmem>> -> memref<64x8xf32, #tpu.memory_space<vmem>>
          %dma_start3A_373 = arith.constant 0 : i32
          %dma_start3A_374 = tpu.memref_slice %arg13[%mul3A_356, %dma_start3A_373] : memref<10000x8xf32, #tpu.memory_space<vmem_shared>> -> memref<64x8xf32, #tpu.memory_space<vmem_shared>>
          tpu.enqueue_dma source(%dma_start3A_374 : memref<64x8xf32, #tpu.memory_space<vmem_shared>>) target(%dma_start3A_372 : memref<64x8xf32, #tpu.memory_space<vmem>>) target_semaphore(%run_scoped3A_364 : memref<!tpu.dma_semaphore, #tpu.memory_space<semaphore_mem>>)
          %dma_wait3A_375 = arith.constant 0 : i32
          %dma_wait3A_376 = arith.constant 0 : i32
          %dma_wait3A_377 = tpu.memref_slice %arg11[%dma_wait3A_375, %dma_wait3A_376] : memref<64x8xf32, #tpu.memory_space<vmem>> -> memref<64x8xf32, #tpu.memory_space<vmem>>
          %dma_wait3A_378 = arith.constant 0 : i32
          %dma_wait3A_379 = tpu.memref_slice %arg13[%mul3A_356, %dma_wait3A_378] : memref<10000x8xf32, #tpu.memory_space<vmem_shared>> -> memref<64x8xf32, #tpu.memory_space<vmem_shared>>
          %dma_wait3A_380 = arith.constant 0 : i32
          %dma_wait3A_381 = arith.constant 0 : i32
          %dma_wait3A_382 = tpu.memref_slice %arg11[%dma_wait3A_380, %dma_wait3A_381] : memref<64x8xf32, #tpu.memory_space<vmem>> -> memref<64x8xf32, #tpu.memory_space<vmem>>
          %dma_wait3A_383 = arith.constant 0 : i32
          %dma_wait3A_384 = tpu.memref_slice %arg13[%mul3A_356, %dma_wait3A_383] : memref<10000x8xf32, #tpu.memory_space<vmem_shared>> -> memref<64x8xf32, #tpu.memory_space<vmem_shared>>
          tpu.wait_dma2 semaphore(%run_scoped3A_364 : memref<!tpu.dma_semaphore, #tpu.memory_space<semaphore_mem>>) src(%dma_wait3A_384 : memref<64x8xf32, #tpu.memory_space<vmem_shared>>) dst(%dma_wait3A_382 : memref<64x8xf32, #tpu.memory_space<vmem>>)
          tpu.yield
        }) : () -> ()
        "tpu.region"() ({
          %run_scoped3A_364 = tpu.sem_alloc : memref<!tpu.dma_semaphore, #tpu.memory_space<semaphore_mem>>
          %dma_start3A_365 = arith.constant 0 : i32
          %dma_start3A_366 = arith.constant 0 : i32
          %dma_start3A_367 = tpu.memref_slice %arg11[%dma_start3A_365, %dma_start3A_366] : memref<64x8xf32, #tpu.memory_space<vmem>> -> memref<64x8xf32, #tpu.memory_space<vmem>>
          %dma_start3A_368 = arith.constant 0 : i32
          %dma_start3A_369 = tpu.memref_slice %arg8[%mul3A_356, %dma_start3A_368] : memref<10000x8xf32, #tpu.memory_space<hbm>> -> memref<64x8xf32, #tpu.memory_space<hbm>>
          %dma_start3A_370 = arith.constant 0 : i32
          %dma_start3A_371 = tpu.memref_slice %arg8[%mul3A_356, %dma_start3A_370] : memref<10000x8xf32, #tpu.memory_space<hbm>> -> memref<64x8xf32, #tpu.memory_space<hbm>>
          %dma_start3A_372 = arith.constant 0 : i32
          %dma_start3A_373 = arith.constant 0 : i32
          %dma_start3A_374 = tpu.memref_slice %arg11[%dma_start3A_372, %dma_start3A_373] : memref<64x8xf32, #tpu.memory_space<vmem>> -> memref<64x8xf32, #tpu.memory_space<vmem>>
          tpu.enqueue_dma source(%dma_start3A_374 : memref<64x8xf32, #tpu.memory_space<vmem>>) target(%dma_start3A_371 : memref<64x8xf32, #tpu.memory_space<hbm>>) target_semaphore(%run_scoped3A_364 : memref<!tpu.dma_semaphore, #tpu.memory_space<semaphore_mem>>)
          %dma_wait3A_375 = arith.constant 0 : i32
          %dma_wait3A_376 = arith.constant 0 : i32
          %dma_wait3A_377 = tpu.memref_slice %arg11[%dma_wait3A_375, %dma_wait3A_376] : memref<64x8xf32, #tpu.memory_space<vmem>> -> memref<64x8xf32, #tpu.memory_space<vmem>>
          %dma_wait3A_378 = arith.constant 0 : i32
          %dma_wait3A_379 = tpu.memref_slice %arg8[%mul3A_356, %dma_wait3A_378] : memref<10000x8xf32, #tpu.memory_space<hbm>> -> memref<64x8xf32, #tpu.memory_space<hbm>>
          %dma_wait3A_380 = arith.constant 0 : i32
          %dma_wait3A_381 = tpu.memref_slice %arg8[%mul3A_356, %dma_wait3A_380] : memref<10000x8xf32, #tpu.memory_space<hbm>> -> memref<64x8xf32, #tpu.memory_space<hbm>>
          %dma_wait3A_382 = arith.constant 0 : i32
          %dma_wait3A_383 = arith.constant 0 : i32
          %dma_wait3A_384 = tpu.memref_slice %arg11[%dma_wait3A_382, %dma_wait3A_383] : memref<64x8xf32, #tpu.memory_space<vmem>> -> memref<64x8xf32, #tpu.memory_space<vmem>>
          tpu.wait_dma2 semaphore(%run_scoped3A_364 : memref<!tpu.dma_semaphore, #tpu.memory_space<semaphore_mem>>) src(%dma_wait3A_384 : memref<64x8xf32, #tpu.memory_space<vmem>>) dst(%dma_wait3A_381 : memref<64x8xf32, #tpu.memory_space<hbm>>)
          tpu.yield
        }) : () -> ()
      } else {
      }
    } else {
    }
    %add3A_322 = arith.constant 96 : i32
    %add3A_323 = arith.addi %arg1, %add3A_322 : i32
    %lt3A_324 = arith.constant 156 : i32
    %lt3A_325 = arith.cmpi slt, %add3A_323, %lt3A_324 : i32
    %convert_element_type3A_326 = arith.extui %lt3A_325 : i1 to i32
    %cond3A_327 = arith.constant 0 : i32
    %cond3A_328 = arith.cmpi ne, %convert_element_type3A_326, %cond3A_327 : i32
    scf.if %cond3A_328 {
      %mul3A_355 = arith.constant 64 : i32
      %mul3A_356 = arith.muli %add3A_323, %mul3A_355 : i32
      %run_scoped3A_357 = arith.constant 0 : i32
      "tpu.region"() ({
        %run_scoped3A_364 = tpu.sem_alloc : memref<!tpu.dma_semaphore, #tpu.memory_space<semaphore_mem>>
        %dma_start3A_365 = arith.constant 0 : i32
        %dma_start3A_366 = arith.constant 0 : i32
        %dma_start3A_367 = tpu.memref_slice %arg10[%run_scoped3A_357, %dma_start3A_365, %dma_start3A_366] : memref<8x64x64xf32, #tpu.memory_space<vmem>> -> memref<1x64x64xf32, #tpu.memory_space<vmem>>
        %dma_start3A_368 = tpu.memref_squeeze %dma_start3A_367 : memref<1x64x64xf32, #tpu.memory_space<vmem>> -> memref<64x64xf32, #tpu.memory_space<vmem>>
        %dma_start3A_369 = arith.constant 0 : i32
        %dma_start3A_370 = tpu.memref_slice %arg12[%mul3A_356, %dma_start3A_369] : memref<10000x64xf32, #tpu.memory_space<vmem_shared>> -> memref<64x64xf32, #tpu.memory_space<vmem_shared>>
        %dma_start3A_371 = arith.constant 0 : i32
        %dma_start3A_372 = arith.constant 0 : i32
        %dma_start3A_373 = tpu.memref_slice %arg10[%run_scoped3A_357, %dma_start3A_371, %dma_start3A_372] : memref<8x64x64xf32, #tpu.memory_space<vmem>> -> memref<1x64x64xf32, #tpu.memory_space<vmem>>
        %dma_start3A_374 = tpu.memref_squeeze %dma_start3A_373 : memref<1x64x64xf32, #tpu.memory_space<vmem>> -> memref<64x64xf32, #tpu.memory_space<vmem>>
        %dma_start3A_375 = arith.constant 0 : i32
        %dma_start3A_376 = tpu.memref_slice %arg12[%mul3A_356, %dma_start3A_375] : memref<10000x64xf32, #tpu.memory_space<vmem_shared>> -> memref<64x64xf32, #tpu.memory_space<vmem_shared>>
        tpu.enqueue_dma source(%dma_start3A_376 : memref<64x64xf32, #tpu.memory_space<vmem_shared>>) target(%dma_start3A_374 : memref<64x64xf32, #tpu.memory_space<vmem>>) target_semaphore(%run_scoped3A_364 : memref<!tpu.dma_semaphore, #tpu.memory_space<semaphore_mem>>)
        %dma_wait3A_377 = arith.constant 0 : i32
        %dma_wait3A_378 = arith.constant 0 : i32
        %dma_wait3A_379 = tpu.memref_slice %arg10[%run_scoped3A_357, %dma_wait3A_377, %dma_wait3A_378] : memref<8x64x64xf32, #tpu.memory_space<vmem>> -> memref<1x64x64xf32, #tpu.memory_space<vmem>>
        %dma_wait3A_380 = tpu.memref_squeeze %dma_wait3A_379 : memref<1x64x64xf32, #tpu.memory_space<vmem>> -> memref<64x64xf32, #tpu.memory_space<vmem>>
        %dma_wait3A_381 = arith.constant 0 : i32
        %dma_wait3A_382 = tpu.memref_slice %arg12[%mul3A_356, %dma_wait3A_381] : memref<10000x64xf32, #tpu.memory_space<vmem_shared>> -> memref<64x64xf32, #tpu.memory_space<vmem_shared>>
        %dma_wait3A_383 = arith.constant 0 : i32
        %dma_wait3A_384 = arith.constant 0 : i32
        %dma_wait3A_385 = tpu.memref_slice %arg10[%run_scoped3A_357, %dma_wait3A_383, %dma_wait3A_384] : memref<8x64x64xf32, #tpu.memory_space<vmem>> -> memref<1x64x64xf32, #tpu.memory_space<vmem>>
        %dma_wait3A_386 = tpu.memref_squeeze %dma_wait3A_385 : memref<1x64x64xf32, #tpu.memory_space<vmem>> -> memref<64x64xf32, #tpu.memory_space<vmem>>
        %dma_wait3A_387 = arith.constant 0 : i32
        %dma_wait3A_388 = tpu.memref_slice %arg12[%mul3A_356, %dma_wait3A_387] : memref<10000x64xf32, #tpu.memory_space<vmem_shared>> -> memref<64x64xf32, #tpu.memory_space<vmem_shared>>
        tpu.wait_dma2 semaphore(%run_scoped3A_364 : memref<!tpu.dma_semaphore, #tpu.memory_space<semaphore_mem>>) src(%dma_wait3A_388 : memref<64x64xf32, #tpu.memory_space<vmem_shared>>) dst(%dma_wait3A_386 : memref<64x64xf32, #tpu.memory_space<vmem>>)
        tpu.yield
      }) : () -> ()
      %run_scoped3A_358 = arith.constant 0 : i32
      "tpu.region"() ({
        %run_scoped3A_364 = tpu.sem_alloc : memref<!tpu.dma_semaphore, #tpu.memory_space<semaphore_mem>>
        %dma_start3A_365 = arith.constant 0 : i32
        %dma_start3A_366 = arith.constant 0 : i32
        %dma_start3A_367 = tpu.memref_slice %arg10[%run_scoped3A_358, %dma_start3A_365, %dma_start3A_366] : memref<8x64x64xf32, #tpu.memory_space<vmem>> -> memref<1x64x64xf32, #tpu.memory_space<vmem>>
        %dma_start3A_368 = tpu.memref_squeeze %dma_start3A_367 : memref<1x64x64xf32, #tpu.memory_space<vmem>> -> memref<64x64xf32, #tpu.memory_space<vmem>>
        %dma_start3A_369 = tpu.memref_slice %arg7[%mul3A_356, %mul3A_0] : memref<10000x128xf32, #tpu.memory_space<hbm>> -> memref<64x64xf32, #tpu.memory_space<hbm>>
        %dma_start3A_370 = tpu.memref_slice %arg7[%mul3A_356, %mul3A_0] : memref<10000x128xf32, #tpu.memory_space<hbm>> -> memref<64x64xf32, #tpu.memory_space<hbm>>
        %dma_start3A_371 = arith.constant 0 : i32
        %dma_start3A_372 = arith.constant 0 : i32
        %dma_start3A_373 = tpu.memref_slice %arg10[%run_scoped3A_358, %dma_start3A_371, %dma_start3A_372] : memref<8x64x64xf32, #tpu.memory_space<vmem>> -> memref<1x64x64xf32, #tpu.memory_space<vmem>>
        %dma_start3A_374 = tpu.memref_squeeze %dma_start3A_373 : memref<1x64x64xf32, #tpu.memory_space<vmem>> -> memref<64x64xf32, #tpu.memory_space<vmem>>
        tpu.enqueue_dma source(%dma_start3A_374 : memref<64x64xf32, #tpu.memory_space<vmem>>) target(%dma_start3A_370 : memref<64x64xf32, #tpu.memory_space<hbm>>) target_semaphore(%run_scoped3A_364 : memref<!tpu.dma_semaphore, #tpu.memory_space<semaphore_mem>>)
        %dma_wait3A_375 = arith.constant 0 : i32
        %dma_wait3A_376 = arith.constant 0 : i32
        %dma_wait3A_377 = tpu.memref_slice %arg10[%run_scoped3A_358, %dma_wait3A_375, %dma_wait3A_376] : memref<8x64x64xf32, #tpu.memory_space<vmem>> -> memref<1x64x64xf32, #tpu.memory_space<vmem>>
        %dma_wait3A_378 = tpu.memref_squeeze %dma_wait3A_377 : memref<1x64x64xf32, #tpu.memory_space<vmem>> -> memref<64x64xf32, #tpu.memory_space<vmem>>
        %dma_wait3A_379 = tpu.memref_slice %arg7[%mul3A_356, %mul3A_0] : memref<10000x128xf32, #tpu.memory_space<hbm>> -> memref<64x64xf32, #tpu.memory_space<hbm>>
        %dma_wait3A_380 = tpu.memref_slice %arg7[%mul3A_356, %mul3A_0] : memref<10000x128xf32, #tpu.memory_space<hbm>> -> memref<64x64xf32, #tpu.memory_space<hbm>>
        %dma_wait3A_381 = arith.constant 0 : i32
        %dma_wait3A_382 = arith.constant 0 : i32
        %dma_wait3A_383 = tpu.memref_slice %arg10[%run_scoped3A_358, %dma_wait3A_381, %dma_wait3A_382] : memref<8x64x64xf32, #tpu.memory_space<vmem>> -> memref<1x64x64xf32, #tpu.memory_space<vmem>>
        %dma_wait3A_384 = tpu.memref_squeeze %dma_wait3A_383 : memref<1x64x64xf32, #tpu.memory_space<vmem>> -> memref<64x64xf32, #tpu.memory_space<vmem>>
        tpu.wait_dma2 semaphore(%run_scoped3A_364 : memref<!tpu.dma_semaphore, #tpu.memory_space<semaphore_mem>>) src(%dma_wait3A_384 : memref<64x64xf32, #tpu.memory_space<vmem>>) dst(%dma_wait3A_380 : memref<64x64xf32, #tpu.memory_space<hbm>>)
        tpu.yield
      }) : () -> ()
      %eq3A_359 = arith.constant 0 : i32
      %eq3A_360 = arith.cmpi eq, %arg0, %eq3A_359 : i32
      %convert_element_type3A_361 = arith.extui %eq3A_360 : i1 to i32
      %cond3A_362 = arith.constant 0 : i32
      %cond3A_363 = arith.cmpi ne, %convert_element_type3A_361, %cond3A_362 : i32
      scf.if %cond3A_363 {
        "tpu.region"() ({
          %run_scoped3A_364 = tpu.sem_alloc : memref<!tpu.dma_semaphore, #tpu.memory_space<semaphore_mem>>
          %dma_start3A_365 = arith.constant 0 : i32
          %dma_start3A_366 = arith.constant 0 : i32
          %dma_start3A_367 = tpu.memref_slice %arg11[%dma_start3A_365, %dma_start3A_366] : memref<64x8xf32, #tpu.memory_space<vmem>> -> memref<64x8xf32, #tpu.memory_space<vmem>>
          %dma_start3A_368 = arith.constant 0 : i32
          %dma_start3A_369 = tpu.memref_slice %arg13[%mul3A_356, %dma_start3A_368] : memref<10000x8xf32, #tpu.memory_space<vmem_shared>> -> memref<64x8xf32, #tpu.memory_space<vmem_shared>>
          %dma_start3A_370 = arith.constant 0 : i32
          %dma_start3A_371 = arith.constant 0 : i32
          %dma_start3A_372 = tpu.memref_slice %arg11[%dma_start3A_370, %dma_start3A_371] : memref<64x8xf32, #tpu.memory_space<vmem>> -> memref<64x8xf32, #tpu.memory_space<vmem>>
          %dma_start3A_373 = arith.constant 0 : i32
          %dma_start3A_374 = tpu.memref_slice %arg13[%mul3A_356, %dma_start3A_373] : memref<10000x8xf32, #tpu.memory_space<vmem_shared>> -> memref<64x8xf32, #tpu.memory_space<vmem_shared>>
          tpu.enqueue_dma source(%dma_start3A_374 : memref<64x8xf32, #tpu.memory_space<vmem_shared>>) target(%dma_start3A_372 : memref<64x8xf32, #tpu.memory_space<vmem>>) target_semaphore(%run_scoped3A_364 : memref<!tpu.dma_semaphore, #tpu.memory_space<semaphore_mem>>)
          %dma_wait3A_375 = arith.constant 0 : i32
          %dma_wait3A_376 = arith.constant 0 : i32
          %dma_wait3A_377 = tpu.memref_slice %arg11[%dma_wait3A_375, %dma_wait3A_376] : memref<64x8xf32, #tpu.memory_space<vmem>> -> memref<64x8xf32, #tpu.memory_space<vmem>>
          %dma_wait3A_378 = arith.constant 0 : i32
          %dma_wait3A_379 = tpu.memref_slice %arg13[%mul3A_356, %dma_wait3A_378] : memref<10000x8xf32, #tpu.memory_space<vmem_shared>> -> memref<64x8xf32, #tpu.memory_space<vmem_shared>>
          %dma_wait3A_380 = arith.constant 0 : i32
          %dma_wait3A_381 = arith.constant 0 : i32
          %dma_wait3A_382 = tpu.memref_slice %arg11[%dma_wait3A_380, %dma_wait3A_381] : memref<64x8xf32, #tpu.memory_space<vmem>> -> memref<64x8xf32, #tpu.memory_space<vmem>>
          %dma_wait3A_383 = arith.constant 0 : i32
          %dma_wait3A_384 = tpu.memref_slice %arg13[%mul3A_356, %dma_wait3A_383] : memref<10000x8xf32, #tpu.memory_space<vmem_shared>> -> memref<64x8xf32, #tpu.memory_space<vmem_shared>>
          tpu.wait_dma2 semaphore(%run_scoped3A_364 : memref<!tpu.dma_semaphore, #tpu.memory_space<semaphore_mem>>) src(%dma_wait3A_384 : memref<64x8xf32, #tpu.memory_space<vmem_shared>>) dst(%dma_wait3A_382 : memref<64x8xf32, #tpu.memory_space<vmem>>)
          tpu.yield
        }) : () -> ()
        "tpu.region"() ({
          %run_scoped3A_364 = tpu.sem_alloc : memref<!tpu.dma_semaphore, #tpu.memory_space<semaphore_mem>>
          %dma_start3A_365 = arith.constant 0 : i32
          %dma_start3A_366 = arith.constant 0 : i32
          %dma_start3A_367 = tpu.memref_slice %arg11[%dma_start3A_365, %dma_start3A_366] : memref<64x8xf32, #tpu.memory_space<vmem>> -> memref<64x8xf32, #tpu.memory_space<vmem>>
          %dma_start3A_368 = arith.constant 0 : i32
          %dma_start3A_369 = tpu.memref_slice %arg8[%mul3A_356, %dma_start3A_368] : memref<10000x8xf32, #tpu.memory_space<hbm>> -> memref<64x8xf32, #tpu.memory_space<hbm>>
          %dma_start3A_370 = arith.constant 0 : i32
          %dma_start3A_371 = tpu.memref_slice %arg8[%mul3A_356, %dma_start3A_370] : memref<10000x8xf32, #tpu.memory_space<hbm>> -> memref<64x8xf32, #tpu.memory_space<hbm>>
          %dma_start3A_372 = arith.constant 0 : i32
          %dma_start3A_373 = arith.constant 0 : i32
          %dma_start3A_374 = tpu.memref_slice %arg11[%dma_start3A_372, %dma_start3A_373] : memref<64x8xf32, #tpu.memory_space<vmem>> -> memref<64x8xf32, #tpu.memory_space<vmem>>
          tpu.enqueue_dma source(%dma_start3A_374 : memref<64x8xf32, #tpu.memory_space<vmem>>) target(%dma_start3A_371 : memref<64x8xf32, #tpu.memory_space<hbm>>) target_semaphore(%run_scoped3A_364 : memref<!tpu.dma_semaphore, #tpu.memory_space<semaphore_mem>>)
          %dma_wait3A_375 = arith.constant 0 : i32
          %dma_wait3A_376 = arith.constant 0 : i32
          %dma_wait3A_377 = tpu.memref_slice %arg11[%dma_wait3A_375, %dma_wait3A_376] : memref<64x8xf32, #tpu.memory_space<vmem>> -> memref<64x8xf32, #tpu.memory_space<vmem>>
          %dma_wait3A_378 = arith.constant 0 : i32
          %dma_wait3A_379 = tpu.memref_slice %arg8[%mul3A_356, %dma_wait3A_378] : memref<10000x8xf32, #tpu.memory_space<hbm>> -> memref<64x8xf32, #tpu.memory_space<hbm>>
          %dma_wait3A_380 = arith.constant 0 : i32
          %dma_wait3A_381 = tpu.memref_slice %arg8[%mul3A_356, %dma_wait3A_380] : memref<10000x8xf32, #tpu.memory_space<hbm>> -> memref<64x8xf32, #tpu.memory_space<hbm>>
          %dma_wait3A_382 = arith.constant 0 : i32
          %dma_wait3A_383 = arith.constant 0 : i32
          %dma_wait3A_384 = tpu.memref_slice %arg11[%dma_wait3A_382, %dma_wait3A_383] : memref<64x8xf32, #tpu.memory_space<vmem>> -> memref<64x8xf32, #tpu.memory_space<vmem>>
          tpu.wait_dma2 semaphore(%run_scoped3A_364 : memref<!tpu.dma_semaphore, #tpu.memory_space<semaphore_mem>>) src(%dma_wait3A_384 : memref<64x8xf32, #tpu.memory_space<vmem>>) dst(%dma_wait3A_381 : memref<64x8xf32, #tpu.memory_space<hbm>>)
          tpu.yield
        }) : () -> ()
      } else {
      }
    } else {
    }
    %add3A_329 = arith.constant 112 : i32
    %add3A_330 = arith.addi %arg1, %add3A_329 : i32
    %lt3A_331 = arith.constant 156 : i32
    %lt3A_332 = arith.cmpi slt, %add3A_330, %lt3A_331 : i32
    %convert_element_type3A_333 = arith.extui %lt3A_332 : i1 to i32
    %cond3A_334 = arith.constant 0 : i32
    %cond3A_335 = arith.cmpi ne, %convert_element_type3A_333, %cond3A_334 : i32
    scf.if %cond3A_335 {
      %mul3A_355 = arith.constant 64 : i32
      %mul3A_356 = arith.muli %add3A_330, %mul3A_355 : i32
      %run_scoped3A_357 = arith.constant 0 : i32
      "tpu.region"() ({
        %run_scoped3A_364 = tpu.sem_alloc : memref<!tpu.dma_semaphore, #tpu.memory_space<semaphore_mem>>
        %dma_start3A_365 = arith.constant 0 : i32
        %dma_start3A_366 = arith.constant 0 : i32
        %dma_start3A_367 = tpu.memref_slice %arg10[%run_scoped3A_357, %dma_start3A_365, %dma_start3A_366] : memref<8x64x64xf32, #tpu.memory_space<vmem>> -> memref<1x64x64xf32, #tpu.memory_space<vmem>>
        %dma_start3A_368 = tpu.memref_squeeze %dma_start3A_367 : memref<1x64x64xf32, #tpu.memory_space<vmem>> -> memref<64x64xf32, #tpu.memory_space<vmem>>
        %dma_start3A_369 = arith.constant 0 : i32
        %dma_start3A_370 = tpu.memref_slice %arg12[%mul3A_356, %dma_start3A_369] : memref<10000x64xf32, #tpu.memory_space<vmem_shared>> -> memref<64x64xf32, #tpu.memory_space<vmem_shared>>
        %dma_start3A_371 = arith.constant 0 : i32
        %dma_start3A_372 = arith.constant 0 : i32
        %dma_start3A_373 = tpu.memref_slice %arg10[%run_scoped3A_357, %dma_start3A_371, %dma_start3A_372] : memref<8x64x64xf32, #tpu.memory_space<vmem>> -> memref<1x64x64xf32, #tpu.memory_space<vmem>>
        %dma_start3A_374 = tpu.memref_squeeze %dma_start3A_373 : memref<1x64x64xf32, #tpu.memory_space<vmem>> -> memref<64x64xf32, #tpu.memory_space<vmem>>
        %dma_start3A_375 = arith.constant 0 : i32
        %dma_start3A_376 = tpu.memref_slice %arg12[%mul3A_356, %dma_start3A_375] : memref<10000x64xf32, #tpu.memory_space<vmem_shared>> -> memref<64x64xf32, #tpu.memory_space<vmem_shared>>
        tpu.enqueue_dma source(%dma_start3A_376 : memref<64x64xf32, #tpu.memory_space<vmem_shared>>) target(%dma_start3A_374 : memref<64x64xf32, #tpu.memory_space<vmem>>) target_semaphore(%run_scoped3A_364 : memref<!tpu.dma_semaphore, #tpu.memory_space<semaphore_mem>>)
        %dma_wait3A_377 = arith.constant 0 : i32
        %dma_wait3A_378 = arith.constant 0 : i32
        %dma_wait3A_379 = tpu.memref_slice %arg10[%run_scoped3A_357, %dma_wait3A_377, %dma_wait3A_378] : memref<8x64x64xf32, #tpu.memory_space<vmem>> -> memref<1x64x64xf32, #tpu.memory_space<vmem>>
        %dma_wait3A_380 = tpu.memref_squeeze %dma_wait3A_379 : memref<1x64x64xf32, #tpu.memory_space<vmem>> -> memref<64x64xf32, #tpu.memory_space<vmem>>
        %dma_wait3A_381 = arith.constant 0 : i32
        %dma_wait3A_382 = tpu.memref_slice %arg12[%mul3A_356, %dma_wait3A_381] : memref<10000x64xf32, #tpu.memory_space<vmem_shared>> -> memref<64x64xf32, #tpu.memory_space<vmem_shared>>
        %dma_wait3A_383 = arith.constant 0 : i32
        %dma_wait3A_384 = arith.constant 0 : i32
        %dma_wait3A_385 = tpu.memref_slice %arg10[%run_scoped3A_357, %dma_wait3A_383, %dma_wait3A_384] : memref<8x64x64xf32, #tpu.memory_space<vmem>> -> memref<1x64x64xf32, #tpu.memory_space<vmem>>
        %dma_wait3A_386 = tpu.memref_squeeze %dma_wait3A_385 : memref<1x64x64xf32, #tpu.memory_space<vmem>> -> memref<64x64xf32, #tpu.memory_space<vmem>>
        %dma_wait3A_387 = arith.constant 0 : i32
        %dma_wait3A_388 = tpu.memref_slice %arg12[%mul3A_356, %dma_wait3A_387] : memref<10000x64xf32, #tpu.memory_space<vmem_shared>> -> memref<64x64xf32, #tpu.memory_space<vmem_shared>>
        tpu.wait_dma2 semaphore(%run_scoped3A_364 : memref<!tpu.dma_semaphore, #tpu.memory_space<semaphore_mem>>) src(%dma_wait3A_388 : memref<64x64xf32, #tpu.memory_space<vmem_shared>>) dst(%dma_wait3A_386 : memref<64x64xf32, #tpu.memory_space<vmem>>)
        tpu.yield
      }) : () -> ()
      %run_scoped3A_358 = arith.constant 0 : i32
      "tpu.region"() ({
        %run_scoped3A_364 = tpu.sem_alloc : memref<!tpu.dma_semaphore, #tpu.memory_space<semaphore_mem>>
        %dma_start3A_365 = arith.constant 0 : i32
        %dma_start3A_366 = arith.constant 0 : i32
        %dma_start3A_367 = tpu.memref_slice %arg10[%run_scoped3A_358, %dma_start3A_365, %dma_start3A_366] : memref<8x64x64xf32, #tpu.memory_space<vmem>> -> memref<1x64x64xf32, #tpu.memory_space<vmem>>
        %dma_start3A_368 = tpu.memref_squeeze %dma_start3A_367 : memref<1x64x64xf32, #tpu.memory_space<vmem>> -> memref<64x64xf32, #tpu.memory_space<vmem>>
        %dma_start3A_369 = tpu.memref_slice %arg7[%mul3A_356, %mul3A_0] : memref<10000x128xf32, #tpu.memory_space<hbm>> -> memref<64x64xf32, #tpu.memory_space<hbm>>
        %dma_start3A_370 = tpu.memref_slice %arg7[%mul3A_356, %mul3A_0] : memref<10000x128xf32, #tpu.memory_space<hbm>> -> memref<64x64xf32, #tpu.memory_space<hbm>>
        %dma_start3A_371 = arith.constant 0 : i32
        %dma_start3A_372 = arith.constant 0 : i32
        %dma_start3A_373 = tpu.memref_slice %arg10[%run_scoped3A_358, %dma_start3A_371, %dma_start3A_372] : memref<8x64x64xf32, #tpu.memory_space<vmem>> -> memref<1x64x64xf32, #tpu.memory_space<vmem>>
        %dma_start3A_374 = tpu.memref_squeeze %dma_start3A_373 : memref<1x64x64xf32, #tpu.memory_space<vmem>> -> memref<64x64xf32, #tpu.memory_space<vmem>>
        tpu.enqueue_dma source(%dma_start3A_374 : memref<64x64xf32, #tpu.memory_space<vmem>>) target(%dma_start3A_370 : memref<64x64xf32, #tpu.memory_space<hbm>>) target_semaphore(%run_scoped3A_364 : memref<!tpu.dma_semaphore, #tpu.memory_space<semaphore_mem>>)
        %dma_wait3A_375 = arith.constant 0 : i32
        %dma_wait3A_376 = arith.constant 0 : i32
        %dma_wait3A_377 = tpu.memref_slice %arg10[%run_scoped3A_358, %dma_wait3A_375, %dma_wait3A_376] : memref<8x64x64xf32, #tpu.memory_space<vmem>> -> memref<1x64x64xf32, #tpu.memory_space<vmem>>
        %dma_wait3A_378 = tpu.memref_squeeze %dma_wait3A_377 : memref<1x64x64xf32, #tpu.memory_space<vmem>> -> memref<64x64xf32, #tpu.memory_space<vmem>>
        %dma_wait3A_379 = tpu.memref_slice %arg7[%mul3A_356, %mul3A_0] : memref<10000x128xf32, #tpu.memory_space<hbm>> -> memref<64x64xf32, #tpu.memory_space<hbm>>
        %dma_wait3A_380 = tpu.memref_slice %arg7[%mul3A_356, %mul3A_0] : memref<10000x128xf32, #tpu.memory_space<hbm>> -> memref<64x64xf32, #tpu.memory_space<hbm>>
        %dma_wait3A_381 = arith.constant 0 : i32
        %dma_wait3A_382 = arith.constant 0 : i32
        %dma_wait3A_383 = tpu.memref_slice %arg10[%run_scoped3A_358, %dma_wait3A_381, %dma_wait3A_382] : memref<8x64x64xf32, #tpu.memory_space<vmem>> -> memref<1x64x64xf32, #tpu.memory_space<vmem>>
        %dma_wait3A_384 = tpu.memref_squeeze %dma_wait3A_383 : memref<1x64x64xf32, #tpu.memory_space<vmem>> -> memref<64x64xf32, #tpu.memory_space<vmem>>
        tpu.wait_dma2 semaphore(%run_scoped3A_364 : memref<!tpu.dma_semaphore, #tpu.memory_space<semaphore_mem>>) src(%dma_wait3A_384 : memref<64x64xf32, #tpu.memory_space<vmem>>) dst(%dma_wait3A_380 : memref<64x64xf32, #tpu.memory_space<hbm>>)
        tpu.yield
      }) : () -> ()
      %eq3A_359 = arith.constant 0 : i32
      %eq3A_360 = arith.cmpi eq, %arg0, %eq3A_359 : i32
      %convert_element_type3A_361 = arith.extui %eq3A_360 : i1 to i32
      %cond3A_362 = arith.constant 0 : i32
      %cond3A_363 = arith.cmpi ne, %convert_element_type3A_361, %cond3A_362 : i32
      scf.if %cond3A_363 {
        "tpu.region"() ({
          %run_scoped3A_364 = tpu.sem_alloc : memref<!tpu.dma_semaphore, #tpu.memory_space<semaphore_mem>>
          %dma_start3A_365 = arith.constant 0 : i32
          %dma_start3A_366 = arith.constant 0 : i32
          %dma_start3A_367 = tpu.memref_slice %arg11[%dma_start3A_365, %dma_start3A_366] : memref<64x8xf32, #tpu.memory_space<vmem>> -> memref<64x8xf32, #tpu.memory_space<vmem>>
          %dma_start3A_368 = arith.constant 0 : i32
          %dma_start3A_369 = tpu.memref_slice %arg13[%mul3A_356, %dma_start3A_368] : memref<10000x8xf32, #tpu.memory_space<vmem_shared>> -> memref<64x8xf32, #tpu.memory_space<vmem_shared>>
          %dma_start3A_370 = arith.constant 0 : i32
          %dma_start3A_371 = arith.constant 0 : i32
          %dma_start3A_372 = tpu.memref_slice %arg11[%dma_start3A_370, %dma_start3A_371] : memref<64x8xf32, #tpu.memory_space<vmem>> -> memref<64x8xf32, #tpu.memory_space<vmem>>
          %dma_start3A_373 = arith.constant 0 : i32
          %dma_start3A_374 = tpu.memref_slice %arg13[%mul3A_356, %dma_start3A_373] : memref<10000x8xf32, #tpu.memory_space<vmem_shared>> -> memref<64x8xf32, #tpu.memory_space<vmem_shared>>
          tpu.enqueue_dma source(%dma_start3A_374 : memref<64x8xf32, #tpu.memory_space<vmem_shared>>) target(%dma_start3A_372 : memref<64x8xf32, #tpu.memory_space<vmem>>) target_semaphore(%run_scoped3A_364 : memref<!tpu.dma_semaphore, #tpu.memory_space<semaphore_mem>>)
          %dma_wait3A_375 = arith.constant 0 : i32
          %dma_wait3A_376 = arith.constant 0 : i32
          %dma_wait3A_377 = tpu.memref_slice %arg11[%dma_wait3A_375, %dma_wait3A_376] : memref<64x8xf32, #tpu.memory_space<vmem>> -> memref<64x8xf32, #tpu.memory_space<vmem>>
          %dma_wait3A_378 = arith.constant 0 : i32
          %dma_wait3A_379 = tpu.memref_slice %arg13[%mul3A_356, %dma_wait3A_378] : memref<10000x8xf32, #tpu.memory_space<vmem_shared>> -> memref<64x8xf32, #tpu.memory_space<vmem_shared>>
          %dma_wait3A_380 = arith.constant 0 : i32
          %dma_wait3A_381 = arith.constant 0 : i32
          %dma_wait3A_382 = tpu.memref_slice %arg11[%dma_wait3A_380, %dma_wait3A_381] : memref<64x8xf32, #tpu.memory_space<vmem>> -> memref<64x8xf32, #tpu.memory_space<vmem>>
          %dma_wait3A_383 = arith.constant 0 : i32
          %dma_wait3A_384 = tpu.memref_slice %arg13[%mul3A_356, %dma_wait3A_383] : memref<10000x8xf32, #tpu.memory_space<vmem_shared>> -> memref<64x8xf32, #tpu.memory_space<vmem_shared>>
          tpu.wait_dma2 semaphore(%run_scoped3A_364 : memref<!tpu.dma_semaphore, #tpu.memory_space<semaphore_mem>>) src(%dma_wait3A_384 : memref<64x8xf32, #tpu.memory_space<vmem_shared>>) dst(%dma_wait3A_382 : memref<64x8xf32, #tpu.memory_space<vmem>>)
          tpu.yield
        }) : () -> ()
        "tpu.region"() ({
          %run_scoped3A_364 = tpu.sem_alloc : memref<!tpu.dma_semaphore, #tpu.memory_space<semaphore_mem>>
          %dma_start3A_365 = arith.constant 0 : i32
          %dma_start3A_366 = arith.constant 0 : i32
          %dma_start3A_367 = tpu.memref_slice %arg11[%dma_start3A_365, %dma_start3A_366] : memref<64x8xf32, #tpu.memory_space<vmem>> -> memref<64x8xf32, #tpu.memory_space<vmem>>
          %dma_start3A_368 = arith.constant 0 : i32
          %dma_start3A_369 = tpu.memref_slice %arg8[%mul3A_356, %dma_start3A_368] : memref<10000x8xf32, #tpu.memory_space<hbm>> -> memref<64x8xf32, #tpu.memory_space<hbm>>
          %dma_start3A_370 = arith.constant 0 : i32
          %dma_start3A_371 = tpu.memref_slice %arg8[%mul3A_356, %dma_start3A_370] : memref<10000x8xf32, #tpu.memory_space<hbm>> -> memref<64x8xf32, #tpu.memory_space<hbm>>
          %dma_start3A_372 = arith.constant 0 : i32
          %dma_start3A_373 = arith.constant 0 : i32
          %dma_start3A_374 = tpu.memref_slice %arg11[%dma_start3A_372, %dma_start3A_373] : memref<64x8xf32, #tpu.memory_space<vmem>> -> memref<64x8xf32, #tpu.memory_space<vmem>>
          tpu.enqueue_dma source(%dma_start3A_374 : memref<64x8xf32, #tpu.memory_space<vmem>>) target(%dma_start3A_371 : memref<64x8xf32, #tpu.memory_space<hbm>>) target_semaphore(%run_scoped3A_364 : memref<!tpu.dma_semaphore, #tpu.memory_space<semaphore_mem>>)
          %dma_wait3A_375 = arith.constant 0 : i32
          %dma_wait3A_376 = arith.constant 0 : i32
          %dma_wait3A_377 = tpu.memref_slice %arg11[%dma_wait3A_375, %dma_wait3A_376] : memref<64x8xf32, #tpu.memory_space<vmem>> -> memref<64x8xf32, #tpu.memory_space<vmem>>
          %dma_wait3A_378 = arith.constant 0 : i32
          %dma_wait3A_379 = tpu.memref_slice %arg8[%mul3A_356, %dma_wait3A_378] : memref<10000x8xf32, #tpu.memory_space<hbm>> -> memref<64x8xf32, #tpu.memory_space<hbm>>
          %dma_wait3A_380 = arith.constant 0 : i32
          %dma_wait3A_381 = tpu.memref_slice %arg8[%mul3A_356, %dma_wait3A_380] : memref<10000x8xf32, #tpu.memory_space<hbm>> -> memref<64x8xf32, #tpu.memory_space<hbm>>
          %dma_wait3A_382 = arith.constant 0 : i32
          %dma_wait3A_383 = arith.constant 0 : i32
          %dma_wait3A_384 = tpu.memref_slice %arg11[%dma_wait3A_382, %dma_wait3A_383] : memref<64x8xf32, #tpu.memory_space<vmem>> -> memref<64x8xf32, #tpu.memory_space<vmem>>
          tpu.wait_dma2 semaphore(%run_scoped3A_364 : memref<!tpu.dma_semaphore, #tpu.memory_space<semaphore_mem>>) src(%dma_wait3A_384 : memref<64x8xf32, #tpu.memory_space<vmem>>) dst(%dma_wait3A_381 : memref<64x8xf32, #tpu.memory_space<hbm>>)
          tpu.yield
        }) : () -> ()
      } else {
      }
    } else {
    }
    %add3A_336 = arith.constant 128 : i32
    %add3A_337 = arith.addi %arg1, %add3A_336 : i32
    %lt3A_338 = arith.constant 156 : i32
    %lt3A_339 = arith.cmpi slt, %add3A_337, %lt3A_338 : i32
    %convert_element_type3A_340 = arith.extui %lt3A_339 : i1 to i32
    %cond3A_341 = arith.constant 0 : i32
    %cond3A_342 = arith.cmpi ne, %convert_element_type3A_340, %cond3A_341 : i32
    scf.if %cond3A_342 {
      %mul3A_355 = arith.constant 64 : i32
      %mul3A_356 = arith.muli %add3A_337, %mul3A_355 : i32
      %run_scoped3A_357 = arith.constant 0 : i32
      "tpu.region"() ({
        %run_scoped3A_364 = tpu.sem_alloc : memref<!tpu.dma_semaphore, #tpu.memory_space<semaphore_mem>>
        %dma_start3A_365 = arith.constant 0 : i32
        %dma_start3A_366 = arith.constant 0 : i32
        %dma_start3A_367 = tpu.memref_slice %arg10[%run_scoped3A_357, %dma_start3A_365, %dma_start3A_366] : memref<8x64x64xf32, #tpu.memory_space<vmem>> -> memref<1x64x64xf32, #tpu.memory_space<vmem>>
        %dma_start3A_368 = tpu.memref_squeeze %dma_start3A_367 : memref<1x64x64xf32, #tpu.memory_space<vmem>> -> memref<64x64xf32, #tpu.memory_space<vmem>>
        %dma_start3A_369 = arith.constant 0 : i32
        %dma_start3A_370 = tpu.memref_slice %arg12[%mul3A_356, %dma_start3A_369] : memref<10000x64xf32, #tpu.memory_space<vmem_shared>> -> memref<64x64xf32, #tpu.memory_space<vmem_shared>>
        %dma_start3A_371 = arith.constant 0 : i32
        %dma_start3A_372 = arith.constant 0 : i32
        %dma_start3A_373 = tpu.memref_slice %arg10[%run_scoped3A_357, %dma_start3A_371, %dma_start3A_372] : memref<8x64x64xf32, #tpu.memory_space<vmem>> -> memref<1x64x64xf32, #tpu.memory_space<vmem>>
        %dma_start3A_374 = tpu.memref_squeeze %dma_start3A_373 : memref<1x64x64xf32, #tpu.memory_space<vmem>> -> memref<64x64xf32, #tpu.memory_space<vmem>>
        %dma_start3A_375 = arith.constant 0 : i32
        %dma_start3A_376 = tpu.memref_slice %arg12[%mul3A_356, %dma_start3A_375] : memref<10000x64xf32, #tpu.memory_space<vmem_shared>> -> memref<64x64xf32, #tpu.memory_space<vmem_shared>>
        tpu.enqueue_dma source(%dma_start3A_376 : memref<64x64xf32, #tpu.memory_space<vmem_shared>>) target(%dma_start3A_374 : memref<64x64xf32, #tpu.memory_space<vmem>>) target_semaphore(%run_scoped3A_364 : memref<!tpu.dma_semaphore, #tpu.memory_space<semaphore_mem>>)
        %dma_wait3A_377 = arith.constant 0 : i32
        %dma_wait3A_378 = arith.constant 0 : i32
        %dma_wait3A_379 = tpu.memref_slice %arg10[%run_scoped3A_357, %dma_wait3A_377, %dma_wait3A_378] : memref<8x64x64xf32, #tpu.memory_space<vmem>> -> memref<1x64x64xf32, #tpu.memory_space<vmem>>
        %dma_wait3A_380 = tpu.memref_squeeze %dma_wait3A_379 : memref<1x64x64xf32, #tpu.memory_space<vmem>> -> memref<64x64xf32, #tpu.memory_space<vmem>>
        %dma_wait3A_381 = arith.constant 0 : i32
        %dma_wait3A_382 = tpu.memref_slice %arg12[%mul3A_356, %dma_wait3A_381] : memref<10000x64xf32, #tpu.memory_space<vmem_shared>> -> memref<64x64xf32, #tpu.memory_space<vmem_shared>>
        %dma_wait3A_383 = arith.constant 0 : i32
        %dma_wait3A_384 = arith.constant 0 : i32
        %dma_wait3A_385 = tpu.memref_slice %arg10[%run_scoped3A_357, %dma_wait3A_383, %dma_wait3A_384] : memref<8x64x64xf32, #tpu.memory_space<vmem>> -> memref<1x64x64xf32, #tpu.memory_space<vmem>>
        %dma_wait3A_386 = tpu.memref_squeeze %dma_wait3A_385 : memref<1x64x64xf32, #tpu.memory_space<vmem>> -> memref<64x64xf32, #tpu.memory_space<vmem>>
        %dma_wait3A_387 = arith.constant 0 : i32
        %dma_wait3A_388 = tpu.memref_slice %arg12[%mul3A_356, %dma_wait3A_387] : memref<10000x64xf32, #tpu.memory_space<vmem_shared>> -> memref<64x64xf32, #tpu.memory_space<vmem_shared>>
        tpu.wait_dma2 semaphore(%run_scoped3A_364 : memref<!tpu.dma_semaphore, #tpu.memory_space<semaphore_mem>>) src(%dma_wait3A_388 : memref<64x64xf32, #tpu.memory_space<vmem_shared>>) dst(%dma_wait3A_386 : memref<64x64xf32, #tpu.memory_space<vmem>>)
        tpu.yield
      }) : () -> ()
      %run_scoped3A_358 = arith.constant 0 : i32
      "tpu.region"() ({
        %run_scoped3A_364 = tpu.sem_alloc : memref<!tpu.dma_semaphore, #tpu.memory_space<semaphore_mem>>
        %dma_start3A_365 = arith.constant 0 : i32
        %dma_start3A_366 = arith.constant 0 : i32
        %dma_start3A_367 = tpu.memref_slice %arg10[%run_scoped3A_358, %dma_start3A_365, %dma_start3A_366] : memref<8x64x64xf32, #tpu.memory_space<vmem>> -> memref<1x64x64xf32, #tpu.memory_space<vmem>>
        %dma_start3A_368 = tpu.memref_squeeze %dma_start3A_367 : memref<1x64x64xf32, #tpu.memory_space<vmem>> -> memref<64x64xf32, #tpu.memory_space<vmem>>
        %dma_start3A_369 = tpu.memref_slice %arg7[%mul3A_356, %mul3A_0] : memref<10000x128xf32, #tpu.memory_space<hbm>> -> memref<64x64xf32, #tpu.memory_space<hbm>>
        %dma_start3A_370 = tpu.memref_slice %arg7[%mul3A_356, %mul3A_0] : memref<10000x128xf32, #tpu.memory_space<hbm>> -> memref<64x64xf32, #tpu.memory_space<hbm>>
        %dma_start3A_371 = arith.constant 0 : i32
        %dma_start3A_372 = arith.constant 0 : i32
        %dma_start3A_373 = tpu.memref_slice %arg10[%run_scoped3A_358, %dma_start3A_371, %dma_start3A_372] : memref<8x64x64xf32, #tpu.memory_space<vmem>> -> memref<1x64x64xf32, #tpu.memory_space<vmem>>
        %dma_start3A_374 = tpu.memref_squeeze %dma_start3A_373 : memref<1x64x64xf32, #tpu.memory_space<vmem>> -> memref<64x64xf32, #tpu.memory_space<vmem>>
        tpu.enqueue_dma source(%dma_start3A_374 : memref<64x64xf32, #tpu.memory_space<vmem>>) target(%dma_start3A_370 : memref<64x64xf32, #tpu.memory_space<hbm>>) target_semaphore(%run_scoped3A_364 : memref<!tpu.dma_semaphore, #tpu.memory_space<semaphore_mem>>)
        %dma_wait3A_375 = arith.constant 0 : i32
        %dma_wait3A_376 = arith.constant 0 : i32
        %dma_wait3A_377 = tpu.memref_slice %arg10[%run_scoped3A_358, %dma_wait3A_375, %dma_wait3A_376] : memref<8x64x64xf32, #tpu.memory_space<vmem>> -> memref<1x64x64xf32, #tpu.memory_space<vmem>>
        %dma_wait3A_378 = tpu.memref_squeeze %dma_wait3A_377 : memref<1x64x64xf32, #tpu.memory_space<vmem>> -> memref<64x64xf32, #tpu.memory_space<vmem>>
        %dma_wait3A_379 = tpu.memref_slice %arg7[%mul3A_356, %mul3A_0] : memref<10000x128xf32, #tpu.memory_space<hbm>> -> memref<64x64xf32, #tpu.memory_space<hbm>>
        %dma_wait3A_380 = tpu.memref_slice %arg7[%mul3A_356, %mul3A_0] : memref<10000x128xf32, #tpu.memory_space<hbm>> -> memref<64x64xf32, #tpu.memory_space<hbm>>
        %dma_wait3A_381 = arith.constant 0 : i32
        %dma_wait3A_382 = arith.constant 0 : i32
        %dma_wait3A_383 = tpu.memref_slice %arg10[%run_scoped3A_358, %dma_wait3A_381, %dma_wait3A_382] : memref<8x64x64xf32, #tpu.memory_space<vmem>> -> memref<1x64x64xf32, #tpu.memory_space<vmem>>
        %dma_wait3A_384 = tpu.memref_squeeze %dma_wait3A_383 : memref<1x64x64xf32, #tpu.memory_space<vmem>> -> memref<64x64xf32, #tpu.memory_space<vmem>>
        tpu.wait_dma2 semaphore(%run_scoped3A_364 : memref<!tpu.dma_semaphore, #tpu.memory_space<semaphore_mem>>) src(%dma_wait3A_384 : memref<64x64xf32, #tpu.memory_space<vmem>>) dst(%dma_wait3A_380 : memref<64x64xf32, #tpu.memory_space<hbm>>)
        tpu.yield
      }) : () -> ()
      %eq3A_359 = arith.constant 0 : i32
      %eq3A_360 = arith.cmpi eq, %arg0, %eq3A_359 : i32
      %convert_element_type3A_361 = arith.extui %eq3A_360 : i1 to i32
      %cond3A_362 = arith.constant 0 : i32
      %cond3A_363 = arith.cmpi ne, %convert_element_type3A_361, %cond3A_362 : i32
      scf.if %cond3A_363 {
        "tpu.region"() ({
          %run_scoped3A_364 = tpu.sem_alloc : memref<!tpu.dma_semaphore, #tpu.memory_space<semaphore_mem>>
          %dma_start3A_365 = arith.constant 0 : i32
          %dma_start3A_366 = arith.constant 0 : i32
          %dma_start3A_367 = tpu.memref_slice %arg11[%dma_start3A_365, %dma_start3A_366] : memref<64x8xf32, #tpu.memory_space<vmem>> -> memref<64x8xf32, #tpu.memory_space<vmem>>
          %dma_start3A_368 = arith.constant 0 : i32
          %dma_start3A_369 = tpu.memref_slice %arg13[%mul3A_356, %dma_start3A_368] : memref<10000x8xf32, #tpu.memory_space<vmem_shared>> -> memref<64x8xf32, #tpu.memory_space<vmem_shared>>
          %dma_start3A_370 = arith.constant 0 : i32
          %dma_start3A_371 = arith.constant 0 : i32
          %dma_start3A_372 = tpu.memref_slice %arg11[%dma_start3A_370, %dma_start3A_371] : memref<64x8xf32, #tpu.memory_space<vmem>> -> memref<64x8xf32, #tpu.memory_space<vmem>>
          %dma_start3A_373 = arith.constant 0 : i32
          %dma_start3A_374 = tpu.memref_slice %arg13[%mul3A_356, %dma_start3A_373] : memref<10000x8xf32, #tpu.memory_space<vmem_shared>> -> memref<64x8xf32, #tpu.memory_space<vmem_shared>>
          tpu.enqueue_dma source(%dma_start3A_374 : memref<64x8xf32, #tpu.memory_space<vmem_shared>>) target(%dma_start3A_372 : memref<64x8xf32, #tpu.memory_space<vmem>>) target_semaphore(%run_scoped3A_364 : memref<!tpu.dma_semaphore, #tpu.memory_space<semaphore_mem>>)
          %dma_wait3A_375 = arith.constant 0 : i32
          %dma_wait3A_376 = arith.constant 0 : i32
          %dma_wait3A_377 = tpu.memref_slice %arg11[%dma_wait3A_375, %dma_wait3A_376] : memref<64x8xf32, #tpu.memory_space<vmem>> -> memref<64x8xf32, #tpu.memory_space<vmem>>
          %dma_wait3A_378 = arith.constant 0 : i32
          %dma_wait3A_379 = tpu.memref_slice %arg13[%mul3A_356, %dma_wait3A_378] : memref<10000x8xf32, #tpu.memory_space<vmem_shared>> -> memref<64x8xf32, #tpu.memory_space<vmem_shared>>
          %dma_wait3A_380 = arith.constant 0 : i32
          %dma_wait3A_381 = arith.constant 0 : i32
          %dma_wait3A_382 = tpu.memref_slice %arg11[%dma_wait3A_380, %dma_wait3A_381] : memref<64x8xf32, #tpu.memory_space<vmem>> -> memref<64x8xf32, #tpu.memory_space<vmem>>
          %dma_wait3A_383 = arith.constant 0 : i32
          %dma_wait3A_384 = tpu.memref_slice %arg13[%mul3A_356, %dma_wait3A_383] : memref<10000x8xf32, #tpu.memory_space<vmem_shared>> -> memref<64x8xf32, #tpu.memory_space<vmem_shared>>
          tpu.wait_dma2 semaphore(%run_scoped3A_364 : memref<!tpu.dma_semaphore, #tpu.memory_space<semaphore_mem>>) src(%dma_wait3A_384 : memref<64x8xf32, #tpu.memory_space<vmem_shared>>) dst(%dma_wait3A_382 : memref<64x8xf32, #tpu.memory_space<vmem>>)
          tpu.yield
        }) : () -> ()
        "tpu.region"() ({
          %run_scoped3A_364 = tpu.sem_alloc : memref<!tpu.dma_semaphore, #tpu.memory_space<semaphore_mem>>
          %dma_start3A_365 = arith.constant 0 : i32
          %dma_start3A_366 = arith.constant 0 : i32
          %dma_start3A_367 = tpu.memref_slice %arg11[%dma_start3A_365, %dma_start3A_366] : memref<64x8xf32, #tpu.memory_space<vmem>> -> memref<64x8xf32, #tpu.memory_space<vmem>>
          %dma_start3A_368 = arith.constant 0 : i32
          %dma_start3A_369 = tpu.memref_slice %arg8[%mul3A_356, %dma_start3A_368] : memref<10000x8xf32, #tpu.memory_space<hbm>> -> memref<64x8xf32, #tpu.memory_space<hbm>>
          %dma_start3A_370 = arith.constant 0 : i32
          %dma_start3A_371 = tpu.memref_slice %arg8[%mul3A_356, %dma_start3A_370] : memref<10000x8xf32, #tpu.memory_space<hbm>> -> memref<64x8xf32, #tpu.memory_space<hbm>>
          %dma_start3A_372 = arith.constant 0 : i32
          %dma_start3A_373 = arith.constant 0 : i32
          %dma_start3A_374 = tpu.memref_slice %arg11[%dma_start3A_372, %dma_start3A_373] : memref<64x8xf32, #tpu.memory_space<vmem>> -> memref<64x8xf32, #tpu.memory_space<vmem>>
          tpu.enqueue_dma source(%dma_start3A_374 : memref<64x8xf32, #tpu.memory_space<vmem>>) target(%dma_start3A_371 : memref<64x8xf32, #tpu.memory_space<hbm>>) target_semaphore(%run_scoped3A_364 : memref<!tpu.dma_semaphore, #tpu.memory_space<semaphore_mem>>)
          %dma_wait3A_375 = arith.constant 0 : i32
          %dma_wait3A_376 = arith.constant 0 : i32
          %dma_wait3A_377 = tpu.memref_slice %arg11[%dma_wait3A_375, %dma_wait3A_376] : memref<64x8xf32, #tpu.memory_space<vmem>> -> memref<64x8xf32, #tpu.memory_space<vmem>>
          %dma_wait3A_378 = arith.constant 0 : i32
          %dma_wait3A_379 = tpu.memref_slice %arg8[%mul3A_356, %dma_wait3A_378] : memref<10000x8xf32, #tpu.memory_space<hbm>> -> memref<64x8xf32, #tpu.memory_space<hbm>>
          %dma_wait3A_380 = arith.constant 0 : i32
          %dma_wait3A_381 = tpu.memref_slice %arg8[%mul3A_356, %dma_wait3A_380] : memref<10000x8xf32, #tpu.memory_space<hbm>> -> memref<64x8xf32, #tpu.memory_space<hbm>>
          %dma_wait3A_382 = arith.constant 0 : i32
          %dma_wait3A_383 = arith.constant 0 : i32
          %dma_wait3A_384 = tpu.memref_slice %arg11[%dma_wait3A_382, %dma_wait3A_383] : memref<64x8xf32, #tpu.memory_space<vmem>> -> memref<64x8xf32, #tpu.memory_space<vmem>>
          tpu.wait_dma2 semaphore(%run_scoped3A_364 : memref<!tpu.dma_semaphore, #tpu.memory_space<semaphore_mem>>) src(%dma_wait3A_384 : memref<64x8xf32, #tpu.memory_space<vmem>>) dst(%dma_wait3A_381 : memref<64x8xf32, #tpu.memory_space<hbm>>)
          tpu.yield
        }) : () -> ()
      } else {
      }
    } else {
    }
    %add3A_343 = arith.constant 144 : i32
    %add3A_344 = arith.addi %arg1, %add3A_343 : i32
    %lt3A_345 = arith.constant 156 : i32
    %lt3A_346 = arith.cmpi slt, %add3A_344, %lt3A_345 : i32
    %convert_element_type3A_347 = arith.extui %lt3A_346 : i1 to i32
    %cond3A_348 = arith.constant 0 : i32
    %cond3A_349 = arith.cmpi ne, %convert_element_type3A_347, %cond3A_348 : i32
    scf.if %cond3A_349 {
      %mul3A_355 = arith.constant 64 : i32
      %mul3A_356 = arith.muli %add3A_344, %mul3A_355 : i32
      %run_scoped3A_357 = arith.constant 0 : i32
      "tpu.region"() ({
        %run_scoped3A_364 = tpu.sem_alloc : memref<!tpu.dma_semaphore, #tpu.memory_space<semaphore_mem>>
        %dma_start3A_365 = arith.constant 0 : i32
        %dma_start3A_366 = arith.constant 0 : i32
        %dma_start3A_367 = tpu.memref_slice %arg10[%run_scoped3A_357, %dma_start3A_365, %dma_start3A_366] : memref<8x64x64xf32, #tpu.memory_space<vmem>> -> memref<1x64x64xf32, #tpu.memory_space<vmem>>
        %dma_start3A_368 = tpu.memref_squeeze %dma_start3A_367 : memref<1x64x64xf32, #tpu.memory_space<vmem>> -> memref<64x64xf32, #tpu.memory_space<vmem>>
        %dma_start3A_369 = arith.constant 0 : i32
        %dma_start3A_370 = tpu.memref_slice %arg12[%mul3A_356, %dma_start3A_369] : memref<10000x64xf32, #tpu.memory_space<vmem_shared>> -> memref<64x64xf32, #tpu.memory_space<vmem_shared>>
        %dma_start3A_371 = arith.constant 0 : i32
        %dma_start3A_372 = arith.constant 0 : i32
        %dma_start3A_373 = tpu.memref_slice %arg10[%run_scoped3A_357, %dma_start3A_371, %dma_start3A_372] : memref<8x64x64xf32, #tpu.memory_space<vmem>> -> memref<1x64x64xf32, #tpu.memory_space<vmem>>
        %dma_start3A_374 = tpu.memref_squeeze %dma_start3A_373 : memref<1x64x64xf32, #tpu.memory_space<vmem>> -> memref<64x64xf32, #tpu.memory_space<vmem>>
        %dma_start3A_375 = arith.constant 0 : i32
        %dma_start3A_376 = tpu.memref_slice %arg12[%mul3A_356, %dma_start3A_375] : memref<10000x64xf32, #tpu.memory_space<vmem_shared>> -> memref<64x64xf32, #tpu.memory_space<vmem_shared>>
        tpu.enqueue_dma source(%dma_start3A_376 : memref<64x64xf32, #tpu.memory_space<vmem_shared>>) target(%dma_start3A_374 : memref<64x64xf32, #tpu.memory_space<vmem>>) target_semaphore(%run_scoped3A_364 : memref<!tpu.dma_semaphore, #tpu.memory_space<semaphore_mem>>)
        %dma_wait3A_377 = arith.constant 0 : i32
        %dma_wait3A_378 = arith.constant 0 : i32
        %dma_wait3A_379 = tpu.memref_slice %arg10[%run_scoped3A_357, %dma_wait3A_377, %dma_wait3A_378] : memref<8x64x64xf32, #tpu.memory_space<vmem>> -> memref<1x64x64xf32, #tpu.memory_space<vmem>>
        %dma_wait3A_380 = tpu.memref_squeeze %dma_wait3A_379 : memref<1x64x64xf32, #tpu.memory_space<vmem>> -> memref<64x64xf32, #tpu.memory_space<vmem>>
        %dma_wait3A_381 = arith.constant 0 : i32
        %dma_wait3A_382 = tpu.memref_slice %arg12[%mul3A_356, %dma_wait3A_381] : memref<10000x64xf32, #tpu.memory_space<vmem_shared>> -> memref<64x64xf32, #tpu.memory_space<vmem_shared>>
        %dma_wait3A_383 = arith.constant 0 : i32
        %dma_wait3A_384 = arith.constant 0 : i32
        %dma_wait3A_385 = tpu.memref_slice %arg10[%run_scoped3A_357, %dma_wait3A_383, %dma_wait3A_384] : memref<8x64x64xf32, #tpu.memory_space<vmem>> -> memref<1x64x64xf32, #tpu.memory_space<vmem>>
        %dma_wait3A_386 = tpu.memref_squeeze %dma_wait3A_385 : memref<1x64x64xf32, #tpu.memory_space<vmem>> -> memref<64x64xf32, #tpu.memory_space<vmem>>
        %dma_wait3A_387 = arith.constant 0 : i32
        %dma_wait3A_388 = tpu.memref_slice %arg12[%mul3A_356, %dma_wait3A_387] : memref<10000x64xf32, #tpu.memory_space<vmem_shared>> -> memref<64x64xf32, #tpu.memory_space<vmem_shared>>
        tpu.wait_dma2 semaphore(%run_scoped3A_364 : memref<!tpu.dma_semaphore, #tpu.memory_space<semaphore_mem>>) src(%dma_wait3A_388 : memref<64x64xf32, #tpu.memory_space<vmem_shared>>) dst(%dma_wait3A_386 : memref<64x64xf32, #tpu.memory_space<vmem>>)
        tpu.yield
      }) : () -> ()
      %run_scoped3A_358 = arith.constant 0 : i32
      "tpu.region"() ({
        %run_scoped3A_364 = tpu.sem_alloc : memref<!tpu.dma_semaphore, #tpu.memory_space<semaphore_mem>>
        %dma_start3A_365 = arith.constant 0 : i32
        %dma_start3A_366 = arith.constant 0 : i32
        %dma_start3A_367 = tpu.memref_slice %arg10[%run_scoped3A_358, %dma_start3A_365, %dma_start3A_366] : memref<8x64x64xf32, #tpu.memory_space<vmem>> -> memref<1x64x64xf32, #tpu.memory_space<vmem>>
        %dma_start3A_368 = tpu.memref_squeeze %dma_start3A_367 : memref<1x64x64xf32, #tpu.memory_space<vmem>> -> memref<64x64xf32, #tpu.memory_space<vmem>>
        %dma_start3A_369 = tpu.memref_slice %arg7[%mul3A_356, %mul3A_0] : memref<10000x128xf32, #tpu.memory_space<hbm>> -> memref<64x64xf32, #tpu.memory_space<hbm>>
        %dma_start3A_370 = tpu.memref_slice %arg7[%mul3A_356, %mul3A_0] : memref<10000x128xf32, #tpu.memory_space<hbm>> -> memref<64x64xf32, #tpu.memory_space<hbm>>
        %dma_start3A_371 = arith.constant 0 : i32
        %dma_start3A_372 = arith.constant 0 : i32
        %dma_start3A_373 = tpu.memref_slice %arg10[%run_scoped3A_358, %dma_start3A_371, %dma_start3A_372] : memref<8x64x64xf32, #tpu.memory_space<vmem>> -> memref<1x64x64xf32, #tpu.memory_space<vmem>>
        %dma_start3A_374 = tpu.memref_squeeze %dma_start3A_373 : memref<1x64x64xf32, #tpu.memory_space<vmem>> -> memref<64x64xf32, #tpu.memory_space<vmem>>
        tpu.enqueue_dma source(%dma_start3A_374 : memref<64x64xf32, #tpu.memory_space<vmem>>) target(%dma_start3A_370 : memref<64x64xf32, #tpu.memory_space<hbm>>) target_semaphore(%run_scoped3A_364 : memref<!tpu.dma_semaphore, #tpu.memory_space<semaphore_mem>>)
        %dma_wait3A_375 = arith.constant 0 : i32
        %dma_wait3A_376 = arith.constant 0 : i32
        %dma_wait3A_377 = tpu.memref_slice %arg10[%run_scoped3A_358, %dma_wait3A_375, %dma_wait3A_376] : memref<8x64x64xf32, #tpu.memory_space<vmem>> -> memref<1x64x64xf32, #tpu.memory_space<vmem>>
        %dma_wait3A_378 = tpu.memref_squeeze %dma_wait3A_377 : memref<1x64x64xf32, #tpu.memory_space<vmem>> -> memref<64x64xf32, #tpu.memory_space<vmem>>
        %dma_wait3A_379 = tpu.memref_slice %arg7[%mul3A_356, %mul3A_0] : memref<10000x128xf32, #tpu.memory_space<hbm>> -> memref<64x64xf32, #tpu.memory_space<hbm>>
        %dma_wait3A_380 = tpu.memref_slice %arg7[%mul3A_356, %mul3A_0] : memref<10000x128xf32, #tpu.memory_space<hbm>> -> memref<64x64xf32, #tpu.memory_space<hbm>>
        %dma_wait3A_381 = arith.constant 0 : i32
        %dma_wait3A_382 = arith.constant 0 : i32
        %dma_wait3A_383 = tpu.memref_slice %arg10[%run_scoped3A_358, %dma_wait3A_381, %dma_wait3A_382] : memref<8x64x64xf32, #tpu.memory_space<vmem>> -> memref<1x64x64xf32, #tpu.memory_space<vmem>>
        %dma_wait3A_384 = tpu.memref_squeeze %dma_wait3A_383 : memref<1x64x64xf32, #tpu.memory_space<vmem>> -> memref<64x64xf32, #tpu.memory_space<vmem>>
        tpu.wait_dma2 semaphore(%run_scoped3A_364 : memref<!tpu.dma_semaphore, #tpu.memory_space<semaphore_mem>>) src(%dma_wait3A_384 : memref<64x64xf32, #tpu.memory_space<vmem>>) dst(%dma_wait3A_380 : memref<64x64xf32, #tpu.memory_space<hbm>>)
        tpu.yield
      }) : () -> ()
      %eq3A_359 = arith.constant 0 : i32
      %eq3A_360 = arith.cmpi eq, %arg0, %eq3A_359 : i32
      %convert_element_type3A_361 = arith.extui %eq3A_360 : i1 to i32
      %cond3A_362 = arith.constant 0 : i32
      %cond3A_363 = arith.cmpi ne, %convert_element_type3A_361, %cond3A_362 : i32
      scf.if %cond3A_363 {
        "tpu.region"() ({
          %run_scoped3A_364 = tpu.sem_alloc : memref<!tpu.dma_semaphore, #tpu.memory_space<semaphore_mem>>
          %dma_start3A_365 = arith.constant 0 : i32
          %dma_start3A_366 = arith.constant 0 : i32
          %dma_start3A_367 = tpu.memref_slice %arg11[%dma_start3A_365, %dma_start3A_366] : memref<64x8xf32, #tpu.memory_space<vmem>> -> memref<64x8xf32, #tpu.memory_space<vmem>>
          %dma_start3A_368 = arith.constant 0 : i32
          %dma_start3A_369 = tpu.memref_slice %arg13[%mul3A_356, %dma_start3A_368] : memref<10000x8xf32, #tpu.memory_space<vmem_shared>> -> memref<64x8xf32, #tpu.memory_space<vmem_shared>>
          %dma_start3A_370 = arith.constant 0 : i32
          %dma_start3A_371 = arith.constant 0 : i32
          %dma_start3A_372 = tpu.memref_slice %arg11[%dma_start3A_370, %dma_start3A_371] : memref<64x8xf32, #tpu.memory_space<vmem>> -> memref<64x8xf32, #tpu.memory_space<vmem>>
          %dma_start3A_373 = arith.constant 0 : i32
          %dma_start3A_374 = tpu.memref_slice %arg13[%mul3A_356, %dma_start3A_373] : memref<10000x8xf32, #tpu.memory_space<vmem_shared>> -> memref<64x8xf32, #tpu.memory_space<vmem_shared>>
          tpu.enqueue_dma source(%dma_start3A_374 : memref<64x8xf32, #tpu.memory_space<vmem_shared>>) target(%dma_start3A_372 : memref<64x8xf32, #tpu.memory_space<vmem>>) target_semaphore(%run_scoped3A_364 : memref<!tpu.dma_semaphore, #tpu.memory_space<semaphore_mem>>)
          %dma_wait3A_375 = arith.constant 0 : i32
          %dma_wait3A_376 = arith.constant 0 : i32
          %dma_wait3A_377 = tpu.memref_slice %arg11[%dma_wait3A_375, %dma_wait3A_376] : memref<64x8xf32, #tpu.memory_space<vmem>> -> memref<64x8xf32, #tpu.memory_space<vmem>>
          %dma_wait3A_378 = arith.constant 0 : i32
          %dma_wait3A_379 = tpu.memref_slice %arg13[%mul3A_356, %dma_wait3A_378] : memref<10000x8xf32, #tpu.memory_space<vmem_shared>> -> memref<64x8xf32, #tpu.memory_space<vmem_shared>>
          %dma_wait3A_380 = arith.constant 0 : i32
          %dma_wait3A_381 = arith.constant 0 : i32
          %dma_wait3A_382 = tpu.memref_slice %arg11[%dma_wait3A_380, %dma_wait3A_381] : memref<64x8xf32, #tpu.memory_space<vmem>> -> memref<64x8xf32, #tpu.memory_space<vmem>>
          %dma_wait3A_383 = arith.constant 0 : i32
          %dma_wait3A_384 = tpu.memref_slice %arg13[%mul3A_356, %dma_wait3A_383] : memref<10000x8xf32, #tpu.memory_space<vmem_shared>> -> memref<64x8xf32, #tpu.memory_space<vmem_shared>>
          tpu.wait_dma2 semaphore(%run_scoped3A_364 : memref<!tpu.dma_semaphore, #tpu.memory_space<semaphore_mem>>) src(%dma_wait3A_384 : memref<64x8xf32, #tpu.memory_space<vmem_shared>>) dst(%dma_wait3A_382 : memref<64x8xf32, #tpu.memory_space<vmem>>)
          tpu.yield
        }) : () -> ()
        "tpu.region"() ({
          %run_scoped3A_364 = tpu.sem_alloc : memref<!tpu.dma_semaphore, #tpu.memory_space<semaphore_mem>>
          %dma_start3A_365 = arith.constant 0 : i32
          %dma_start3A_366 = arith.constant 0 : i32
          %dma_start3A_367 = tpu.memref_slice %arg11[%dma_start3A_365, %dma_start3A_366] : memref<64x8xf32, #tpu.memory_space<vmem>> -> memref<64x8xf32, #tpu.memory_space<vmem>>
          %dma_start3A_368 = arith.constant 0 : i32
          %dma_start3A_369 = tpu.memref_slice %arg8[%mul3A_356, %dma_start3A_368] : memref<10000x8xf32, #tpu.memory_space<hbm>> -> memref<64x8xf32, #tpu.memory_space<hbm>>
          %dma_start3A_370 = arith.constant 0 : i32
          %dma_start3A_371 = tpu.memref_slice %arg8[%mul3A_356, %dma_start3A_370] : memref<10000x8xf32, #tpu.memory_space<hbm>> -> memref<64x8xf32, #tpu.memory_space<hbm>>
          %dma_start3A_372 = arith.constant 0 : i32
          %dma_start3A_373 = arith.constant 0 : i32
          %dma_start3A_374 = tpu.memref_slice %arg11[%dma_start3A_372, %dma_start3A_373] : memref<64x8xf32, #tpu.memory_space<vmem>> -> memref<64x8xf32, #tpu.memory_space<vmem>>
          tpu.enqueue_dma source(%dma_start3A_374 : memref<64x8xf32, #tpu.memory_space<vmem>>) target(%dma_start3A_371 : memref<64x8xf32, #tpu.memory_space<hbm>>) target_semaphore(%run_scoped3A_364 : memref<!tpu.dma_semaphore, #tpu.memory_space<semaphore_mem>>)
          %dma_wait3A_375 = arith.constant 0 : i32
          %dma_wait3A_376 = arith.constant 0 : i32
          %dma_wait3A_377 = tpu.memref_slice %arg11[%dma_wait3A_375, %dma_wait3A_376] : memref<64x8xf32, #tpu.memory_space<vmem>> -> memref<64x8xf32, #tpu.memory_space<vmem>>
          %dma_wait3A_378 = arith.constant 0 : i32
          %dma_wait3A_379 = tpu.memref_slice %arg8[%mul3A_356, %dma_wait3A_378] : memref<10000x8xf32, #tpu.memory_space<hbm>> -> memref<64x8xf32, #tpu.memory_space<hbm>>
          %dma_wait3A_380 = arith.constant 0 : i32
          %dma_wait3A_381 = tpu.memref_slice %arg8[%mul3A_356, %dma_wait3A_380] : memref<10000x8xf32, #tpu.memory_space<hbm>> -> memref<64x8xf32, #tpu.memory_space<hbm>>
          %dma_wait3A_382 = arith.constant 0 : i32
          %dma_wait3A_383 = arith.constant 0 : i32
          %dma_wait3A_384 = tpu.memref_slice %arg11[%dma_wait3A_382, %dma_wait3A_383] : memref<64x8xf32, #tpu.memory_space<vmem>> -> memref<64x8xf32, #tpu.memory_space<vmem>>
          tpu.wait_dma2 semaphore(%run_scoped3A_364 : memref<!tpu.dma_semaphore, #tpu.memory_space<semaphore_mem>>) src(%dma_wait3A_384 : memref<64x8xf32, #tpu.memory_space<vmem>>) dst(%dma_wait3A_381 : memref<64x8xf32, #tpu.memory_space<hbm>>)
          tpu.yield
        }) : () -> ()
      } else {
      }
    } else {
    }
    %eq3A_350 = arith.constant 15 : i32
    %eq3A_351 = arith.cmpi eq, %arg1, %eq3A_350 : i32
    %convert_element_type3A_352 = arith.extui %eq3A_351 : i1 to i32
    %cond3A_353 = arith.constant 0 : i32
    %cond3A_354 = arith.cmpi ne, %convert_element_type3A_352, %cond3A_353 : i32
    scf.if %cond3A_354 {
      %run_scoped3A_355 = arith.constant 0 : i32
      "tpu.region"() ({
        %run_scoped3A_362 = tpu.sem_alloc : memref<!tpu.dma_semaphore, #tpu.memory_space<semaphore_mem>>
        %dma_start3A_363 = arith.constant 0 : i32
        %dma_start3A_364 = arith.constant 0 : i32
        %dma_start3A_365 = tpu.memref_slice %arg10[%run_scoped3A_355, %dma_start3A_363, %dma_start3A_364] : memref<8x64x64xf32, #tpu.memory_space<vmem>> -> memref<1x16x64xf32, #tpu.memory_space<vmem>>
        %dma_start3A_366 = tpu.memref_squeeze %dma_start3A_365 : memref<1x16x64xf32, #tpu.memory_space<vmem>> -> memref<16x64xf32, #tpu.memory_space<vmem>>
        %dma_start3A_367 = arith.constant 9984 : i32
        %dma_start3A_368 = arith.constant 0 : i32
        %dma_start3A_369 = tpu.memref_slice %arg12[%dma_start3A_367, %dma_start3A_368] : memref<10000x64xf32, #tpu.memory_space<vmem_shared>> -> memref<16x64xf32, #tpu.memory_space<vmem_shared>>
        %dma_start3A_370 = arith.constant 0 : i32
        %dma_start3A_371 = arith.constant 0 : i32
        %dma_start3A_372 = tpu.memref_slice %arg10[%run_scoped3A_355, %dma_start3A_370, %dma_start3A_371] : memref<8x64x64xf32, #tpu.memory_space<vmem>> -> memref<1x16x64xf32, #tpu.memory_space<vmem>>
        %dma_start3A_373 = tpu.memref_squeeze %dma_start3A_372 : memref<1x16x64xf32, #tpu.memory_space<vmem>> -> memref<16x64xf32, #tpu.memory_space<vmem>>
        %dma_start3A_374 = arith.constant 9984 : i32
        %dma_start3A_375 = arith.constant 0 : i32
        %dma_start3A_376 = tpu.memref_slice %arg12[%dma_start3A_374, %dma_start3A_375] : memref<10000x64xf32, #tpu.memory_space<vmem_shared>> -> memref<16x64xf32, #tpu.memory_space<vmem_shared>>
        tpu.enqueue_dma source(%dma_start3A_376 : memref<16x64xf32, #tpu.memory_space<vmem_shared>>) target(%dma_start3A_373 : memref<16x64xf32, #tpu.memory_space<vmem>>) target_semaphore(%run_scoped3A_362 : memref<!tpu.dma_semaphore, #tpu.memory_space<semaphore_mem>>)
        %dma_wait3A_377 = arith.constant 0 : i32
        %dma_wait3A_378 = arith.constant 0 : i32
        %dma_wait3A_379 = tpu.memref_slice %arg10[%run_scoped3A_355, %dma_wait3A_377, %dma_wait3A_378] : memref<8x64x64xf32, #tpu.memory_space<vmem>> -> memref<1x16x64xf32, #tpu.memory_space<vmem>>
        %dma_wait3A_380 = tpu.memref_squeeze %dma_wait3A_379 : memref<1x16x64xf32, #tpu.memory_space<vmem>> -> memref<16x64xf32, #tpu.memory_space<vmem>>
        %dma_wait3A_381 = arith.constant 9984 : i32
        %dma_wait3A_382 = arith.constant 0 : i32
        %dma_wait3A_383 = tpu.memref_slice %arg12[%dma_wait3A_381, %dma_wait3A_382] : memref<10000x64xf32, #tpu.memory_space<vmem_shared>> -> memref<16x64xf32, #tpu.memory_space<vmem_shared>>
        %dma_wait3A_384 = arith.constant 0 : i32
        %dma_wait3A_385 = arith.constant 0 : i32
        %dma_wait3A_386 = tpu.memref_slice %arg10[%run_scoped3A_355, %dma_wait3A_384, %dma_wait3A_385] : memref<8x64x64xf32, #tpu.memory_space<vmem>> -> memref<1x16x64xf32, #tpu.memory_space<vmem>>
        %dma_wait3A_387 = tpu.memref_squeeze %dma_wait3A_386 : memref<1x16x64xf32, #tpu.memory_space<vmem>> -> memref<16x64xf32, #tpu.memory_space<vmem>>
        %dma_wait3A_388 = arith.constant 9984 : i32
        %dma_wait3A_389 = arith.constant 0 : i32
        %dma_wait3A_390 = tpu.memref_slice %arg12[%dma_wait3A_388, %dma_wait3A_389] : memref<10000x64xf32, #tpu.memory_space<vmem_shared>> -> memref<16x64xf32, #tpu.memory_space<vmem_shared>>
        tpu.wait_dma2 semaphore(%run_scoped3A_362 : memref<!tpu.dma_semaphore, #tpu.memory_space<semaphore_mem>>) src(%dma_wait3A_390 : memref<16x64xf32, #tpu.memory_space<vmem_shared>>) dst(%dma_wait3A_387 : memref<16x64xf32, #tpu.memory_space<vmem>>)
        tpu.yield
      }) : () -> ()
      %run_scoped3A_356 = arith.constant 0 : i32
      "tpu.region"() ({
        %run_scoped3A_362 = tpu.sem_alloc : memref<!tpu.dma_semaphore, #tpu.memory_space<semaphore_mem>>
        %dma_start3A_363 = arith.constant 0 : i32
        %dma_start3A_364 = arith.constant 0 : i32
        %dma_start3A_365 = tpu.memref_slice %arg10[%run_scoped3A_356, %dma_start3A_363, %dma_start3A_364] : memref<8x64x64xf32, #tpu.memory_space<vmem>> -> memref<1x16x64xf32, #tpu.memory_space<vmem>>
        %dma_start3A_366 = tpu.memref_squeeze %dma_start3A_365 : memref<1x16x64xf32, #tpu.memory_space<vmem>> -> memref<16x64xf32, #tpu.memory_space<vmem>>
        %dma_start3A_367 = arith.constant 9984 : i32
        %dma_start3A_368 = tpu.memref_slice %arg7[%dma_start3A_367, %mul3A_0] : memref<10000x128xf32, #tpu.memory_space<hbm>> -> memref<16x64xf32, #tpu.memory_space<hbm>>
        %dma_start3A_369 = arith.constant 9984 : i32
        %dma_start3A_370 = tpu.memref_slice %arg7[%dma_start3A_369, %mul3A_0] : memref<10000x128xf32, #tpu.memory_space<hbm>> -> memref<16x64xf32, #tpu.memory_space<hbm>>
        %dma_start3A_371 = arith.constant 0 : i32
        %dma_start3A_372 = arith.constant 0 : i32
        %dma_start3A_373 = tpu.memref_slice %arg10[%run_scoped3A_356, %dma_start3A_371, %dma_start3A_372] : memref<8x64x64xf32, #tpu.memory_space<vmem>> -> memref<1x16x64xf32, #tpu.memory_space<vmem>>
        %dma_start3A_374 = tpu.memref_squeeze %dma_start3A_373 : memref<1x16x64xf32, #tpu.memory_space<vmem>> -> memref<16x64xf32, #tpu.memory_space<vmem>>
        tpu.enqueue_dma source(%dma_start3A_374 : memref<16x64xf32, #tpu.memory_space<vmem>>) target(%dma_start3A_370 : memref<16x64xf32, #tpu.memory_space<hbm>>) target_semaphore(%run_scoped3A_362 : memref<!tpu.dma_semaphore, #tpu.memory_space<semaphore_mem>>)
        %dma_wait3A_375 = arith.constant 0 : i32
        %dma_wait3A_376 = arith.constant 0 : i32
        %dma_wait3A_377 = tpu.memref_slice %arg10[%run_scoped3A_356, %dma_wait3A_375, %dma_wait3A_376] : memref<8x64x64xf32, #tpu.memory_space<vmem>> -> memref<1x16x64xf32, #tpu.memory_space<vmem>>
        %dma_wait3A_378 = tpu.memref_squeeze %dma_wait3A_377 : memref<1x16x64xf32, #tpu.memory_space<vmem>> -> memref<16x64xf32, #tpu.memory_space<vmem>>
        %dma_wait3A_379 = arith.constant 9984 : i32
        %dma_wait3A_380 = tpu.memref_slice %arg7[%dma_wait3A_379, %mul3A_0] : memref<10000x128xf32, #tpu.memory_space<hbm>> -> memref<16x64xf32, #tpu.memory_space<hbm>>
        %dma_wait3A_381 = arith.constant 9984 : i32
        %dma_wait3A_382 = tpu.memref_slice %arg7[%dma_wait3A_381, %mul3A_0] : memref<10000x128xf32, #tpu.memory_space<hbm>> -> memref<16x64xf32, #tpu.memory_space<hbm>>
        %dma_wait3A_383 = arith.constant 0 : i32
        %dma_wait3A_384 = arith.constant 0 : i32
        %dma_wait3A_385 = tpu.memref_slice %arg10[%run_scoped3A_356, %dma_wait3A_383, %dma_wait3A_384] : memref<8x64x64xf32, #tpu.memory_space<vmem>> -> memref<1x16x64xf32, #tpu.memory_space<vmem>>
        %dma_wait3A_386 = tpu.memref_squeeze %dma_wait3A_385 : memref<1x16x64xf32, #tpu.memory_space<vmem>> -> memref<16x64xf32, #tpu.memory_space<vmem>>
        tpu.wait_dma2 semaphore(%run_scoped3A_362 : memref<!tpu.dma_semaphore, #tpu.memory_space<semaphore_mem>>) src(%dma_wait3A_386 : memref<16x64xf32, #tpu.memory_space<vmem>>) dst(%dma_wait3A_382 : memref<16x64xf32, #tpu.memory_space<hbm>>)
        tpu.yield
      }) : () -> ()
      %eq3A_357 = arith.constant 0 : i32
      %eq3A_358 = arith.cmpi eq, %arg0, %eq3A_357 : i32
      %convert_element_type3A_359 = arith.extui %eq3A_358 : i1 to i32
      %cond3A_360 = arith.constant 0 : i32
      %cond3A_361 = arith.cmpi ne, %convert_element_type3A_359, %cond3A_360 : i32
      scf.if %cond3A_361 {
        "tpu.region"() ({
          %run_scoped3A_362 = tpu.sem_alloc : memref<!tpu.dma_semaphore, #tpu.memory_space<semaphore_mem>>
          %dma_start3A_363 = arith.constant 0 : i32
          %dma_start3A_364 = arith.constant 0 : i32
          %dma_start3A_365 = tpu.memref_slice %arg11[%dma_start3A_363, %dma_start3A_364] : memref<64x8xf32, #tpu.memory_space<vmem>> -> memref<16x8xf32, #tpu.memory_space<vmem>>
          %dma_start3A_366 = arith.constant 9984 : i32
          %dma_start3A_367 = arith.constant 0 : i32
          %dma_start3A_368 = tpu.memref_slice %arg13[%dma_start3A_366, %dma_start3A_367] : memref<10000x8xf32, #tpu.memory_space<vmem_shared>> -> memref<16x8xf32, #tpu.memory_space<vmem_shared>>
          %dma_start3A_369 = arith.constant 0 : i32
          %dma_start3A_370 = arith.constant 0 : i32
          %dma_start3A_371 = tpu.memref_slice %arg11[%dma_start3A_369, %dma_start3A_370] : memref<64x8xf32, #tpu.memory_space<vmem>> -> memref<16x8xf32, #tpu.memory_space<vmem>>
          %dma_start3A_372 = arith.constant 9984 : i32
          %dma_start3A_373 = arith.constant 0 : i32
          %dma_start3A_374 = tpu.memref_slice %arg13[%dma_start3A_372, %dma_start3A_373] : memref<10000x8xf32, #tpu.memory_space<vmem_shared>> -> memref<16x8xf32, #tpu.memory_space<vmem_shared>>
          tpu.enqueue_dma source(%dma_start3A_374 : memref<16x8xf32, #tpu.memory_space<vmem_shared>>) target(%dma_start3A_371 : memref<16x8xf32, #tpu.memory_space<vmem>>) target_semaphore(%run_scoped3A_362 : memref<!tpu.dma_semaphore, #tpu.memory_space<semaphore_mem>>)
          %dma_wait3A_375 = arith.constant 0 : i32
          %dma_wait3A_376 = arith.constant 0 : i32
          %dma_wait3A_377 = tpu.memref_slice %arg11[%dma_wait3A_375, %dma_wait3A_376] : memref<64x8xf32, #tpu.memory_space<vmem>> -> memref<16x8xf32, #tpu.memory_space<vmem>>
          %dma_wait3A_378 = arith.constant 9984 : i32
          %dma_wait3A_379 = arith.constant 0 : i32
          %dma_wait3A_380 = tpu.memref_slice %arg13[%dma_wait3A_378, %dma_wait3A_379] : memref<10000x8xf32, #tpu.memory_space<vmem_shared>> -> memref<16x8xf32, #tpu.memory_space<vmem_shared>>
          %dma_wait3A_381 = arith.constant 0 : i32
          %dma_wait3A_382 = arith.constant 0 : i32
          %dma_wait3A_383 = tpu.memref_slice %arg11[%dma_wait3A_381, %dma_wait3A_382] : memref<64x8xf32, #tpu.memory_space<vmem>> -> memref<16x8xf32, #tpu.memory_space<vmem>>
          %dma_wait3A_384 = arith.constant 9984 : i32
          %dma_wait3A_385 = arith.constant 0 : i32
          %dma_wait3A_386 = tpu.memref_slice %arg13[%dma_wait3A_384, %dma_wait3A_385] : memref<10000x8xf32, #tpu.memory_space<vmem_shared>> -> memref<16x8xf32, #tpu.memory_space<vmem_shared>>
          tpu.wait_dma2 semaphore(%run_scoped3A_362 : memref<!tpu.dma_semaphore, #tpu.memory_space<semaphore_mem>>) src(%dma_wait3A_386 : memref<16x8xf32, #tpu.memory_space<vmem_shared>>) dst(%dma_wait3A_383 : memref<16x8xf32, #tpu.memory_space<vmem>>)
          tpu.yield
        }) : () -> ()
        "tpu.region"() ({
          %run_scoped3A_362 = tpu.sem_alloc : memref<!tpu.dma_semaphore, #tpu.memory_space<semaphore_mem>>
          %dma_start3A_363 = arith.constant 0 : i32
          %dma_start3A_364 = arith.constant 0 : i32
          %dma_start3A_365 = tpu.memref_slice %arg11[%dma_start3A_363, %dma_start3A_364] : memref<64x8xf32, #tpu.memory_space<vmem>> -> memref<16x8xf32, #tpu.memory_space<vmem>>
          %dma_start3A_366 = arith.constant 9984 : i32
          %dma_start3A_367 = arith.constant 0 : i32
          %dma_start3A_368 = tpu.memref_slice %arg8[%dma_start3A_366, %dma_start3A_367] : memref<10000x8xf32, #tpu.memory_space<hbm>> -> memref<16x8xf32, #tpu.memory_space<hbm>>
          %dma_start3A_369 = arith.constant 9984 : i32
          %dma_start3A_370 = arith.constant 0 : i32
          %dma_start3A_371 = tpu.memref_slice %arg8[%dma_start3A_369, %dma_start3A_370] : memref<10000x8xf32, #tpu.memory_space<hbm>> -> memref<16x8xf32, #tpu.memory_space<hbm>>
          %dma_start3A_372 = arith.constant 0 : i32
          %dma_start3A_373 = arith.constant 0 : i32
          %dma_start3A_374 = tpu.memref_slice %arg11[%dma_start3A_372, %dma_start3A_373] : memref<64x8xf32, #tpu.memory_space<vmem>> -> memref<16x8xf32, #tpu.memory_space<vmem>>
          tpu.enqueue_dma source(%dma_start3A_374 : memref<16x8xf32, #tpu.memory_space<vmem>>) target(%dma_start3A_371 : memref<16x8xf32, #tpu.memory_space<hbm>>) target_semaphore(%run_scoped3A_362 : memref<!tpu.dma_semaphore, #tpu.memory_space<semaphore_mem>>)
          %dma_wait3A_375 = arith.constant 0 : i32
          %dma_wait3A_376 = arith.constant 0 : i32
          %dma_wait3A_377 = tpu.memref_slice %arg11[%dma_wait3A_375, %dma_wait3A_376] : memref<64x8xf32, #tpu.memory_space<vmem>> -> memref<16x8xf32, #tpu.memory_space<vmem>>
          %dma_wait3A_378 = arith.constant 9984 : i32
          %dma_wait3A_379 = arith.constant 0 : i32
          %dma_wait3A_380 = tpu.memref_slice %arg8[%dma_wait3A_378, %dma_wait3A_379] : memref<10000x8xf32, #tpu.memory_space<hbm>> -> memref<16x8xf32, #tpu.memory_space<hbm>>
          %dma_wait3A_381 = arith.constant 9984 : i32
          %dma_wait3A_382 = arith.constant 0 : i32
          %dma_wait3A_383 = tpu.memref_slice %arg8[%dma_wait3A_381, %dma_wait3A_382] : memref<10000x8xf32, #tpu.memory_space<hbm>> -> memref<16x8xf32, #tpu.memory_space<hbm>>
          %dma_wait3A_384 = arith.constant 0 : i32
          %dma_wait3A_385 = arith.constant 0 : i32
          %dma_wait3A_386 = tpu.memref_slice %arg11[%dma_wait3A_384, %dma_wait3A_385] : memref<64x8xf32, #tpu.memory_space<vmem>> -> memref<16x8xf32, #tpu.memory_space<vmem>>
          tpu.wait_dma2 semaphore(%run_scoped3A_362 : memref<!tpu.dma_semaphore, #tpu.memory_space<semaphore_mem>>) src(%dma_wait3A_386 : memref<16x8xf32, #tpu.memory_space<vmem>>) dst(%dma_wait3A_383 : memref<16x8xf32, #tpu.memory_space<hbm>>)
          tpu.yield
        }) : () -> ()
      } else {
      }
    } else {
    }
    return
  }
}

module attributes {stable_mosaic.version = 14 : i64} {
  func.func @_tc_onehot_body(%arg0: i32, %arg1: memref<64xi32, #tpu.memory_space<smem>>, %arg2: memref<1x2048xi32, #tpu.memory_space<vmem>>, %arg3: memref<2048x128xf32, #tpu.memory_space<vmem>>, %arg4: memref<10000x128xf32, #tpu.memory_space<vmem>>, %arg5: memref<10000x1xf32, #tpu.memory_space<vmem>>, %arg6: memref<10000x128xf32, #tpu.memory_space<vmem>>, %arg7: memref<10000x1xf32, #tpu.memory_space<vmem>>) attributes {dimension_semantics = [#tpu.dimension_semantics<arbitrary>], iteration_bounds = array<i64: 64>, scalar_prefetch = 1 : i64, scratch_operands = 2 : i64, tpu.core_type = #tpu.core_type<tc>, window_params = [{transform_indices = @transform_0, window_bounds = array<i64: 1, 2048>}, {transform_indices = @transform_1, window_bounds = array<i64: 2048, 128>}, {pipeline_mode = #tpu.pipeline_mode<synchronous>, transform_indices = @transform_2, window_bounds = array<i64: 10000, 128>}, {pipeline_mode = #tpu.pipeline_mode<synchronous>, transform_indices = @transform_3, window_bounds = array<i64: 10000, 1>}]} {
    %eq3A = arith.constant 0 : i32
    %eq3A_0 = arith.cmpi eq, %arg0, %eq3A : i32
    %convert_element_type3A = arith.extui %eq3A_0 : i1 to i32
    %cond3A = arith.constant 0 : i32
    %cond3A_1 = arith.cmpi ne, %convert_element_type3A, %cond3A : i32
    scf.if %cond3A_1 {
      %broadcast_in_dim3A_35 = arith.constant 0.000000e+00 : f32
      %broadcast_in_dim3A_36 = vector.broadcast %broadcast_in_dim3A_35 : f32 to vector<10000x128xf32>
      %swap3A_37 = arith.constant 0 : index
      %swap3A_38 = arith.constant 0 : index
      %swap3A_39 = vector.load %arg6[%swap3A_37, %swap3A_38] : memref<10000x128xf32, #tpu.memory_space<vmem>>, vector<10000x128xf32>
      tpu.vector_store %arg6[%swap3A_37, %swap3A_38], %broadcast_in_dim3A_36 {strides = array<i32>} : memref<10000x128xf32, #tpu.memory_space<vmem>>, vector<10000x128xf32>,
      %broadcast_in_dim3A_40 = arith.constant 0.000000e+00 : f32
      %broadcast_in_dim3A_41 = vector.broadcast %broadcast_in_dim3A_40 : f32 to vector<10000x1xf32>
      %swap3A_42 = arith.constant 0 : index
      %swap3A_43 = arith.constant 0 : index
      %swap3A_44 = vector.load %arg7[%swap3A_42, %swap3A_43] : memref<10000x1xf32, #tpu.memory_space<vmem>>, vector<10000x1xf32>
      tpu.vector_store %arg7[%swap3A_42, %swap3A_43], %broadcast_in_dim3A_41 {strides = array<i32>} : memref<10000x1xf32, #tpu.memory_space<vmem>>, vector<10000x1xf32>,
    } else {
    }
    %get3A = arith.index_cast %arg0 : i32 to index
    %get3A_2 = memref.load %arg1[%get3A] : memref<64xi32, #tpu.memory_space<smem>>
    %multiple_of3A = tpu.assume_multiple %get3A_2, 8 : i32
    %get3A_3 = arith.constant 0 : index
    %get3A_4 = arith.constant 0 : index
    %get3A_5 = vector.load %arg2[%get3A_3, %get3A_4] : memref<1x2048xi32, #tpu.memory_space<vmem>>, vector<1x2048xi32>
    %iota3A = tpu.iota {dimensions = array<i32: 0>} : vector<256x2048xi32>
    %add3A = vector.broadcast %multiple_of3A : i32 to vector<256x2048xi32>
    %add3A_6 = arith.addi %add3A, %iota3A : vector<256x2048xi32>
    %eq3A_7 = vector.broadcast %get3A_5 : vector<1x2048xi32> to vector<256x2048xi32>
    %eq3A_8 = arith.cmpi eq, %add3A_6, %eq3A_7 : vector<256x2048xi32>
    %jit3A = arith.constant 1.000000e+00 : f32
    %jit3A_9 = arith.constant 0.000000e+00 : f32
    %broadcast_in_dim3A = vector.broadcast %jit3A : f32 to vector<256x2048xf32>
    %broadcast_in_dim3A_10 = vector.broadcast %jit3A_9 : f32 to vector<256x2048xf32>
    %select_n3A = arith.select %eq3A_8, %broadcast_in_dim3A, %broadcast_in_dim3A_10 : vector<256x2048xi1>, vector<256x2048xf32>
    %get3A_11 = arith.constant 0 : index
    %get3A_12 = arith.constant 0 : index
    %get3A_13 = vector.load %arg3[%get3A_11, %get3A_12] : memref<2048x128xf32, #tpu.memory_space<vmem>>, vector<2048x128xf32>
    %dot_general3A = arith.constant dense<0.000000e+00> : vector<256x128xf32>
    %dot_general3A_14 = tpu.matmul %select_n3A, %get3A_13, %dot_general3A {dimension_numbers = #tpu.dot_dimension_numbers<[1], [0], [0], [1], [0, 0, 1, 1], [], []>, transpose_lhs_hint = false} : vector<256x2048xf32>, vector<2048x128xf32>, vector<256x128xf32> -> vector<256x128xf32>
    %get3A_15 = arith.index_cast %multiple_of3A : i32 to index
    %get3A_16 = arith.constant 0 : index
    %get3A_17 = vector.load %arg6[%get3A_15, %get3A_16] : memref<10000x128xf32, #tpu.memory_space<vmem>>, vector<256x128xf32>
    %add3A_18 = arith.addf %get3A_17, %dot_general3A_14 : vector<256x128xf32>
    %swap3A = arith.index_cast %multiple_of3A : i32 to index
    %swap3A_19 = arith.constant 0 : index
    %swap3A_20 = vector.load %arg6[%swap3A, %swap3A_19] : memref<10000x128xf32, #tpu.memory_space<vmem>>, vector<256x128xf32>
    tpu.vector_store %arg6[%swap3A, %swap3A_19], %add3A_18 {strides = array<i32>} : memref<10000x128xf32, #tpu.memory_space<vmem>>, vector<256x128xf32>,
    %get3A_21 = arith.index_cast %multiple_of3A : i32 to index
    %get3A_22 = arith.constant 0 : index
    %get3A_23 = vector.load %arg7[%get3A_21, %get3A_22] : memref<10000x1xf32, #tpu.memory_space<vmem>>, vector<256x1xf32>
    %reduce_sum3A = arith.constant dense<0.000000e+00> : vector<256xf32>
    %reduce_sum3A_24 = vector.multi_reduction <add>, %select_n3A, %reduce_sum3A [1] : vector<256x2048xf32> to vector<256xf32>
    %broadcast_in_dim3A_25 = vector.shape_cast %reduce_sum3A_24 : vector<256xf32> to vector<256x1xf32>
    %add3A_26 = arith.addf %get3A_23, %broadcast_in_dim3A_25 : vector<256x1xf32>
    %swap3A_27 = arith.index_cast %multiple_of3A : i32 to index
    %swap3A_28 = arith.constant 0 : index
    %swap3A_29 = vector.load %arg7[%swap3A_27, %swap3A_28] : memref<10000x1xf32, #tpu.memory_space<vmem>>, vector<256x1xf32>
    tpu.vector_store %arg7[%swap3A_27, %swap3A_28], %add3A_26 {strides = array<i32>} : memref<10000x1xf32, #tpu.memory_space<vmem>>, vector<256x1xf32>,
    %eq3A_30 = arith.constant 63 : i32
    %eq3A_31 = arith.cmpi eq, %arg0, %eq3A_30 : i32
    %convert_element_type3A_32 = arith.extui %eq3A_31 : i1 to i32
    %cond3A_33 = arith.constant 0 : i32
    %cond3A_34 = arith.cmpi ne, %convert_element_type3A_32, %cond3A_33 : i32
    scf.if %cond3A_34 {
      %get3A_35 = arith.constant 0 : index
      %get3A_36 = arith.constant 0 : index
      %get3A_37 = vector.load %arg6[%get3A_35, %get3A_36] : memref<10000x128xf32, #tpu.memory_space<vmem>>, vector<10000x128xf32>
      %swap3A_38 = arith.constant 0 : index
      %swap3A_39 = arith.constant 0 : index
      %swap3A_40 = vector.load %arg4[%swap3A_38, %swap3A_39] : memref<10000x128xf32, #tpu.memory_space<vmem>>, vector<10000x128xf32>
      tpu.vector_store %arg4[%swap3A_38, %swap3A_39], %get3A_37 {strides = array<i32>} : memref<10000x128xf32, #tpu.memory_space<vmem>>, vector<10000x128xf32>,
      %get3A_41 = arith.constant 0 : index
      %get3A_42 = arith.constant 0 : index
      %get3A_43 = vector.load %arg7[%get3A_41, %get3A_42] : memref<10000x1xf32, #tpu.memory_space<vmem>>, vector<10000x1xf32>
      %swap3A_44 = arith.constant 0 : index
      %swap3A_45 = arith.constant 0 : index
      %swap3A_46 = vector.load %arg5[%swap3A_44, %swap3A_45] : memref<10000x1xf32, #tpu.memory_space<vmem>>, vector<10000x1xf32>
      tpu.vector_store %arg5[%swap3A_44, %swap3A_45], %get3A_43 {strides = array<i32>} : memref<10000x1xf32, #tpu.memory_space<vmem>>, vector<10000x1xf32>,
    } else {
    }
    return
  }
  func.func @transform_0(%arg0: i32, %arg1: memref<64xi32, #tpu.memory_space<smem>>) -> (i32, i32) {
    %c0_i32 = arith.constant 0 : i32
    %c0_i32_0 = arith.constant 0 : i32
    return %c0_i32, %arg0 : i32, i32
  }
  func.func @transform_1(%arg0: i32, %arg1: memref<64xi32, #tpu.memory_space<smem>>) -> (i32, i32) {
    %c0_i32 = arith.constant 0 : i32
    %c0_i32_0 = arith.constant 0 : i32
    return %arg0, %c0_i32 : i32, i32
  }
  func.func @transform_2(%arg0: i32, %arg1: memref<64xi32, #tpu.memory_space<smem>>) -> (i32, i32) {
    %c0_i32 = arith.constant 0 : i32
    %c0_i32_0 = arith.constant 0 : i32
    %c0_i32_1 = arith.constant 0 : i32
    return %c0_i32, %c0_i32_0 : i32, i32
  }
  func.func @transform_3(%arg0: i32, %arg1: memref<64xi32, #tpu.memory_space<smem>>) -> (i32, i32) {
    %c0_i32 = arith.constant 0 : i32
    %c0_i32_0 = arith.constant 0 : i32
    %c0_i32_1 = arith.constant 0 : i32
    return %c0_i32, %c0_i32_0 : i32, i32
  }
}

module attributes {stable_mosaic.version = 14 : i64} {
  func.func @_tc_mlp_body(%arg0: memref<10000x128xf32, #tpu.memory_space<vmem>>, %arg1: memref<10000x8xf32, #tpu.memory_space<vmem>>, %arg2: memref<10000x128xf32, #tpu.memory_space<vmem>>, %arg3: memref<10000x1xf32, #tpu.memory_space<vmem>>, %arg4: memref<128x32xf32, #tpu.memory_space<vmem>>, %arg5: memref<1x32xf32, #tpu.memory_space<vmem>>, %arg6: memref<32x64xf32, #tpu.memory_space<vmem>>, %arg7: memref<1x64xf32, #tpu.memory_space<vmem>>, %arg8: memref<64x2xf32, #tpu.memory_space<vmem>>, %arg9: memref<1x2xf32, #tpu.memory_space<vmem>>, %arg10: memref<10000x2xf32, #tpu.memory_space<vmem>>) attributes {dimension_semantics = [], scalar_prefetch = 0 : i64, scratch_operands = 0 : i64, tpu.core_type = #tpu.core_type<tc>} {
    %get3A = arith.constant 0 : index
    %get3A_0 = arith.constant 0 : index
    %get3A_1 = vector.load %arg1[%get3A, %get3A_0] : memref<10000x8xf32, #tpu.memory_space<vmem>>, vector<10000x1xf32>
    %get3A_2 = arith.constant 0 : index
    %get3A_3 = arith.constant 0 : index
    %get3A_4 = vector.load %arg3[%get3A_2, %get3A_3] : memref<10000x1xf32, #tpu.memory_space<vmem>>, vector<10000x1xf32>
    %add3A = arith.addf %get3A_1, %get3A_4 : vector<10000x1xf32>
    %get3A_5 = arith.constant 0 : index
    %get3A_6 = arith.constant 0 : index
    %get3A_7 = vector.load %arg0[%get3A_5, %get3A_6] : memref<10000x128xf32, #tpu.memory_space<vmem>>, vector<10000x128xf32>
    %get3A_8 = arith.constant 0 : index
    %get3A_9 = arith.constant 0 : index
    %get3A_10 = vector.load %arg2[%get3A_8, %get3A_9] : memref<10000x128xf32, #tpu.memory_space<vmem>>, vector<10000x128xf32>
    %add3A_11 = arith.addf %get3A_7, %get3A_10 : vector<10000x128xf32>
    %max3A = arith.constant 1.000000e+00 : f32
    %max3A_12 = vector.broadcast %max3A : f32 to vector<10000x1xf32>
    %max3A_13 = arith.maximumf %add3A, %max3A_12 : vector<10000x1xf32>
    %div3A = vector.broadcast %max3A_13 : vector<10000x1xf32> to vector<10000x128xf32>
    %div3A_14 = arith.divf %add3A_11, %div3A : vector<10000x128xf32>
    %get3A_15 = arith.constant 0 : index
    %get3A_16 = arith.constant 0 : index
    %get3A_17 = vector.load %arg4[%get3A_15, %get3A_16] : memref<128x32xf32, #tpu.memory_space<vmem>>, vector<128x32xf32>
    %dot_general3A = arith.constant dense<0.000000e+00> : vector<10000x32xf32>
    %dot_general3A_18 = tpu.matmul %div3A_14, %get3A_17, %dot_general3A {dimension_numbers = #tpu.dot_dimension_numbers<[1], [0], [0], [1], [0, 0, 1, 1], [], []>, transpose_lhs_hint = false} : vector<10000x128xf32>, vector<128x32xf32>, vector<10000x32xf32> -> vector<10000x32xf32>
    %get3A_19 = arith.constant 0 : index
    %get3A_20 = arith.constant 0 : index
    %get3A_21 = vector.load %arg5[%get3A_19, %get3A_20] : memref<1x32xf32, #tpu.memory_space<vmem>>, vector<1x32xf32>
    %add3A_22 = vector.broadcast %get3A_21 : vector<1x32xf32> to vector<10000x32xf32>
    %add3A_23 = arith.addf %dot_general3A_18, %add3A_22 : vector<10000x32xf32>
    %max3A_24 = arith.constant 0.000000e+00 : f32
    %max3A_25 = vector.broadcast %max3A_24 : f32 to vector<10000x32xf32>
    %max3A_26 = arith.maximumf %add3A_23, %max3A_25 : vector<10000x32xf32>
    %get3A_27 = arith.constant 0 : index
    %get3A_28 = arith.constant 0 : index
    %get3A_29 = vector.load %arg6[%get3A_27, %get3A_28] : memref<32x64xf32, #tpu.memory_space<vmem>>, vector<32x64xf32>
    %dot_general3A_30 = arith.constant dense<0.000000e+00> : vector<10000x64xf32>
    %dot_general3A_31 = tpu.matmul %max3A_26, %get3A_29, %dot_general3A_30 {dimension_numbers = #tpu.dot_dimension_numbers<[1], [0], [0], [1], [0, 0, 1, 1], [], []>, transpose_lhs_hint = false} : vector<10000x32xf32>, vector<32x64xf32>, vector<10000x64xf32> -> vector<10000x64xf32>
    %get3A_32 = arith.constant 0 : index
    %get3A_33 = arith.constant 0 : index
    %get3A_34 = vector.load %arg7[%get3A_32, %get3A_33] : memref<1x64xf32, #tpu.memory_space<vmem>>, vector<1x64xf32>
    %add3A_35 = vector.broadcast %get3A_34 : vector<1x64xf32> to vector<10000x64xf32>
    %add3A_36 = arith.addf %dot_general3A_31, %add3A_35 : vector<10000x64xf32>
    %max3A_37 = arith.constant 0.000000e+00 : f32
    %max3A_38 = vector.broadcast %max3A_37 : f32 to vector<10000x64xf32>
    %max3A_39 = arith.maximumf %add3A_36, %max3A_38 : vector<10000x64xf32>
    %get3A_40 = arith.constant 0 : index
    %get3A_41 = arith.constant 0 : index
    %get3A_42 = vector.load %arg8[%get3A_40, %get3A_41] : memref<64x2xf32, #tpu.memory_space<vmem>>, vector<64x2xf32>
    %dot_general3A_43 = arith.constant dense<0.000000e+00> : vector<10000x2xf32>
    %dot_general3A_44 = tpu.matmul %max3A_39, %get3A_42, %dot_general3A_43 {dimension_numbers = #tpu.dot_dimension_numbers<[1], [0], [0], [1], [0, 0, 1, 1], [], []>, transpose_lhs_hint = false} : vector<10000x64xf32>, vector<64x2xf32>, vector<10000x2xf32> -> vector<10000x2xf32>
    %get3A_45 = arith.constant 0 : index
    %get3A_46 = arith.constant 0 : index
    %get3A_47 = vector.load %arg9[%get3A_45, %get3A_46] : memref<1x2xf32, #tpu.memory_space<vmem>>, vector<1x2xf32>
    %add3A_48 = vector.broadcast %get3A_47 : vector<1x2xf32> to vector<10000x2xf32>
    %add3A_49 = arith.addf %dot_general3A_44, %add3A_48 : vector<10000x2xf32>
    %swap3A = arith.constant 0 : index
    %swap3A_50 = arith.constant 0 : index
    %swap3A_51 = vector.load %arg10[%swap3A, %swap3A_50] : memref<10000x2xf32, #tpu.memory_space<vmem>>, vector<10000x2xf32>
    tpu.vector_store %arg10[%swap3A, %swap3A_50], %add3A_49 {strides = array<i32>} : memref<10000x2xf32, #tpu.memory_space<vmem>>, vector<10000x2xf32>,
    return
  }
}

</mosaic_0001>

<sc_bundles>
// kernel: kernel.5.cloned.1.call-start
scs
__scs_entry_jumppad:
0x0: {  	(pc) =	sbr.rel $0x88, $3  }
0x1: {  	(tag) =	ssettag $0x0;
	lr =	simm.s32 $0x1  }
0x2: {  	[smem:$0x3F99] =	sst lr;
	_ =	strace $0xD0000000  }
0x3: {  	_ = 	snop  }
0x4: {  	_ = 	snop  }
0x5: {  	_ = 	snop  }
0x6: {  	_ = 	snop  }
0x7: {  	_ = 	snop  }
__scs_overlays_trampoline_lowered:
0x8: {  	[smem:$0x3FA8] =	sst s0  }
0x9: {  	[smem:$0x3FA9] =	sst s1  }
0xa: {  	[smem:$0x3FAA] =	sst s2  }
0xb: {  	[smem:$0x3FAB] =	sst s3  }
0xc: {  	[smem:$0x3FAC] =	sst s4  }
0xd: {  	[smem:$0x3FAD] =	sst s5  }
0xe: {  	[smem:$0x3FAE] =	sst s6  }
0xf: {  	[smem:$0x3FAF] =	sst s7  }
0x10: {  	[smem:$0x3FB0] =	sst s8  }
0x11: {  	[smem:$0x3FB1] =	sst s9;
	s0 =	simm.s32 @!p0 $0x0  }
0x12: {  	s1 =	sld [smem:$0x3F97];
	s0 =	simm.s32 @p0 $0x1  }
0x13: {  	[smem:$0x3FB2] =	sst s0;
	s0 =	simm.s32 @!p1 $0x0  }
0x14: {  	s2 =	sld [smem:$0x3F96];
	s0 =	simm.s32 @p1 $0x1  }
0x15: {  	[smem:$0x3FB3] =	sst s0;
	s0 =	simm.s32 @!p2 $0x0  }
0x16: {  	s3 =	sld [smem:$0x3FDB];
	s0 =	simm.s32 @p2 $0x1  }
0x17: {  	s4 =	simm.s32 $0x1BF5;
	[smem:$0x3FB5] =	sst s0  }
0x18: {  	s0 =	sld [smem:$0x3F98];
	_ =	swait.ge [sflag:s4], $0x0  }
0x19: {  	s7 =	sld [smem:$0x3F99]  }
0x1a: {  	s8 =	sadd.s32 $0xFFFFE003, lr  }
0x1b: {  	s9 =	sadd.s32 $0xFFFFFEF7, lr;
	s5 =	simm.s32 $0xFFFFFFFF;
	p2 =	slt.u32 s8, $0xFFFFF086  }
0x1c: {  	p1 =	slt.u32 s9, $0xF7A;
	s5 =	simm.s32 @!p2 $0x0  }
0x1d: {  	s5 =	simm.s32 @p1 $0x1;
	p0 =	seq.s32 s7, s2  }
0x1e: {  	s7 =	smul.u32 @!p0 $0xF7A, s2;
	p2 =	seq.s32 @!p0 s5, $0x0  }
0x1f: {  	s9 =	smul.u32 $0xF7A, s1;
	s8 =	simm.s32 @!p0 $0x1BF5;
	p2 =	por !p2, p0  }
0x20: {  	[sflag:s8] =	ssyncset.s32 @!p0 $0xFFFFF086;
	s6 =	sadd.s32 @!p0 s3, s7;
	s7 =	simm.s32 @!p0 $0x108  }
0x21: {  	s3 =	sadd.s32 s3, s9;
	s6 =	sadd.s32 @!p0 $0x88, s6;
	s7 =	simm.s32 @p2 $0x1082  }
0x22: {  	[simem:s7], [sflag:s8] =	dma.local @!p0 [hbm:s6], $0xF7A  }
0x23: {  	s9 =	sor.u32 $0xD0000000, s2;
	s6 =	simm.s32 $0x108;
	_ =	swait.ge @!p0 [sflag:s8], $0x0  }
0x24: {  	s3 =	sadd.s32 $0x88, s3;
	s6 =	simm.s32 @!p1 $0x1082;
	[sflag:s4] =	ssyncset.s32 $0xFFFFF086  }
0x25: {  	[simem:s6], [sflag:s4] =	dma.local [hbm:s3], $0xF7A  }
0x26: {  	[smem:$0x3F99] =	sst s1;
	(tag) =	ssettag s2;
	_ =	strace s9  }
0x27: {  	s1 =	sld [smem:$0x3FA9]  }
0x28: {  	s2 =	sld [smem:$0x3FAA]  }
0x29: {  	s4 =	sld [smem:$0x3FAC]  }
0x2a: {  	p0 =	seq.s32 s5, $0x0;
	s5 =	sld [smem:$0x3FAD]  }
0x2b: {  	s6 =	sld [smem:$0x3FAE]  }
0x2c: {  	s7 =	sld [smem:$0x3FAF]  }
0x2d: {  	s3 =	simm.s32 $0x108;
	s8 =	sld [smem:$0x3FB0]  }
0x2e: {  	s3 =	simm.s32 @!p0 $0x1082;
	s9 =	sld [smem:$0x3FB1]  }
0x2f: {  	lr =	sadd.s32 s0, s3;
	s0 =	sld [smem:$0x3FA8]  }
0x30: {  	s3 =	sld [smem:$0x3FAB]  }
0x31: {  	[smem:$0x3FB4] =	sst s10  }
0x32: {  	s10 =	sld [smem:$0x3FB2];
	_ =	sdelay $0x3  }
0x33: {  	p0 =	seq.s32 s10, $0x1;
	s10 =	sld [smem:$0x3FB4];
	_ =	sdelay $0x3  }
0x34: {  	[smem:$0x3FB4] =	sst s10  }
0x35: {  	s10 =	sld [smem:$0x3FB3];
	_ =	sdelay $0x3  }
0x36: {  	p1 =	seq.s32 s10, $0x1;
	s10 =	sld [smem:$0x3FB4];
	_ =	sdelay $0x3  }
0x37: {  	[smem:$0x3FB4] =	sst s10  }
0x38: {  	s10 =	sld [smem:$0x3FB5]  }
0x39: {  	_ = 	snop;
	(pc) =	sbr.ind lr, $3  }
0x3a: {  	_ = 	snop  }
0x3b: {  	_ = 	snop  }
0x3c: {  	p2 =	seq.s32 s10, $0x1;
	s10 =	sld [smem:$0x3FB4]  }
0x3d: {  	_ =	shalt  }
0x3e: {  	_ =	shalt  }
0x3f: {  	_ =	shalt  }
0x40: {  	_ =	shalt  }
0x41: {  	_ =	shalt  }
0x42: {  	_ =	shalt  }
0x43: {  	_ =	shalt  }
0x44: {  	_ =	shalt  }
0x45: {  	_ =	shalt  }
0x46: {  	_ =	shalt  }
0x47: {  	_ =	shalt  }
0x48: {  	_ =	shalt  }
0x49: {  	_ =	shalt  }
0x4a: {  	_ =	shalt  }
0x4b: {  	_ =	shalt  }
0x4c: {  	_ =	shalt  }
0x4d: {  	_ =	shalt  }
0x4e: {  	_ =	shalt  }
0x4f: {  	_ =	shalt  }
0x50: {  	_ =	shalt  }
0x51: {  	_ =	shalt  }
0x52: {  	_ =	shalt  }
0x53: {  	_ =	shalt  }
0x54: {  	_ =	shalt  }
0x55: {  	_ =	shalt  }
0x56: {  	_ =	shalt  }
0x57: {  	_ =	shalt  }
0x58: {  	_ =	shalt  }
0x59: {  	_ =	shalt  }
0x5a: {  	_ =	shalt  }
0x5b: {  	_ =	shalt  }
0x5c: {  	_ =	shalt  }
0x5d: {  	_ =	shalt  }
0x5e: {  	_ =	shalt  }
0x5f: {  	_ =	shalt  }
0x60: {  	_ =	shalt  }
0x61: {  	_ =	shalt  }
0x62: {  	_ =	shalt  }
0x63: {  	_ =	shalt  }
0x64: {  	_ =	shalt  }
0x65: {  	_ =	shalt  }
0x66: {  	_ =	shalt  }
0x67: {  	_ =	shalt  }
0x68: {  	_ =	shalt  }
0x69: {  	_ =	shalt  }
0x6a: {  	_ =	shalt  }
0x6b: {  	_ =	shalt  }
0x6c: {  	_ =	shalt  }
0x6d: {  	_ =	shalt  }
0x6e: {  	_ =	shalt  }
0x6f: {  	_ =	shalt  }
0x70: {  	_ =	shalt  }
0x71: {  	_ =	shalt  }
0x72: {  	_ =	shalt  }
0x73: {  	_ =	shalt  }
0x74: {  	_ =	shalt  }
0x75: {  	_ =	shalt  }
0x76: {  	_ =	shalt  }
0x77: {  	_ =	shalt  }
0x78: {  	_ =	shalt  }
0x79: {  	_ =	shalt  }
0x7a: {  	_ =	shalt  }
0x7b: {  	_ =	shalt  }
0x7c: {  	_ =	shalt  }
0x7d: {  	_ =	shalt  }
0x7e: {  	_ =	shalt  }
0x7f: {  	_ =	shalt  }
0x80: {  	_ =	shalt  }
0x81: {  	_ =	shalt  }
0x82: {  	_ =	shalt  }
0x83: {  	_ =	shalt  }
0x84: {  	_ =	shalt  }
0x85: {  	_ =	shalt  }
0x86: {  	_ =	shalt  }
0x87: {  	_ =	shalt  }
.Lfunc_end0:
.L_simem_size_0:
called_computation_lowered:
.L_overlay_start_0:
0x88: {  	s2 =	sld [smem:$0x3FD9]  }
0x89: {  	s3 =	sld [smem:$0x3FFE];
	_ =	sdelay $0x1  }
0x8a: {  	s1 =	srdreg.scid  }
0x8b: {  	s0 =	sand.u32 $0x1, s1  }
0x8c: {  	s17 =	sshll.u32 s0, $0xA;
	s2 =	sadd.s32 s3, s2  }
0x8d: {  	s2 =	sadd.s32 s2, s17  }
0x8e: {  	[smem:$0x3FC0] =	sst s2  }
0x8f: {  	_ = 	snop  }
0x90: {  	s2 =	sld [smem:$0x3FC9]  }
0x91: {  	s18 =	sld [smem:$0x3FC8]  }
0x92: {  	s4 =	sld [smem:$0x3FD0];
	(tm) =	ssettm $0x1  }
0x93: {  	s5 =	sld [smem:$0x3FFB];
	_ =	sdelay $0x3  }
0x94: {  	_ =	strace s5  }
0x95: {  	s5 =	sld [smem:$0x3FFC];
	_ =	sdelay $0x3  }
0x96: {  	_ =	strace s5  }
0x97: {  	s5 =	sld [smem:$0x3FFD];
	_ =	sdelay $0x3  }
0x98: {  	_ =	strace s5  }
0x99: {  	_ =	strace $0x8FFFFFFF  }
0x9a: {  	s19 =	sld [smem:$0x3FDB];
	_ =	sdelay $0x1  }
0x9b: {  	s6 =	simm.s32 $_scs_section_size  }
0x9c: {  	s7 =	simm.s32 $_size__tile_overlayer_lowered;
	s8 =	simm.s32 $_tile_overlayer_lowered  }
0x9d: {  	s22 =	simm.s32 $0x1BFF;
	s21 =	sshll.u32 s8, $0x1;
	s5 =	sadd.s32 s6, s19  }
0x9e: {  	s9 =	simm.s32 $0x0;
	s20 =	sshll.u32 s7, $0x1;
	s7 =	sadd.s32 s21, s5  }
0x9f: {  	[timem:s9], [sflag:s22] =	dma.local [hbm:s7], s20  }
0xa0: {  	_ =	swait.ge [sflag:s22], s20  }
0xa1: {  	s6 =	ssub.s32 $0x0, s20;
	[sflag:s22] =	ssyncset.done $0x0  }
0xa2: {  	[sflag:s22] =	ssyncadd.s32 s6;
	_ =	sdelay $0x1  }
0xa3: {  	s23 =	simm.s32 $0x1B8B  }
0xa4: {  	_ =	swait.ge [sflag:s23], $0x1  }
0xa5: {  	[sflag:s23] =	ssyncset.done $0x0  }
0xa6: {  	s25 =	simm.s32 $0x1B8E;
	s24 =	sld [smem:$0x3FFE];
	[sflag:s23] =	ssyncadd.s32 $0xFFFFFFFF  }
0xa7: {  	s26 =	simm.s32 $execute0_lowered;
	[smem:$0x3FD2] =	sst s25  }
0xa8: {  	s7 =	sshll.u32 s26, $0x1;
	_ =	strace $0x80000046;
	[dreg:$0x1] =	wrdreg $0xFFFFFFFF  }
0xa9: {  	s28 =	simm.s32 $_size_execute0_lowered;
	s5 =	sadd.s32 s5, s7;
	[dreg:$0x0] =	wrdreg $0x0  }
0xaa: {  	s7 =	sshll.u32 s28, $0x1;
	[dreg:$0x2] =	wrdreg s5  }
0xab: {  	[dreg:$0x3] =	wrdreg s7  }
0xac: {  	[dreg:$0x4] =	wrdreg $0xC0  }
0xad: {  	_ =	task [dreg:s9], $0x5FFFF  }
0xae: {  	[dreg:$0x1] =	wrdreg $0xFFFFFFFF  }
0xaf: {  	[dreg:$0x0] =	wrdreg $0x60  }
0xb0: {  	[dreg:$0x2] =	wrdreg s2  }
0xb1: {  	[dreg:$0x3] =	wrdreg s18  }
0xb2: {  	[dreg:$0x4] =	wrdreg s4  }
0xb3: {  	[dreg:$0x5] =	wrdreg s24  }
0xb4: {  	[dreg:$0x6] =	wrdreg $0x84000  }
0xb5: {  	[dreg:$0x7] =	wrdreg $0x120400  }
0xb6: {  	[dreg:$0x8] =	wrdreg $0x9  }
0xb7: {  	_ =	task.clear_ibuf [dreg:s9], $0x9FFFF;
	_ =	strace $0x90000046  }
0xb8: {  	s29 =	simm.s32 $0x9;
	_ =	strace $0x80000048  }
0xb9: {  	_ =	swait.ge [sflag:s29], $0x1  }
0xba: {  	[sflag:s29] =	ssyncadd.s32 $0xFFFFFFFF  }
0xbb: {  	_ =	strace $0x90000048  }
0xbc: {  	_ =	sfence  }
0xbd: {  	s30 =	sld [smem:$0x0];
	_ =	sdelay $0x2  }
0xbe: {  	s31 =	sshll.u32 s1, $0xD;
	s1 =	sshrl.u32 s1, $0x2  }
0xbf: {  	s3 =	sand.u32 $0x4000, s31;
	s1 =	sadd.s32 s1, s30  }
0xc0: {  	s0 =	sor.u32 s3, s0;
	s1 =	sshll.u32 s1, $0x11  }
0xc1: {  	s0 =	sor.u32 s1, s0  }
0xc2: {  	s0 =	sadd.s32 $0x8F2B, s0  }
0xc3: {  	[sflag:s0] =	ssyncadd.remote.s32 $0x1  }
0xc4: {  	_ =	sfence.sel $0xFFFF  }
0xc5: {  	[dreg:$0x0] =	wrdreg $0xFFFFFFFF;
	(pc) =	sbr.abs _section_cstart, $3  }
0xc6: {  	[dreg:$0x1] =	wrdreg $0xFFFFFFFF  }
0xc7: {  	_ =	task.clear_ibuf [dreg:s9], $0x2FFFF;
	_ =	strace $0x9FFFFFFF  }
0xc8: {  	(tm) =	ssettm $0x7FFFFFFF  }
0xc9: {  	_ =	shalt  }
tec
execute0_lowered:
.L_overlay_start_1:
0x0: {  	(tag) =	ssettag $0x1  }
0x1: {  	s0 =	srdreg.scid;
	s1 =	stileid.u32  }
0x2: {  	s12 =	sand.u32 $0x1, s0;
	s31 =	sor.u32 $0x800, s1  }
0x3: {  	s0 =	ssub.s32 $0x2, s12;
	s8 =	sshll.u32 s12, $0x6;
	s7 =	sshll.u32 s31, $0xD  }
0x4: {  	s19 =	sor.u32 $0x10, s1;
	s3 =	sshrl.u32 s0, $0x1;
	s4 =	sor.u32 s8, s7  }
0x5: {  	s23 =	sor.u32 $0x20, s1;
	s0 =	ssub.s32 s0, s3;
	[smem:$0x7C7] =	sst s4  }
0x6: {  	s30 =	sor.u32 $0x30, s1;
	s3 =	sshll.u32 s1, $0x6;
	[smem:$0x7F1] =	sst s0  }
0x7: {  	s20 =	sor.u32 $0x20400, s3;
	s22 =	sor.u32 $0x20800, s3;
	s26 =	sor.u32 $0x20C00, s3  }
0x8: {  	s9 =	sor.u32 $0x21000, s3;
	s13 =	sor.u32 $0x21400, s3;
	[smem:$0x7C8] =	sst s20  }
0x9: {  	s16 =	sor.u32 $0x21800, s3;
	s28 =	sor.u32 $0x4E000, s3;
	[smem:$0x7CD] =	sst s22  }
0xa: {  	s21 =	sshll.u32 s20, $0x7;
	s25 =	sshll.u32 s22, $0x7;
	[smem:$0x7CF] =	sst s26  }
0xb: {  	s6 =	sshll.u32 s26, $0x7;
	[smem:$0x7D4] =	sst s9;
	s11 =	sshll.u32 s9, $0x7  }
0xc: {  	[smem:$0x7D9] =	sst s13;
	s15 =	sshll.u32 s13, $0x7;
	s17 =	sshll.u32 s16, $0x7  }
0xd: {  	s20 =	sshll.u32 s28, $0x7;
	s9 =	sshll.u32 s1, $0xD;
	s24 =	sor.u32 s8, s21  }
0xe: {  	s22 =	sshll.u32 s19, $0xD;
	s5 =	sor.u32 s8, s25;
	[smem:$0x7C9] =	sst s24  }
0xf: {  	s13 =	sor.u32 $0x60, s1;
	s10 =	sor.u32 s8, s6;
	[smem:$0x7CE] =	sst s5  }
0x10: {  	s14 =	sor.u32 s8, s11;
	s0 =	sor.u32 s8, s15;
	[smem:$0x7D3] =	sst s10  }
0x11: {  	s18 =	sor.u32 s8, s17;
	s21 =	sor.u32 s8, s20;
	[smem:$0x7D5] =	sst s14  }
0x12: {  	s25 =	sor.u32 s8, s9;
	s9 =	sor.u32 s8, s22;
	[smem:$0x7DA] =	sst s0  }
0x13: {  	s11 =	sshll.u32 s30, $0xD;
	s22 =	sor.u32 $0x80, s1;
	[smem:$0x7DE] =	sst s18  }
0x14: {  	[smem:$0x7DF] =	sst s21;
	s10 =	sshll.u32 s23, $0xD;
	s17 =	sor.u32 s8, s11  }
0x15: {  	s11 =	sor.u32 $0x40, s1;
	s18 =	sshll.u32 s13, $0xD;
	s21 =	sor.u32 $0x70, s1  }
0x16: {  	s0 =	sshll.u32 s22, $0xD;
	s14 =	sor.u32 s8, s10;
	s10 =	sor.u32 $0x50, s1  }
0x17: {  	s15 =	sshll.u32 s11, $0xD;
	s4 =	sor.u32 s8, s18;
	s26 =	sshll.u32 s21, $0xD  }
0x18: {  	s18 =	sor.u32 s8, s0;
	s20 =	sor.u32 s8, s15;
	s15 =	sor.u32 $0x90, s1  }
0x19: {  	s24 =	sshll.u32 s10, $0xD;
	s5 =	sor.u32 s8, s26;
	s7 =	sshll.u32 s15, $0xD  }
0x1a: {  	s6 =	sor.u32 s8, s24;
	s7 =	sor.u32 s8, s7;
	s8 =	rddreg [dreg:$0x3]  }
0x1b: {  	s2 =	simm.s32 $0x0;
	s26 =	sshrl.u32 s25, $0x3;
	s0 =	sadd.s32 $0x4800, s8  }
0x1c: {  	[smem:$0x7FF] =	sst s2;
	s24 =	sshrl.u32 s9, $0x3;
	s9 =	sadd.s32 s0, s26  }
0x1d: {  	s6 =	sshrl.u32 s6, $0x3;
	s8 =	sadd.s32 s0, s24;
	[dreg:$0x7] =	wrdreg s9  }
0x1e: {  	s4 =	sshrl.u32 s4, $0x3;
	s6 =	sadd.s32 s0, s6;
	[dreg:$0x8] =	wrdreg s8  }
0x1f: {  	s4 =	sadd.s32 s0, s4;
	s24 =	sshrl.u32 s5, $0x3;
	[dreg:$0xc] =	wrdreg s6  }
0x20: {  	s26 =	sshrl.u32 s18, $0x3;
	s9 =	sshrl.u32 s14, $0x3;
	[dreg:$0xd] =	wrdreg s4  }
0x21: {  	s4 =	sadd.s32 s0, s24;
	s8 =	sadd.s32 s0, s9;
	s9 =	rddreg [dreg:$0x1]  }
0x22: {  	s6 =	sadd.s32 s0, s26;
	[dreg:$0xe] =	wrdreg s4  }
0x23: {  	s14 =	sshrl.u32 s17, $0x3;
	s17 =	sshrl.u32 s20, $0x3;
	[dreg:$0xf] =	wrdreg s6  }
0x24: {  	s20 =	sadd.s32 s0, s17;
	s17 =	rddreg [dreg:$0x5]  }
0x25: {  	s7 =	sshrl.u32 s7, $0x3;
	[dreg:$0x9] =	wrdreg s8  }
0x26: {  	s18 =	sshll.u32 s12, $0x3;
	s24 =	sshll.u32 s1, $0x9;
	[dreg:$0xb] =	wrdreg s20  }
0x27: {  	s4 =	sadd.s32 s0, s7;
	s8 =	sadd.s32 s0, s14;
	s14 =	rddreg [dreg:$0x4]  }
0x28: {  	s26 =	sshll.u32 s19, $0xC;
	s7 =	sadd.s32 s18, s0;
	[dreg:$0x10] =	wrdreg s4  }
0x29: {  	s20 =	sshll.u32 s1, $0xC;
	s4 =	sadd.s32 s24, s17;
	[dreg:$0xa] =	wrdreg s8  }
0x2a: {  	s24 =	sshll.u32 s23, $0xC;
	s8 =	rddreg [dreg:$0x0];
	s6 =	sadd.s32 s20, s14  }
0x2b: {  	s18 =	sadd.s32 s26, s14;
	_ =	strace $0x80000047;
	[dreg:$0x12] =	wrdreg s4  }
0x2c: {  	s20 =	sshll.u32 s19, $0x9;
	s26 =	sshll.u32 s23, $0x9;
	[dreg:$0x13] =	wrdreg s18  }
0x2d: {  	s0 =	sadd.s32 s20, s17;
	s4 =	sadd.s32 s24, s14;
	[smem:$0x7F7] =	sst s12  }
0x2e: {  	s24 =	sadd.s32 s26, s17;
	s18 =	sshll.u32 s30, $0xC;
	[dreg:$0x14] =	wrdreg s0  }
0x2f: {  	s20 =	sshll.u32 s30, $0x9;
	[dreg:$0x15] =	wrdreg s4;
	s0 =	sadd.s32 s18, s14  }
0x30: {  	s26 =	sshll.u32 s11, $0xC;
	s4 =	sadd.s32 s20, s17;
	[dreg:$0x17] =	wrdreg s0  }
0x31: {  	s5 =	sadd.s32 s26, s14;
	s18 =	sshll.u32 s11, $0x9;
	[dreg:$0x18] =	wrdreg s4  }
0x32: {  	s20 =	sshll.u32 s10, $0xC;
	[dreg:$0x19] =	wrdreg s5;
	s0 =	sadd.s32 s18, s17  }
0x33: {  	s26 =	sshll.u32 s10, $0x9;
	s4 =	sadd.s32 s20, s14;
	[dreg:$0x1a] =	wrdreg s0  }
0x34: {  	s5 =	sadd.s32 s26, s17;
	s18 =	sshll.u32 s13, $0xC;
	[dreg:$0x1b] =	wrdreg s4  }
0x35: {  	s20 =	sshll.u32 s13, $0x9;
	[dreg:$0x1c] =	wrdreg s5;
	s0 =	sadd.s32 s18, s14  }
0x36: {  	s26 =	sshll.u32 s21, $0xC;
	s4 =	sadd.s32 s20, s17;
	[dreg:$0x1d] =	wrdreg s0  }
0x37: {  	s5 =	sadd.s32 s26, s14;
	[dreg:$0x1e] =	wrdreg s4  }
0x38: {  	s18 =	sshll.u32 s21, $0x9;
	[dreg:$0x1f] =	wrdreg s5  }
0x39: {  	s20 =	sshll.u32 s22, $0xC;
	s0 =	sadd.s32 s18, s17;
	s5 =	sld [smem:$0x7C8]  }
0x3a: {  	s4 =	sadd.s32 s20, s14;
	[smem:$0x7C4] =	sst s0  }
0x3b: {  	[smem:$0x7C5] =	sst s4  }
0x3c: {  	s26 =	sshll.u32 s22, $0x9;
	s18 =	sshll.u32 s15, $0xC;
	s4 =	sld [smem:$0x7C7]  }
0x3d: {  	s29 =	sadd.s32 s26, s17;
	s26 =	sadd.s32 s18, s14;
	s18 =	sld [smem:$0x7C9]  }
0x3e: {  	s0 =	sshll.u32 s31, $0x3;
	s31 =	smov.u32 s6;
	[smem:$0x7F9] =	sst s29  }
0x3f: {  	s20 =	sshll.u32 s15, $0x9;
	[dreg:$0x11] =	wrdreg s31  }
0x40: {  	s6 =	sadd.s32 s20, s17;
	s0 =	sadd.s32 s9, s0;
	[smem:$0x7FA] =	sst s26  }
0x41: {  	[smem:$0x7C6] =	sst s0;
	s0 =	sshrl.u32 s4, $0x3;
	s4 =	sshrl.u32 s5, $0x3  }
0x42: {  	s5 =	sshrl.u32 s18, $0x3;
	s18 =	sld [smem:$0x7CE];
	s0 =	sadd.s32 s8, s0  }
0x43: {  	s20 =	sadd.s32 s9, s4;
	s4 =	sadd.s32 s8, s5;
	s5 =	sld [smem:$0x7CD]  }
0x44: {  	[smem:$0x7CA] =	sst s0  }
0x45: {  	[smem:$0x7CB] =	sst s20  }
0x46: {  	[smem:$0x7CC] =	sst s4  }
0x47: {  	s20 =	sld [smem:$0x7CF];
	s4 =	sshrl.u32 s18, $0x3  }
0x48: {  	s18 =	sadd.s32 s8, s4;
	s4 =	sld [smem:$0x7D3]  }
0x49: {  	s0 =	sshrl.u32 s5, $0x3;
	[smem:$0x7D1] =	sst s18  }
0x4a: {  	s0 =	sadd.s32 s9, s0;
	s18 =	sld [smem:$0x7D5]  }
0x4b: {  	s5 =	sshrl.u32 s20, $0x3;
	[smem:$0x7D0] =	sst s0  }
0x4c: {  	s20 =	sadd.s32 s9, s5;
	s5 =	sld [smem:$0x7D4];
	s0 =	sshrl.u32 s4, $0x3  }
0x4d: {  	[smem:$0x7D2] =	sst s20;
	s0 =	sadd.s32 s8, s0  }
0x4e: {  	[smem:$0x7D6] =	sst s0  }
0x4f: {  	s4 =	sshrl.u32 s5, $0x3;
	s5 =	sshrl.u32 s18, $0x3;
	s18 =	sld [smem:$0x7DA]  }
0x50: {  	s20 =	sadd.s32 s9, s4;
	s4 =	sadd.s32 s8, s5;
	s5 =	sld [smem:$0x7D9]  }
0x51: {  	[smem:$0x7D7] =	sst s20  }
0x52: {  	[smem:$0x7D8] =	sst s4  }
0x53: {  	s20 =	sshrl.u32 s16, $0x3;
	s16 =	sld [smem:$0x7DE]  }
0x54: {  	s4 =	sshrl.u32 s18, $0x3;
	s18 =	sshrl.u32 s28, $0x3;
	s28 =	sadd.s32 $0x13800, s17  }
0x55: {  	s0 =	sshrl.u32 s5, $0x3;
	s5 =	sadd.s32 s9, s20;
	s20 =	sld [smem:$0x7DF]  }
0x56: {  	s4 =	sadd.s32 s8, s4;
	[smem:$0x7FD] =	sst s28  }
0x57: {  	[smem:$0x7DC] =	sst s4  }
0x58: {  	s0 =	sadd.s32 s9, s0;
	[smem:$0x7DD] =	sst s5  }
0x59: {  	[smem:$0x7DB] =	sst s0;
	s0 =	sshrl.u32 s16, $0x3;
	s16 =	sadd.s32 s9, s18  }
0x5a: {  	p0 =	sgt.u32 s1, $0xB;
	s19 =	sshll.u32 s19, $0x6;
	[smem:$0x7E1] =	sst s16  }
0x5b: {  	s5 =	sshrl.u32 s20, $0x3;
	s0 =	sadd.s32 s8, s0;
	s16 =	rddreg [dreg:$0x3]  }
0x5c: {  	s20 =	sshll.u32 s23, $0x6;
	s23 =	smov.u32 s6;
	[smem:$0x7E0] =	sst s0  }
0x5d: {  	s18 =	sadd.s32 s8, s5;
	s5 =	sadd.s32 $0x2000, s16;
	[smem:$0x7FB] =	sst s23  }
0x5e: {  	[smem:$0x7E2] =	sst s18;
	s0 =	sadd.s32 s5, s19;
	s6 =	sadd.s32 s5, s20  }
0x5f: {  	s20 =	sshll.u32 s10, $0x6;
	s10 =	sshll.u32 s22, $0x6;
	s22 =	sld [smem:$0x7F1]  }
0x60: {  	p1 =	sgt.u32 s1, $0x7;
	s4 =	sshll.u32 s13, $0x6;
	[smem:$0x7E3] =	sst s0  }
0x61: {  	s13 =	sshll.u32 s15, $0x6;
	s15 =	sadd.s32 s5, s3;
	[smem:$0x7E4] =	sst s6  }
0x62: {  	s18 =	sshll.u32 s30, $0x6;
	s30 =	smov.u32 s24;
	[smem:$0x7EC] =	sst s15  }
0x63: {  	p3 =	sne.s32 @p0 s1, $0xF;
	s0 =	sadd.s32 s5, s18;
	[dreg:$0x16] =	wrdreg s30  }
0x64: {  	p4 =	sne.s32 s12, $0x0;
	s24 =	sadd.s32 s5, s20;
	[smem:$0x7E5] =	sst s0  }
0x65: {  	s19 =	sshll.u32 s11, $0x6;
	s11 =	sadd.s32 s5, s10;
	[smem:$0x7E7] =	sst s24  }
0x66: {  	p2 =	por p3, !p0;
	s18 =	sadd.s32 $0x27000, s7;
	[smem:$0x7EA] =	sst s11  }
0x67: {  	p3 =	por !p3, !p0;
	s20 =	sadd.s32 $0x1E00, s16;
	[smem:$0x7ED] =	sst s18  }
0x68: {  	s6 =	sshll.u32 s21, $0x6;
	s21 =	sadd.s32 $0x4700, s16;
	[smem:$0x7EF] =	sst s20  }
0x69: {  	s10 =	sadd.s32 $0x9C000, s14;
	s7 =	simm.s32 $0x6;
	[smem:$0x7F0] =	sst s21  }
0x6a: {  	s15 =	simm.s32 $0xF;
	s0 =	sadd.s32 s5, s19;
	[smem:$0x7FC] =	sst s10  }
0x6b: {  	s19 =	sadd.s32 $0x1C00, s16;
	s24 =	sor.u32 $0x11C0000, s25;
	[smem:$0x7E6] =	sst s0  }
0x6c: {  	s25 =	sor.u32 $0x23800, s3;
	s0 =	sadd.s32 s5, s4;
	[smem:$0x7EE] =	sst s19  }
0x6d: {  	s11 =	simm.s32 $0x19;
	[smem:$0x7E8] =	sst s0;
	s0 =	sadd.s32 s5, s6  }
0x6e: {  	s20 =	simm.s32 $0x80;
	[smem:$0x7E9] =	sst s0;
	s0 =	sadd.s32 s5, s13  }
0x6f: {  	s3 =	simm.s32 $0x2;
	[smem:$0x7EB] =	sst s0;
	s0 =	smax.u32 s22, $0x1  }
0x70: {  	s16 =	simm.s32 $0x7;
	[smem:$0x7F2] =	sst s0;
	s0 =	simm.s32 @!p3 $0x0  }
0x71: {  	[smem:$0x7F3] =	sst s24;
	s0 =	simm.s32 @p3 $0x1;
	p3 =	sne.s32 @!p1 s12, $0x0  }
0x72: {  	s18 =	simm.s32 $0x8;
	[smem:$0x7F4] =	sst s25;
	p3 =	por p3, p1  }
0x73: {  	s25 =	simm.s32 $0x200;
	[smem:$0x7F5] =	sst s0;
	s0 =	simm.s32 @!p3 $0x0  }
.Ltmp0:
0x74: {  	s0 =	simm.s32 @p3 $0x1;
	p3 =	sne.s32 @!p0 s12, $0x0;
	(pc) =	sbr.rel .LBB2_1-.Ltmp0, $4  }
0x75: {  	s19 =	simm.s32 $0x40;
	s4 =	simm.s32 $0x3;
	p3 =	por p3, p0  }
0x76: {  	s6 =	simm.s32 $0x5;
	[smem:$0x7F6] =	sst s0;
	s0 =	simm.s32 @!p3 $0x0  }
0x77: {  	s13 =	simm.s32 $0x1;
	s5 =	simm.s32 $0x4;
	s0 =	simm.s32 @p3 $0x1  }
0x78: {  	s12 =	simm.s32 $0x0;
	[smem:$0x7F8] =	sst s0;
	s0 =	simm.s32 $0x1C0  }
.LBB2_7:
0x79: {  	s1 =	simm.s32 $0x10  }
0x7a: {  	_ =	swait.ge [sflag:s1], $0x1000  }
0x7b: {  	[sflag:s1] =	ssyncset.done $0x0  }
0x7c: {  	s31 =	simm.s32 $0x18;
	[sflag:s1] =	ssyncadd.s32 $0xFFFFF000  }
0x7d: {  	_ =	swait.ge [sflag:s31], $0x200  }
0x7e: {  	[sflag:s31] =	ssyncset.done $0x0  }
0x7f: {  	s12 =	sld [smem:$0x7C3];
	[sflag:s31] =	ssyncadd.s32 $0xFFFFFE00  }
.LBB2_8:
0x80: {  	s10 =	sld [smem:$0x7E1];
	_ =	sdelay $0x1  }
0x81: {  	s1 =	simm.s32 @!p1 $0x0  }
0x82: {  	[tilespmem:s1], [sflag:$0x19] =	stream.linear.gather @!p1 [hbm4b:s10+s1], $0x40, $0x38;
	[tilespmem:$0x133C8] =	vst v63  }
0x83: {  	s10 =	simm.s32 @!p1 $0x19  }
0x84: {  	_ =	swait.ge @!p1 [sflag:s10], $0x40  }
0x85: {  	s24 =	sld [smem:$0x7E2]  }
0x86: {  	s21 =	simm.s32 @!p1 $0x40;
	[sflag:s10] =	ssyncset.done @!p1 $0x0  }
0x87: {  	s22 =	simm.s32 @!p1 $0x80;
	s23 =	simm.s32 @!p1 $0x200;
	[sflag:s10] =	ssyncadd.s32 @!p1 $0xFFFFFFC0  }
0x88: {  	[tilespmem:s23], [sflag:$0x19] =	stream.strided.gather @!p1 [hbm4b:s24+s21], $0x1000, s22, s21, $0x38;
	[tilespmem:$0x133C8] =	vst v63  }
0x89: {  	_ =	swait.ge @!p1 [sflag:s10], $0x1000  }
0x8a: {  	[sflag:s10] =	ssyncset.done @!p1 $0x0  }
0x8b: {  	[sflag:s10] =	ssyncadd.s32 @!p1 $0xFFFFF000  }
0x8c: {  	[spmem:s14] =	stream.indirect.scatter.add.f32 @!p1 [tilespmem:s23], [sflag:$0x19], $0x40, s1, s21, $0xb8;
	[tilespmem:$0x133C8] =	vst v63  }
0x8d: {  	_ =	swait.ge @!p1 [sflag:s10], $0x1000  }
0x8e: {  	s25 =	sld [smem:$0x7F6];
	_ =	sdelay $0x1  }
0x8f: {  	[sflag:s10] =	ssyncset.done @!p1 $0x0  }
0x90: {  	[sflag:s10] =	ssyncadd.s32 @!p1 $0xFFFFF000;
	p5 =	seq.s32 s25, $0x1  }
0x91: {  	s1 =	simm.s32 @!p5 $0x40;
	s10 =	simm.s32 @!p5 $0x0;
	s21 =	simm.s32 @!p5 $0x8200  }
0x92: {  	[spmem:s17] =	stream.indirect.scatter.add.f32 @!p5 [tilespmem:s21], [sflag:$0x19], $0x8, s10, s1, $0xb8;
	[tilespmem:$0x133C8] =	vst v63  }
0x93: {  	s1 =	simm.s32 @!p5 $0x19  }
0x94: {  	_ =	swait.ge @!p5 [sflag:s1], $0x200  }
0x95: {  	[sflag:s1] =	ssyncset.done @!p5 $0x0  }
0x96: {  	[sflag:s1] =	ssyncadd.s32 @!p5 $0xFFFFFE00  }
0x97: {  	[bflag:$0x0] =	sbarrier.arrive $0xFFFF  }
0x98: {  	s25 =	simm.s32 $0x200;
	s31 =	rddreg [dreg:$0x11]  }
0x99: {  	[tilespmem:s25], [sflag:$0x19] =	stream.linear.gather [spmem:s31], $0x1000, $0x38;
	[tilespmem:$0x133C8] =	vst v63  }
0x9a: {  	_ =	swait.ge [sflag:s11], $0x1000  }
0x9b: {  	[sflag:s11] =	ssyncset.done $0x0  }
0x9c: {  	s26 =	rddreg [dreg:$0x7];
	[sflag:s11] =	ssyncadd.s32 $0xFFFFF000  }
0x9d: {  	[hbm4b:s26+s19] =	stream.strided.scatter [tilespmem:s25], [sflag:$0x19], $0x1000, s20, s19, $0x38;
	[tilespmem:$0x133C8] =	vst v63  }
0x9e: {  	_ =	swait.ge [sflag:s11], $0x1000  }
0x9f: {  	s22 =	simm.s32 @!p4 $0x8200;
	[sflag:s11] =	ssyncset.done $0x0  }
0xa0: {  	s21 =	simm.s32 @!p4 $0x19;
	s1 =	rddreg [dreg:$0x12];
	[sflag:s11] =	ssyncadd.s32 $0xFFFFF000  }
0xa1: {  	[tilespmem:s22], [sflag:$0x19] =	stream.linear.gather @!p4 [spmem:s1], $0x200, $0x38;
	[tilespmem:$0x133C8] =	vst v63  }
0xa2: {  	_ =	swait.ge @!p4 [sflag:s21], $0x200  }
0xa3: {  	s1 =	sld [smem:$0x7EC]  }
0xa4: {  	[sflag:s21] =	ssyncset.done @!p4 $0x0  }
0xa5: {  	s23 =	simm.s32 @!p4 $0x0;
	[sflag:s21] =	ssyncadd.s32 @!p4 $0xFFFFFE00  }
0xa6: {  	[hbm4b:s1+s23] =	stream.linear.scatter @!p4 [tilespmem:s22], [sflag:$0x19], $0x200, $0x38;
	[tilespmem:$0x133C8] =	vst v63  }
0xa7: {  	_ =	swait.ge @!p4 [sflag:s21], $0x200  }
0xa8: {  	[sflag:s21] =	ssyncset.done @!p4 $0x0  }
0xa9: {  	s10 =	rddreg [dreg:$0x13];
	[sflag:s21] =	ssyncadd.s32 @!p4 $0xFFFFFE00  }
0xaa: {  	[tilespmem:s25], [sflag:$0x19] =	stream.linear.gather [spmem:s10], $0x1000, $0x38;
	[tilespmem:$0x133C8] =	vst v63  }
0xab: {  	_ =	swait.ge [sflag:s11], $0x1000  }
0xac: {  	[sflag:s11] =	ssyncset.done $0x0  }
0xad: {  	s24 =	rddreg [dreg:$0x8];
	[sflag:s11] =	ssyncadd.s32 $0xFFFFF000  }
0xae: {  	[hbm4b:s24+s19] =	stream.strided.scatter [tilespmem:s25], [sflag:$0x19], $0x1000, s20, s19, $0x38;
	[tilespmem:$0x133C8] =	vst v63  }
0xaf: {  	_ =	swait.ge [sflag:s11], $0x1000  }
0xb0: {  	[sflag:s11] =	ssyncset.done $0x0  }
0xb1: {  	s1 =	rddreg [dreg:$0x14];
	[sflag:s11] =	ssyncadd.s32 $0xFFFFF000  }
0xb2: {  	[tilespmem:s22], [sflag:$0x19] =	stream.linear.gather @!p4 [spmem:s1], $0x200, $0x38;
	[tilespmem:$0x133C8] =	vst v63  }
0xb3: {  	_ =	swait.ge @!p4 [sflag:s21], $0x200  }
0xb4: {  	s1 =	sld [smem:$0x7E3]  }
0xb5: {  	[sflag:s21] =	ssyncset.done @!p4 $0x0  }
0xb6: {  	[sflag:s21] =	ssyncadd.s32 @!p4 $0xFFFFFE00  }
0xb7: {  	[hbm4b:s1+s23] =	stream.linear.scatter @!p4 [tilespmem:s22], [sflag:$0x19], $0x200, $0x38;
	[tilespmem:$0x133C8] =	vst v63  }
0xb8: {  	_ =	swait.ge @!p4 [sflag:s21], $0x200  }
0xb9: {  	[sflag:s21] =	ssyncset.done @!p4 $0x0  }
0xba: {  	s26 =	rddreg [dreg:$0x15];
	[sflag:s21] =	ssyncadd.s32 @!p4 $0xFFFFFE00  }
0xbb: {  	[tilespmem:s25], [sflag:$0x19] =	stream.linear.gather [spmem:s26], $0x1000, $0x38;
	[tilespmem:$0x133C8] =	vst v63  }
0xbc: {  	_ =	swait.ge [sflag:s11], $0x1000  }
0xbd: {  	[sflag:s11] =	ssyncset.done $0x0  }
0xbe: {  	s10 =	rddreg [dreg:$0x9];
	[sflag:s11] =	ssyncadd.s32 $0xFFFFF000  }
0xbf: {  	[hbm4b:s10+s19] =	stream.strided.scatter [tilespmem:s25], [sflag:$0x19], $0x1000, s20, s19, $0x38;
	[tilespmem:$0x133C8] =	vst v63  }
0xc0: {  	_ =	swait.ge [sflag:s11], $0x1000  }
0xc1: {  	[sflag:s11] =	ssyncset.done $0x0  }
0xc2: {  	s30 =	rddreg [dreg:$0x16];
	[sflag:s11] =	ssyncadd.s32 $0xFFFFF000  }
0xc3: {  	[tilespmem:s22], [sflag:$0x19] =	stream.linear.gather @!p4 [spmem:s30], $0x200, $0x38;
	[tilespmem:$0x133C8] =	vst v63  }
0xc4: {  	_ =	swait.ge @!p4 [sflag:s21], $0x200  }
0xc5: {  	s1 =	sld [smem:$0x7E4]  }
0xc6: {  	[sflag:s21] =	ssyncset.done @!p4 $0x0  }
0xc7: {  	[sflag:s21] =	ssyncadd.s32 @!p4 $0xFFFFFE00  }
0xc8: {  	[hbm4b:s1+s23] =	stream.linear.scatter @!p4 [tilespmem:s22], [sflag:$0x19], $0x200, $0x38;
	[tilespmem:$0x133C8] =	vst v63  }
0xc9: {  	_ =	swait.ge @!p4 [sflag:s21], $0x200  }
0xca: {  	[sflag:s21] =	ssyncset.done @!p4 $0x0  }
0xcb: {  	s24 =	rddreg [dreg:$0x17];
	[sflag:s21] =	ssyncadd.s32 @!p4 $0xFFFFFE00  }
0xcc: {  	[tilespmem:s25], [sflag:$0x19] =	stream.linear.gather [spmem:s24], $0x1000, $0x38;
	[tilespmem:$0x133C8] =	vst v63  }
0xcd: {  	_ =	swait.ge [sflag:s11], $0x1000  }
0xce: {  	[sflag:s11] =	ssyncset.done $0x0  }
0xcf: {  	s26 =	rddreg [dreg:$0xa];
	[sflag:s11] =	ssyncadd.s32 $0xFFFFF000  }
0xd0: {  	[hbm4b:s26+s19] =	stream.strided.scatter [tilespmem:s25], [sflag:$0x19], $0x1000, s20, s19, $0x38;
	[tilespmem:$0x133C8] =	vst v63  }
0xd1: {  	_ =	swait.ge [sflag:s11], $0x1000  }
0xd2: {  	[sflag:s11] =	ssyncset.done $0x0  }
0xd3: {  	s1 =	rddreg [dreg:$0x18];
	[sflag:s11] =	ssyncadd.s32 $0xFFFFF000  }
0xd4: {  	[tilespmem:s22], [sflag:$0x19] =	stream.linear.gather @!p4 [spmem:s1], $0x200, $0x38;
	[tilespmem:$0x133C8] =	vst v63  }
0xd5: {  	_ =	swait.ge @!p4 [sflag:s21], $0x200  }
0xd6: {  	s1 =	sld [smem:$0x7E5]  }
0xd7: {  	[sflag:s21] =	ssyncset.done @!p4 $0x0  }
0xd8: {  	[sflag:s21] =	ssyncadd.s32 @!p4 $0xFFFFFE00  }
0xd9: {  	[hbm4b:s1+s23] =	stream.linear.scatter @!p4 [tilespmem:s22], [sflag:$0x19], $0x200, $0x38;
	[tilespmem:$0x133C8] =	vst v63  }
0xda: {  	_ =	swait.ge @!p4 [sflag:s21], $0x200  }
0xdb: {  	[sflag:s21] =	ssyncset.done @!p4 $0x0  }
0xdc: {  	s10 =	rddreg [dreg:$0x19];
	[sflag:s21] =	ssyncadd.s32 @!p4 $0xFFFFFE00  }
0xdd: {  	[tilespmem:s25], [sflag:$0x19] =	stream.linear.gather [spmem:s10], $0x1000, $0x38;
	[tilespmem:$0x133C8] =	vst v63  }
0xde: {  	_ =	swait.ge [sflag:s11], $0x1000  }
0xdf: {  	[sflag:s11] =	ssyncset.done $0x0  }
0xe0: {  	s24 =	rddreg [dreg:$0xb];
	[sflag:s11] =	ssyncadd.s32 $0xFFFFF000  }
0xe1: {  	[hbm4b:s24+s19] =	stream.strided.scatter [tilespmem:s25], [sflag:$0x19], $0x1000, s20, s19, $0x38;
	[tilespmem:$0x133C8] =	vst v63  }
0xe2: {  	_ =	swait.ge [sflag:s11], $0x1000  }
0xe3: {  	[sflag:s11] =	ssyncset.done $0x0  }
0xe4: {  	s1 =	rddreg [dreg:$0x1a];
	[sflag:s11] =	ssyncadd.s32 $0xFFFFF000  }
0xe5: {  	[tilespmem:s22], [sflag:$0x19] =	stream.linear.gather @!p4 [spmem:s1], $0x200, $0x38;
	[tilespmem:$0x133C8] =	vst v63  }
0xe6: {  	_ =	swait.ge @!p4 [sflag:s21], $0x200  }
0xe7: {  	s1 =	sld [smem:$0x7E6]  }
0xe8: {  	[sflag:s21] =	ssyncset.done @!p4 $0x0  }
0xe9: {  	[sflag:s21] =	ssyncadd.s32 @!p4 $0xFFFFFE00  }
0xea: {  	[hbm4b:s1+s23] =	stream.linear.scatter @!p4 [tilespmem:s22], [sflag:$0x19], $0x200, $0x38;
	[tilespmem:$0x133C8] =	vst v63  }
0xeb: {  	_ =	swait.ge @!p4 [sflag:s21], $0x200  }
0xec: {  	[sflag:s21] =	ssyncset.done @!p4 $0x0  }
0xed: {  	s26 =	rddreg [dreg:$0x1b];
	[sflag:s21] =	ssyncadd.s32 @!p4 $0xFFFFFE00  }
0xee: {  	[tilespmem:s25], [sflag:$0x19] =	stream.linear.gather [spmem:s26], $0x1000, $0x38;
	[tilespmem:$0x133C8] =	vst v63  }
0xef: {  	_ =	swait.ge [sflag:s11], $0x1000  }
0xf0: {  	[sflag:s11] =	ssyncset.done $0x0  }
0xf1: {  	s10 =	rddreg [dreg:$0xc];
	[sflag:s11] =	ssyncadd.s32 $0xFFFFF000  }
0xf2: {  	[hbm4b:s10+s19] =	stream.strided.scatter [tilespmem:s25], [sflag:$0x19], $0x1000, s20, s19, $0x38;
	[tilespmem:$0x133C8] =	vst v63  }
0xf3: {  	_ =	swait.ge [sflag:s11], $0x1000  }
0xf4: {  	[sflag:s11] =	ssyncset.done $0x0  }
0xf5: {  	s1 =	rddreg [dreg:$0x1c];
	[sflag:s11] =	ssyncadd.s32 $0xFFFFF000  }
0xf6: {  	[tilespmem:s22], [sflag:$0x19] =	stream.linear.gather @!p4 [spmem:s1], $0x200, $0x38;
	[tilespmem:$0x133C8] =	vst v63  }
0xf7: {  	_ =	swait.ge @!p4 [sflag:s21], $0x200  }
0xf8: {  	s1 =	sld [smem:$0x7E7]  }
0xf9: {  	[sflag:s21] =	ssyncset.done @!p4 $0x0  }
0xfa: {  	[sflag:s21] =	ssyncadd.s32 @!p4 $0xFFFFFE00  }
0xfb: {  	[hbm4b:s1+s23] =	stream.linear.scatter @!p4 [tilespmem:s22], [sflag:$0x19], $0x200, $0x38;
	[tilespmem:$0x133C8] =	vst v63  }
0xfc: {  	_ =	swait.ge @!p4 [sflag:s21], $0x200  }
0xfd: {  	[sflag:s21] =	ssyncset.done @!p4 $0x0  }
0xfe: {  	s24 =	rddreg [dreg:$0x1d];
	[sflag:s21] =	ssyncadd.s32 @!p4 $0xFFFFFE00  }
0xff: {  	[tilespmem:s25], [sflag:$0x19] =	stream.linear.gather [spmem:s24], $0x1000, $0x38;
	[tilespmem:$0x133C8] =	vst v63  }
0x100: {  	_ =	swait.ge [sflag:s11], $0x1000  }
0x101: {  	[sflag:s11] =	ssyncset.done $0x0  }
0x102: {  	s26 =	rddreg [dreg:$0xd];
	[sflag:s11] =	ssyncadd.s32 $0xFFFFF000  }
0x103: {  	[hbm4b:s26+s19] =	stream.strided.scatter [tilespmem:s25], [sflag:$0x19], $0x1000, s20, s19, $0x38;
	[tilespmem:$0x133C8] =	vst v63  }
0x104: {  	_ =	swait.ge [sflag:s11], $0x1000  }
0x105: {  	[sflag:s11] =	ssyncset.done $0x0  }
0x106: {  	s1 =	rddreg [dreg:$0x1e];
	[sflag:s11] =	ssyncadd.s32 $0xFFFFF000  }
0x107: {  	[tilespmem:s22], [sflag:$0x19] =	stream.linear.gather @!p4 [spmem:s1], $0x200, $0x38;
	[tilespmem:$0x133C8] =	vst v63  }
0x108: {  	_ =	swait.ge @!p4 [sflag:s21], $0x200  }
0x109: {  	s1 =	sld [smem:$0x7E8]  }
0x10a: {  	[sflag:s21] =	ssyncset.done @!p4 $0x0  }
0x10b: {  	[sflag:s21] =	ssyncadd.s32 @!p4 $0xFFFFFE00  }
0x10c: {  	[hbm4b:s1+s23] =	stream.linear.scatter @!p4 [tilespmem:s22], [sflag:$0x19], $0x200, $0x38;
	[tilespmem:$0x133C8] =	vst v63  }
0x10d: {  	_ =	swait.ge @!p4 [sflag:s21], $0x200  }
0x10e: {  	[sflag:s21] =	ssyncset.done @!p4 $0x0  }
0x10f: {  	s10 =	rddreg [dreg:$0x1f];
	[sflag:s21] =	ssyncadd.s32 @!p4 $0xFFFFFE00  }
0x110: {  	[tilespmem:s25], [sflag:$0x19] =	stream.linear.gather [spmem:s10], $0x1000, $0x38;
	[tilespmem:$0x133C8] =	vst v63  }
0x111: {  	_ =	swait.ge [sflag:s11], $0x1000  }
0x112: {  	[sflag:s11] =	ssyncset.done $0x0  }
0x113: {  	s24 =	rddreg [dreg:$0xe];
	[sflag:s11] =	ssyncadd.s32 $0xFFFFF000  }
0x114: {  	[hbm4b:s24+s19] =	stream.strided.scatter [tilespmem:s25], [sflag:$0x19], $0x1000, s20, s19, $0x38;
	[tilespmem:$0x133C8] =	vst v63  }
0x115: {  	_ =	swait.ge [sflag:s11], $0x1000  }
0x116: {  	s1 =	sld [smem:$0x7C4]  }
0x117: {  	[sflag:s11] =	ssyncset.done $0x0  }
0x118: {  	[sflag:s11] =	ssyncadd.s32 $0xFFFFF000  }
0x119: {  	[tilespmem:s22], [sflag:$0x19] =	stream.linear.gather @!p4 [spmem:s1], $0x200, $0x38;
	[tilespmem:$0x133C8] =	vst v63  }
0x11a: {  	_ =	swait.ge @!p4 [sflag:s21], $0x200  }
0x11b: {  	s1 =	sld [smem:$0x7E9]  }
0x11c: {  	[sflag:s21] =	ssyncset.done @!p4 $0x0  }
0x11d: {  	[sflag:s21] =	ssyncadd.s32 @!p4 $0xFFFFFE00  }
0x11e: {  	[hbm4b:s1+s23] =	stream.linear.scatter @!p4 [tilespmem:s22], [sflag:$0x19], $0x200, $0x38;
	[tilespmem:$0x133C8] =	vst v63  }
0x11f: {  	_ =	swait.ge @!p4 [sflag:s21], $0x200  }
0x120: {  	s26 =	sld [smem:$0x7C5]  }
0x121: {  	[sflag:s21] =	ssyncset.done @!p4 $0x0  }
0x122: {  	[sflag:s21] =	ssyncadd.s32 @!p4 $0xFFFFFE00  }
0x123: {  	[tilespmem:s25], [sflag:$0x19] =	stream.linear.gather [spmem:s26], $0x1000, $0x38;
	[tilespmem:$0x133C8] =	vst v63  }
0x124: {  	_ =	swait.ge [sflag:s11], $0x1000  }
0x125: {  	[sflag:s11] =	ssyncset.done $0x0  }
0x126: {  	s10 =	rddreg [dreg:$0xf];
	[sflag:s11] =	ssyncadd.s32 $0xFFFFF000  }
0x127: {  	[hbm4b:s10+s19] =	stream.strided.scatter [tilespmem:s25], [sflag:$0x19], $0x1000, s20, s19, $0x38;
	[tilespmem:$0x133C8] =	vst v63  }
0x128: {  	_ =	swait.ge [sflag:s11], $0x1000  }
0x129: {  	s29 =	sld [smem:$0x7F9]  }
0x12a: {  	[sflag:s11] =	ssyncset.done $0x0  }
0x12b: {  	[sflag:s11] =	ssyncadd.s32 $0xFFFFF000  }
0x12c: {  	[tilespmem:s22], [sflag:$0x19] =	stream.linear.gather @!p4 [spmem:s29], $0x200, $0x38;
	[tilespmem:$0x133C8] =	vst v63  }
0x12d: {  	_ =	swait.ge @!p4 [sflag:s21], $0x200  }
0x12e: {  	s1 =	sld [smem:$0x7EA]  }
0x12f: {  	[sflag:s21] =	ssyncset.done @!p4 $0x0  }
0x130: {  	[sflag:s21] =	ssyncadd.s32 @!p4 $0xFFFFFE00  }
0x131: {  	[hbm4b:s1+s23] =	stream.linear.scatter @!p4 [tilespmem:s22], [sflag:$0x19], $0x200, $0x38;
	[tilespmem:$0x133C8] =	vst v63  }
0x132: {  	_ =	swait.ge @!p4 [sflag:s21], $0x200  }
0x133: {  	s26 =	sld [smem:$0x7FA]  }
0x134: {  	[sflag:s21] =	ssyncset.done @!p4 $0x0  }
0x135: {  	s10 =	simm.s32 @!p0 $0x19;
	s1 =	simm.s32 @!p0 $0x200;
	[sflag:s21] =	ssyncadd.s32 @!p4 $0xFFFFFE00  }
0x136: {  	[tilespmem:s1], [sflag:$0x19] =	stream.linear.gather @!p0 [spmem:s26], $0x1000, $0x38;
	[tilespmem:$0x133C8] =	vst v63  }
0x137: {  	_ =	swait.ge @!p0 [sflag:s10], $0x1000  }
0x138: {  	s22 =	simm.s32 @!p0 $0x80;
	[sflag:s10] =	ssyncset.done @!p0 $0x0  }
0x139: {  	s21 =	simm.s32 @!p0 $0x40;
	s23 =	rddreg [dreg:$0x10];
	[sflag:s10] =	ssyncadd.s32 @!p0 $0xFFFFF000  }
0x13a: {  	[hbm4b:s23+s21] =	stream.strided.scatter @!p0 [tilespmem:s1], [sflag:$0x19], $0x1000, s22, s21, $0x38;
	[tilespmem:$0x133C8] =	vst v63  }
0x13b: {  	_ =	swait.ge @!p0 [sflag:s10], $0x1000  }
0x13c: {  	s21 =	sld [smem:$0x7F8];
	_ =	sdelay $0x1  }
0x13d: {  	s23 =	sld [smem:$0x7FB]  }
0x13e: {  	[sflag:s10] =	ssyncset.done @!p0 $0x0;
	p5 =	seq.s32 s21, $0x1  }
0x13f: {  	[sflag:s10] =	ssyncadd.s32 @!p0 $0xFFFFF000;
	s1 =	simm.s32 @!p5 $0x8200;
	s10 =	simm.s32 @!p5 $0x19  }
0x140: {  	[tilespmem:s1], [sflag:$0x19] =	stream.linear.gather @!p5 [spmem:s23], $0x200, $0x38;
	[tilespmem:$0x133C8] =	vst v63  }
0x141: {  	_ =	swait.ge @!p5 [sflag:s10], $0x200  }
0x142: {  	s22 =	sld [smem:$0x7EB]  }
0x143: {  	[sflag:s10] =	ssyncset.done @!p5 $0x0  }
0x144: {  	s21 =	simm.s32 @!p5 $0x0;
	[sflag:s10] =	ssyncadd.s32 @!p5 $0xFFFFFE00  }
0x145: {  	[hbm4b:s22+s21] =	stream.linear.scatter @!p5 [tilespmem:s1], [sflag:$0x19], $0x200, $0x38;
	[tilespmem:$0x133C8] =	vst v63  }
0x146: {  	_ =	swait.ge @!p5 [sflag:s10], $0x200  }
0x147: {  	s24 =	sld [smem:$0x7FC]  }
0x148: {  	[sflag:s10] =	ssyncset.done @!p5 $0x0  }
0x149: {  	s1 =	simm.s32 @p3 $0x200;
	[sflag:s10] =	ssyncadd.s32 @!p5 $0xFFFFFE00;
	s10 =	simm.s32 @p3 $0x19  }
0x14a: {  	[tilespmem:s1], [sflag:$0x19] =	stream.linear.gather @p3 [spmem:s24], $0x400, $0x38;
	[tilespmem:$0x133C8] =	vst v63  }
0x14b: {  	_ =	swait.ge @p3 [sflag:s10], $0x400  }
0x14c: {  	s28 =	sld [smem:$0x7ED]  }
0x14d: {  	[sflag:s10] =	ssyncset.done @p3 $0x0  }
0x14e: {  	s21 =	simm.s32 @p3 $0x40;
	s22 =	simm.s32 @p3 $0x80;
	[sflag:s10] =	ssyncadd.s32 @p3 $0xFFFFFC00  }
0x14f: {  	[hbm4b:s28+s21] =	stream.strided.scatter @p3 [tilespmem:s1], [sflag:$0x19], $0x400, s22, s21, $0x38;
	[tilespmem:$0x133C8] =	vst v63  }
0x150: {  	s1 =	sld [smem:$0x7F7];
	_ =	sdelay $0x1  }
0x151: {  	_ =	swait.ge @p3 [sflag:s10], $0x400  }
0x152: {  	s28 =	sld [smem:$0x7FD];
	p5 =	sne.s32 @p3 s1, $0x0  }
0x153: {  	[sflag:s10] =	ssyncset.done @p3 $0x0;
	p5 =	por p5, !p3  }
0x154: {  	[sflag:s10] =	ssyncadd.s32 @p3 $0xFFFFFC00;
	s1 =	simm.s32 @!p5 $0x8200;
	s10 =	simm.s32 @!p5 $0x19  }
0x155: {  	[tilespmem:s1], [sflag:$0x19] =	stream.linear.gather @!p5 [spmem:s28], $0x80, $0x38;
	[tilespmem:$0x133C8] =	vst v63  }
0x156: {  	_ =	swait.ge @!p5 [sflag:s10], $0x80  }
0x157: {  	s22 =	sld [smem:$0x7F0]  }
0x158: {  	[sflag:s10] =	ssyncset.done @!p5 $0x0  }
0x159: {  	s21 =	simm.s32 @!p5 $0x0;
	[sflag:s10] =	ssyncadd.s32 @!p5 $0xFFFFFF80  }
0x15a: {  	[hbm4b:s22+s21] =	stream.linear.scatter @!p5 [tilespmem:s1], [sflag:$0x19], $0x80, $0x38;
	[tilespmem:$0x133C8] =	vst v63  }
0x15b: {  	_ =	swait.ge @!p5 [sflag:s10], $0x80  }
0x15c: {  	s22 =	sld [smem:$0x7F2];
	_ =	sdelay $0x1  }
0x15d: {  	s12 =	sadd.s32 $0x1, s12  }
0x15e: {  	p3 =	sne.s32 s12, s22  }
.Ltmp1:
0x15f: {  	_ = 	snop;
	(pc) =	sbr.rel @!p3 .LBB2_9-.Ltmp1, $3  }
0x160: {  	_ =	sdelay $0x1  }
0x161: {  	[sflag:s10] =	ssyncset.done @!p5 $0x0  }
0x162: {  	[sflag:s10] =	ssyncadd.s32 @!p5 $0xFFFFFF80;
	s10 =	smov.u32 s24  }
.LBB2_1:
0x163: {  	[smem:$0x7C3] =	sst s12  }
0x164: {  	s1 =	rddreg [dreg:$0x2]  }
0x165: {  	[tilespmem:s25], [sflag:$0x19] =	stream.linear.gather [hbm4b:s1+s2], $0x1000, $0x38;
	[tilespmem:$0x133C8] =	vst v63  }
0x166: {  	_ =	swait.ge [sflag:s11], $0x1000  }
0x167: {  	s21 =	sld [smem:$0x7EE]  }
0x168: {  	[sflag:s11] =	ssyncset.done $0x0  }
0x169: {  	s24 =	simm.s32 $0x8200;
	[sflag:s11] =	ssyncadd.s32 $0xFFFFF000  }
0x16a: {  	[tilespmem:s24], [sflag:$0x19] =	stream.linear.gather [hbm4b:s21+s2], $0x200, $0x38;
	[tilespmem:$0x133C8] =	vst v63  }
0x16b: {  	_ =	swait.ge [sflag:s11], $0x200  }
0x16c: {  	[sflag:s11] =	ssyncset.done $0x0  }
0x16d: {  	[sflag:s11] =	ssyncadd.s32 $0xFFFFFE00  }
0x16e: {  	[spmem:s31] =	stream.linear.scatter [tilespmem:s25], [sflag:$0x19], $0x1000, $0x38;
	[tilespmem:$0x133C8] =	vst v63  }
0x16f: {  	_ =	swait.ge [sflag:s11], $0x1000  }
0x170: {  	[sflag:s11] =	ssyncset.done $0x0  }
0x171: {  	s22 =	rddreg [dreg:$0x12];
	[sflag:s11] =	ssyncadd.s32 $0xFFFFF000  }
0x172: {  	[spmem:s22] =	stream.linear.scatter [tilespmem:s24], [sflag:$0x19], $0x200, $0x38;
	[tilespmem:$0x133C8] =	vst v63  }
0x173: {  	_ =	swait.ge [sflag:s11], $0x200  }
0x174: {  	[sflag:s11] =	ssyncset.done $0x0  }
0x175: {  	s12 =	rddreg [dreg:$0x13];
	[sflag:s11] =	ssyncadd.s32 $0xFFFFFE00  }
0x176: {  	[spmem:s12] =	stream.linear.scatter [tilespmem:s25], [sflag:$0x19], $0x1000, $0x38;
	[tilespmem:$0x133C8] =	vst v63  }
0x177: {  	_ =	swait.ge [sflag:s11], $0x1000  }
0x178: {  	[sflag:s11] =	ssyncset.done $0x0  }
0x179: {  	s21 =	rddreg [dreg:$0x14];
	[sflag:s11] =	ssyncadd.s32 $0xFFFFF000  }
0x17a: {  	[spmem:s21] =	stream.linear.scatter [tilespmem:s24], [sflag:$0x19], $0x200, $0x38;
	[tilespmem:$0x133C8] =	vst v63  }
0x17b: {  	_ =	swait.ge [sflag:s11], $0x200  }
0x17c: {  	[sflag:s11] =	ssyncset.done $0x0  }
0x17d: {  	s22 =	rddreg [dreg:$0x15];
	[sflag:s11] =	ssyncadd.s32 $0xFFFFFE00  }
0x17e: {  	[spmem:s22] =	stream.linear.scatter [tilespmem:s25], [sflag:$0x19], $0x1000, $0x38;
	[tilespmem:$0x133C8] =	vst v63  }
0x17f: {  	_ =	swait.ge [sflag:s11], $0x1000  }
0x180: {  	[sflag:s11] =	ssyncset.done $0x0  }
0x181: {  	[sflag:s11] =	ssyncadd.s32 $0xFFFFF000  }
0x182: {  	[spmem:s30] =	stream.linear.scatter [tilespmem:s24], [sflag:$0x19], $0x200, $0x38;
	[tilespmem:$0x133C8] =	vst v63  }
0x183: {  	_ =	swait.ge [sflag:s11], $0x200  }
0x184: {  	[sflag:s11] =	ssyncset.done $0x0  }
0x185: {  	s12 =	rddreg [dreg:$0x17];
	[sflag:s11] =	ssyncadd.s32 $0xFFFFFE00  }
0x186: {  	[spmem:s12] =	stream.linear.scatter [tilespmem:s25], [sflag:$0x19], $0x1000, $0x38;
	[tilespmem:$0x133C8] =	vst v63  }
0x187: {  	_ =	swait.ge [sflag:s11], $0x1000  }
0x188: {  	[sflag:s11] =	ssyncset.done $0x0  }
0x189: {  	s21 =	rddreg [dreg:$0x18];
	[sflag:s11] =	ssyncadd.s32 $0xFFFFF000  }
0x18a: {  	[spmem:s21] =	stream.linear.scatter [tilespmem:s24], [sflag:$0x19], $0x200, $0x38;
	[tilespmem:$0x133C8] =	vst v63  }
0x18b: {  	_ =	swait.ge [sflag:s11], $0x200  }
0x18c: {  	[sflag:s11] =	ssyncset.done $0x0  }
0x18d: {  	s22 =	rddreg [dreg:$0x19];
	[sflag:s11] =	ssyncadd.s32 $0xFFFFFE00  }
0x18e: {  	[spmem:s22] =	stream.linear.scatter [tilespmem:s25], [sflag:$0x19], $0x1000, $0x38;
	[tilespmem:$0x133C8] =	vst v63  }
0x18f: {  	_ =	swait.ge [sflag:s11], $0x1000  }
0x190: {  	[sflag:s11] =	ssyncset.done $0x0  }
0x191: {  	s30 =	rddreg [dreg:$0x1a];
	[sflag:s11] =	ssyncadd.s32 $0xFFFFF000  }
0x192: {  	[spmem:s30] =	stream.linear.scatter [tilespmem:s24], [sflag:$0x19], $0x200, $0x38;
	[tilespmem:$0x133C8] =	vst v63  }
0x193: {  	_ =	swait.ge [sflag:s11], $0x200  }
0x194: {  	[sflag:s11] =	ssyncset.done $0x0  }
0x195: {  	s12 =	rddreg [dreg:$0x1b];
	[sflag:s11] =	ssyncadd.s32 $0xFFFFFE00  }
0x196: {  	[spmem:s12] =	stream.linear.scatter [tilespmem:s25], [sflag:$0x19], $0x1000, $0x38;
	[tilespmem:$0x133C8] =	vst v63  }
0x197: {  	_ =	swait.ge [sflag:s11], $0x1000  }
0x198: {  	[sflag:s11] =	ssyncset.done $0x0  }
0x199: {  	s21 =	rddreg [dreg:$0x1c];
	[sflag:s11] =	ssyncadd.s32 $0xFFFFF000  }
0x19a: {  	[spmem:s21] =	stream.linear.scatter [tilespmem:s24], [sflag:$0x19], $0x200, $0x38;
	[tilespmem:$0x133C8] =	vst v63  }
0x19b: {  	_ =	swait.ge [sflag:s11], $0x200  }
0x19c: {  	[sflag:s11] =	ssyncset.done $0x0  }
0x19d: {  	s22 =	rddreg [dreg:$0x1d];
	[sflag:s11] =	ssyncadd.s32 $0xFFFFFE00  }
0x19e: {  	[spmem:s22] =	stream.linear.scatter [tilespmem:s25], [sflag:$0x19], $0x1000, $0x38;
	[tilespmem:$0x133C8] =	vst v63  }
0x19f: {  	_ =	swait.ge [sflag:s11], $0x1000  }
0x1a0: {  	[sflag:s11] =	ssyncset.done $0x0  }
0x1a1: {  	s30 =	rddreg [dreg:$0x1e];
	[sflag:s11] =	ssyncadd.s32 $0xFFFFF000  }
0x1a2: {  	[spmem:s30] =	stream.linear.scatter [tilespmem:s24], [sflag:$0x19], $0x200, $0x38;
	[tilespmem:$0x133C8] =	vst v63  }
0x1a3: {  	_ =	swait.ge [sflag:s11], $0x200  }
0x1a4: {  	[sflag:s11] =	ssyncset.done $0x0  }
0x1a5: {  	s12 =	rddreg [dreg:$0x1f];
	[sflag:s11] =	ssyncadd.s32 $0xFFFFFE00  }
0x1a6: {  	[spmem:s12] =	stream.linear.scatter [tilespmem:s25], [sflag:$0x19], $0x1000, $0x38;
	[tilespmem:$0x133C8] =	vst v63  }
0x1a7: {  	_ =	swait.ge [sflag:s11], $0x1000  }
0x1a8: {  	s21 =	sld [smem:$0x7C4]  }
0x1a9: {  	[sflag:s11] =	ssyncset.done $0x0  }
0x1aa: {  	[sflag:s11] =	ssyncadd.s32 $0xFFFFF000  }
0x1ab: {  	[spmem:s21] =	stream.linear.scatter [tilespmem:s24], [sflag:$0x19], $0x200, $0x38;
	[tilespmem:$0x133C8] =	vst v63  }
0x1ac: {  	_ =	swait.ge [sflag:s11], $0x200  }
0x1ad: {  	s22 =	sld [smem:$0x7C5]  }
0x1ae: {  	[sflag:s11] =	ssyncset.done $0x0  }
0x1af: {  	[sflag:s11] =	ssyncadd.s32 $0xFFFFFE00  }
0x1b0: {  	[spmem:s22] =	stream.linear.scatter [tilespmem:s25], [sflag:$0x19], $0x1000, $0x38;
	[tilespmem:$0x133C8] =	vst v63  }
0x1b1: {  	_ =	swait.ge [sflag:s11], $0x1000  }
0x1b2: {  	[sflag:s11] =	ssyncset.done $0x0  }
0x1b3: {  	[sflag:s11] =	ssyncadd.s32 $0xFFFFF000  }
0x1b4: {  	[spmem:s29] =	stream.linear.scatter [tilespmem:s24], [sflag:$0x19], $0x200, $0x38;
	[tilespmem:$0x133C8] =	vst v63  }
0x1b5: {  	_ =	swait.ge [sflag:s11], $0x200  }
0x1b6: {  	[sflag:s11] =	ssyncset.done $0x0  }
0x1b7: {  	s21 =	simm.s32 @!p2 $0x200;
	[sflag:s11] =	ssyncadd.s32 $0xFFFFFE00  }
0x1b8: {  	[spmem:s10] =	stream.linear.scatter @!p2 [tilespmem:s21], [sflag:$0x19], $0x400, $0x38;
	[tilespmem:$0x133C8] =	vst v63  }
0x1b9: {  	s21 =	simm.s32 @!p2 $0x19  }
0x1ba: {  	_ =	swait.ge @!p2 [sflag:s21], $0x400  }
0x1bb: {  	[sflag:s21] =	ssyncset.done @!p2 $0x0  }
0x1bc: {  	s22 =	simm.s32 @!p2 $0x8200;
	[sflag:s21] =	ssyncadd.s32 @!p2 $0xFFFFFC00  }
0x1bd: {  	[spmem:s28] =	stream.linear.scatter @!p2 [tilespmem:s22], [sflag:$0x19], $0x80, $0x38;
	[tilespmem:$0x133C8] =	vst v63  }
0x1be: {  	_ =	swait.ge @!p2 [sflag:s21], $0x80  }
0x1bf: {  	[sflag:s21] =	ssyncset.done @!p2 $0x0  }
0x1c0: {  	[sflag:s21] =	ssyncadd.s32 @!p2 $0xFFFFFF80;
	s21 =	simm.s32 @!p0 $0x200  }
0x1c1: {  	[spmem:s26] =	stream.linear.scatter @!p0 [tilespmem:s21], [sflag:$0x19], $0x1000, $0x38;
	[tilespmem:$0x133C8] =	vst v63  }
0x1c2: {  	s21 =	simm.s32 @!p0 $0x19  }
0x1c3: {  	_ =	swait.ge @!p0 [sflag:s21], $0x1000  }
0x1c4: {  	[sflag:s21] =	ssyncset.done @!p0 $0x0  }
0x1c5: {  	s22 =	simm.s32 @!p0 $0x8200;
	[sflag:s21] =	ssyncadd.s32 @!p0 $0xFFFFF000  }
0x1c6: {  	[spmem:s23] =	stream.linear.scatter @!p0 [tilespmem:s22], [sflag:$0x19], $0x200, $0x38;
	[tilespmem:$0x133C8] =	vst v63  }
0x1c7: {  	_ =	swait.ge @!p0 [sflag:s21], $0x200  }
0x1c8: {  	s29 =	sld [smem:$0x7EF]  }
0x1c9: {  	[sflag:s21] =	ssyncset.done @!p0 $0x0  }
0x1ca: {  	[sflag:s21] =	ssyncadd.s32 @!p0 $0xFFFFFE00  }
0x1cb: {  	[tilespmem:s24], [sflag:$0x19] =	stream.linear.gather [hbm4b:s29+s2], $0x200, $0x38;
	[tilespmem:$0x133C8] =	vst v63  }
0x1cc: {  	_ =	swait.ge [sflag:s11], $0x200  }
0x1cd: {  	[sflag:s11] =	ssyncset.done $0x0  }
0x1ce: {  	[sflag:s11] =	ssyncadd.s32 $0xFFFFFE00  }
0x1cf: {  	[bflag:$0x0] =	sbarrier.arrive $0xFFFF  }
0x1d0: {  	s30 =	sld [smem:$0x7C6]  }
0x1d1: {  	s10 =	sld [smem:$0x7CA]  }
0x1d2: {  	s12 =	sld [smem:$0x7CB]  }
0x1d3: {  	s21 =	sld [smem:$0x7CC]  }
0x1d4: {  	[tilespmem:s2], [sflag:$0x1] =	stream.linear.gather [hbm4b:s30+s2], $0x40, $0x38;
	[tilespmem:$0x133C8] =	vst v63  }
0x1d5: {  	s23 =	sld [smem:$0x7D0]  }
0x1d6: {  	[tilespmem:s25], [sflag:$0x1] =	stream.strided.gather [hbm4b:s10+s19], $0x1000, s20, s19, $0x38;
	[tilespmem:$0x133C8] =	vst v63  }
0x1d7: {  	s24 =	sld [smem:$0x7D1]  }
0x1d8: {  	[tilespmem:s19], [sflag:$0x2] =	stream.linear.gather [hbm4b:s12+s2], $0x40, $0x38;
	[tilespmem:$0x133C8] =	vst v63  }
0x1d9: {  	s22 =	simm.s32 $0x1200;
	s26 =	sld [smem:$0x7D2]  }
0x1da: {  	[tilespmem:s22], [sflag:$0x2] =	stream.strided.gather [hbm4b:s21+s19], $0x1000, s20, s19, $0x38;
	[tilespmem:$0x133C8] =	vst v63  }
0x1db: {  	s29 =	sld [smem:$0x7D6]  }
0x1dc: {  	[tilespmem:s20], [sflag:$0x3] =	stream.linear.gather [hbm4b:s23+s2], $0x40, $0x38;
	[tilespmem:$0x133C8] =	vst v63  }
0x1dd: {  	s25 =	simm.s32 $0x2200;
	s10 =	sld [smem:$0x7D7]  }
0x1de: {  	[tilespmem:s25], [sflag:$0x3] =	stream.strided.gather [hbm4b:s24+s19], $0x1000, s20, s19, $0x38;
	[tilespmem:$0x133C8] =	vst v63  }
0x1df: {  	s28 =	simm.s32 $0xC0;
	s21 =	sld [smem:$0x7D8]  }
0x1e0: {  	[tilespmem:s28], [sflag:$0x4] =	stream.linear.gather [hbm4b:s26+s2], $0x40, $0x38;
	[tilespmem:$0x133C8] =	vst v63  }
0x1e1: {  	s30 =	simm.s32 $0x3200;
	s23 =	sld [smem:$0x7DB]  }
0x1e2: {  	[tilespmem:s30], [sflag:$0x4] =	stream.strided.gather [hbm4b:s29+s19], $0x1000, s20, s19, $0x38;
	[tilespmem:$0x133C8] =	vst v63  }
0x1e3: {  	p5 =	por @p0 $0x0, $0x0;
	s12 =	simm.s32 $0x100;
	s25 =	sld [smem:$0x7DC]  }
0x1e4: {  	[tilespmem:s12], [sflag:$0x5] =	stream.linear.gather [hbm4b:s10+s2], $0x40, $0x38;
	[tilespmem:$0x133C8] =	vst v63  }
0x1e5: {  	p3 =	por @!p2 $0x1, $0x1;
	s22 =	simm.s32 $0x4200;
	s28 =	sld [smem:$0x7DD]  }
0x1e6: {  	[tilespmem:s22], [sflag:$0x5] =	stream.strided.gather [hbm4b:s21+s19], $0x1000, s20, s19, $0x38;
	[tilespmem:$0x133C8] =	vst v63  }
0x1e7: {  	s1 =	simm.s32 $0x200;
	s24 =	simm.s32 $0x140;
	s30 =	sld [smem:$0x7F5]  }
0x1e8: {  	[tilespmem:s24], [sflag:$0x6] =	stream.linear.gather [hbm4b:s23+s2], $0x40, $0x38;
	[tilespmem:$0x133C8] =	vst v63  }
0x1e9: {  	s31 =	simm.s32 $0x180;
	s26 =	simm.s32 $0x5200;
	s29 =	sld [smem:$0x7E0]  }
0x1ea: {  	[tilespmem:s26], [sflag:$0x6] =	stream.strided.gather [hbm4b:s25+s19], $0x1000, s20, s19, $0x38;
	[tilespmem:$0x133C8] =	vst v63  }
.Ltmp2:
0x1eb: {  	s12 =	simm.s32 $0x6200;
	p6 =	seq.s32 s30, $0x1;
	(pc) =	sbr.rel .LBB2_2-.Ltmp2, $4  }
0x1ec: {  	p3 =	por @!p6 p5, p5;
	p5 =	por @!p0 $0x0, $0x0;
	s23 =	sld [smem:$0x7F4]  }
0x1ed: {  	[tilespmem:s31], [sflag:$0x7] =	stream.linear.gather [hbm4b:s28+s2], $0x40, $0x38;
	[tilespmem:$0x133C8] =	vst v63  }
0x1ee: {  	s22 =	simm.s32 $0x0;
	p3 =	por @!p0 p5, p5;
	s24 =	sld [smem:$0x7F3]  }
0x1ef: {  	[tilespmem:s12], [sflag:$0x7] =	stream.strided.gather [hbm4b:s29+s19], $0x1000, s20, s19, $0x38;
	[tilespmem:$0x133C8] =	vst v63  }
.LBB2_3:
0x1f0: {  	s1 =	simm.s32 $0x8200  }
0x1f1: {  	[spmem:s17] =	stream.indirect.scatter.add.f32 [tilespmem:s1], [sflag:$0x18], $0x8, s0, s19, $0xb8;
	[tilespmem:$0x133C8] =	vst v63  }
0x1f2: {  	_ =	swait.ge [sflag:s15], $0x1000  }
.Ltmp3:
0x1f3: {  	[sflag:s15] =	ssyncset.done $0x0;
	(pc) =	sbr.rel @p5 .LBB2_7-.Ltmp3, $4  }
0x1f4: {  	s31 =	simm.s32 $0x17;
	[sflag:s15] =	ssyncadd.s32 $0xFFFFF000  }
0x1f5: {  	_ =	swait.ge [sflag:s31], $0x200  }
0x1f6: {  	[sflag:s31] =	ssyncset.done $0x0  }
0x1f7: {  	[sflag:s31] =	ssyncadd.s32 $0xFFFFFE00  }
.LBB2_4:
0x1f8: {  	s1 =	sshrl.u32 s23, $0x3  }
0x1f9: {  	s31 =	simm.s32 $0x180;
	s30 =	sshrl.u32 s24, $0x3;
	s1 =	sadd.s32 s9, s1  }
0x1fa: {  	[tilespmem:s31], [sflag:$0x7] =	stream.linear.gather [hbm4b:s1+s2], $0x40, $0x38;
	[tilespmem:$0x133C8] =	vst v63  }
0x1fb: {  	s12 =	simm.s32 $0x6200;
	s24 =	sadd.s32 $0x100000, s24;
	s1 =	sadd.s32 s8, s30  }
0x1fc: {  	[tilespmem:s12], [sflag:$0x7] =	stream.strided.gather [hbm4b:s1+s19], $0x1000, s20, s19, $0x38;
	[tilespmem:$0x133C8] =	vst v63  }
0x1fd: {  	s23 =	sadd.s32 $0x2000, s23;
	s22 =	sadd.s32 $0xFFFFFFFF, s22;
	s1 =	simm.s32 $0x200  }
.LBB2_2:
0x1fe: {  	_ =	swait.ge [sflag:s13], $0x40  }
0x1ff: {  	[sflag:s13] =	ssyncset.done $0x0  }
0x200: {  	[sflag:s13] =	ssyncadd.s32 $0xFFFFFFC0  }
0x201: {  	_ =	swait.ge [sflag:s13], $0x1000  }
0x202: {  	[sflag:s13] =	ssyncset.done $0x0  }
0x203: {  	s25 =	simm.s32 @!p4 $0x40;
	s21 =	simm.s32 @!p4 $0x0;
	[sflag:s13] =	ssyncadd.s32 $0xFFFFF000  }
0x204: {  	[spmem:s14] =	stream.indirect.scatter.add.f32 [tilespmem:s1], [sflag:$0x9], $0x40, s2, s19, $0xb8;
	[tilespmem:$0x133C8] =	vst v63  }
0x205: {  	s26 =	simm.s32 @!p4 $0x8200;
	p5 =	seq.s32 s22, $0x0;
	s1 =	sld [smem:$0x7F7]  }
0x206: {  	[spmem:s17] =	stream.indirect.scatter.add.f32 @!p4 [tilespmem:s26], [sflag:$0x11], $0x8, s21, s25, $0xb8;
	[tilespmem:$0x133C8] =	vst v63  }
0x207: {  	s21 =	simm.s32 @!p5 $0x10  }
0x208: {  	p6 =	sne.s32 @!p5 s1, $0x0;
	_ =	swait.ge @!p5 [sflag:s21], $0x1000  }
0x209: {  	[sflag:s21] =	ssyncset.done @!p5 $0x0;
	p6 =	por p6, p5  }
0x20a: {  	s28 =	sadd.s32 $0xFFFFE400, s23;
	[sflag:s21] =	ssyncadd.s32 @!p5 $0xFFFFF000;
	s21 =	simm.s32 @!p6 $0x18  }
0x20b: {  	s28 =	sshrl.u32 s28, $0x3;
	_ =	swait.ge @!p6 [sflag:s21], $0x200  }
0x20c: {  	s10 =	sadd.s32 s9, s28;
	s28 =	sadd.s32 $0xFFF20000, s24;
	[sflag:s21] =	ssyncset.done @!p6 $0x0  }
0x20d: {  	[sflag:s21] =	ssyncadd.s32 @!p6 $0xFFFFFE00;
	s21 =	sshrl.u32 s28, $0x3  }
0x20e: {  	[tilespmem:s0], [sflag:$0x8] =	stream.linear.gather [hbm4b:s10+s2], $0x40, $0x38;
	[tilespmem:$0x133C8] =	vst v63  }
0x20f: {  	s30 =	simm.s32 $0x7200;
	s21 =	sadd.s32 s8, s21  }
0x210: {  	[tilespmem:s30], [sflag:$0x8] =	stream.strided.gather [hbm4b:s21+s19], $0x1000, s20, s19, $0x38;
	[tilespmem:$0x133C8] =	vst v63  }
0x211: {  	_ =	swait.ge [sflag:s3], $0x40  }
0x212: {  	[sflag:s3] =	ssyncset.done $0x0  }
0x213: {  	[sflag:s3] =	ssyncadd.s32 $0xFFFFFFC0  }
0x214: {  	_ =	swait.ge [sflag:s3], $0x1000  }
0x215: {  	[sflag:s3] =	ssyncset.done $0x0  }
0x216: {  	s29 =	simm.s32 $0x1200;
	s21 =	simm.s32 @p4 $0x9;
	[sflag:s3] =	ssyncadd.s32 $0xFFFFF000  }
0x217: {  	[spmem:s14] =	stream.indirect.scatter.add.f32 [tilespmem:s29], [sflag:$0xA], $0x40, s19, s19, $0xb8;
	[tilespmem:$0x133C8] =	vst v63  }
0x218: {  	_ =	swait.ge @p4 [sflag:s21], $0x1000  }
0x219: {  	[sflag:s21] =	ssyncset.done @p4 $0x0  }
0x21a: {  	[sflag:s21] =	ssyncadd.s32 @p4 $0xFFFFF000;
	s21 =	simm.s32 @!p4 $0x9  }
0x21b: {  	[spmem:s17] =	stream.indirect.scatter.add.f32 @!p4 [tilespmem:s26], [sflag:$0x12], $0x8, s25, s25, $0xb8;
	[tilespmem:$0x133C8] =	vst v63  }
0x21c: {  	_ =	swait.ge @!p4 [sflag:s21], $0x1000  }
0x21d: {  	[sflag:s21] =	ssyncset.done @!p4 $0x0  }
0x21e: {  	p5 =	seq.s32 s22, $0xFFFFFFEA;
	[sflag:s21] =	ssyncadd.s32 @!p4 $0xFFFFF000;
	s21 =	simm.s32 @!p4 $0x11  }
0x21f: {  	s28 =	sadd.s32 @!p5 $0xFFFFE800, s23;
	_ =	swait.ge @!p4 [sflag:s21], $0x200  }
0x220: {  	s28 =	sshrl.u32 @!p5 s28, $0x3;
	[sflag:s21] =	ssyncset.done @!p4 $0x0  }
0x221: {  	[sflag:s21] =	ssyncadd.s32 @!p4 $0xFFFFFE00;
	s21 =	sadd.s32 @!p5 s9, s28;
	s28 =	simm.s32 @!p5 $0x0  }
0x222: {  	[tilespmem:s28], [sflag:$0x1] =	stream.linear.gather @!p5 [hbm4b:s21+s28], $0x40, $0x38;
	[tilespmem:$0x133C8] =	vst v63  }
0x223: {  	s21 =	sadd.s32 @!p5 $0xFFF40000, s24  }
0x224: {  	s10 =	simm.s32 @!p5 $0x200;
	s21 =	sshrl.u32 @!p5 s21, $0x3  }
0x225: {  	s29 =	simm.s32 @!p5 $0x40;
	s1 =	sadd.s32 @!p5 s8, s21;
	s21 =	simm.s32 @!p5 $0x80  }
0x226: {  	[tilespmem:s10], [sflag:$0x1] =	stream.strided.gather @!p5 [hbm4b:s1+s29], $0x1000, s21, s29, $0x38;
	[tilespmem:$0x133C8] =	vst v63  }
0x227: {  	_ =	swait.ge [sflag:s4], $0x40  }
0x228: {  	[sflag:s4] =	ssyncset.done $0x0  }
0x229: {  	[sflag:s4] =	ssyncadd.s32 $0xFFFFFFC0  }
0x22a: {  	_ =	swait.ge [sflag:s4], $0x1000  }
0x22b: {  	[sflag:s4] =	ssyncset.done $0x0  }
0x22c: {  	s10 =	simm.s32 $0x2200;
	s1 =	simm.s32 @p4 $0xA;
	[sflag:s4] =	ssyncadd.s32 $0xFFFFF000  }
0x22d: {  	[spmem:s14] =	stream.indirect.scatter.add.f32 [tilespmem:s10], [sflag:$0xB], $0x40, s20, s19, $0xb8;
	[tilespmem:$0x133C8] =	vst v63  }
0x22e: {  	_ =	swait.ge @p4 [sflag:s1], $0x1000  }
0x22f: {  	[sflag:s1] =	ssyncset.done @p4 $0x0  }
0x230: {  	[sflag:s1] =	ssyncadd.s32 @p4 $0xFFFFF000;
	s1 =	simm.s32 @!p4 $0x80  }
0x231: {  	[spmem:s17] =	stream.indirect.scatter.add.f32 @!p4 [tilespmem:s26], [sflag:$0x13], $0x8, s1, s25, $0xb8;
	[tilespmem:$0x133C8] =	vst v63  }
0x232: {  	s1 =	simm.s32 @!p4 $0xA  }
0x233: {  	_ =	swait.ge @!p4 [sflag:s1], $0x1000  }
0x234: {  	[sflag:s1] =	ssyncset.done @!p4 $0x0  }
0x235: {  	[sflag:s1] =	ssyncadd.s32 @!p4 $0xFFFFF000;
	s1 =	simm.s32 @!p4 $0x12  }
0x236: {  	s10 =	sadd.s32 @!p5 $0xFFFFEC00, s23;
	_ =	swait.ge @!p4 [sflag:s1], $0x200  }
0x237: {  	s10 =	sshrl.u32 @!p5 s10, $0x3;
	[sflag:s1] =	ssyncset.done @!p4 $0x0  }
0x238: {  	[sflag:s1] =	ssyncadd.s32 @!p4 $0xFFFFFE00;
	s1 =	sadd.s32 @!p5 s9, s10  }
0x239: {  	[tilespmem:s29], [sflag:$0x2] =	stream.linear.gather @!p5 [hbm4b:s1+s28], $0x40, $0x38;
	[tilespmem:$0x133C8] =	vst v63  }
0x23a: {  	s1 =	sadd.s32 @!p5 $0xFFF60000, s24  }
0x23b: {  	s1 =	sshrl.u32 @!p5 s1, $0x3  }
0x23c: {  	s10 =	simm.s32 @!p5 $0x1200;
	s1 =	sadd.s32 @!p5 s8, s1  }
0x23d: {  	[tilespmem:s10], [sflag:$0x2] =	stream.strided.gather @!p5 [hbm4b:s1+s29], $0x1000, s21, s29, $0x38;
	[tilespmem:$0x133C8] =	vst v63  }
0x23e: {  	_ =	swait.ge [sflag:s5], $0x40  }
0x23f: {  	[sflag:s5] =	ssyncset.done $0x0  }
0x240: {  	[sflag:s5] =	ssyncadd.s32 $0xFFFFFFC0  }
0x241: {  	_ =	swait.ge [sflag:s5], $0x1000  }
0x242: {  	[sflag:s5] =	ssyncset.done $0x0  }
0x243: {  	s1 =	simm.s32 $0xC0;
	s10 =	simm.s32 $0x3200;
	[sflag:s5] =	ssyncadd.s32 $0xFFFFF000  }
0x244: {  	[spmem:s14] =	stream.indirect.scatter.add.f32 [tilespmem:s10], [sflag:$0xC], $0x40, s1, s19, $0xb8;
	[tilespmem:$0x133C8] =	vst v63  }
0x245: {  	s1 =	simm.s32 @p4 $0xB  }
0x246: {  	_ =	swait.ge @p4 [sflag:s1], $0x1000  }
0x247: {  	[sflag:s1] =	ssyncset.done @p4 $0x0  }
0x248: {  	[sflag:s1] =	ssyncadd.s32 @p4 $0xFFFFF000;
	s1 =	simm.s32 @!p4 $0xC0  }
0x249: {  	[spmem:s17] =	stream.indirect.scatter.add.f32 @!p4 [tilespmem:s26], [sflag:$0x14], $0x8, s1, s25, $0xb8;
	[tilespmem:$0x133C8] =	vst v63  }
0x24a: {  	s1 =	simm.s32 @!p4 $0xB  }
0x24b: {  	_ =	swait.ge @!p4 [sflag:s1], $0x1000  }
0x24c: {  	[sflag:s1] =	ssyncset.done @!p4 $0x0  }
0x24d: {  	[sflag:s1] =	ssyncadd.s32 @!p4 $0xFFFFF000;
	s1 =	simm.s32 @!p4 $0x13  }
0x24e: {  	s10 =	sadd.s32 @!p5 $0xFFFFF000, s23;
	_ =	swait.ge @!p4 [sflag:s1], $0x200  }
0x24f: {  	s10 =	sshrl.u32 @!p5 s10, $0x3;
	[sflag:s1] =	ssyncset.done @!p4 $0x0  }
0x250: {  	[sflag:s1] =	ssyncadd.s32 @!p4 $0xFFFFFE00;
	s1 =	sadd.s32 @!p5 s9, s10  }
0x251: {  	[tilespmem:s21], [sflag:$0x3] =	stream.linear.gather @!p5 [hbm4b:s1+s28], $0x40, $0x38;
	[tilespmem:$0x133C8] =	vst v63  }
0x252: {  	s1 =	sadd.s32 @!p5 $0xFFF80000, s24  }
0x253: {  	s1 =	sshrl.u32 @!p5 s1, $0x3  }
0x254: {  	s10 =	simm.s32 @!p5 $0x2200;
	s1 =	sadd.s32 @!p5 s8, s1  }
0x255: {  	[tilespmem:s10], [sflag:$0x3] =	stream.strided.gather @!p5 [hbm4b:s1+s29], $0x1000, s21, s29, $0x38;
	[tilespmem:$0x133C8] =	vst v63  }
0x256: {  	_ =	swait.ge [sflag:s6], $0x40  }
0x257: {  	[sflag:s6] =	ssyncset.done $0x0  }
0x258: {  	[sflag:s6] =	ssyncadd.s32 $0xFFFFFFC0  }
0x259: {  	_ =	swait.ge [sflag:s6], $0x1000  }
0x25a: {  	[sflag:s6] =	ssyncset.done $0x0  }
0x25b: {  	s1 =	simm.s32 $0x100;
	s10 =	simm.s32 $0x4200;
	[sflag:s6] =	ssyncadd.s32 $0xFFFFF000  }
0x25c: {  	[spmem:s14] =	stream.indirect.scatter.add.f32 [tilespmem:s10], [sflag:$0xD], $0x40, s1, s19, $0xb8;
	[tilespmem:$0x133C8] =	vst v63  }
0x25d: {  	s1 =	simm.s32 @p4 $0xC  }
0x25e: {  	_ =	swait.ge @p4 [sflag:s1], $0x1000  }
0x25f: {  	[sflag:s1] =	ssyncset.done @p4 $0x0  }
0x260: {  	[sflag:s1] =	ssyncadd.s32 @p4 $0xFFFFF000;
	s1 =	simm.s32 @!p4 $0x100  }
0x261: {  	[spmem:s17] =	stream.indirect.scatter.add.f32 @!p4 [tilespmem:s26], [sflag:$0x15], $0x8, s1, s25, $0xb8;
	[tilespmem:$0x133C8] =	vst v63  }
0x262: {  	s1 =	simm.s32 @!p4 $0xC  }
0x263: {  	_ =	swait.ge @!p4 [sflag:s1], $0x1000  }
0x264: {  	[sflag:s1] =	ssyncset.done @!p4 $0x0  }
0x265: {  	[sflag:s1] =	ssyncadd.s32 @!p4 $0xFFFFF000;
	s1 =	simm.s32 @!p4 $0x14  }
0x266: {  	s10 =	sadd.s32 @!p5 $0xFFFFF400, s23;
	_ =	swait.ge @!p4 [sflag:s1], $0x200  }
0x267: {  	s10 =	sshrl.u32 @!p5 s10, $0x3;
	[sflag:s1] =	ssyncset.done @!p4 $0x0  }
0x268: {  	[sflag:s1] =	ssyncadd.s32 @!p4 $0xFFFFFE00;
	s1 =	sadd.s32 @!p5 s9, s10;
	s10 =	simm.s32 @!p5 $0xC0  }
0x269: {  	[tilespmem:s10], [sflag:$0x4] =	stream.linear.gather @!p5 [hbm4b:s1+s28], $0x40, $0x38;
	[tilespmem:$0x133C8] =	vst v63  }
0x26a: {  	s1 =	sadd.s32 @!p5 $0xFFFA0000, s24  }
0x26b: {  	s1 =	sshrl.u32 @!p5 s1, $0x3  }
0x26c: {  	s10 =	simm.s32 @!p5 $0x3200;
	s1 =	sadd.s32 @!p5 s8, s1  }
0x26d: {  	[tilespmem:s10], [sflag:$0x4] =	stream.strided.gather @!p5 [hbm4b:s1+s29], $0x1000, s21, s29, $0x38;
	[tilespmem:$0x133C8] =	vst v63  }
0x26e: {  	_ =	swait.ge [sflag:s7], $0x40  }
0x26f: {  	[sflag:s7] =	ssyncset.done $0x0  }
0x270: {  	[sflag:s7] =	ssyncadd.s32 $0xFFFFFFC0  }
0x271: {  	_ =	swait.ge [sflag:s7], $0x1000  }
0x272: {  	[sflag:s7] =	ssyncset.done $0x0  }
0x273: {  	s1 =	simm.s32 $0x140;
	s10 =	simm.s32 $0x5200;
	[sflag:s7] =	ssyncadd.s32 $0xFFFFF000  }
0x274: {  	[spmem:s14] =	stream.indirect.scatter.add.f32 [tilespmem:s10], [sflag:$0xE], $0x40, s1, s19, $0xb8;
	[tilespmem:$0x133C8] =	vst v63  }
0x275: {  	s1 =	simm.s32 @p4 $0xD  }
0x276: {  	_ =	swait.ge @p4 [sflag:s1], $0x1000  }
0x277: {  	[sflag:s1] =	ssyncset.done @p4 $0x0  }
0x278: {  	[sflag:s1] =	ssyncadd.s32 @p4 $0xFFFFF000;
	s1 =	simm.s32 @!p4 $0x140  }
0x279: {  	[spmem:s17] =	stream.indirect.scatter.add.f32 @!p4 [tilespmem:s26], [sflag:$0x16], $0x8, s1, s25, $0xb8;
	[tilespmem:$0x133C8] =	vst v63  }
0x27a: {  	s1 =	simm.s32 @!p4 $0xD  }
0x27b: {  	_ =	swait.ge @!p4 [sflag:s1], $0x1000  }
0x27c: {  	[sflag:s1] =	ssyncset.done @!p4 $0x0  }
0x27d: {  	[sflag:s1] =	ssyncadd.s32 @!p4 $0xFFFFF000;
	s1 =	simm.s32 @!p4 $0x15  }
0x27e: {  	s10 =	sadd.s32 @!p5 $0xFFFFF800, s23;
	_ =	swait.ge @!p4 [sflag:s1], $0x200  }
0x27f: {  	s10 =	sshrl.u32 @!p5 s10, $0x3;
	[sflag:s1] =	ssyncset.done @!p4 $0x0  }
0x280: {  	[sflag:s1] =	ssyncadd.s32 @!p4 $0xFFFFFE00;
	s1 =	sadd.s32 @!p5 s9, s10;
	s10 =	simm.s32 @!p5 $0x100  }
0x281: {  	[tilespmem:s10], [sflag:$0x5] =	stream.linear.gather @!p5 [hbm4b:s1+s28], $0x40, $0x38;
	[tilespmem:$0x133C8] =	vst v63  }
0x282: {  	s1 =	sadd.s32 @!p5 $0xFFFC0000, s24  }
0x283: {  	s1 =	sshrl.u32 @!p5 s1, $0x3  }
0x284: {  	s10 =	simm.s32 @!p5 $0x4200;
	s1 =	sadd.s32 @!p5 s8, s1  }
0x285: {  	[tilespmem:s10], [sflag:$0x5] =	stream.strided.gather @!p5 [hbm4b:s1+s29], $0x1000, s21, s29, $0x38;
	[tilespmem:$0x133C8] =	vst v63  }
0x286: {  	_ =	swait.ge [sflag:s16], $0x40  }
0x287: {  	[sflag:s16] =	ssyncset.done $0x0  }
0x288: {  	[sflag:s16] =	ssyncadd.s32 $0xFFFFFFC0  }
0x289: {  	_ =	swait.ge [sflag:s16], $0x1000  }
0x28a: {  	[sflag:s16] =	ssyncset.done $0x0  }
0x28b: {  	s1 =	simm.s32 @p4 $0xE;
	[sflag:s16] =	ssyncadd.s32 $0xFFFFF000  }
0x28c: {  	[spmem:s14] =	stream.indirect.scatter.add.f32 [tilespmem:s12], [sflag:$0xF], $0x40, s31, s19, $0xb8;
	[tilespmem:$0x133C8] =	vst v63  }
0x28d: {  	_ =	swait.ge @p4 [sflag:s1], $0x1000  }
0x28e: {  	[sflag:s1] =	ssyncset.done @p4 $0x0  }
0x28f: {  	[sflag:s1] =	ssyncadd.s32 @p4 $0xFFFFF000;
	s1 =	simm.s32 @!p4 $0x180  }
0x290: {  	[spmem:s17] =	stream.indirect.scatter.add.f32 @!p4 [tilespmem:s26], [sflag:$0x17], $0x8, s1, s25, $0xb8;
	[tilespmem:$0x133C8] =	vst v63  }
0x291: {  	s1 =	simm.s32 @!p4 $0xE  }
0x292: {  	_ =	swait.ge @!p4 [sflag:s1], $0x1000  }
0x293: {  	[sflag:s1] =	ssyncset.done @!p4 $0x0  }
0x294: {  	[sflag:s1] =	ssyncadd.s32 @!p4 $0xFFFFF000;
	s1 =	simm.s32 @!p4 $0x16  }
0x295: {  	s10 =	sadd.s32 @!p5 $0xFFFFFC00, s23;
	_ =	swait.ge @!p4 [sflag:s1], $0x200  }
0x296: {  	s10 =	sshrl.u32 @!p5 s10, $0x3;
	[sflag:s1] =	ssyncset.done @!p4 $0x0  }
0x297: {  	[sflag:s1] =	ssyncadd.s32 @!p4 $0xFFFFFE00;
	s1 =	sadd.s32 @!p5 s9, s10;
	s10 =	simm.s32 @!p5 $0x140  }
0x298: {  	[tilespmem:s10], [sflag:$0x6] =	stream.linear.gather @!p5 [hbm4b:s1+s28], $0x40, $0x38;
	[tilespmem:$0x133C8] =	vst v63  }
0x299: {  	s1 =	sadd.s32 @!p5 $0xFFFE0000, s24  }
0x29a: {  	s1 =	sshrl.u32 @!p5 s1, $0x3  }
0x29b: {  	s10 =	simm.s32 @!p5 $0x5200;
	s1 =	sadd.s32 @!p5 s8, s1  }
0x29c: {  	[tilespmem:s10], [sflag:$0x6] =	stream.strided.gather @!p5 [hbm4b:s1+s29], $0x1000, s21, s29, $0x38;
	[tilespmem:$0x133C8] =	vst v63  }
0x29d: {  	_ =	swait.ge [sflag:s18], $0x40  }
0x29e: {  	[sflag:s18] =	ssyncset.done $0x0  }
.Ltmp4:
0x29f: {  	[sflag:s18] =	ssyncadd.s32 $0xFFFFFFC0;
	(pc) =	sbr.rel @!p4 .LBB2_3-.Ltmp4, $4  }
0x2a0: {  	_ =	swait.ge [sflag:s18], $0x1000  }
0x2a1: {  	[sflag:s18] =	ssyncset.done $0x0  }
0x2a2: {  	[sflag:s18] =	ssyncadd.s32 $0xFFFFF000  }
0x2a3: {  	[spmem:s14] =	stream.indirect.scatter.add.f32 [tilespmem:s30], [sflag:$0x10], $0x40, s0, s19, $0xb8;
	[tilespmem:$0x133C8] =	vst v63  }
0x2a4: {  	p5 =	sne.s32 s22, $0xFFFFFFEA  }
.Ltmp5:
0x2a5: {  	_ = 	snop;
	(pc) =	sbr.rel @p5 .LBB2_4-.Ltmp5, $4  }
0x2a6: {  	_ = 	snop  }
0x2a7: {  	_ =	swait.ge [sflag:s15], $0x1000  }
0x2a8: {  	[sflag:s15] =	ssyncset.done $0x0  }
0x2a9: {  	[sflag:s15] =	ssyncadd.s32 $0xFFFFF000  }
.Ltmp6:
0x2aa: {  	(pc) =	sbr.rel .LBB2_8-.Ltmp6, $4  }
0x2ab: {  	s1 =	simm.s32 $0x10  }
0x2ac: {  	_ =	swait.ge [sflag:s1], $0x1000  }
0x2ad: {  	[sflag:s1] =	ssyncset.done $0x0  }
0x2ae: {  	s12 =	sld [smem:$0x7C3];
	[sflag:s1] =	ssyncadd.s32 $0xFFFFF000  }
.LBB2_9:
0x2af: {  	_ =	sfence.sel $0x180000  }
0x2b0: {  	[bflag:$0x0] =	sbarrier.arrive $0xFFFF  }
0x2b1: {  	_ =	strace $0x90000047  }
0x2b2: {  	s0 =	stileid.u32;
	[bflag:$0x2] =	sbarrier.arrive $0xFFFF  }
0x2b3: {  	p0 =	sne.s32 s0, $0x0;
	s0 =	rddreg [dreg:$0x6]  }
0x2b4: {  	s0 =	sadd.s32 @!p0 $0x100000, s0  }
0x2b5: {  	[sflag:s0] =	ssyncadd.tile.s32 @!p0 $0x1;
	_ =	shalt  }
.Lfunc_end2:
_tile_overlayer_lowered:
.L_overlay_start_2:
0x2b6: {  	(tag) =	ssettag $0x2  }
0x2b7: {  	s0 =	rddreg [dreg:$0x0];
	s2 =	stileid.u32  }
0x2b8: {  	s1 =	rddreg [dreg:$0x1];
	p0 =	sne.s32 s2, $0x0  }
0x2b9: {  	s3 =	rddreg [dreg:$0x2];
	[bflag:$0x3] =	sbarrier.arrive $0xFFFF;
	s2 =	simm.s32 @!p0 $0x1C19  }
0x2ba: {  	[timem:s3], [sflag:s2] =	dma.local @!p0 [hbm:s0], s1  }
0x2bb: {  	s0 =	simm.s32 @!p0 $0x19  }
0x2bc: {  	_ =	swait.ge @!p0 [sflag:s0], s1  }
0x2bd: {  	s1 =	ssub.s32 @!p0 $0x0, s1;
	[sflag:s0] =	ssyncset.done @!p0 $0x0  }
0x2be: {  	[sflag:s0] =	ssyncadd.s32 @!p0 s1  }
0x2bf: {  	[bflag:$0x3] =	sbarrier.arrive $0xFFFF  }
0x2c0: {  	_ =	shalt  }

</sc_bundles>
